<compile_context>
chip_gen: v7x
topology: tpu7x:2x2x1
jax: 0.10.2.dev20260603
libtpu: 0.0.44.dev20260713+nightly
codegen_flags: <defaults>
</compile_context>

<pallas_src>
import functools

import jax
import jax.numpy as jnp
from jax import lax
from jax.experimental import pallas as pl
from jax.experimental.pallas import tpu as pltpu
from jax.experimental.pallas import tpu_sc as plsc

NC = 2
NS = 16
NW = NC * NS
CHUNK = 128


def _make_sc_agg(n_pad, d, cpw0, cpw1, bpc):
    rps = n_pad // NS

    def body(x_hbm, src_hbm, dst_hbm, agg_out, deg_out,
             srcv, dstv, rows0, rows1, onesv, degv, agg_sh, deg_sh,
             semg0, semg1, semd):
        c = lax.axis_index("c")
        s = lax.axis_index("s")
        base = jnp.where(c == 0, s * cpw0, NS * cpw0 + s * cpw1)
        nblk = jnp.where(c == 0, cpw0 // bpc, cpw1 // bpc)
        def zrow(i, carry):
            for t in range(d // 16):
                rows0[i, pl.ds(t * 16, 16)] = jnp.zeros((16,), jnp.float32)
            return carry

        lax.fori_loop(0, CHUNK, zrow, 0)
        for q in range(rps // CHUNK):
            pltpu.sync_copy(rows0,
                            agg_sh.at[pl.ds(s * rps + q * CHUNK, CHUNK)])
        if rps % CHUNK:
            pltpu.sync_copy(
                rows0.at[pl.ds(0, rps % CHUNK)],
                agg_sh.at[pl.ds(s * rps + rps // CHUNK * CHUNK,
                                rps % CHUNK)])
        for i in range(rps // 16):
            degv[pl.ds(i * 16, 16)] = jnp.zeros((16,), jnp.float32)
        pltpu.sync_copy(degv, deg_sh.at[pl.ds(s * rps, rps)])
        for i in range(CHUNK // 16):
            onesv[pl.ds(i * 16, 16)] = jnp.ones((16,), jnp.float32)
        plsc.subcore_barrier()

        bufs = (rows0, rows1)
        semgs = (semg0, semg1)

        for k in range(cpw0 // bpc):

            @pl.when(k < nblk)
            def _():
                pltpu.sync_copy(src_hbm.at[pl.ds(base + k * bpc, bpc)],
                                srcv)
                pltpu.sync_copy(dst_hbm.at[pl.ds(base + k * bpc, bpc)],
                                dstv)
                pltpu.async_copy(x_hbm.at[srcv.at[0]], rows0, semg0)
                pltpu.async_copy(x_hbm.at[srcv.at[1]], rows1, semg1)

                def step(i, carry):
                    for b in range(2):
                        j = i * 2 + b
                        rows = bufs[b]
                        pltpu.make_async_copy(x_hbm.at[srcv.at[j]], rows,
                                              semgs[b]).wait()
                        pltpu.async_copy(onesv, deg_sh.at[dstv.at[j]],
                                         semd, add=True)
                        pltpu.sync_copy(rows, agg_sh.at[dstv.at[j]],
                                        add=True)

                        @pl.when(j + 2 < bpc)
                        def _():
                            pltpu.async_copy(x_hbm.at[srcv.at[j + 2]],
                                             rows, semgs[b])
                    return carry

                lax.fori_loop(0, bpc // 2, step, 0)

                def drain(j, carry):
                    pltpu.make_async_copy(onesv, deg_sh.at[dstv.at[j]],
                                          semd).wait()
                    return carry

                lax.fori_loop(0, bpc, drain, 0)

        plsc.subcore_barrier()
        pltpu.sync_copy(agg_sh.at[pl.ds(s * rps, rps)],
                        agg_out.at[pl.ds(c * n_pad + s * rps, rps)])
        pltpu.sync_copy(deg_sh.at[pl.ds(s * rps, rps)], degv)
        pltpu.sync_copy(degv, deg_out.at[pl.ds(c * n_pad + s * rps, rps)])

    return pl.kernel(
        body,
        out_type=[
            jax.ShapeDtypeStruct((2 * n_pad, d), jnp.float32),
            jax.ShapeDtypeStruct((2 * n_pad,), jnp.float32),
        ],
        mesh=plsc.VectorSubcoreMesh(core_axis_name="c", subcore_axis_name="s"),
        scratch_types=[
            pltpu.VMEM((bpc, CHUNK), jnp.int32),
            pltpu.VMEM((bpc, CHUNK), jnp.int32),
            pltpu.VMEM((CHUNK, d), jnp.float32),
            pltpu.VMEM((CHUNK, d), jnp.float32),
            pltpu.VMEM((CHUNK,), jnp.float32),
            pltpu.VMEM((n_pad // NS,), jnp.float32),
            pltpu.VMEM_SHARED((n_pad, d), jnp.float32),
            pltpu.VMEM_SHARED((n_pad,), jnp.float32),
            pltpu.SemaphoreType.DMA,
            pltpu.SemaphoreType.DMA,
            pltpu.SemaphoreType.DMA,
        ],
    )


def _tc_body(x_ref, a0_ref, a1_ref, d0_ref, d1_ref, w1t, b1r, w2t, b2r,
             waggt, w3t, b3r, w4t, b4r, o_ref):
    hp = jax.lax.Precision.HIGHEST
    xb = x_ref[...]
    h1 = jnp.maximum(
        jnp.dot(xb, w1t[...], precision=hp,
                preferred_element_type=jnp.float32) + b1r[...], 0.0)
    out1 = jnp.dot(h1, w2t[...], precision=hp,
                   preferred_element_type=jnp.float32) + b2r[...]
    agg = a0_ref[...] + a1_ref[...]
    deg = d0_ref[...] + d1_ref[...]
    mean = agg / jnp.maximum(deg, 1.0)
    x1 = jnp.dot(mean, waggt[...], precision=hp,
                 preferred_element_type=jnp.float32)
    h2 = jnp.maximum(
        jnp.dot(x1, w3t[...], precision=hp,
                preferred_element_type=jnp.float32) + b3r[...], 0.0)
    out2 = jnp.dot(h2, w4t[...], precision=hp,
                   preferred_element_type=jnp.float32) + b4r[...]
    o_ref[...] = out1 + out2


def kernel(x, edge_index, W1, b1, W2, b2, Wagg, W3, b3, W4, b4):
    n, d = x.shape
    e = edge_index.shape[1]
    d_out = W2.shape[0]
    cpt = -(-(-(-e // (NS * CHUNK))) // 16) * 16
    cpw0 = (9 * cpt // 10) // 8 * 8
    cpw1 = cpt - cpw0
    bpc = 40
    while cpw0 % bpc or cpw1 % bpc:
        bpc -= 8
    e_pad = cpt * CHUNK * NS
    n_pad = -(-(n + 1) // (NS * 16)) * (NS * 16)

    src = edge_index[0]
    dst = edge_index[1]
    fill = jnp.full((e_pad - e,), n, jnp.int32)
    src2d = jnp.concatenate([src, fill]).reshape(e_pad // CHUNK, CHUNK)
    dst2d = jnp.concatenate([dst, fill]).reshape(e_pad // CHUNK, CHUNK)
    x_pad = jnp.concatenate(
        [x, jnp.zeros((n_pad - n, d), jnp.float32)], axis=0)

    aggf, degf = _make_sc_agg(n_pad, d, cpw0, cpw1, bpc)(
        x_pad, src2d, dst2d)
    a0 = aggf[:n]
    a1 = aggf[n_pad:n_pad + n]
    d0 = degf[:n].reshape(n, 1)
    d1 = degf[n_pad:n_pad + n].reshape(n, 1)

    br = next(b for b in (400, 500, 250, 200, 100, 50, 40, 25, 16, 8, 1)
              if n % b == 0)
    grid = (n // br,)
    row_spec = pl.BlockSpec((br, d), lambda i: (i, 0))
    col_spec = pl.BlockSpec((br, 1), lambda i: (i, 0))

    def w_spec(shape):
        return pl.BlockSpec(shape, lambda i: (0,) * len(shape))

    return pl.pallas_call(
        _tc_body,
        grid=grid,
        in_specs=[
            row_spec, row_spec, row_spec, col_spec, col_spec,
            w_spec(W1.T.shape), w_spec((1, b1.shape[0])),
            w_spec(W2.T.shape), w_spec((1, b2.shape[0])),
            w_spec(Wagg.T.shape),
            w_spec(W3.T.shape), w_spec((1, b3.shape[0])),
            w_spec(W4.T.shape), w_spec((1, b4.shape[0])),
        ],
        out_specs=pl.BlockSpec((br, d_out), lambda i: (i, 0)),
        out_shape=jax.ShapeDtypeStruct((n, d_out), jnp.float32),
    )(x, a0, a1, d0, d1,
      W1.T, b1.reshape(1, -1), W2.T, b2.reshape(1, -1),
      Wagg.T,
      W3.T, b3.reshape(1, -1), W4.T, b4.reshape(1, -1))

# --- scband reference (transcript-rebuilt; emitter-appended) ---
"""Pipeline reference for scband-en-gcn-5385888989321 (READ-ONLY COPY).

The authoritative reference and input builder live on the scoring server;
editing this copy changes nothing except your own understanding.
"""

import jax, jax.numpy as jnp
import numpy as np

N = 10000
E = 320000
D_IN = 128
D_HID = 128
D_OUT = 64


def setup_inputs(seed: int = 0):
    key = jax.random.key(seed)
    ks = jax.random.split(key, 8)
    x = jax.random.normal(ks[0], (N, D_IN), dtype=jnp.float32)
    edge_index = jax.random.randint(ks[1], (2, E), 0, N, dtype=jnp.int32)
    # mlp1: Linear(in, hid) -> ReLU -> Linear(hid, out)
    W1 = jax.random.normal(ks[2], (D_HID, D_IN), dtype=jnp.float32) * 0.05
    b1 = jnp.zeros((D_HID,), dtype=jnp.float32)
    W2 = jax.random.normal(ks[3], (D_OUT, D_HID), dtype=jnp.float32) * 0.05
    b2 = jnp.zeros((D_OUT,), dtype=jnp.float32)
    # SAGEConv(in, in, root_weight=False, bias=False): lin_l applied to mean-aggregated neighbors
    Wagg = jax.random.normal(ks[4], (D_IN, D_IN), dtype=jnp.float32) * 0.05
    # mlp2: Linear(in, hid) -> ReLU -> Linear(hid, out)
    W3 = jax.random.normal(ks[5], (D_HID, D_IN), dtype=jnp.float32) * 0.05
    b3 = jnp.zeros((D_HID,), dtype=jnp.float32)
    W4 = jax.random.normal(ks[6], (D_OUT, D_HID), dtype=jnp.float32) * 0.05
    b4 = jnp.zeros((D_OUT,), dtype=jnp.float32)
    return {"x": x, "edge_index": edge_index, "W1": W1, "b1": b1, "W2": W2, "b2": b2, "Wagg": Wagg, "W3": W3, "b3": b3, "W4": W4, "b4": b4}


def reference(x, edge_index, W1, b1, W2, b2, Wagg, W3, b3, W4, b4):
    # dropout: p=0.0 / eval mode -> identity
    src = edge_index[0]
    dst = edge_index[1]
    # mlp1 branch
    out1 = jax.nn.relu(x @ W1.T + b1) @ W2.T + b2
    # SAGEConv with mean aggregation, no root weight, no bias
    msgs = x[src]
    agg = jax.ops.segment_sum(msgs, dst, num_segments=N)
    deg = jax.ops.segment_sum(jnp.ones((E,), dtype=x.dtype), dst, num_segments=N)
    mean = agg / jnp.maximum(deg, 1.0)[:, None]
    x_1hop = mean @ Wagg.T
    # mlp2 branch
    out2 = jax.nn.relu(x_1hop @ W3.T + b3) @ W4.T + b4
    return out1 + out2

if __name__ == "__main__":
    import jax
    _d = setup_inputs()
    print(jax.jit(kernel)(*tuple(_d.values())))

</pallas_src>

<mosaic_0001>
#map = affine_map<(d0, d1) -> (0, 0)>
#map1 = affine_map<(d0, d1) -> (0)>
module attributes {stable_mosaic.version = 14 : i64} {
  func.func @body(%arg0: i32, %arg1: i32, %arg2: memref<10240x128xf32, #tpu.memory_space<hbm>>, %arg3: memref<2560x128xi32, #tpu.memory_space<hbm>>, %arg4: memref<2560x128xi32, #tpu.memory_space<hbm>>, %arg5: memref<20480x128xf32, #tpu.memory_space<hbm>>, %arg6: memref<20480xf32, #tpu.memory_space<hbm>>, %arg7: memref<16x128xi32, #tpu.memory_space<vmem>>, %arg8: memref<16x128xi32, #tpu.memory_space<vmem>>, %arg9: memref<128x128xf32, #tpu.memory_space<vmem>>, %arg10: memref<128x128xf32, #tpu.memory_space<vmem>>, %arg11: memref<128xf32, #tpu.memory_space<vmem>>, %arg12: memref<640xf32, #tpu.memory_space<vmem>>, %arg13: memref<10240x128xf32, #tpu.memory_space<vmem_shared>>, %arg14: memref<10240xf32, #tpu.memory_space<vmem_shared>>, %arg15: memref<!tpu.dma_semaphore, #tpu.memory_space<semaphore_mem>>, %arg16: memref<!tpu.dma_semaphore, #tpu.memory_space<semaphore_mem>>, %arg17: memref<!tpu.dma_semaphore, #tpu.memory_space<semaphore_mem>>) attributes {dimension_semantics = [#tpu.dimension_semantics<core_parallel>, #tpu.dimension_semantics<subcore_parallel>], iteration_bounds = array<i64: 2, 16>, scalar_prefetch = 0 : i64, scratch_operands = 11 : i64, tpu.core_type = #tpu.core_type<sc_vector_subcore>, window_params = [{transform_indices = #map}, {transform_indices = #map}, {transform_indices = #map}, {transform_indices = #map}, {transform_indices = #map1}]} {
    %eq3A = arith.constant 0 : i32
    %eq3A_0 = arith.cmpi eq, %arg0, %eq3A : i32
    %mul3A = arith.constant 144 : i32
    %mul3A_1 = arith.muli %arg1, %mul3A : i32
    %mul3A_2 = arith.constant 16 : i32
    %mul3A_3 = arith.muli %arg1, %mul3A_2 : i32
    %add3A = arith.constant 2304 : i32
    %add3A_4 = arith.addi %add3A, %mul3A_3 : i32
    %select_n3A = arith.select %eq3A_0, %mul3A_1, %add3A_4 : i32
    %eq3A_5 = arith.constant 0 : i32
    %eq3A_6 = arith.cmpi eq, %arg0, %eq3A_5 : i32
    %jit3A = arith.constant 9 : i32
    %jit3A_7 = arith.constant 1 : i32
    %select_n3A_8 = arith.select %eq3A_6, %jit3A, %jit3A_7 : i32
    %scan3A = arith.constant 0 : i32
    %scan3A_9 = arith.constant 0 : i32
    %scan3A_10 = arith.constant 128 : i32
    %scan3A_11 = arith.addi %scan3A_9, %scan3A_10 : i32
    %scan3A_12 = arith.constant 1 : i32
    scf.for %scan3A_379 = %scan3A_9 to %scan3A_11 step %scan3A_12  : i32 {
      %broadcast_in_dim3A_380 = arith.constant 0.000000e+00 : f32
      %broadcast_in_dim3A_381 = vector.broadcast %broadcast_in_dim3A_380 : f32 to vector<16xf32>
      %swap3A_382 = arith.index_cast %scan3A_379 : i32 to index
      %swap3A_383 = arith.constant 0 : index
      %swap3A_384 = tpu.vector_load %arg9[%swap3A_382, %swap3A_383] {strides = array<i32>} : memref<128x128xf32, #tpu.memory_space<vmem>>, vector<1x16xf32>,
      %swap3A_385 = vector.shape_cast %swap3A_384 : vector<1x16xf32> to vector<16xf32>
      %swap3A_386 = vector.shape_cast %broadcast_in_dim3A_381 : vector<16xf32> to vector<1x16xf32>
      tpu.vector_store %arg9[%swap3A_382, %swap3A_383], %swap3A_386 {strides = array<i32>} : memref<128x128xf32, #tpu.memory_space<vmem>>, vector<1x16xf32>,
      %broadcast_in_dim3A_387 = arith.constant 0.000000e+00 : f32
      %broadcast_in_dim3A_388 = vector.broadcast %broadcast_in_dim3A_387 : f32 to vector<16xf32>
      %swap3A_389 = arith.index_cast %scan3A_379 : i32 to index
      %swap3A_390 = arith.constant 16 : index
      %swap3A_391 = tpu.vector_load %arg9[%swap3A_389, %swap3A_390] {strides = array<i32>} : memref<128x128xf32, #tpu.memory_space<vmem>>, vector<1x16xf32>,
      %swap3A_392 = vector.shape_cast %swap3A_391 : vector<1x16xf32> to vector<16xf32>
      %swap3A_393 = vector.shape_cast %broadcast_in_dim3A_388 : vector<16xf32> to vector<1x16xf32>
      tpu.vector_store %arg9[%swap3A_389, %swap3A_390], %swap3A_393 {strides = array<i32>} : memref<128x128xf32, #tpu.memory_space<vmem>>, vector<1x16xf32>,
      %broadcast_in_dim3A_394 = arith.constant 0.000000e+00 : f32
      %broadcast_in_dim3A_395 = vector.broadcast %broadcast_in_dim3A_394 : f32 to vector<16xf32>
      %swap3A_396 = arith.index_cast %scan3A_379 : i32 to index
      %swap3A_397 = arith.constant 32 : index
      %swap3A_398 = tpu.vector_load %arg9[%swap3A_396, %swap3A_397] {strides = array<i32>} : memref<128x128xf32, #tpu.memory_space<vmem>>, vector<1x16xf32>,
      %swap3A_399 = vector.shape_cast %swap3A_398 : vector<1x16xf32> to vector<16xf32>
      %swap3A_400 = vector.shape_cast %broadcast_in_dim3A_395 : vector<16xf32> to vector<1x16xf32>
      tpu.vector_store %arg9[%swap3A_396, %swap3A_397], %swap3A_400 {strides = array<i32>} : memref<128x128xf32, #tpu.memory_space<vmem>>, vector<1x16xf32>,
      %broadcast_in_dim3A_401 = arith.constant 0.000000e+00 : f32
      %broadcast_in_dim3A_402 = vector.broadcast %broadcast_in_dim3A_401 : f32 to vector<16xf32>
      %swap3A_403 = arith.index_cast %scan3A_379 : i32 to index
      %swap3A_404 = arith.constant 48 : index
      %swap3A_405 = tpu.vector_load %arg9[%swap3A_403, %swap3A_404] {strides = array<i32>} : memref<128x128xf32, #tpu.memory_space<vmem>>, vector<1x16xf32>,
      %swap3A_406 = vector.shape_cast %swap3A_405 : vector<1x16xf32> to vector<16xf32>
      %swap3A_407 = vector.shape_cast %broadcast_in_dim3A_402 : vector<16xf32> to vector<1x16xf32>
      tpu.vector_store %arg9[%swap3A_403, %swap3A_404], %swap3A_407 {strides = array<i32>} : memref<128x128xf32, #tpu.memory_space<vmem>>, vector<1x16xf32>,
      %broadcast_in_dim3A_408 = arith.constant 0.000000e+00 : f32
      %broadcast_in_dim3A_409 = vector.broadcast %broadcast_in_dim3A_408 : f32 to vector<16xf32>
      %swap3A_410 = arith.index_cast %scan3A_379 : i32 to index
      %swap3A_411 = arith.constant 64 : index
      %swap3A_412 = tpu.vector_load %arg9[%swap3A_410, %swap3A_411] {strides = array<i32>} : memref<128x128xf32, #tpu.memory_space<vmem>>, vector<1x16xf32>,
      %swap3A_413 = vector.shape_cast %swap3A_412 : vector<1x16xf32> to vector<16xf32>
      %swap3A_414 = vector.shape_cast %broadcast_in_dim3A_409 : vector<16xf32> to vector<1x16xf32>
      tpu.vector_store %arg9[%swap3A_410, %swap3A_411], %swap3A_414 {strides = array<i32>} : memref<128x128xf32, #tpu.memory_space<vmem>>, vector<1x16xf32>,
      %broadcast_in_dim3A_415 = arith.constant 0.000000e+00 : f32
      %broadcast_in_dim3A_416 = vector.broadcast %broadcast_in_dim3A_415 : f32 to vector<16xf32>
      %swap3A_417 = arith.index_cast %scan3A_379 : i32 to index
      %swap3A_418 = arith.constant 80 : index
      %swap3A_419 = tpu.vector_load %arg9[%swap3A_417, %swap3A_418] {strides = array<i32>} : memref<128x128xf32, #tpu.memory_space<vmem>>, vector<1x16xf32>,
      %swap3A_420 = vector.shape_cast %swap3A_419 : vector<1x16xf32> to vector<16xf32>
      %swap3A_421 = vector.shape_cast %broadcast_in_dim3A_416 : vector<16xf32> to vector<1x16xf32>
      tpu.vector_store %arg9[%swap3A_417, %swap3A_418], %swap3A_421 {strides = array<i32>} : memref<128x128xf32, #tpu.memory_space<vmem>>, vector<1x16xf32>,
      %broadcast_in_dim3A_422 = arith.constant 0.000000e+00 : f32
      %broadcast_in_dim3A_423 = vector.broadcast %broadcast_in_dim3A_422 : f32 to vector<16xf32>
      %swap3A_424 = arith.index_cast %scan3A_379 : i32 to index
      %swap3A_425 = arith.constant 96 : index
      %swap3A_426 = tpu.vector_load %arg9[%swap3A_424, %swap3A_425] {strides = array<i32>} : memref<128x128xf32, #tpu.memory_space<vmem>>, vector<1x16xf32>,
      %swap3A_427 = vector.shape_cast %swap3A_426 : vector<1x16xf32> to vector<16xf32>
      %swap3A_428 = vector.shape_cast %broadcast_in_dim3A_423 : vector<16xf32> to vector<1x16xf32>
      tpu.vector_store %arg9[%swap3A_424, %swap3A_425], %swap3A_428 {strides = array<i32>} : memref<128x128xf32, #tpu.memory_space<vmem>>, vector<1x16xf32>,
      %broadcast_in_dim3A_429 = arith.constant 0.000000e+00 : f32
      %broadcast_in_dim3A_430 = vector.broadcast %broadcast_in_dim3A_429 : f32 to vector<16xf32>
      %swap3A_431 = arith.index_cast %scan3A_379 : i32 to index
      %swap3A_432 = arith.constant 112 : index
      %swap3A_433 = tpu.vector_load %arg9[%swap3A_431, %swap3A_432] {strides = array<i32>} : memref<128x128xf32, #tpu.memory_space<vmem>>, vector<1x16xf32>,
      %swap3A_434 = vector.shape_cast %swap3A_433 : vector<1x16xf32> to vector<16xf32>
      %swap3A_435 = vector.shape_cast %broadcast_in_dim3A_430 : vector<16xf32> to vector<1x16xf32>
      tpu.vector_store %arg9[%swap3A_431, %swap3A_432], %swap3A_435 {strides = array<i32>} : memref<128x128xf32, #tpu.memory_space<vmem>>, vector<1x16xf32>,
    }
    %scan3A_13 = arith.constant 128 : i32
    %mul3A_14 = arith.constant 640 : i32
    %mul3A_15 = arith.muli %arg1, %mul3A_14 : i32
    %add3A_16 = arith.constant 0 : i32
    %add3A_17 = arith.addi %mul3A_15, %add3A_16 : i32
    "tpu.region"() ({
      %run_scoped3A = tpu.sem_alloc : memref<!tpu.dma_semaphore, #tpu.memory_space<semaphore_mem>>
      %dma_start3A = arith.constant 0 : i32
      %dma_start3A_379 = tpu.memref_slice %arg13[%add3A_17, %dma_start3A] : memref<10240x128xf32, #tpu.memory_space<vmem_shared>> -> memref<128x128xf32, #tpu.memory_space<vmem_shared>>
      %dma_start3A_380 = arith.constant 0 : i32
      %dma_start3A_381 = tpu.memref_slice %arg13[%add3A_17, %dma_start3A_380] : memref<10240x128xf32, #tpu.memory_space<vmem_shared>> -> memref<128x128xf32, #tpu.memory_space<vmem_shared>>
      tpu.enqueue_dma source(%arg9 : memref<128x128xf32, #tpu.memory_space<vmem>>) target(%dma_start3A_381 : memref<128x128xf32, #tpu.memory_space<vmem_shared>>) target_semaphore(%run_scoped3A : memref<!tpu.dma_semaphore, #tpu.memory_space<semaphore_mem>>)
      %dma_wait3A = arith.constant 0 : i32
      %dma_wait3A_382 = tpu.memref_slice %arg13[%add3A_17, %dma_wait3A] : memref<10240x128xf32, #tpu.memory_space<vmem_shared>> -> memref<128x128xf32, #tpu.memory_space<vmem_shared>>
      %dma_wait3A_383 = arith.constant 0 : i32
      %dma_wait3A_384 = tpu.memref_slice %arg13[%add3A_17, %dma_wait3A_383] : memref<10240x128xf32, #tpu.memory_space<vmem_shared>> -> memref<128x128xf32, #tpu.memory_space<vmem_shared>>
      tpu.wait_dma2 semaphore(%run_scoped3A : memref<!tpu.dma_semaphore, #tpu.memory_space<semaphore_mem>>) src(%arg9 : memref<128x128xf32, #tpu.memory_space<vmem>>) dst(%dma_wait3A_384 : memref<128x128xf32, #tpu.memory_space<vmem_shared>>)
      tpu.yield
    }) : () -> ()
    %mul3A_18 = arith.constant 640 : i32
    %mul3A_19 = arith.muli %arg1, %mul3A_18 : i32
    %add3A_20 = arith.constant 128 : i32
    %add3A_21 = arith.addi %mul3A_19, %add3A_20 : i32
    "tpu.region"() ({
      %run_scoped3A = tpu.sem_alloc : memref<!tpu.dma_semaphore, #tpu.memory_space<semaphore_mem>>
      %dma_start3A = arith.constant 0 : i32
      %dma_start3A_379 = tpu.memref_slice %arg13[%add3A_21, %dma_start3A] : memref<10240x128xf32, #tpu.memory_space<vmem_shared>> -> memref<128x128xf32, #tpu.memory_space<vmem_shared>>
      %dma_start3A_380 = arith.constant 0 : i32
      %dma_start3A_381 = tpu.memref_slice %arg13[%add3A_21, %dma_start3A_380] : memref<10240x128xf32, #tpu.memory_space<vmem_shared>> -> memref<128x128xf32, #tpu.memory_space<vmem_shared>>
      tpu.enqueue_dma source(%arg9 : memref<128x128xf32, #tpu.memory_space<vmem>>) target(%dma_start3A_381 : memref<128x128xf32, #tpu.memory_space<vmem_shared>>) target_semaphore(%run_scoped3A : memref<!tpu.dma_semaphore, #tpu.memory_space<semaphore_mem>>)
      %dma_wait3A = arith.constant 0 : i32
      %dma_wait3A_382 = tpu.memref_slice %arg13[%add3A_21, %dma_wait3A] : memref<10240x128xf32, #tpu.memory_space<vmem_shared>> -> memref<128x128xf32, #tpu.memory_space<vmem_shared>>
      %dma_wait3A_383 = arith.constant 0 : i32
      %dma_wait3A_384 = tpu.memref_slice %arg13[%add3A_21, %dma_wait3A_383] : memref<10240x128xf32, #tpu.memory_space<vmem_shared>> -> memref<128x128xf32, #tpu.memory_space<vmem_shared>>
      tpu.wait_dma2 semaphore(%run_scoped3A : memref<!tpu.dma_semaphore, #tpu.memory_space<semaphore_mem>>) src(%arg9 : memref<128x128xf32, #tpu.memory_space<vmem>>) dst(%dma_wait3A_384 : memref<128x128xf32, #tpu.memory_space<vmem_shared>>)
      tpu.yield
    }) : () -> ()
    %mul3A_22 = arith.constant 640 : i32
    %mul3A_23 = arith.muli %arg1, %mul3A_22 : i32
    %add3A_24 = arith.constant 256 : i32
    %add3A_25 = arith.addi %mul3A_23, %add3A_24 : i32
    "tpu.region"() ({
      %run_scoped3A = tpu.sem_alloc : memref<!tpu.dma_semaphore, #tpu.memory_space<semaphore_mem>>
      %dma_start3A = arith.constant 0 : i32
      %dma_start3A_379 = tpu.memref_slice %arg13[%add3A_25, %dma_start3A] : memref<10240x128xf32, #tpu.memory_space<vmem_shared>> -> memref<128x128xf32, #tpu.memory_space<vmem_shared>>
      %dma_start3A_380 = arith.constant 0 : i32
      %dma_start3A_381 = tpu.memref_slice %arg13[%add3A_25, %dma_start3A_380] : memref<10240x128xf32, #tpu.memory_space<vmem_shared>> -> memref<128x128xf32, #tpu.memory_space<vmem_shared>>
      tpu.enqueue_dma source(%arg9 : memref<128x128xf32, #tpu.memory_space<vmem>>) target(%dma_start3A_381 : memref<128x128xf32, #tpu.memory_space<vmem_shared>>) target_semaphore(%run_scoped3A : memref<!tpu.dma_semaphore, #tpu.memory_space<semaphore_mem>>)
      %dma_wait3A = arith.constant 0 : i32
      %dma_wait3A_382 = tpu.memref_slice %arg13[%add3A_25, %dma_wait3A] : memref<10240x128xf32, #tpu.memory_space<vmem_shared>> -> memref<128x128xf32, #tpu.memory_space<vmem_shared>>
      %dma_wait3A_383 = arith.constant 0 : i32
      %dma_wait3A_384 = tpu.memref_slice %arg13[%add3A_25, %dma_wait3A_383] : memref<10240x128xf32, #tpu.memory_space<vmem_shared>> -> memref<128x128xf32, #tpu.memory_space<vmem_shared>>
      tpu.wait_dma2 semaphore(%run_scoped3A : memref<!tpu.dma_semaphore, #tpu.memory_space<semaphore_mem>>) src(%arg9 : memref<128x128xf32, #tpu.memory_space<vmem>>) dst(%dma_wait3A_384 : memref<128x128xf32, #tpu.memory_space<vmem_shared>>)
      tpu.yield
    }) : () -> ()
    %mul3A_26 = arith.constant 640 : i32
    %mul3A_27 = arith.muli %arg1, %mul3A_26 : i32
    %add3A_28 = arith.constant 384 : i32
    %add3A_29 = arith.addi %mul3A_27, %add3A_28 : i32
    "tpu.region"() ({
      %run_scoped3A = tpu.sem_alloc : memref<!tpu.dma_semaphore, #tpu.memory_space<semaphore_mem>>
      %dma_start3A = arith.constant 0 : i32
      %dma_start3A_379 = tpu.memref_slice %arg13[%add3A_29, %dma_start3A] : memref<10240x128xf32, #tpu.memory_space<vmem_shared>> -> memref<128x128xf32, #tpu.memory_space<vmem_shared>>
      %dma_start3A_380 = arith.constant 0 : i32
      %dma_start3A_381 = tpu.memref_slice %arg13[%add3A_29, %dma_start3A_380] : memref<10240x128xf32, #tpu.memory_space<vmem_shared>> -> memref<128x128xf32, #tpu.memory_space<vmem_shared>>
      tpu.enqueue_dma source(%arg9 : memref<128x128xf32, #tpu.memory_space<vmem>>) target(%dma_start3A_381 : memref<128x128xf32, #tpu.memory_space<vmem_shared>>) target_semaphore(%run_scoped3A : memref<!tpu.dma_semaphore, #tpu.memory_space<semaphore_mem>>)
      %dma_wait3A = arith.constant 0 : i32
      %dma_wait3A_382 = tpu.memref_slice %arg13[%add3A_29, %dma_wait3A] : memref<10240x128xf32, #tpu.memory_space<vmem_shared>> -> memref<128x128xf32, #tpu.memory_space<vmem_shared>>
      %dma_wait3A_383 = arith.constant 0 : i32
      %dma_wait3A_384 = tpu.memref_slice %arg13[%add3A_29, %dma_wait3A_383] : memref<10240x128xf32, #tpu.memory_space<vmem_shared>> -> memref<128x128xf32, #tpu.memory_space<vmem_shared>>
      tpu.wait_dma2 semaphore(%run_scoped3A : memref<!tpu.dma_semaphore, #tpu.memory_space<semaphore_mem>>) src(%arg9 : memref<128x128xf32, #tpu.memory_space<vmem>>) dst(%dma_wait3A_384 : memref<128x128xf32, #tpu.memory_space<vmem_shared>>)
      tpu.yield
    }) : () -> ()
    %mul3A_30 = arith.constant 640 : i32
    %mul3A_31 = arith.muli %arg1, %mul3A_30 : i32
    %add3A_32 = arith.constant 512 : i32
    %add3A_33 = arith.addi %mul3A_31, %add3A_32 : i32
    "tpu.region"() ({
      %run_scoped3A = tpu.sem_alloc : memref<!tpu.dma_semaphore, #tpu.memory_space<semaphore_mem>>
      %dma_start3A = arith.constant 0 : i32
      %dma_start3A_379 = tpu.memref_slice %arg13[%add3A_33, %dma_start3A] : memref<10240x128xf32, #tpu.memory_space<vmem_shared>> -> memref<128x128xf32, #tpu.memory_space<vmem_shared>>
      %dma_start3A_380 = arith.constant 0 : i32
      %dma_start3A_381 = tpu.memref_slice %arg13[%add3A_33, %dma_start3A_380] : memref<10240x128xf32, #tpu.memory_space<vmem_shared>> -> memref<128x128xf32, #tpu.memory_space<vmem_shared>>
      tpu.enqueue_dma source(%arg9 : memref<128x128xf32, #tpu.memory_space<vmem>>) target(%dma_start3A_381 : memref<128x128xf32, #tpu.memory_space<vmem_shared>>) target_semaphore(%run_scoped3A : memref<!tpu.dma_semaphore, #tpu.memory_space<semaphore_mem>>)
      %dma_wait3A = arith.constant 0 : i32
      %dma_wait3A_382 = tpu.memref_slice %arg13[%add3A_33, %dma_wait3A] : memref<10240x128xf32, #tpu.memory_space<vmem_shared>> -> memref<128x128xf32, #tpu.memory_space<vmem_shared>>
      %dma_wait3A_383 = arith.constant 0 : i32
      %dma_wait3A_384 = tpu.memref_slice %arg13[%add3A_33, %dma_wait3A_383] : memref<10240x128xf32, #tpu.memory_space<vmem_shared>> -> memref<128x128xf32, #tpu.memory_space<vmem_shared>>
      tpu.wait_dma2 semaphore(%run_scoped3A : memref<!tpu.dma_semaphore, #tpu.memory_space<semaphore_mem>>) src(%arg9 : memref<128x128xf32, #tpu.memory_space<vmem>>) dst(%dma_wait3A_384 : memref<128x128xf32, #tpu.memory_space<vmem_shared>>)
      tpu.yield
    }) : () -> ()
    %broadcast_in_dim3A = arith.constant 0.000000e+00 : f32
    %broadcast_in_dim3A_34 = vector.broadcast %broadcast_in_dim3A : f32 to vector<16xf32>
    %swap3A = arith.constant 0 : index
    %swap3A_35 = tpu.vector_load %arg12[%swap3A] {strides = array<i32>} : memref<640xf32, #tpu.memory_space<vmem>>, vector<16xf32>,
    %swap3A_36 = vector.shape_cast %swap3A_35 : vector<16xf32> to vector<16xf32>
    %swap3A_37 = vector.shape_cast %broadcast_in_dim3A_34 : vector<16xf32> to vector<16xf32>
    tpu.vector_store %arg12[%swap3A], %swap3A_37 {strides = array<i32>} : memref<640xf32, #tpu.memory_space<vmem>>, vector<16xf32>,
    %broadcast_in_dim3A_38 = arith.constant 0.000000e+00 : f32
    %broadcast_in_dim3A_39 = vector.broadcast %broadcast_in_dim3A_38 : f32 to vector<16xf32>
    %swap3A_40 = arith.constant 16 : index
    %swap3A_41 = tpu.vector_load %arg12[%swap3A_40] {strides = array<i32>} : memref<640xf32, #tpu.memory_space<vmem>>, vector<16xf32>,
    %swap3A_42 = vector.shape_cast %swap3A_41 : vector<16xf32> to vector<16xf32>
    %swap3A_43 = vector.shape_cast %broadcast_in_dim3A_39 : vector<16xf32> to vector<16xf32>
    tpu.vector_store %arg12[%swap3A_40], %swap3A_43 {strides = array<i32>} : memref<640xf32, #tpu.memory_space<vmem>>, vector<16xf32>,
    %broadcast_in_dim3A_44 = arith.constant 0.000000e+00 : f32
    %broadcast_in_dim3A_45 = vector.broadcast %broadcast_in_dim3A_44 : f32 to vector<16xf32>
    %swap3A_46 = arith.constant 32 : index
    %swap3A_47 = tpu.vector_load %arg12[%swap3A_46] {strides = array<i32>} : memref<640xf32, #tpu.memory_space<vmem>>, vector<16xf32>,
    %swap3A_48 = vector.shape_cast %swap3A_47 : vector<16xf32> to vector<16xf32>
    %swap3A_49 = vector.shape_cast %broadcast_in_dim3A_45 : vector<16xf32> to vector<16xf32>
    tpu.vector_store %arg12[%swap3A_46], %swap3A_49 {strides = array<i32>} : memref<640xf32, #tpu.memory_space<vmem>>, vector<16xf32>,
    %broadcast_in_dim3A_50 = arith.constant 0.000000e+00 : f32
    %broadcast_in_dim3A_51 = vector.broadcast %broadcast_in_dim3A_50 : f32 to vector<16xf32>
    %swap3A_52 = arith.constant 48 : index
    %swap3A_53 = tpu.vector_load %arg12[%swap3A_52] {strides = array<i32>} : memref<640xf32, #tpu.memory_space<vmem>>, vector<16xf32>,
    %swap3A_54 = vector.shape_cast %swap3A_53 : vector<16xf32> to vector<16xf32>
    %swap3A_55 = vector.shape_cast %broadcast_in_dim3A_51 : vector<16xf32> to vector<16xf32>
    tpu.vector_store %arg12[%swap3A_52], %swap3A_55 {strides = array<i32>} : memref<640xf32, #tpu.memory_space<vmem>>, vector<16xf32>,
    %broadcast_in_dim3A_56 = arith.constant 0.000000e+00 : f32
    %broadcast_in_dim3A_57 = vector.broadcast %broadcast_in_dim3A_56 : f32 to vector<16xf32>
    %swap3A_58 = arith.constant 64 : index
    %swap3A_59 = tpu.vector_load %arg12[%swap3A_58] {strides = array<i32>} : memref<640xf32, #tpu.memory_space<vmem>>, vector<16xf32>,
    %swap3A_60 = vector.shape_cast %swap3A_59 : vector<16xf32> to vector<16xf32>
    %swap3A_61 = vector.shape_cast %broadcast_in_dim3A_57 : vector<16xf32> to vector<16xf32>
    tpu.vector_store %arg12[%swap3A_58], %swap3A_61 {strides = array<i32>} : memref<640xf32, #tpu.memory_space<vmem>>, vector<16xf32>,
    %broadcast_in_dim3A_62 = arith.constant 0.000000e+00 : f32
    %broadcast_in_dim3A_63 = vector.broadcast %broadcast_in_dim3A_62 : f32 to vector<16xf32>
    %swap3A_64 = arith.constant 80 : index
    %swap3A_65 = tpu.vector_load %arg12[%swap3A_64] {strides = array<i32>} : memref<640xf32, #tpu.memory_space<vmem>>, vector<16xf32>,
    %swap3A_66 = vector.shape_cast %swap3A_65 : vector<16xf32> to vector<16xf32>
    %swap3A_67 = vector.shape_cast %broadcast_in_dim3A_63 : vector<16xf32> to vector<16xf32>
    tpu.vector_store %arg12[%swap3A_64], %swap3A_67 {strides = array<i32>} : memref<640xf32, #tpu.memory_space<vmem>>, vector<16xf32>,
    %broadcast_in_dim3A_68 = arith.constant 0.000000e+00 : f32
    %broadcast_in_dim3A_69 = vector.broadcast %broadcast_in_dim3A_68 : f32 to vector<16xf32>
    %swap3A_70 = arith.constant 96 : index
    %swap3A_71 = tpu.vector_load %arg12[%swap3A_70] {strides = array<i32>} : memref<640xf32, #tpu.memory_space<vmem>>, vector<16xf32>,
    %swap3A_72 = vector.shape_cast %swap3A_71 : vector<16xf32> to vector<16xf32>
    %swap3A_73 = vector.shape_cast %broadcast_in_dim3A_69 : vector<16xf32> to vector<16xf32>
    tpu.vector_store %arg12[%swap3A_70], %swap3A_73 {strides = array<i32>} : memref<640xf32, #tpu.memory_space<vmem>>, vector<16xf32>,
    %broadcast_in_dim3A_74 = arith.constant 0.000000e+00 : f32
    %broadcast_in_dim3A_75 = vector.broadcast %broadcast_in_dim3A_74 : f32 to vector<16xf32>
    %swap3A_76 = arith.constant 112 : index
    %swap3A_77 = tpu.vector_load %arg12[%swap3A_76] {strides = array<i32>} : memref<640xf32, #tpu.memory_space<vmem>>, vector<16xf32>,
    %swap3A_78 = vector.shape_cast %swap3A_77 : vector<16xf32> to vector<16xf32>
    %swap3A_79 = vector.shape_cast %broadcast_in_dim3A_75 : vector<16xf32> to vector<16xf32>
    tpu.vector_store %arg12[%swap3A_76], %swap3A_79 {strides = array<i32>} : memref<640xf32, #tpu.memory_space<vmem>>, vector<16xf32>,
    %broadcast_in_dim3A_80 = arith.constant 0.000000e+00 : f32
    %broadcast_in_dim3A_81 = vector.broadcast %broadcast_in_dim3A_80 : f32 to vector<16xf32>
    %swap3A_82 = arith.constant 128 : index
    %swap3A_83 = tpu.vector_load %arg12[%swap3A_82] {strides = array<i32>} : memref<640xf32, #tpu.memory_space<vmem>>, vector<16xf32>,
    %swap3A_84 = vector.shape_cast %swap3A_83 : vector<16xf32> to vector<16xf32>
    %swap3A_85 = vector.shape_cast %broadcast_in_dim3A_81 : vector<16xf32> to vector<16xf32>
    tpu.vector_store %arg12[%swap3A_82], %swap3A_85 {strides = array<i32>} : memref<640xf32, #tpu.memory_space<vmem>>, vector<16xf32>,
    %broadcast_in_dim3A_86 = arith.constant 0.000000e+00 : f32
    %broadcast_in_dim3A_87 = vector.broadcast %broadcast_in_dim3A_86 : f32 to vector<16xf32>
    %swap3A_88 = arith.constant 144 : index
    %swap3A_89 = tpu.vector_load %arg12[%swap3A_88] {strides = array<i32>} : memref<640xf32, #tpu.memory_space<vmem>>, vector<16xf32>,
    %swap3A_90 = vector.shape_cast %swap3A_89 : vector<16xf32> to vector<16xf32>
    %swap3A_91 = vector.shape_cast %broadcast_in_dim3A_87 : vector<16xf32> to vector<16xf32>
    tpu.vector_store %arg12[%swap3A_88], %swap3A_91 {strides = array<i32>} : memref<640xf32, #tpu.memory_space<vmem>>, vector<16xf32>,
    %broadcast_in_dim3A_92 = arith.constant 0.000000e+00 : f32
    %broadcast_in_dim3A_93 = vector.broadcast %broadcast_in_dim3A_92 : f32 to vector<16xf32>
    %swap3A_94 = arith.constant 160 : index
    %swap3A_95 = tpu.vector_load %arg12[%swap3A_94] {strides = array<i32>} : memref<640xf32, #tpu.memory_space<vmem>>, vector<16xf32>,
    %swap3A_96 = vector.shape_cast %swap3A_95 : vector<16xf32> to vector<16xf32>
    %swap3A_97 = vector.shape_cast %broadcast_in_dim3A_93 : vector<16xf32> to vector<16xf32>
    tpu.vector_store %arg12[%swap3A_94], %swap3A_97 {strides = array<i32>} : memref<640xf32, #tpu.memory_space<vmem>>, vector<16xf32>,
    %broadcast_in_dim3A_98 = arith.constant 0.000000e+00 : f32
    %broadcast_in_dim3A_99 = vector.broadcast %broadcast_in_dim3A_98 : f32 to vector<16xf32>
    %swap3A_100 = arith.constant 176 : index
    %swap3A_101 = tpu.vector_load %arg12[%swap3A_100] {strides = array<i32>} : memref<640xf32, #tpu.memory_space<vmem>>, vector<16xf32>,
    %swap3A_102 = vector.shape_cast %swap3A_101 : vector<16xf32> to vector<16xf32>
    %swap3A_103 = vector.shape_cast %broadcast_in_dim3A_99 : vector<16xf32> to vector<16xf32>
    tpu.vector_store %arg12[%swap3A_100], %swap3A_103 {strides = array<i32>} : memref<640xf32, #tpu.memory_space<vmem>>, vector<16xf32>,
    %broadcast_in_dim3A_104 = arith.constant 0.000000e+00 : f32
    %broadcast_in_dim3A_105 = vector.broadcast %broadcast_in_dim3A_104 : f32 to vector<16xf32>
    %swap3A_106 = arith.constant 192 : index
    %swap3A_107 = tpu.vector_load %arg12[%swap3A_106] {strides = array<i32>} : memref<640xf32, #tpu.memory_space<vmem>>, vector<16xf32>,
    %swap3A_108 = vector.shape_cast %swap3A_107 : vector<16xf32> to vector<16xf32>
    %swap3A_109 = vector.shape_cast %broadcast_in_dim3A_105 : vector<16xf32> to vector<16xf32>
    tpu.vector_store %arg12[%swap3A_106], %swap3A_109 {strides = array<i32>} : memref<640xf32, #tpu.memory_space<vmem>>, vector<16xf32>,
    %broadcast_in_dim3A_110 = arith.constant 0.000000e+00 : f32
    %broadcast_in_dim3A_111 = vector.broadcast %broadcast_in_dim3A_110 : f32 to vector<16xf32>
    %swap3A_112 = arith.constant 208 : index
    %swap3A_113 = tpu.vector_load %arg12[%swap3A_112] {strides = array<i32>} : memref<640xf32, #tpu.memory_space<vmem>>, vector<16xf32>,
    %swap3A_114 = vector.shape_cast %swap3A_113 : vector<16xf32> to vector<16xf32>
    %swap3A_115 = vector.shape_cast %broadcast_in_dim3A_111 : vector<16xf32> to vector<16xf32>
    tpu.vector_store %arg12[%swap3A_112], %swap3A_115 {strides = array<i32>} : memref<640xf32, #tpu.memory_space<vmem>>, vector<16xf32>,
    %broadcast_in_dim3A_116 = arith.constant 0.000000e+00 : f32
    %broadcast_in_dim3A_117 = vector.broadcast %broadcast_in_dim3A_116 : f32 to vector<16xf32>
    %swap3A_118 = arith.constant 224 : index
    %swap3A_119 = tpu.vector_load %arg12[%swap3A_118] {strides = array<i32>} : memref<640xf32, #tpu.memory_space<vmem>>, vector<16xf32>,
    %swap3A_120 = vector.shape_cast %swap3A_119 : vector<16xf32> to vector<16xf32>
    %swap3A_121 = vector.shape_cast %broadcast_in_dim3A_117 : vector<16xf32> to vector<16xf32>
    tpu.vector_store %arg12[%swap3A_118], %swap3A_121 {strides = array<i32>} : memref<640xf32, #tpu.memory_space<vmem>>, vector<16xf32>,
    %broadcast_in_dim3A_122 = arith.constant 0.000000e+00 : f32
    %broadcast_in_dim3A_123 = vector.broadcast %broadcast_in_dim3A_122 : f32 to vector<16xf32>
    %swap3A_124 = arith.constant 240 : index
    %swap3A_125 = tpu.vector_load %arg12[%swap3A_124] {strides = array<i32>} : memref<640xf32, #tpu.memory_space<vmem>>, vector<16xf32>,
    %swap3A_126 = vector.shape_cast %swap3A_125 : vector<16xf32> to vector<16xf32>
    %swap3A_127 = vector.shape_cast %broadcast_in_dim3A_123 : vector<16xf32> to vector<16xf32>
    tpu.vector_store %arg12[%swap3A_124], %swap3A_127 {strides = array<i32>} : memref<640xf32, #tpu.memory_space<vmem>>, vector<16xf32>,
    %broadcast_in_dim3A_128 = arith.constant 0.000000e+00 : f32
    %broadcast_in_dim3A_129 = vector.broadcast %broadcast_in_dim3A_128 : f32 to vector<16xf32>
    %swap3A_130 = arith.constant 256 : index
    %swap3A_131 = tpu.vector_load %arg12[%swap3A_130] {strides = array<i32>} : memref<640xf32, #tpu.memory_space<vmem>>, vector<16xf32>,
    %swap3A_132 = vector.shape_cast %swap3A_131 : vector<16xf32> to vector<16xf32>
    %swap3A_133 = vector.shape_cast %broadcast_in_dim3A_129 : vector<16xf32> to vector<16xf32>
    tpu.vector_store %arg12[%swap3A_130], %swap3A_133 {strides = array<i32>} : memref<640xf32, #tpu.memory_space<vmem>>, vector<16xf32>,
    %broadcast_in_dim3A_134 = arith.constant 0.000000e+00 : f32
    %broadcast_in_dim3A_135 = vector.broadcast %broadcast_in_dim3A_134 : f32 to vector<16xf32>
    %swap3A_136 = arith.constant 272 : index
    %swap3A_137 = tpu.vector_load %arg12[%swap3A_136] {strides = array<i32>} : memref<640xf32, #tpu.memory_space<vmem>>, vector<16xf32>,
    %swap3A_138 = vector.shape_cast %swap3A_137 : vector<16xf32> to vector<16xf32>
    %swap3A_139 = vector.shape_cast %broadcast_in_dim3A_135 : vector<16xf32> to vector<16xf32>
    tpu.vector_store %arg12[%swap3A_136], %swap3A_139 {strides = array<i32>} : memref<640xf32, #tpu.memory_space<vmem>>, vector<16xf32>,
    %broadcast_in_dim3A_140 = arith.constant 0.000000e+00 : f32
    %broadcast_in_dim3A_141 = vector.broadcast %broadcast_in_dim3A_140 : f32 to vector<16xf32>
    %swap3A_142 = arith.constant 288 : index
    %swap3A_143 = tpu.vector_load %arg12[%swap3A_142] {strides = array<i32>} : memref<640xf32, #tpu.memory_space<vmem>>, vector<16xf32>,
    %swap3A_144 = vector.shape_cast %swap3A_143 : vector<16xf32> to vector<16xf32>
    %swap3A_145 = vector.shape_cast %broadcast_in_dim3A_141 : vector<16xf32> to vector<16xf32>
    tpu.vector_store %arg12[%swap3A_142], %swap3A_145 {strides = array<i32>} : memref<640xf32, #tpu.memory_space<vmem>>, vector<16xf32>,
    %broadcast_in_dim3A_146 = arith.constant 0.000000e+00 : f32
    %broadcast_in_dim3A_147 = vector.broadcast %broadcast_in_dim3A_146 : f32 to vector<16xf32>
    %swap3A_148 = arith.constant 304 : index
    %swap3A_149 = tpu.vector_load %arg12[%swap3A_148] {strides = array<i32>} : memref<640xf32, #tpu.memory_space<vmem>>, vector<16xf32>,
    %swap3A_150 = vector.shape_cast %swap3A_149 : vector<16xf32> to vector<16xf32>
    %swap3A_151 = vector.shape_cast %broadcast_in_dim3A_147 : vector<16xf32> to vector<16xf32>
    tpu.vector_store %arg12[%swap3A_148], %swap3A_151 {strides = array<i32>} : memref<640xf32, #tpu.memory_space<vmem>>, vector<16xf32>,
    %broadcast_in_dim3A_152 = arith.constant 0.000000e+00 : f32
    %broadcast_in_dim3A_153 = vector.broadcast %broadcast_in_dim3A_152 : f32 to vector<16xf32>
    %swap3A_154 = arith.constant 320 : index
    %swap3A_155 = tpu.vector_load %arg12[%swap3A_154] {strides = array<i32>} : memref<640xf32, #tpu.memory_space<vmem>>, vector<16xf32>,
    %swap3A_156 = vector.shape_cast %swap3A_155 : vector<16xf32> to vector<16xf32>
    %swap3A_157 = vector.shape_cast %broadcast_in_dim3A_153 : vector<16xf32> to vector<16xf32>
    tpu.vector_store %arg12[%swap3A_154], %swap3A_157 {strides = array<i32>} : memref<640xf32, #tpu.memory_space<vmem>>, vector<16xf32>,
    %broadcast_in_dim3A_158 = arith.constant 0.000000e+00 : f32
    %broadcast_in_dim3A_159 = vector.broadcast %broadcast_in_dim3A_158 : f32 to vector<16xf32>
    %swap3A_160 = arith.constant 336 : index
    %swap3A_161 = tpu.vector_load %arg12[%swap3A_160] {strides = array<i32>} : memref<640xf32, #tpu.memory_space<vmem>>, vector<16xf32>,
    %swap3A_162 = vector.shape_cast %swap3A_161 : vector<16xf32> to vector<16xf32>
    %swap3A_163 = vector.shape_cast %broadcast_in_dim3A_159 : vector<16xf32> to vector<16xf32>
    tpu.vector_store %arg12[%swap3A_160], %swap3A_163 {strides = array<i32>} : memref<640xf32, #tpu.memory_space<vmem>>, vector<16xf32>,
    %broadcast_in_dim3A_164 = arith.constant 0.000000e+00 : f32
    %broadcast_in_dim3A_165 = vector.broadcast %broadcast_in_dim3A_164 : f32 to vector<16xf32>
    %swap3A_166 = arith.constant 352 : index
    %swap3A_167 = tpu.vector_load %arg12[%swap3A_166] {strides = array<i32>} : memref<640xf32, #tpu.memory_space<vmem>>, vector<16xf32>,
    %swap3A_168 = vector.shape_cast %swap3A_167 : vector<16xf32> to vector<16xf32>
    %swap3A_169 = vector.shape_cast %broadcast_in_dim3A_165 : vector<16xf32> to vector<16xf32>
    tpu.vector_store %arg12[%swap3A_166], %swap3A_169 {strides = array<i32>} : memref<640xf32, #tpu.memory_space<vmem>>, vector<16xf32>,
    %broadcast_in_dim3A_170 = arith.constant 0.000000e+00 : f32
    %broadcast_in_dim3A_171 = vector.broadcast %broadcast_in_dim3A_170 : f32 to vector<16xf32>
    %swap3A_172 = arith.constant 368 : index
    %swap3A_173 = tpu.vector_load %arg12[%swap3A_172] {strides = array<i32>} : memref<640xf32, #tpu.memory_space<vmem>>, vector<16xf32>,
    %swap3A_174 = vector.shape_cast %swap3A_173 : vector<16xf32> to vector<16xf32>
    %swap3A_175 = vector.shape_cast %broadcast_in_dim3A_171 : vector<16xf32> to vector<16xf32>
    tpu.vector_store %arg12[%swap3A_172], %swap3A_175 {strides = array<i32>} : memref<640xf32, #tpu.memory_space<vmem>>, vector<16xf32>,
    %broadcast_in_dim3A_176 = arith.constant 0.000000e+00 : f32
    %broadcast_in_dim3A_177 = vector.broadcast %broadcast_in_dim3A_176 : f32 to vector<16xf32>
    %swap3A_178 = arith.constant 384 : index
    %swap3A_179 = tpu.vector_load %arg12[%swap3A_178] {strides = array<i32>} : memref<640xf32, #tpu.memory_space<vmem>>, vector<16xf32>,
    %swap3A_180 = vector.shape_cast %swap3A_179 : vector<16xf32> to vector<16xf32>
    %swap3A_181 = vector.shape_cast %broadcast_in_dim3A_177 : vector<16xf32> to vector<16xf32>
    tpu.vector_store %arg12[%swap3A_178], %swap3A_181 {strides = array<i32>} : memref<640xf32, #tpu.memory_space<vmem>>, vector<16xf32>,
    %broadcast_in_dim3A_182 = arith.constant 0.000000e+00 : f32
    %broadcast_in_dim3A_183 = vector.broadcast %broadcast_in_dim3A_182 : f32 to vector<16xf32>
    %swap3A_184 = arith.constant 400 : index
    %swap3A_185 = tpu.vector_load %arg12[%swap3A_184] {strides = array<i32>} : memref<640xf32, #tpu.memory_space<vmem>>, vector<16xf32>,
    %swap3A_186 = vector.shape_cast %swap3A_185 : vector<16xf32> to vector<16xf32>
    %swap3A_187 = vector.shape_cast %broadcast_in_dim3A_183 : vector<16xf32> to vector<16xf32>
    tpu.vector_store %arg12[%swap3A_184], %swap3A_187 {strides = array<i32>} : memref<640xf32, #tpu.memory_space<vmem>>, vector<16xf32>,
    %broadcast_in_dim3A_188 = arith.constant 0.000000e+00 : f32
    %broadcast_in_dim3A_189 = vector.broadcast %broadcast_in_dim3A_188 : f32 to vector<16xf32>
    %swap3A_190 = arith.constant 416 : index
    %swap3A_191 = tpu.vector_load %arg12[%swap3A_190] {strides = array<i32>} : memref<640xf32, #tpu.memory_space<vmem>>, vector<16xf32>,
    %swap3A_192 = vector.shape_cast %swap3A_191 : vector<16xf32> to vector<16xf32>
    %swap3A_193 = vector.shape_cast %broadcast_in_dim3A_189 : vector<16xf32> to vector<16xf32>
    tpu.vector_store %arg12[%swap3A_190], %swap3A_193 {strides = array<i32>} : memref<640xf32, #tpu.memory_space<vmem>>, vector<16xf32>,
    %broadcast_in_dim3A_194 = arith.constant 0.000000e+00 : f32
    %broadcast_in_dim3A_195 = vector.broadcast %broadcast_in_dim3A_194 : f32 to vector<16xf32>
    %swap3A_196 = arith.constant 432 : index
    %swap3A_197 = tpu.vector_load %arg12[%swap3A_196] {strides = array<i32>} : memref<640xf32, #tpu.memory_space<vmem>>, vector<16xf32>,
    %swap3A_198 = vector.shape_cast %swap3A_197 : vector<16xf32> to vector<16xf32>
    %swap3A_199 = vector.shape_cast %broadcast_in_dim3A_195 : vector<16xf32> to vector<16xf32>
    tpu.vector_store %arg12[%swap3A_196], %swap3A_199 {strides = array<i32>} : memref<640xf32, #tpu.memory_space<vmem>>, vector<16xf32>,
    %broadcast_in_dim3A_200 = arith.constant 0.000000e+00 : f32
    %broadcast_in_dim3A_201 = vector.broadcast %broadcast_in_dim3A_200 : f32 to vector<16xf32>
    %swap3A_202 = arith.constant 448 : index
    %swap3A_203 = tpu.vector_load %arg12[%swap3A_202] {strides = array<i32>} : memref<640xf32, #tpu.memory_space<vmem>>, vector<16xf32>,
    %swap3A_204 = vector.shape_cast %swap3A_203 : vector<16xf32> to vector<16xf32>
    %swap3A_205 = vector.shape_cast %broadcast_in_dim3A_201 : vector<16xf32> to vector<16xf32>
    tpu.vector_store %arg12[%swap3A_202], %swap3A_205 {strides = array<i32>} : memref<640xf32, #tpu.memory_space<vmem>>, vector<16xf32>,
    %broadcast_in_dim3A_206 = arith.constant 0.000000e+00 : f32
    %broadcast_in_dim3A_207 = vector.broadcast %broadcast_in_dim3A_206 : f32 to vector<16xf32>
    %swap3A_208 = arith.constant 464 : index
    %swap3A_209 = tpu.vector_load %arg12[%swap3A_208] {strides = array<i32>} : memref<640xf32, #tpu.memory_space<vmem>>, vector<16xf32>,
    %swap3A_210 = vector.shape_cast %swap3A_209 : vector<16xf32> to vector<16xf32>
    %swap3A_211 = vector.shape_cast %broadcast_in_dim3A_207 : vector<16xf32> to vector<16xf32>
    tpu.vector_store %arg12[%swap3A_208], %swap3A_211 {strides = array<i32>} : memref<640xf32, #tpu.memory_space<vmem>>, vector<16xf32>,
    %broadcast_in_dim3A_212 = arith.constant 0.000000e+00 : f32
    %broadcast_in_dim3A_213 = vector.broadcast %broadcast_in_dim3A_212 : f32 to vector<16xf32>
    %swap3A_214 = arith.constant 480 : index
    %swap3A_215 = tpu.vector_load %arg12[%swap3A_214] {strides = array<i32>} : memref<640xf32, #tpu.memory_space<vmem>>, vector<16xf32>,
    %swap3A_216 = vector.shape_cast %swap3A_215 : vector<16xf32> to vector<16xf32>
    %swap3A_217 = vector.shape_cast %broadcast_in_dim3A_213 : vector<16xf32> to vector<16xf32>
    tpu.vector_store %arg12[%swap3A_214], %swap3A_217 {strides = array<i32>} : memref<640xf32, #tpu.memory_space<vmem>>, vector<16xf32>,
    %broadcast_in_dim3A_218 = arith.constant 0.000000e+00 : f32
    %broadcast_in_dim3A_219 = vector.broadcast %broadcast_in_dim3A_218 : f32 to vector<16xf32>
    %swap3A_220 = arith.constant 496 : index
    %swap3A_221 = tpu.vector_load %arg12[%swap3A_220] {strides = array<i32>} : memref<640xf32, #tpu.memory_space<vmem>>, vector<16xf32>,
    %swap3A_222 = vector.shape_cast %swap3A_221 : vector<16xf32> to vector<16xf32>
    %swap3A_223 = vector.shape_cast %broadcast_in_dim3A_219 : vector<16xf32> to vector<16xf32>
    tpu.vector_store %arg12[%swap3A_220], %swap3A_223 {strides = array<i32>} : memref<640xf32, #tpu.memory_space<vmem>>, vector<16xf32>,
    %broadcast_in_dim3A_224 = arith.constant 0.000000e+00 : f32
    %broadcast_in_dim3A_225 = vector.broadcast %broadcast_in_dim3A_224 : f32 to vector<16xf32>
    %swap3A_226 = arith.constant 512 : index
    %swap3A_227 = tpu.vector_load %arg12[%swap3A_226] {strides = array<i32>} : memref<640xf32, #tpu.memory_space<vmem>>, vector<16xf32>,
    %swap3A_228 = vector.shape_cast %swap3A_227 : vector<16xf32> to vector<16xf32>
    %swap3A_229 = vector.shape_cast %broadcast_in_dim3A_225 : vector<16xf32> to vector<16xf32>
    tpu.vector_store %arg12[%swap3A_226], %swap3A_229 {strides = array<i32>} : memref<640xf32, #tpu.memory_space<vmem>>, vector<16xf32>,
    %broadcast_in_dim3A_230 = arith.constant 0.000000e+00 : f32
    %broadcast_in_dim3A_231 = vector.broadcast %broadcast_in_dim3A_230 : f32 to vector<16xf32>
    %swap3A_232 = arith.constant 528 : index
    %swap3A_233 = tpu.vector_load %arg12[%swap3A_232] {strides = array<i32>} : memref<640xf32, #tpu.memory_space<vmem>>, vector<16xf32>,
    %swap3A_234 = vector.shape_cast %swap3A_233 : vector<16xf32> to vector<16xf32>
    %swap3A_235 = vector.shape_cast %broadcast_in_dim3A_231 : vector<16xf32> to vector<16xf32>
    tpu.vector_store %arg12[%swap3A_232], %swap3A_235 {strides = array<i32>} : memref<640xf32, #tpu.memory_space<vmem>>, vector<16xf32>,
    %broadcast_in_dim3A_236 = arith.constant 0.000000e+00 : f32
    %broadcast_in_dim3A_237 = vector.broadcast %broadcast_in_dim3A_236 : f32 to vector<16xf32>
    %swap3A_238 = arith.constant 544 : index
    %swap3A_239 = tpu.vector_load %arg12[%swap3A_238] {strides = array<i32>} : memref<640xf32, #tpu.memory_space<vmem>>, vector<16xf32>,
    %swap3A_240 = vector.shape_cast %swap3A_239 : vector<16xf32> to vector<16xf32>
    %swap3A_241 = vector.shape_cast %broadcast_in_dim3A_237 : vector<16xf32> to vector<16xf32>
    tpu.vector_store %arg12[%swap3A_238], %swap3A_241 {strides = array<i32>} : memref<640xf32, #tpu.memory_space<vmem>>, vector<16xf32>,
    %broadcast_in_dim3A_242 = arith.constant 0.000000e+00 : f32
    %broadcast_in_dim3A_243 = vector.broadcast %broadcast_in_dim3A_242 : f32 to vector<16xf32>
    %swap3A_244 = arith.constant 560 : index
    %swap3A_245 = tpu.vector_load %arg12[%swap3A_244] {strides = array<i32>} : memref<640xf32, #tpu.memory_space<vmem>>, vector<16xf32>,
    %swap3A_246 = vector.shape_cast %swap3A_245 : vector<16xf32> to vector<16xf32>
    %swap3A_247 = vector.shape_cast %broadcast_in_dim3A_243 : vector<16xf32> to vector<16xf32>
    tpu.vector_store %arg12[%swap3A_244], %swap3A_247 {strides = array<i32>} : memref<640xf32, #tpu.memory_space<vmem>>, vector<16xf32>,
    %broadcast_in_dim3A_248 = arith.constant 0.000000e+00 : f32
    %broadcast_in_dim3A_249 = vector.broadcast %broadcast_in_dim3A_248 : f32 to vector<16xf32>
    %swap3A_250 = arith.constant 576 : index
    %swap3A_251 = tpu.vector_load %arg12[%swap3A_250] {strides = array<i32>} : memref<640xf32, #tpu.memory_space<vmem>>, vector<16xf32>,
    %swap3A_252 = vector.shape_cast %swap3A_251 : vector<16xf32> to vector<16xf32>
    %swap3A_253 = vector.shape_cast %broadcast_in_dim3A_249 : vector<16xf32> to vector<16xf32>
    tpu.vector_store %arg12[%swap3A_250], %swap3A_253 {strides = array<i32>} : memref<640xf32, #tpu.memory_space<vmem>>, vector<16xf32>,
    %broadcast_in_dim3A_254 = arith.constant 0.000000e+00 : f32
    %broadcast_in_dim3A_255 = vector.broadcast %broadcast_in_dim3A_254 : f32 to vector<16xf32>
    %swap3A_256 = arith.constant 592 : index
    %swap3A_257 = tpu.vector_load %arg12[%swap3A_256] {strides = array<i32>} : memref<640xf32, #tpu.memory_space<vmem>>, vector<16xf32>,
    %swap3A_258 = vector.shape_cast %swap3A_257 : vector<16xf32> to vector<16xf32>
    %swap3A_259 = vector.shape_cast %broadcast_in_dim3A_255 : vector<16xf32> to vector<16xf32>
    tpu.vector_store %arg12[%swap3A_256], %swap3A_259 {strides = array<i32>} : memref<640xf32, #tpu.memory_space<vmem>>, vector<16xf32>,
    %broadcast_in_dim3A_260 = arith.constant 0.000000e+00 : f32
    %broadcast_in_dim3A_261 = vector.broadcast %broadcast_in_dim3A_260 : f32 to vector<16xf32>
    %swap3A_262 = arith.constant 608 : index
    %swap3A_263 = tpu.vector_load %arg12[%swap3A_262] {strides = array<i32>} : memref<640xf32, #tpu.memory_space<vmem>>, vector<16xf32>,
    %swap3A_264 = vector.shape_cast %swap3A_263 : vector<16xf32> to vector<16xf32>
    %swap3A_265 = vector.shape_cast %broadcast_in_dim3A_261 : vector<16xf32> to vector<16xf32>
    tpu.vector_store %arg12[%swap3A_262], %swap3A_265 {strides = array<i32>} : memref<640xf32, #tpu.memory_space<vmem>>, vector<16xf32>,
    %broadcast_in_dim3A_266 = arith.constant 0.000000e+00 : f32
    %broadcast_in_dim3A_267 = vector.broadcast %broadcast_in_dim3A_266 : f32 to vector<16xf32>
    %swap3A_268 = arith.constant 624 : index
    %swap3A_269 = tpu.vector_load %arg12[%swap3A_268] {strides = array<i32>} : memref<640xf32, #tpu.memory_space<vmem>>, vector<16xf32>,
    %swap3A_270 = vector.shape_cast %swap3A_269 : vector<16xf32> to vector<16xf32>
    %swap3A_271 = vector.shape_cast %broadcast_in_dim3A_267 : vector<16xf32> to vector<16xf32>
    tpu.vector_store %arg12[%swap3A_268], %swap3A_271 {strides = array<i32>} : memref<640xf32, #tpu.memory_space<vmem>>, vector<16xf32>,
    %mul3A_272 = arith.constant 640 : i32
    %mul3A_273 = arith.muli %arg1, %mul3A_272 : i32
    "tpu.region"() ({
      %run_scoped3A = tpu.sem_alloc : memref<!tpu.dma_semaphore, #tpu.memory_space<semaphore_mem>>
      %dma_start3A = tpu.memref_slice %arg14[%mul3A_273] : memref<10240xf32, #tpu.memory_space<vmem_shared>> -> memref<640xf32, #tpu.memory_space<vmem_shared>>
      %dma_start3A_379 = tpu.memref_slice %arg14[%mul3A_273] : memref<10240xf32, #tpu.memory_space<vmem_shared>> -> memref<640xf32, #tpu.memory_space<vmem_shared>>
      tpu.enqueue_dma source(%arg12 : memref<640xf32, #tpu.memory_space<vmem>>) target(%dma_start3A_379 : memref<640xf32, #tpu.memory_space<vmem_shared>>) target_semaphore(%run_scoped3A : memref<!tpu.dma_semaphore, #tpu.memory_space<semaphore_mem>>)
      %dma_wait3A = tpu.memref_slice %arg14[%mul3A_273] : memref<10240xf32, #tpu.memory_space<vmem_shared>> -> memref<640xf32, #tpu.memory_space<vmem_shared>>
      %dma_wait3A_380 = tpu.memref_slice %arg14[%mul3A_273] : memref<10240xf32, #tpu.memory_space<vmem_shared>> -> memref<640xf32, #tpu.memory_space<vmem_shared>>
      tpu.wait_dma2 semaphore(%run_scoped3A : memref<!tpu.dma_semaphore, #tpu.memory_space<semaphore_mem>>) src(%arg12 : memref<640xf32, #tpu.memory_space<vmem>>) dst(%dma_wait3A_380 : memref<640xf32, #tpu.memory_space<vmem_shared>>)
      tpu.yield
    }) : () -> ()
    %broadcast_in_dim3A_274 = arith.constant 1.000000e+00 : f32
    %broadcast_in_dim3A_275 = vector.broadcast %broadcast_in_dim3A_274 : f32 to vector<16xf32>
    %swap3A_276 = arith.constant 0 : index
    %swap3A_277 = tpu.vector_load %arg11[%swap3A_276] {strides = array<i32>} : memref<128xf32, #tpu.memory_space<vmem>>, vector<16xf32>,
    %swap3A_278 = vector.shape_cast %swap3A_277 : vector<16xf32> to vector<16xf32>
    %swap3A_279 = vector.shape_cast %broadcast_in_dim3A_275 : vector<16xf32> to vector<16xf32>
    tpu.vector_store %arg11[%swap3A_276], %swap3A_279 {strides = array<i32>} : memref<128xf32, #tpu.memory_space<vmem>>, vector<16xf32>,
    %broadcast_in_dim3A_280 = arith.constant 1.000000e+00 : f32
    %broadcast_in_dim3A_281 = vector.broadcast %broadcast_in_dim3A_280 : f32 to vector<16xf32>
    %swap3A_282 = arith.constant 16 : index
    %swap3A_283 = tpu.vector_load %arg11[%swap3A_282] {strides = array<i32>} : memref<128xf32, #tpu.memory_space<vmem>>, vector<16xf32>,
    %swap3A_284 = vector.shape_cast %swap3A_283 : vector<16xf32> to vector<16xf32>
    %swap3A_285 = vector.shape_cast %broadcast_in_dim3A_281 : vector<16xf32> to vector<16xf32>
    tpu.vector_store %arg11[%swap3A_282], %swap3A_285 {strides = array<i32>} : memref<128xf32, #tpu.memory_space<vmem>>, vector<16xf32>,
    %broadcast_in_dim3A_286 = arith.constant 1.000000e+00 : f32
    %broadcast_in_dim3A_287 = vector.broadcast %broadcast_in_dim3A_286 : f32 to vector<16xf32>
    %swap3A_288 = arith.constant 32 : index
    %swap3A_289 = tpu.vector_load %arg11[%swap3A_288] {strides = array<i32>} : memref<128xf32, #tpu.memory_space<vmem>>, vector<16xf32>,
    %swap3A_290 = vector.shape_cast %swap3A_289 : vector<16xf32> to vector<16xf32>
    %swap3A_291 = vector.shape_cast %broadcast_in_dim3A_287 : vector<16xf32> to vector<16xf32>
    tpu.vector_store %arg11[%swap3A_288], %swap3A_291 {strides = array<i32>} : memref<128xf32, #tpu.memory_space<vmem>>, vector<16xf32>,
    %broadcast_in_dim3A_292 = arith.constant 1.000000e+00 : f32
    %broadcast_in_dim3A_293 = vector.broadcast %broadcast_in_dim3A_292 : f32 to vector<16xf32>
    %swap3A_294 = arith.constant 48 : index
    %swap3A_295 = tpu.vector_load %arg11[%swap3A_294] {strides = array<i32>} : memref<128xf32, #tpu.memory_space<vmem>>, vector<16xf32>,
    %swap3A_296 = vector.shape_cast %swap3A_295 : vector<16xf32> to vector<16xf32>
    %swap3A_297 = vector.shape_cast %broadcast_in_dim3A_293 : vector<16xf32> to vector<16xf32>
    tpu.vector_store %arg11[%swap3A_294], %swap3A_297 {strides = array<i32>} : memref<128xf32, #tpu.memory_space<vmem>>, vector<16xf32>,
    %broadcast_in_dim3A_298 = arith.constant 1.000000e+00 : f32
    %broadcast_in_dim3A_299 = vector.broadcast %broadcast_in_dim3A_298 : f32 to vector<16xf32>
    %swap3A_300 = arith.constant 64 : index
    %swap3A_301 = tpu.vector_load %arg11[%swap3A_300] {strides = array<i32>} : memref<128xf32, #tpu.memory_space<vmem>>, vector<16xf32>,
    %swap3A_302 = vector.shape_cast %swap3A_301 : vector<16xf32> to vector<16xf32>
    %swap3A_303 = vector.shape_cast %broadcast_in_dim3A_299 : vector<16xf32> to vector<16xf32>
    tpu.vector_store %arg11[%swap3A_300], %swap3A_303 {strides = array<i32>} : memref<128xf32, #tpu.memory_space<vmem>>, vector<16xf32>,
    %broadcast_in_dim3A_304 = arith.constant 1.000000e+00 : f32
    %broadcast_in_dim3A_305 = vector.broadcast %broadcast_in_dim3A_304 : f32 to vector<16xf32>
    %swap3A_306 = arith.constant 80 : index
    %swap3A_307 = tpu.vector_load %arg11[%swap3A_306] {strides = array<i32>} : memref<128xf32, #tpu.memory_space<vmem>>, vector<16xf32>,
    %swap3A_308 = vector.shape_cast %swap3A_307 : vector<16xf32> to vector<16xf32>
    %swap3A_309 = vector.shape_cast %broadcast_in_dim3A_305 : vector<16xf32> to vector<16xf32>
    tpu.vector_store %arg11[%swap3A_306], %swap3A_309 {strides = array<i32>} : memref<128xf32, #tpu.memory_space<vmem>>, vector<16xf32>,
    %broadcast_in_dim3A_310 = arith.constant 1.000000e+00 : f32
    %broadcast_in_dim3A_311 = vector.broadcast %broadcast_in_dim3A_310 : f32 to vector<16xf32>
    %swap3A_312 = arith.constant 96 : index
    %swap3A_313 = tpu.vector_load %arg11[%swap3A_312] {strides = array<i32>} : memref<128xf32, #tpu.memory_space<vmem>>, vector<16xf32>,
    %swap3A_314 = vector.shape_cast %swap3A_313 : vector<16xf32> to vector<16xf32>
    %swap3A_315 = vector.shape_cast %broadcast_in_dim3A_311 : vector<16xf32> to vector<16xf32>
    tpu.vector_store %arg11[%swap3A_312], %swap3A_315 {strides = array<i32>} : memref<128xf32, #tpu.memory_space<vmem>>, vector<16xf32>,
    %broadcast_in_dim3A_316 = arith.constant 1.000000e+00 : f32
    %broadcast_in_dim3A_317 = vector.broadcast %broadcast_in_dim3A_316 : f32 to vector<16xf32>
    %swap3A_318 = arith.constant 112 : index
    %swap3A_319 = tpu.vector_load %arg11[%swap3A_318] {strides = array<i32>} : memref<128xf32, #tpu.memory_space<vmem>>, vector<16xf32>,
    %swap3A_320 = vector.shape_cast %swap3A_319 : vector<16xf32> to vector<16xf32>
    %swap3A_321 = vector.shape_cast %broadcast_in_dim3A_317 : vector<16xf32> to vector<16xf32>
    tpu.vector_store %arg11[%swap3A_318], %swap3A_321 {strides = array<i32>} : memref<128xf32, #tpu.memory_space<vmem>>, vector<16xf32>,
    %barrier3A = arith.constant 0 : index
    tpu.barrier barrier_id(%barrier3A)
    %gt3A = arith.constant 0 : i32
    %gt3A_322 = arith.cmpi sgt, %select_n3A_8, %gt3A : i32
    %convert_element_type3A = arith.extui %gt3A_322 : i1 to i32
    %cond3A = arith.constant 0 : i32
    %cond3A_323 = arith.cmpi ne, %convert_element_type3A, %cond3A : i32
    scf.if %cond3A_323 {
      %add3A_379 = arith.constant 0 : i32
      %add3A_380 = arith.addi %select_n3A, %add3A_379 : i32
      "tpu.region"() ({
        %run_scoped3A = tpu.sem_alloc : memref<!tpu.dma_semaphore, #tpu.memory_space<semaphore_mem>>
        %dma_start3A_408 = arith.constant 0 : i32
        %dma_start3A_409 = tpu.memref_slice %arg3[%add3A_380, %dma_start3A_408] : memref<2560x128xi32, #tpu.memory_space<hbm>> -> memref<16x128xi32, #tpu.memory_space<hbm>>
        %dma_start3A_410 = arith.constant 0 : i32
        %dma_start3A_411 = tpu.memref_slice %arg3[%add3A_380, %dma_start3A_410] : memref<2560x128xi32, #tpu.memory_space<hbm>> -> memref<16x128xi32, #tpu.memory_space<hbm>>
        tpu.enqueue_dma source(%dma_start3A_411 : memref<16x128xi32, #tpu.memory_space<hbm>>) target(%arg7 : memref<16x128xi32, #tpu.memory_space<vmem>>) target_semaphore(%run_scoped3A : memref<!tpu.dma_semaphore, #tpu.memory_space<semaphore_mem>>)
        %dma_wait3A = arith.constant 0 : i32
        %dma_wait3A_412 = tpu.memref_slice %arg3[%add3A_380, %dma_wait3A] : memref<2560x128xi32, #tpu.memory_space<hbm>> -> memref<16x128xi32, #tpu.memory_space<hbm>>
        %dma_wait3A_413 = arith.constant 0 : i32
        %dma_wait3A_414 = tpu.memref_slice %arg3[%add3A_380, %dma_wait3A_413] : memref<2560x128xi32, #tpu.memory_space<hbm>> -> memref<16x128xi32, #tpu.memory_space<hbm>>
        tpu.wait_dma2 semaphore(%run_scoped3A : memref<!tpu.dma_semaphore, #tpu.memory_space<semaphore_mem>>) src(%dma_wait3A_414 : memref<16x128xi32, #tpu.memory_space<hbm>>) dst(%arg7 : memref<16x128xi32, #tpu.memory_space<vmem>>)
        tpu.yield
      }) : () -> ()
      %add3A_381 = arith.constant 0 : i32
      %add3A_382 = arith.addi %select_n3A, %add3A_381 : i32
      "tpu.region"() ({
        %run_scoped3A = tpu.sem_alloc : memref<!tpu.dma_semaphore, #tpu.memory_space<semaphore_mem>>
        %dma_start3A_408 = arith.constant 0 : i32
        %dma_start3A_409 = tpu.memref_slice %arg4[%add3A_382, %dma_start3A_408] : memref<2560x128xi32, #tpu.memory_space<hbm>> -> memref<16x128xi32, #tpu.memory_space<hbm>>
        %dma_start3A_410 = arith.constant 0 : i32
        %dma_start3A_411 = tpu.memref_slice %arg4[%add3A_382, %dma_start3A_410] : memref<2560x128xi32, #tpu.memory_space<hbm>> -> memref<16x128xi32, #tpu.memory_space<hbm>>
        tpu.enqueue_dma source(%dma_start3A_411 : memref<16x128xi32, #tpu.memory_space<hbm>>) target(%arg8 : memref<16x128xi32, #tpu.memory_space<vmem>>) target_semaphore(%run_scoped3A : memref<!tpu.dma_semaphore, #tpu.memory_space<semaphore_mem>>)
        %dma_wait3A = arith.constant 0 : i32
        %dma_wait3A_412 = tpu.memref_slice %arg4[%add3A_382, %dma_wait3A] : memref<2560x128xi32, #tpu.memory_space<hbm>> -> memref<16x128xi32, #tpu.memory_space<hbm>>
        %dma_wait3A_413 = arith.constant 0 : i32
        %dma_wait3A_414 = tpu.memref_slice %arg4[%add3A_382, %dma_wait3A_413] : memref<2560x128xi32, #tpu.memory_space<hbm>> -> memref<16x128xi32, #tpu.memory_space<hbm>>
        tpu.wait_dma2 semaphore(%run_scoped3A : memref<!tpu.dma_semaphore, #tpu.memory_space<semaphore_mem>>) src(%dma_wait3A_414 : memref<16x128xi32, #tpu.memory_space<hbm>>) dst(%arg8 : memref<16x128xi32, #tpu.memory_space<vmem>>)
        tpu.yield
      }) : () -> ()
      %dma_start3A = arith.constant 0 : i32
      %dma_start3A_383 = arith.constant 0 : i32
      %dma_start3A_384 = tpu.memref_slice %arg7[%dma_start3A, %dma_start3A_383] : memref<16x128xi32, #tpu.memory_space<vmem>> -> memref<1x128xi32, #tpu.memory_space<vmem>>
      %dma_start3A_385 = tpu.memref_squeeze %dma_start3A_384 : memref<1x128xi32, #tpu.memory_space<vmem>> -> memref<128xi32, #tpu.memory_space<vmem>>
      %dma_start3A_386 = arith.constant 0 : i32
      %dma_start3A_387 = arith.constant 0 : i32
      %dma_start3A_388 = tpu.memref_slice %arg2[%dma_start3A_386, %dma_start3A_387] : memref<10240x128xf32, #tpu.memory_space<hbm>> -> memref<10240x128xf32, #tpu.memory_space<hbm>>
      tpu.enqueue_indirect_dma source(%dma_start3A_388 : memref<10240x128xf32, #tpu.memory_space<hbm>>) target(%arg9 : memref<128x128xf32, #tpu.memory_space<vmem>>) offsets(%dma_start3A_385 : memref<128xi32, #tpu.memory_space<vmem>>) semaphore(%arg15 : memref<!tpu.dma_semaphore, #tpu.memory_space<semaphore_mem>>)
      %dma_start3A_389 = arith.constant 1 : i32
      %dma_start3A_390 = arith.constant 0 : i32
      %dma_start3A_391 = tpu.memref_slice %arg7[%dma_start3A_389, %dma_start3A_390] : memref<16x128xi32, #tpu.memory_space<vmem>> -> memref<1x128xi32, #tpu.memory_space<vmem>>
      %dma_start3A_392 = tpu.memref_squeeze %dma_start3A_391 : memref<1x128xi32, #tpu.memory_space<vmem>> -> memref<128xi32, #tpu.memory_space<vmem>>
      %dma_start3A_393 = arith.constant 0 : i32
      %dma_start3A_394 = arith.constant 0 : i32
      %dma_start3A_395 = tpu.memref_slice %arg2[%dma_start3A_393, %dma_start3A_394] : memref<10240x128xf32, #tpu.memory_space<hbm>> -> memref<10240x128xf32, #tpu.memory_space<hbm>>
      tpu.enqueue_indirect_dma source(%dma_start3A_395 : memref<10240x128xf32, #tpu.memory_space<hbm>>) target(%arg10 : memref<128x128xf32, #tpu.memory_space<vmem>>) offsets(%dma_start3A_392 : memref<128xi32, #tpu.memory_space<vmem>>) semaphore(%arg16 : memref<!tpu.dma_semaphore, #tpu.memory_space<semaphore_mem>>)
      %scan3A_396 = arith.constant 0 : i32
      %scan3A_397 = arith.constant 0 : i32
      %scan3A_398 = arith.constant 8 : i32
      %scan3A_399 = arith.addi %scan3A_397, %scan3A_398 : i32
      %scan3A_400 = arith.constant 1 : i32
      scf.for %scan3A_408 = %scan3A_397 to %scan3A_399 step %scan3A_400  : i32 {
        %mul3A_409 = arith.constant 2 : i32
        %mul3A_410 = arith.muli %scan3A_408, %mul3A_409 : i32
        %add3A_411 = arith.constant 0 : i32
        %add3A_412 = arith.addi %mul3A_410, %add3A_411 : i32
        %dma_wait3A = arith.constant 0 : i32
        %dma_wait3A_413 = tpu.memref_slice %arg7[%add3A_412, %dma_wait3A] : memref<16x128xi32, #tpu.memory_space<vmem>> -> memref<1x128xi32, #tpu.memory_space<vmem>>
        %dma_wait3A_414 = tpu.memref_squeeze %dma_wait3A_413 : memref<1x128xi32, #tpu.memory_space<vmem>> -> memref<128xi32, #tpu.memory_space<vmem>>
        %dma_wait3A_415 = arith.constant 0 : i32
        %dma_wait3A_416 = arith.constant 0 : i32
        %dma_wait3A_417 = tpu.memref_slice %arg2[%dma_wait3A_415, %dma_wait3A_416] : memref<10240x128xf32, #tpu.memory_space<hbm>> -> memref<10240x128xf32, #tpu.memory_space<hbm>>
        tpu.wait_indirect_dma semaphore(%arg15 : memref<!tpu.dma_semaphore, #tpu.memory_space<semaphore_mem>>) src(%dma_wait3A_417 : memref<10240x128xf32, #tpu.memory_space<hbm>>) dst(%arg9 : memref<128x128xf32, #tpu.memory_space<vmem>>)
        %dma_start3A_418 = arith.constant 0 : i32
        %dma_start3A_419 = tpu.memref_slice %arg8[%add3A_412, %dma_start3A_418] : memref<16x128xi32, #tpu.memory_space<vmem>> -> memref<1x128xi32, #tpu.memory_space<vmem>>
        %dma_start3A_420 = tpu.memref_squeeze %dma_start3A_419 : memref<1x128xi32, #tpu.memory_space<vmem>> -> memref<128xi32, #tpu.memory_space<vmem>>
        %dma_start3A_421 = arith.constant 0 : i32
        %dma_start3A_422 = tpu.memref_slice %arg14[%dma_start3A_421] : memref<10240xf32, #tpu.memory_space<vmem_shared>> -> memref<10240xf32, #tpu.memory_space<vmem_shared>>
        tpu.enqueue_indirect_dma source(%arg11 : memref<128xf32, #tpu.memory_space<vmem>>) target(%dma_start3A_422 : memref<10240xf32, #tpu.memory_space<vmem_shared>>) offsets(%dma_start3A_420 : memref<128xi32, #tpu.memory_space<vmem>>) semaphore(%arg17 : memref<!tpu.dma_semaphore, #tpu.memory_space<semaphore_mem>>) {add = true}
        "tpu.region"() ({
          %run_scoped3A = tpu.sem_alloc : memref<!tpu.dma_semaphore, #tpu.memory_space<semaphore_mem>>
          %dma_start3A_451 = arith.constant 0 : i32
          %dma_start3A_452 = tpu.memref_slice %arg8[%add3A_412, %dma_start3A_451] : memref<16x128xi32, #tpu.memory_space<vmem>> -> memref<1x128xi32, #tpu.memory_space<vmem>>
          %dma_start3A_453 = tpu.memref_squeeze %dma_start3A_452 : memref<1x128xi32, #tpu.memory_space<vmem>> -> memref<128xi32, #tpu.memory_space<vmem>>
          %dma_start3A_454 = arith.constant 0 : i32
          %dma_start3A_455 = arith.constant 0 : i32
          %dma_start3A_456 = tpu.memref_slice %arg13[%dma_start3A_454, %dma_start3A_455] : memref<10240x128xf32, #tpu.memory_space<vmem_shared>> -> memref<10240x128xf32, #tpu.memory_space<vmem_shared>>
          tpu.enqueue_indirect_dma source(%arg9 : memref<128x128xf32, #tpu.memory_space<vmem>>) target(%dma_start3A_456 : memref<10240x128xf32, #tpu.memory_space<vmem_shared>>) offsets(%dma_start3A_453 : memref<128xi32, #tpu.memory_space<vmem>>) semaphore(%run_scoped3A : memref<!tpu.dma_semaphore, #tpu.memory_space<semaphore_mem>>) {add = true}
          %dma_wait3A_457 = arith.constant 0 : i32
          %dma_wait3A_458 = tpu.memref_slice %arg8[%add3A_412, %dma_wait3A_457] : memref<16x128xi32, #tpu.memory_space<vmem>> -> memref<1x128xi32, #tpu.memory_space<vmem>>
          %dma_wait3A_459 = tpu.memref_squeeze %dma_wait3A_458 : memref<1x128xi32, #tpu.memory_space<vmem>> -> memref<128xi32, #tpu.memory_space<vmem>>
          %dma_wait3A_460 = arith.constant 0 : i32
          %dma_wait3A_461 = arith.constant 0 : i32
          %dma_wait3A_462 = tpu.memref_slice %arg13[%dma_wait3A_460, %dma_wait3A_461] : memref<10240x128xf32, #tpu.memory_space<vmem_shared>> -> memref<10240x128xf32, #tpu.memory_space<vmem_shared>>
          tpu.wait_indirect_dma semaphore(%run_scoped3A : memref<!tpu.dma_semaphore, #tpu.memory_space<semaphore_mem>>) src(%arg9 : memref<128x128xf32, #tpu.memory_space<vmem>>) dst(%dma_wait3A_462 : memref<10240x128xf32, #tpu.memory_space<vmem_shared>>)
          tpu.yield
        }) : () -> ()
        %add3A_423 = arith.constant 2 : i32
        %add3A_424 = arith.addi %add3A_412, %add3A_423 : i32
        %lt3A = arith.constant 16 : i32
        %lt3A_425 = arith.cmpi slt, %add3A_424, %lt3A : i32
        %convert_element_type3A_426 = arith.extui %lt3A_425 : i1 to i32
        %cond3A_427 = arith.constant 0 : i32
        %cond3A_428 = arith.cmpi ne, %convert_element_type3A_426, %cond3A_427 : i32
        scf.if %cond3A_428 {
          %add3A_451 = arith.constant 2 : i32
          %add3A_452 = arith.addi %add3A_412, %add3A_451 : i32
          %dma_start3A_453 = arith.constant 0 : i32
          %dma_start3A_454 = tpu.memref_slice %arg7[%add3A_452, %dma_start3A_453] : memref<16x128xi32, #tpu.memory_space<vmem>> -> memref<1x128xi32, #tpu.memory_space<vmem>>
          %dma_start3A_455 = tpu.memref_squeeze %dma_start3A_454 : memref<1x128xi32, #tpu.memory_space<vmem>> -> memref<128xi32, #tpu.memory_space<vmem>>
          %dma_start3A_456 = arith.constant 0 : i32
          %dma_start3A_457 = arith.constant 0 : i32
          %dma_start3A_458 = tpu.memref_slice %arg2[%dma_start3A_456, %dma_start3A_457] : memref<10240x128xf32, #tpu.memory_space<hbm>> -> memref<10240x128xf32, #tpu.memory_space<hbm>>
          tpu.enqueue_indirect_dma source(%dma_start3A_458 : memref<10240x128xf32, #tpu.memory_space<hbm>>) target(%arg9 : memref<128x128xf32, #tpu.memory_space<vmem>>) offsets(%dma_start3A_455 : memref<128xi32, #tpu.memory_space<vmem>>) semaphore(%arg15 : memref<!tpu.dma_semaphore, #tpu.memory_space<semaphore_mem>>)
        } else {
        }
        %mul3A_429 = arith.constant 2 : i32
        %mul3A_430 = arith.muli %scan3A_408, %mul3A_429 : i32
        %add3A_431 = arith.constant 1 : i32
        %add3A_432 = arith.addi %mul3A_430, %add3A_431 : i32
        %dma_wait3A_433 = arith.constant 0 : i32
        %dma_wait3A_434 = tpu.memref_slice %arg7[%add3A_432, %dma_wait3A_433] : memref<16x128xi32, #tpu.memory_space<vmem>> -> memref<1x128xi32, #tpu.memory_space<vmem>>
        %dma_wait3A_435 = tpu.memref_squeeze %dma_wait3A_434 : memref<1x128xi32, #tpu.memory_space<vmem>> -> memref<128xi32, #tpu.memory_space<vmem>>
        %dma_wait3A_436 = arith.constant 0 : i32
        %dma_wait3A_437 = arith.constant 0 : i32
        %dma_wait3A_438 = tpu.memref_slice %arg2[%dma_wait3A_436, %dma_wait3A_437] : memref<10240x128xf32, #tpu.memory_space<hbm>> -> memref<10240x128xf32, #tpu.memory_space<hbm>>
        tpu.wait_indirect_dma semaphore(%arg16 : memref<!tpu.dma_semaphore, #tpu.memory_space<semaphore_mem>>) src(%dma_wait3A_438 : memref<10240x128xf32, #tpu.memory_space<hbm>>) dst(%arg10 : memref<128x128xf32, #tpu.memory_space<vmem>>)
        %dma_start3A_439 = arith.constant 0 : i32
        %dma_start3A_440 = tpu.memref_slice %arg8[%add3A_432, %dma_start3A_439] : memref<16x128xi32, #tpu.memory_space<vmem>> -> memref<1x128xi32, #tpu.memory_space<vmem>>
        %dma_start3A_441 = tpu.memref_squeeze %dma_start3A_440 : memref<1x128xi32, #tpu.memory_space<vmem>> -> memref<128xi32, #tpu.memory_space<vmem>>
        %dma_start3A_442 = arith.constant 0 : i32
        %dma_start3A_443 = tpu.memref_slice %arg14[%dma_start3A_442] : memref<10240xf32, #tpu.memory_space<vmem_shared>> -> memref<10240xf32, #tpu.memory_space<vmem_shared>>
        tpu.enqueue_indirect_dma source(%arg11 : memref<128xf32, #tpu.memory_space<vmem>>) target(%dma_start3A_443 : memref<10240xf32, #tpu.memory_space<vmem_shared>>) offsets(%dma_start3A_441 : memref<128xi32, #tpu.memory_space<vmem>>) semaphore(%arg17 : memref<!tpu.dma_semaphore, #tpu.memory_space<semaphore_mem>>) {add = true}
        "tpu.region"() ({
          %run_scoped3A = tpu.sem_alloc : memref<!tpu.dma_semaphore, #tpu.memory_space<semaphore_mem>>
          %dma_start3A_451 = arith.constant 0 : i32
          %dma_start3A_452 = tpu.memref_slice %arg8[%add3A_432, %dma_start3A_451] : memref<16x128xi32, #tpu.memory_space<vmem>> -> memref<1x128xi32, #tpu.memory_space<vmem>>
          %dma_start3A_453 = tpu.memref_squeeze %dma_start3A_452 : memref<1x128xi32, #tpu.memory_space<vmem>> -> memref<128xi32, #tpu.memory_space<vmem>>
          %dma_start3A_454 = arith.constant 0 : i32
          %dma_start3A_455 = arith.constant 0 : i32
          %dma_start3A_456 = tpu.memref_slice %arg13[%dma_start3A_454, %dma_start3A_455] : memref<10240x128xf32, #tpu.memory_space<vmem_shared>> -> memref<10240x128xf32, #tpu.memory_space<vmem_shared>>
          tpu.enqueue_indirect_dma source(%arg10 : memref<128x128xf32, #tpu.memory_space<vmem>>) target(%dma_start3A_456 : memref<10240x128xf32, #tpu.memory_space<vmem_shared>>) offsets(%dma_start3A_453 : memref<128xi32, #tpu.memory_space<vmem>>) semaphore(%run_scoped3A : memref<!tpu.dma_semaphore, #tpu.memory_space<semaphore_mem>>) {add = true}
          %dma_wait3A_457 = arith.constant 0 : i32
          %dma_wait3A_458 = tpu.memref_slice %arg8[%add3A_432, %dma_wait3A_457] : memref<16x128xi32, #tpu.memory_space<vmem>> -> memref<1x128xi32, #tpu.memory_space<vmem>>
          %dma_wait3A_459 = tpu.memref_squeeze %dma_wait3A_458 : memref<1x128xi32, #tpu.memory_space<vmem>> -> memref<128xi32, #tpu.memory_space<vmem>>
          %dma_wait3A_460 = arith.constant 0 : i32
          %dma_wait3A_461 = arith.constant 0 : i32
          %dma_wait3A_462 = tpu.memref_slice %arg13[%dma_wait3A_460, %dma_wait3A_461] : memref<10240x128xf32, #tpu.memory_space<vmem_shared>> -> memref<10240x128xf32, #tpu.memory_space<vmem_shared>>
          tpu.wait_indirect_dma semaphore(%run_scoped3A : memref<!tpu.dma_semaphore, #tpu.memory_space<semaphore_mem>>) src(%arg10 : memref<128x128xf32, #tpu.memory_space<vmem>>) dst(%dma_wait3A_462 : memref<10240x128xf32, #tpu.memory_space<vmem_shared>>)
          tpu.yield
        }) : () -> ()
        %add3A_444 = arith.constant 2 : i32
        %add3A_445 = arith.addi %add3A_432, %add3A_444 : i32
        %lt3A_446 = arith.constant 16 : i32
        %lt3A_447 = arith.cmpi slt, %add3A_445, %lt3A_446 : i32
        %convert_element_type3A_448 = arith.extui %lt3A_447 : i1 to i32
        %cond3A_449 = arith.constant 0 : i32
        %cond3A_450 = arith.cmpi ne, %convert_element_type3A_448, %cond3A_449 : i32
        scf.if %cond3A_450 {
          %add3A_451 = arith.constant 2 : i32
          %add3A_452 = arith.addi %add3A_432, %add3A_451 : i32
          %dma_start3A_453 = arith.constant 0 : i32
          %dma_start3A_454 = tpu.memref_slice %arg7[%add3A_452, %dma_start3A_453] : memref<16x128xi32, #tpu.memory_space<vmem>> -> memref<1x128xi32, #tpu.memory_space<vmem>>
          %dma_start3A_455 = tpu.memref_squeeze %dma_start3A_454 : memref<1x128xi32, #tpu.memory_space<vmem>> -> memref<128xi32, #tpu.memory_space<vmem>>
          %dma_start3A_456 = arith.constant 0 : i32
          %dma_start3A_457 = arith.constant 0 : i32
          %dma_start3A_458 = tpu.memref_slice %arg2[%dma_start3A_456, %dma_start3A_457] : memref<10240x128xf32, #tpu.memory_space<hbm>> -> memref<10240x128xf32, #tpu.memory_space<hbm>>
          tpu.enqueue_indirect_dma source(%dma_start3A_458 : memref<10240x128xf32, #tpu.memory_space<hbm>>) target(%arg10 : memref<128x128xf32, #tpu.memory_space<vmem>>) offsets(%dma_start3A_455 : memref<128xi32, #tpu.memory_space<vmem>>) semaphore(%arg16 : memref<!tpu.dma_semaphore, #tpu.memory_space<semaphore_mem>>)
        } else {
        }
      }
      %scan3A_401 = arith.constant 8 : i32
      %scan3A_402 = arith.constant 0 : i32
      %scan3A_403 = arith.constant 0 : i32
      %scan3A_404 = arith.constant 16 : i32
      %scan3A_405 = arith.addi %scan3A_403, %scan3A_404 : i32
      %scan3A_406 = arith.constant 1 : i32
      scf.for %scan3A_408 = %scan3A_403 to %scan3A_405 step %scan3A_406  : i32 {
        %dma_wait3A = arith.constant 0 : i32
        %dma_wait3A_409 = tpu.memref_slice %arg8[%scan3A_408, %dma_wait3A] : memref<16x128xi32, #tpu.memory_space<vmem>> -> memref<1x128xi32, #tpu.memory_space<vmem>>
        %dma_wait3A_410 = tpu.memref_squeeze %dma_wait3A_409 : memref<1x128xi32, #tpu.memory_space<vmem>> -> memref<128xi32, #tpu.memory_space<vmem>>
        %dma_wait3A_411 = arith.constant 0 : i32
        %dma_wait3A_412 = tpu.memref_slice %arg14[%dma_wait3A_411] : memref<10240xf32, #tpu.memory_space<vmem_shared>> -> memref<10240xf32, #tpu.memory_space<vmem_shared>>
        tpu.wait_indirect_dma semaphore(%arg17 : memref<!tpu.dma_semaphore, #tpu.memory_space<semaphore_mem>>) src(%arg11 : memref<128xf32, #tpu.memory_space<vmem>>) dst(%dma_wait3A_412 : memref<10240xf32, #tpu.memory_space<vmem_shared>>)
      }
      %scan3A_407 = arith.constant 16 : i32
    } else {
    }
    %gt3A_324 = arith.constant 1 : i32
    %gt3A_325 = arith.cmpi sgt, %select_n3A_8, %gt3A_324 : i32
    %convert_element_type3A_326 = arith.extui %gt3A_325 : i1 to i32
    %cond3A_327 = arith.constant 0 : i32
    %cond3A_328 = arith.cmpi ne, %convert_element_type3A_326, %cond3A_327 : i32
    scf.if %cond3A_328 {
      %add3A_379 = arith.constant 16 : i32
      %add3A_380 = arith.addi %select_n3A, %add3A_379 : i32
      "tpu.region"() ({
        %run_scoped3A = tpu.sem_alloc : memref<!tpu.dma_semaphore, #tpu.memory_space<semaphore_mem>>
        %dma_start3A_408 = arith.constant 0 : i32
        %dma_start3A_409 = tpu.memref_slice %arg3[%add3A_380, %dma_start3A_408] : memref<2560x128xi32, #tpu.memory_space<hbm>> -> memref<16x128xi32, #tpu.memory_space<hbm>>
        %dma_start3A_410 = arith.constant 0 : i32
        %dma_start3A_411 = tpu.memref_slice %arg3[%add3A_380, %dma_start3A_410] : memref<2560x128xi32, #tpu.memory_space<hbm>> -> memref<16x128xi32, #tpu.memory_space<hbm>>
        tpu.enqueue_dma source(%dma_start3A_411 : memref<16x128xi32, #tpu.memory_space<hbm>>) target(%arg7 : memref<16x128xi32, #tpu.memory_space<vmem>>) target_semaphore(%run_scoped3A : memref<!tpu.dma_semaphore, #tpu.memory_space<semaphore_mem>>)
        %dma_wait3A = arith.constant 0 : i32
        %dma_wait3A_412 = tpu.memref_slice %arg3[%add3A_380, %dma_wait3A] : memref<2560x128xi32, #tpu.memory_space<hbm>> -> memref<16x128xi32, #tpu.memory_space<hbm>>
        %dma_wait3A_413 = arith.constant 0 : i32
        %dma_wait3A_414 = tpu.memref_slice %arg3[%add3A_380, %dma_wait3A_413] : memref<2560x128xi32, #tpu.memory_space<hbm>> -> memref<16x128xi32, #tpu.memory_space<hbm>>
        tpu.wait_dma2 semaphore(%run_scoped3A : memref<!tpu.dma_semaphore, #tpu.memory_space<semaphore_mem>>) src(%dma_wait3A_414 : memref<16x128xi32, #tpu.memory_space<hbm>>) dst(%arg7 : memref<16x128xi32, #tpu.memory_space<vmem>>)
        tpu.yield
      }) : () -> ()
      %add3A_381 = arith.constant 16 : i32
      %add3A_382 = arith.addi %select_n3A, %add3A_381 : i32
      "tpu.region"() ({
        %run_scoped3A = tpu.sem_alloc : memref<!tpu.dma_semaphore, #tpu.memory_space<semaphore_mem>>
        %dma_start3A_408 = arith.constant 0 : i32
        %dma_start3A_409 = tpu.memref_slice %arg4[%add3A_382, %dma_start3A_408] : memref<2560x128xi32, #tpu.memory_space<hbm>> -> memref<16x128xi32, #tpu.memory_space<hbm>>
        %dma_start3A_410 = arith.constant 0 : i32
        %dma_start3A_411 = tpu.memref_slice %arg4[%add3A_382, %dma_start3A_410] : memref<2560x128xi32, #tpu.memory_space<hbm>> -> memref<16x128xi32, #tpu.memory_space<hbm>>
        tpu.enqueue_dma source(%dma_start3A_411 : memref<16x128xi32, #tpu.memory_space<hbm>>) target(%arg8 : memref<16x128xi32, #tpu.memory_space<vmem>>) target_semaphore(%run_scoped3A : memref<!tpu.dma_semaphore, #tpu.memory_space<semaphore_mem>>)
        %dma_wait3A = arith.constant 0 : i32
        %dma_wait3A_412 = tpu.memref_slice %arg4[%add3A_382, %dma_wait3A] : memref<2560x128xi32, #tpu.memory_space<hbm>> -> memref<16x128xi32, #tpu.memory_space<hbm>>
        %dma_wait3A_413 = arith.constant 0 : i32
        %dma_wait3A_414 = tpu.memref_slice %arg4[%add3A_382, %dma_wait3A_413] : memref<2560x128xi32, #tpu.memory_space<hbm>> -> memref<16x128xi32, #tpu.memory_space<hbm>>
        tpu.wait_dma2 semaphore(%run_scoped3A : memref<!tpu.dma_semaphore, #tpu.memory_space<semaphore_mem>>) src(%dma_wait3A_414 : memref<16x128xi32, #tpu.memory_space<hbm>>) dst(%arg8 : memref<16x128xi32, #tpu.memory_space<vmem>>)
        tpu.yield
      }) : () -> ()
      %dma_start3A = arith.constant 0 : i32
      %dma_start3A_383 = arith.constant 0 : i32
      %dma_start3A_384 = tpu.memref_slice %arg7[%dma_start3A, %dma_start3A_383] : memref<16x128xi32, #tpu.memory_space<vmem>> -> memref<1x128xi32, #tpu.memory_space<vmem>>
      %dma_start3A_385 = tpu.memref_squeeze %dma_start3A_384 : memref<1x128xi32, #tpu.memory_space<vmem>> -> memref<128xi32, #tpu.memory_space<vmem>>
      %dma_start3A_386 = arith.constant 0 : i32
      %dma_start3A_387 = arith.constant 0 : i32
      %dma_start3A_388 = tpu.memref_slice %arg2[%dma_start3A_386, %dma_start3A_387] : memref<10240x128xf32, #tpu.memory_space<hbm>> -> memref<10240x128xf32, #tpu.memory_space<hbm>>
      tpu.enqueue_indirect_dma source(%dma_start3A_388 : memref<10240x128xf32, #tpu.memory_space<hbm>>) target(%arg9 : memref<128x128xf32, #tpu.memory_space<vmem>>) offsets(%dma_start3A_385 : memref<128xi32, #tpu.memory_space<vmem>>) semaphore(%arg15 : memref<!tpu.dma_semaphore, #tpu.memory_space<semaphore_mem>>)
      %dma_start3A_389 = arith.constant 1 : i32
      %dma_start3A_390 = arith.constant 0 : i32
      %dma_start3A_391 = tpu.memref_slice %arg7[%dma_start3A_389, %dma_start3A_390] : memref<16x128xi32, #tpu.memory_space<vmem>> -> memref<1x128xi32, #tpu.memory_space<vmem>>
      %dma_start3A_392 = tpu.memref_squeeze %dma_start3A_391 : memref<1x128xi32, #tpu.memory_space<vmem>> -> memref<128xi32, #tpu.memory_space<vmem>>
      %dma_start3A_393 = arith.constant 0 : i32
      %dma_start3A_394 = arith.constant 0 : i32
      %dma_start3A_395 = tpu.memref_slice %arg2[%dma_start3A_393, %dma_start3A_394] : memref<10240x128xf32, #tpu.memory_space<hbm>> -> memref<10240x128xf32, #tpu.memory_space<hbm>>
      tpu.enqueue_indirect_dma source(%dma_start3A_395 : memref<10240x128xf32, #tpu.memory_space<hbm>>) target(%arg10 : memref<128x128xf32, #tpu.memory_space<vmem>>) offsets(%dma_start3A_392 : memref<128xi32, #tpu.memory_space<vmem>>) semaphore(%arg16 : memref<!tpu.dma_semaphore, #tpu.memory_space<semaphore_mem>>)
      %scan3A_396 = arith.constant 0 : i32
      %scan3A_397 = arith.constant 0 : i32
      %scan3A_398 = arith.constant 8 : i32
      %scan3A_399 = arith.addi %scan3A_397, %scan3A_398 : i32
      %scan3A_400 = arith.constant 1 : i32
      scf.for %scan3A_408 = %scan3A_397 to %scan3A_399 step %scan3A_400  : i32 {
        %mul3A_409 = arith.constant 2 : i32
        %mul3A_410 = arith.muli %scan3A_408, %mul3A_409 : i32
        %add3A_411 = arith.constant 0 : i32
        %add3A_412 = arith.addi %mul3A_410, %add3A_411 : i32
        %dma_wait3A = arith.constant 0 : i32
        %dma_wait3A_413 = tpu.memref_slice %arg7[%add3A_412, %dma_wait3A] : memref<16x128xi32, #tpu.memory_space<vmem>> -> memref<1x128xi32, #tpu.memory_space<vmem>>
        %dma_wait3A_414 = tpu.memref_squeeze %dma_wait3A_413 : memref<1x128xi32, #tpu.memory_space<vmem>> -> memref<128xi32, #tpu.memory_space<vmem>>
        %dma_wait3A_415 = arith.constant 0 : i32
        %dma_wait3A_416 = arith.constant 0 : i32
        %dma_wait3A_417 = tpu.memref_slice %arg2[%dma_wait3A_415, %dma_wait3A_416] : memref<10240x128xf32, #tpu.memory_space<hbm>> -> memref<10240x128xf32, #tpu.memory_space<hbm>>
        tpu.wait_indirect_dma semaphore(%arg15 : memref<!tpu.dma_semaphore, #tpu.memory_space<semaphore_mem>>) src(%dma_wait3A_417 : memref<10240x128xf32, #tpu.memory_space<hbm>>) dst(%arg9 : memref<128x128xf32, #tpu.memory_space<vmem>>)
        %dma_start3A_418 = arith.constant 0 : i32
        %dma_start3A_419 = tpu.memref_slice %arg8[%add3A_412, %dma_start3A_418] : memref<16x128xi32, #tpu.memory_space<vmem>> -> memref<1x128xi32, #tpu.memory_space<vmem>>
        %dma_start3A_420 = tpu.memref_squeeze %dma_start3A_419 : memref<1x128xi32, #tpu.memory_space<vmem>> -> memref<128xi32, #tpu.memory_space<vmem>>
        %dma_start3A_421 = arith.constant 0 : i32
        %dma_start3A_422 = tpu.memref_slice %arg14[%dma_start3A_421] : memref<10240xf32, #tpu.memory_space<vmem_shared>> -> memref<10240xf32, #tpu.memory_space<vmem_shared>>
        tpu.enqueue_indirect_dma source(%arg11 : memref<128xf32, #tpu.memory_space<vmem>>) target(%dma_start3A_422 : memref<10240xf32, #tpu.memory_space<vmem_shared>>) offsets(%dma_start3A_420 : memref<128xi32, #tpu.memory_space<vmem>>) semaphore(%arg17 : memref<!tpu.dma_semaphore, #tpu.memory_space<semaphore_mem>>) {add = true}
        "tpu.region"() ({
          %run_scoped3A = tpu.sem_alloc : memref<!tpu.dma_semaphore, #tpu.memory_space<semaphore_mem>>
          %dma_start3A_451 = arith.constant 0 : i32
          %dma_start3A_452 = tpu.memref_slice %arg8[%add3A_412, %dma_start3A_451] : memref<16x128xi32, #tpu.memory_space<vmem>> -> memref<1x128xi32, #tpu.memory_space<vmem>>
          %dma_start3A_453 = tpu.memref_squeeze %dma_start3A_452 : memref<1x128xi32, #tpu.memory_space<vmem>> -> memref<128xi32, #tpu.memory_space<vmem>>
          %dma_start3A_454 = arith.constant 0 : i32
          %dma_start3A_455 = arith.constant 0 : i32
          %dma_start3A_456 = tpu.memref_slice %arg13[%dma_start3A_454, %dma_start3A_455] : memref<10240x128xf32, #tpu.memory_space<vmem_shared>> -> memref<10240x128xf32, #tpu.memory_space<vmem_shared>>
          tpu.enqueue_indirect_dma source(%arg9 : memref<128x128xf32, #tpu.memory_space<vmem>>) target(%dma_start3A_456 : memref<10240x128xf32, #tpu.memory_space<vmem_shared>>) offsets(%dma_start3A_453 : memref<128xi32, #tpu.memory_space<vmem>>) semaphore(%run_scoped3A : memref<!tpu.dma_semaphore, #tpu.memory_space<semaphore_mem>>) {add = true}
          %dma_wait3A_457 = arith.constant 0 : i32
          %dma_wait3A_458 = tpu.memref_slice %arg8[%add3A_412, %dma_wait3A_457] : memref<16x128xi32, #tpu.memory_space<vmem>> -> memref<1x128xi32, #tpu.memory_space<vmem>>
          %dma_wait3A_459 = tpu.memref_squeeze %dma_wait3A_458 : memref<1x128xi32, #tpu.memory_space<vmem>> -> memref<128xi32, #tpu.memory_space<vmem>>
          %dma_wait3A_460 = arith.constant 0 : i32
          %dma_wait3A_461 = arith.constant 0 : i32
          %dma_wait3A_462 = tpu.memref_slice %arg13[%dma_wait3A_460, %dma_wait3A_461] : memref<10240x128xf32, #tpu.memory_space<vmem_shared>> -> memref<10240x128xf32, #tpu.memory_space<vmem_shared>>
          tpu.wait_indirect_dma semaphore(%run_scoped3A : memref<!tpu.dma_semaphore, #tpu.memory_space<semaphore_mem>>) src(%arg9 : memref<128x128xf32, #tpu.memory_space<vmem>>) dst(%dma_wait3A_462 : memref<10240x128xf32, #tpu.memory_space<vmem_shared>>)
          tpu.yield
        }) : () -> ()
        %add3A_423 = arith.constant 2 : i32
        %add3A_424 = arith.addi %add3A_412, %add3A_423 : i32
        %lt3A = arith.constant 16 : i32
        %lt3A_425 = arith.cmpi slt, %add3A_424, %lt3A : i32
        %convert_element_type3A_426 = arith.extui %lt3A_425 : i1 to i32
        %cond3A_427 = arith.constant 0 : i32
        %cond3A_428 = arith.cmpi ne, %convert_element_type3A_426, %cond3A_427 : i32
        scf.if %cond3A_428 {
          %add3A_451 = arith.constant 2 : i32
          %add3A_452 = arith.addi %add3A_412, %add3A_451 : i32
          %dma_start3A_453 = arith.constant 0 : i32
          %dma_start3A_454 = tpu.memref_slice %arg7[%add3A_452, %dma_start3A_453] : memref<16x128xi32, #tpu.memory_space<vmem>> -> memref<1x128xi32, #tpu.memory_space<vmem>>
          %dma_start3A_455 = tpu.memref_squeeze %dma_start3A_454 : memref<1x128xi32, #tpu.memory_space<vmem>> -> memref<128xi32, #tpu.memory_space<vmem>>
          %dma_start3A_456 = arith.constant 0 : i32
          %dma_start3A_457 = arith.constant 0 : i32
          %dma_start3A_458 = tpu.memref_slice %arg2[%dma_start3A_456, %dma_start3A_457] : memref<10240x128xf32, #tpu.memory_space<hbm>> -> memref<10240x128xf32, #tpu.memory_space<hbm>>
          tpu.enqueue_indirect_dma source(%dma_start3A_458 : memref<10240x128xf32, #tpu.memory_space<hbm>>) target(%arg9 : memref<128x128xf32, #tpu.memory_space<vmem>>) offsets(%dma_start3A_455 : memref<128xi32, #tpu.memory_space<vmem>>) semaphore(%arg15 : memref<!tpu.dma_semaphore, #tpu.memory_space<semaphore_mem>>)
        } else {
        }
        %mul3A_429 = arith.constant 2 : i32
        %mul3A_430 = arith.muli %scan3A_408, %mul3A_429 : i32
        %add3A_431 = arith.constant 1 : i32
        %add3A_432 = arith.addi %mul3A_430, %add3A_431 : i32
        %dma_wait3A_433 = arith.constant 0 : i32
        %dma_wait3A_434 = tpu.memref_slice %arg7[%add3A_432, %dma_wait3A_433] : memref<16x128xi32, #tpu.memory_space<vmem>> -> memref<1x128xi32, #tpu.memory_space<vmem>>
        %dma_wait3A_435 = tpu.memref_squeeze %dma_wait3A_434 : memref<1x128xi32, #tpu.memory_space<vmem>> -> memref<128xi32, #tpu.memory_space<vmem>>
        %dma_wait3A_436 = arith.constant 0 : i32
        %dma_wait3A_437 = arith.constant 0 : i32
        %dma_wait3A_438 = tpu.memref_slice %arg2[%dma_wait3A_436, %dma_wait3A_437] : memref<10240x128xf32, #tpu.memory_space<hbm>> -> memref<10240x128xf32, #tpu.memory_space<hbm>>
        tpu.wait_indirect_dma semaphore(%arg16 : memref<!tpu.dma_semaphore, #tpu.memory_space<semaphore_mem>>) src(%dma_wait3A_438 : memref<10240x128xf32, #tpu.memory_space<hbm>>) dst(%arg10 : memref<128x128xf32, #tpu.memory_space<vmem>>)
        %dma_start3A_439 = arith.constant 0 : i32
        %dma_start3A_440 = tpu.memref_slice %arg8[%add3A_432, %dma_start3A_439] : memref<16x128xi32, #tpu.memory_space<vmem>> -> memref<1x128xi32, #tpu.memory_space<vmem>>
        %dma_start3A_441 = tpu.memref_squeeze %dma_start3A_440 : memref<1x128xi32, #tpu.memory_space<vmem>> -> memref<128xi32, #tpu.memory_space<vmem>>
        %dma_start3A_442 = arith.constant 0 : i32
        %dma_start3A_443 = tpu.memref_slice %arg14[%dma_start3A_442] : memref<10240xf32, #tpu.memory_space<vmem_shared>> -> memref<10240xf32, #tpu.memory_space<vmem_shared>>
        tpu.enqueue_indirect_dma source(%arg11 : memref<128xf32, #tpu.memory_space<vmem>>) target(%dma_start3A_443 : memref<10240xf32, #tpu.memory_space<vmem_shared>>) offsets(%dma_start3A_441 : memref<128xi32, #tpu.memory_space<vmem>>) semaphore(%arg17 : memref<!tpu.dma_semaphore, #tpu.memory_space<semaphore_mem>>) {add = true}
        "tpu.region"() ({
          %run_scoped3A = tpu.sem_alloc : memref<!tpu.dma_semaphore, #tpu.memory_space<semaphore_mem>>
          %dma_start3A_451 = arith.constant 0 : i32
          %dma_start3A_452 = tpu.memref_slice %arg8[%add3A_432, %dma_start3A_451] : memref<16x128xi32, #tpu.memory_space<vmem>> -> memref<1x128xi32, #tpu.memory_space<vmem>>
          %dma_start3A_453 = tpu.memref_squeeze %dma_start3A_452 : memref<1x128xi32, #tpu.memory_space<vmem>> -> memref<128xi32, #tpu.memory_space<vmem>>
          %dma_start3A_454 = arith.constant 0 : i32
          %dma_start3A_455 = arith.constant 0 : i32
          %dma_start3A_456 = tpu.memref_slice %arg13[%dma_start3A_454, %dma_start3A_455] : memref<10240x128xf32, #tpu.memory_space<vmem_shared>> -> memref<10240x128xf32, #tpu.memory_space<vmem_shared>>
          tpu.enqueue_indirect_dma source(%arg10 : memref<128x128xf32, #tpu.memory_space<vmem>>) target(%dma_start3A_456 : memref<10240x128xf32, #tpu.memory_space<vmem_shared>>) offsets(%dma_start3A_453 : memref<128xi32, #tpu.memory_space<vmem>>) semaphore(%run_scoped3A : memref<!tpu.dma_semaphore, #tpu.memory_space<semaphore_mem>>) {add = true}
          %dma_wait3A_457 = arith.constant 0 : i32
          %dma_wait3A_458 = tpu.memref_slice %arg8[%add3A_432, %dma_wait3A_457] : memref<16x128xi32, #tpu.memory_space<vmem>> -> memref<1x128xi32, #tpu.memory_space<vmem>>
          %dma_wait3A_459 = tpu.memref_squeeze %dma_wait3A_458 : memref<1x128xi32, #tpu.memory_space<vmem>> -> memref<128xi32, #tpu.memory_space<vmem>>
          %dma_wait3A_460 = arith.constant 0 : i32
          %dma_wait3A_461 = arith.constant 0 : i32
          %dma_wait3A_462 = tpu.memref_slice %arg13[%dma_wait3A_460, %dma_wait3A_461] : memref<10240x128xf32, #tpu.memory_space<vmem_shared>> -> memref<10240x128xf32, #tpu.memory_space<vmem_shared>>
          tpu.wait_indirect_dma semaphore(%run_scoped3A : memref<!tpu.dma_semaphore, #tpu.memory_space<semaphore_mem>>) src(%arg10 : memref<128x128xf32, #tpu.memory_space<vmem>>) dst(%dma_wait3A_462 : memref<10240x128xf32, #tpu.memory_space<vmem_shared>>)
          tpu.yield
        }) : () -> ()
        %add3A_444 = arith.constant 2 : i32
        %add3A_445 = arith.addi %add3A_432, %add3A_444 : i32
        %lt3A_446 = arith.constant 16 : i32
        %lt3A_447 = arith.cmpi slt, %add3A_445, %lt3A_446 : i32
        %convert_element_type3A_448 = arith.extui %lt3A_447 : i1 to i32
        %cond3A_449 = arith.constant 0 : i32
        %cond3A_450 = arith.cmpi ne, %convert_element_type3A_448, %cond3A_449 : i32
        scf.if %cond3A_450 {
          %add3A_451 = arith.constant 2 : i32
          %add3A_452 = arith.addi %add3A_432, %add3A_451 : i32
          %dma_start3A_453 = arith.constant 0 : i32
          %dma_start3A_454 = tpu.memref_slice %arg7[%add3A_452, %dma_start3A_453] : memref<16x128xi32, #tpu.memory_space<vmem>> -> memref<1x128xi32, #tpu.memory_space<vmem>>
          %dma_start3A_455 = tpu.memref_squeeze %dma_start3A_454 : memref<1x128xi32, #tpu.memory_space<vmem>> -> memref<128xi32, #tpu.memory_space<vmem>>
          %dma_start3A_456 = arith.constant 0 : i32
          %dma_start3A_457 = arith.constant 0 : i32
          %dma_start3A_458 = tpu.memref_slice %arg2[%dma_start3A_456, %dma_start3A_457] : memref<10240x128xf32, #tpu.memory_space<hbm>> -> memref<10240x128xf32, #tpu.memory_space<hbm>>
          tpu.enqueue_indirect_dma source(%dma_start3A_458 : memref<10240x128xf32, #tpu.memory_space<hbm>>) target(%arg10 : memref<128x128xf32, #tpu.memory_space<vmem>>) offsets(%dma_start3A_455 : memref<128xi32, #tpu.memory_space<vmem>>) semaphore(%arg16 : memref<!tpu.dma_semaphore, #tpu.memory_space<semaphore_mem>>)
        } else {
        }
      }
      %scan3A_401 = arith.constant 8 : i32
      %scan3A_402 = arith.constant 0 : i32
      %scan3A_403 = arith.constant 0 : i32
      %scan3A_404 = arith.constant 16 : i32
      %scan3A_405 = arith.addi %scan3A_403, %scan3A_404 : i32
      %scan3A_406 = arith.constant 1 : i32
      scf.for %scan3A_408 = %scan3A_403 to %scan3A_405 step %scan3A_406  : i32 {
        %dma_wait3A = arith.constant 0 : i32
        %dma_wait3A_409 = tpu.memref_slice %arg8[%scan3A_408, %dma_wait3A] : memref<16x128xi32, #tpu.memory_space<vmem>> -> memref<1x128xi32, #tpu.memory_space<vmem>>
        %dma_wait3A_410 = tpu.memref_squeeze %dma_wait3A_409 : memref<1x128xi32, #tpu.memory_space<vmem>> -> memref<128xi32, #tpu.memory_space<vmem>>
        %dma_wait3A_411 = arith.constant 0 : i32
        %dma_wait3A_412 = tpu.memref_slice %arg14[%dma_wait3A_411] : memref<10240xf32, #tpu.memory_space<vmem_shared>> -> memref<10240xf32, #tpu.memory_space<vmem_shared>>
        tpu.wait_indirect_dma semaphore(%arg17 : memref<!tpu.dma_semaphore, #tpu.memory_space<semaphore_mem>>) src(%arg11 : memref<128xf32, #tpu.memory_space<vmem>>) dst(%dma_wait3A_412 : memref<10240xf32, #tpu.memory_space<vmem_shared>>)
      }
      %scan3A_407 = arith.constant 16 : i32
    } else {
    }
    %gt3A_329 = arith.constant 2 : i32
    %gt3A_330 = arith.cmpi sgt, %select_n3A_8, %gt3A_329 : i32
    %convert_element_type3A_331 = arith.extui %gt3A_330 : i1 to i32
    %cond3A_332 = arith.constant 0 : i32
    %cond3A_333 = arith.cmpi ne, %convert_element_type3A_331, %cond3A_332 : i32
    scf.if %cond3A_333 {
      %add3A_379 = arith.constant 32 : i32
      %add3A_380 = arith.addi %select_n3A, %add3A_379 : i32
      "tpu.region"() ({
        %run_scoped3A = tpu.sem_alloc : memref<!tpu.dma_semaphore, #tpu.memory_space<semaphore_mem>>
        %dma_start3A_408 = arith.constant 0 : i32
        %dma_start3A_409 = tpu.memref_slice %arg3[%add3A_380, %dma_start3A_408] : memref<2560x128xi32, #tpu.memory_space<hbm>> -> memref<16x128xi32, #tpu.memory_space<hbm>>
        %dma_start3A_410 = arith.constant 0 : i32
        %dma_start3A_411 = tpu.memref_slice %arg3[%add3A_380, %dma_start3A_410] : memref<2560x128xi32, #tpu.memory_space<hbm>> -> memref<16x128xi32, #tpu.memory_space<hbm>>
        tpu.enqueue_dma source(%dma_start3A_411 : memref<16x128xi32, #tpu.memory_space<hbm>>) target(%arg7 : memref<16x128xi32, #tpu.memory_space<vmem>>) target_semaphore(%run_scoped3A : memref<!tpu.dma_semaphore, #tpu.memory_space<semaphore_mem>>)
        %dma_wait3A = arith.constant 0 : i32
        %dma_wait3A_412 = tpu.memref_slice %arg3[%add3A_380, %dma_wait3A] : memref<2560x128xi32, #tpu.memory_space<hbm>> -> memref<16x128xi32, #tpu.memory_space<hbm>>
        %dma_wait3A_413 = arith.constant 0 : i32
        %dma_wait3A_414 = tpu.memref_slice %arg3[%add3A_380, %dma_wait3A_413] : memref<2560x128xi32, #tpu.memory_space<hbm>> -> memref<16x128xi32, #tpu.memory_space<hbm>>
        tpu.wait_dma2 semaphore(%run_scoped3A : memref<!tpu.dma_semaphore, #tpu.memory_space<semaphore_mem>>) src(%dma_wait3A_414 : memref<16x128xi32, #tpu.memory_space<hbm>>) dst(%arg7 : memref<16x128xi32, #tpu.memory_space<vmem>>)
        tpu.yield
      }) : () -> ()
      %add3A_381 = arith.constant 32 : i32
      %add3A_382 = arith.addi %select_n3A, %add3A_381 : i32
      "tpu.region"() ({
        %run_scoped3A = tpu.sem_alloc : memref<!tpu.dma_semaphore, #tpu.memory_space<semaphore_mem>>
        %dma_start3A_408 = arith.constant 0 : i32
        %dma_start3A_409 = tpu.memref_slice %arg4[%add3A_382, %dma_start3A_408] : memref<2560x128xi32, #tpu.memory_space<hbm>> -> memref<16x128xi32, #tpu.memory_space<hbm>>
        %dma_start3A_410 = arith.constant 0 : i32
        %dma_start3A_411 = tpu.memref_slice %arg4[%add3A_382, %dma_start3A_410] : memref<2560x128xi32, #tpu.memory_space<hbm>> -> memref<16x128xi32, #tpu.memory_space<hbm>>
        tpu.enqueue_dma source(%dma_start3A_411 : memref<16x128xi32, #tpu.memory_space<hbm>>) target(%arg8 : memref<16x128xi32, #tpu.memory_space<vmem>>) target_semaphore(%run_scoped3A : memref<!tpu.dma_semaphore, #tpu.memory_space<semaphore_mem>>)
        %dma_wait3A = arith.constant 0 : i32
        %dma_wait3A_412 = tpu.memref_slice %arg4[%add3A_382, %dma_wait3A] : memref<2560x128xi32, #tpu.memory_space<hbm>> -> memref<16x128xi32, #tpu.memory_space<hbm>>
        %dma_wait3A_413 = arith.constant 0 : i32
        %dma_wait3A_414 = tpu.memref_slice %arg4[%add3A_382, %dma_wait3A_413] : memref<2560x128xi32, #tpu.memory_space<hbm>> -> memref<16x128xi32, #tpu.memory_space<hbm>>
        tpu.wait_dma2 semaphore(%run_scoped3A : memref<!tpu.dma_semaphore, #tpu.memory_space<semaphore_mem>>) src(%dma_wait3A_414 : memref<16x128xi32, #tpu.memory_space<hbm>>) dst(%arg8 : memref<16x128xi32, #tpu.memory_space<vmem>>)
        tpu.yield
      }) : () -> ()
      %dma_start3A = arith.constant 0 : i32
      %dma_start3A_383 = arith.constant 0 : i32
      %dma_start3A_384 = tpu.memref_slice %arg7[%dma_start3A, %dma_start3A_383] : memref<16x128xi32, #tpu.memory_space<vmem>> -> memref<1x128xi32, #tpu.memory_space<vmem>>
      %dma_start3A_385 = tpu.memref_squeeze %dma_start3A_384 : memref<1x128xi32, #tpu.memory_space<vmem>> -> memref<128xi32, #tpu.memory_space<vmem>>
      %dma_start3A_386 = arith.constant 0 : i32
      %dma_start3A_387 = arith.constant 0 : i32
      %dma_start3A_388 = tpu.memref_slice %arg2[%dma_start3A_386, %dma_start3A_387] : memref<10240x128xf32, #tpu.memory_space<hbm>> -> memref<10240x128xf32, #tpu.memory_space<hbm>>
      tpu.enqueue_indirect_dma source(%dma_start3A_388 : memref<10240x128xf32, #tpu.memory_space<hbm>>) target(%arg9 : memref<128x128xf32, #tpu.memory_space<vmem>>) offsets(%dma_start3A_385 : memref<128xi32, #tpu.memory_space<vmem>>) semaphore(%arg15 : memref<!tpu.dma_semaphore, #tpu.memory_space<semaphore_mem>>)
      %dma_start3A_389 = arith.constant 1 : i32
      %dma_start3A_390 = arith.constant 0 : i32
      %dma_start3A_391 = tpu.memref_slice %arg7[%dma_start3A_389, %dma_start3A_390] : memref<16x128xi32, #tpu.memory_space<vmem>> -> memref<1x128xi32, #tpu.memory_space<vmem>>
      %dma_start3A_392 = tpu.memref_squeeze %dma_start3A_391 : memref<1x128xi32, #tpu.memory_space<vmem>> -> memref<128xi32, #tpu.memory_space<vmem>>
      %dma_start3A_393 = arith.constant 0 : i32
      %dma_start3A_394 = arith.constant 0 : i32
      %dma_start3A_395 = tpu.memref_slice %arg2[%dma_start3A_393, %dma_start3A_394] : memref<10240x128xf32, #tpu.memory_space<hbm>> -> memref<10240x128xf32, #tpu.memory_space<hbm>>
      tpu.enqueue_indirect_dma source(%dma_start3A_395 : memref<10240x128xf32, #tpu.memory_space<hbm>>) target(%arg10 : memref<128x128xf32, #tpu.memory_space<vmem>>) offsets(%dma_start3A_392 : memref<128xi32, #tpu.memory_space<vmem>>) semaphore(%arg16 : memref<!tpu.dma_semaphore, #tpu.memory_space<semaphore_mem>>)
      %scan3A_396 = arith.constant 0 : i32
      %scan3A_397 = arith.constant 0 : i32
      %scan3A_398 = arith.constant 8 : i32
      %scan3A_399 = arith.addi %scan3A_397, %scan3A_398 : i32
      %scan3A_400 = arith.constant 1 : i32
      scf.for %scan3A_408 = %scan3A_397 to %scan3A_399 step %scan3A_400  : i32 {
        %mul3A_409 = arith.constant 2 : i32
        %mul3A_410 = arith.muli %scan3A_408, %mul3A_409 : i32
        %add3A_411 = arith.constant 0 : i32
        %add3A_412 = arith.addi %mul3A_410, %add3A_411 : i32
        %dma_wait3A = arith.constant 0 : i32
        %dma_wait3A_413 = tpu.memref_slice %arg7[%add3A_412, %dma_wait3A] : memref<16x128xi32, #tpu.memory_space<vmem>> -> memref<1x128xi32, #tpu.memory_space<vmem>>
        %dma_wait3A_414 = tpu.memref_squeeze %dma_wait3A_413 : memref<1x128xi32, #tpu.memory_space<vmem>> -> memref<128xi32, #tpu.memory_space<vmem>>
        %dma_wait3A_415 = arith.constant 0 : i32
        %dma_wait3A_416 = arith.constant 0 : i32
        %dma_wait3A_417 = tpu.memref_slice %arg2[%dma_wait3A_415, %dma_wait3A_416] : memref<10240x128xf32, #tpu.memory_space<hbm>> -> memref<10240x128xf32, #tpu.memory_space<hbm>>
        tpu.wait_indirect_dma semaphore(%arg15 : memref<!tpu.dma_semaphore, #tpu.memory_space<semaphore_mem>>) src(%dma_wait3A_417 : memref<10240x128xf32, #tpu.memory_space<hbm>>) dst(%arg9 : memref<128x128xf32, #tpu.memory_space<vmem>>)
        %dma_start3A_418 = arith.constant 0 : i32
        %dma_start3A_419 = tpu.memref_slice %arg8[%add3A_412, %dma_start3A_418] : memref<16x128xi32, #tpu.memory_space<vmem>> -> memref<1x128xi32, #tpu.memory_space<vmem>>
        %dma_start3A_420 = tpu.memref_squeeze %dma_start3A_419 : memref<1x128xi32, #tpu.memory_space<vmem>> -> memref<128xi32, #tpu.memory_space<vmem>>
        %dma_start3A_421 = arith.constant 0 : i32
        %dma_start3A_422 = tpu.memref_slice %arg14[%dma_start3A_421] : memref<10240xf32, #tpu.memory_space<vmem_shared>> -> memref<10240xf32, #tpu.memory_space<vmem_shared>>
        tpu.enqueue_indirect_dma source(%arg11 : memref<128xf32, #tpu.memory_space<vmem>>) target(%dma_start3A_422 : memref<10240xf32, #tpu.memory_space<vmem_shared>>) offsets(%dma_start3A_420 : memref<128xi32, #tpu.memory_space<vmem>>) semaphore(%arg17 : memref<!tpu.dma_semaphore, #tpu.memory_space<semaphore_mem>>) {add = true}
        "tpu.region"() ({
          %run_scoped3A = tpu.sem_alloc : memref<!tpu.dma_semaphore, #tpu.memory_space<semaphore_mem>>
          %dma_start3A_451 = arith.constant 0 : i32
          %dma_start3A_452 = tpu.memref_slice %arg8[%add3A_412, %dma_start3A_451] : memref<16x128xi32, #tpu.memory_space<vmem>> -> memref<1x128xi32, #tpu.memory_space<vmem>>
          %dma_start3A_453 = tpu.memref_squeeze %dma_start3A_452 : memref<1x128xi32, #tpu.memory_space<vmem>> -> memref<128xi32, #tpu.memory_space<vmem>>
          %dma_start3A_454 = arith.constant 0 : i32
          %dma_start3A_455 = arith.constant 0 : i32
          %dma_start3A_456 = tpu.memref_slice %arg13[%dma_start3A_454, %dma_start3A_455] : memref<10240x128xf32, #tpu.memory_space<vmem_shared>> -> memref<10240x128xf32, #tpu.memory_space<vmem_shared>>
          tpu.enqueue_indirect_dma source(%arg9 : memref<128x128xf32, #tpu.memory_space<vmem>>) target(%dma_start3A_456 : memref<10240x128xf32, #tpu.memory_space<vmem_shared>>) offsets(%dma_start3A_453 : memref<128xi32, #tpu.memory_space<vmem>>) semaphore(%run_scoped3A : memref<!tpu.dma_semaphore, #tpu.memory_space<semaphore_mem>>) {add = true}
          %dma_wait3A_457 = arith.constant 0 : i32
          %dma_wait3A_458 = tpu.memref_slice %arg8[%add3A_412, %dma_wait3A_457] : memref<16x128xi32, #tpu.memory_space<vmem>> -> memref<1x128xi32, #tpu.memory_space<vmem>>
          %dma_wait3A_459 = tpu.memref_squeeze %dma_wait3A_458 : memref<1x128xi32, #tpu.memory_space<vmem>> -> memref<128xi32, #tpu.memory_space<vmem>>
          %dma_wait3A_460 = arith.constant 0 : i32
          %dma_wait3A_461 = arith.constant 0 : i32
          %dma_wait3A_462 = tpu.memref_slice %arg13[%dma_wait3A_460, %dma_wait3A_461] : memref<10240x128xf32, #tpu.memory_space<vmem_shared>> -> memref<10240x128xf32, #tpu.memory_space<vmem_shared>>
          tpu.wait_indirect_dma semaphore(%run_scoped3A : memref<!tpu.dma_semaphore, #tpu.memory_space<semaphore_mem>>) src(%arg9 : memref<128x128xf32, #tpu.memory_space<vmem>>) dst(%dma_wait3A_462 : memref<10240x128xf32, #tpu.memory_space<vmem_shared>>)
          tpu.yield
        }) : () -> ()
        %add3A_423 = arith.constant 2 : i32
        %add3A_424 = arith.addi %add3A_412, %add3A_423 : i32
        %lt3A = arith.constant 16 : i32
        %lt3A_425 = arith.cmpi slt, %add3A_424, %lt3A : i32
        %convert_element_type3A_426 = arith.extui %lt3A_425 : i1 to i32
        %cond3A_427 = arith.constant 0 : i32
        %cond3A_428 = arith.cmpi ne, %convert_element_type3A_426, %cond3A_427 : i32
        scf.if %cond3A_428 {
          %add3A_451 = arith.constant 2 : i32
          %add3A_452 = arith.addi %add3A_412, %add3A_451 : i32
          %dma_start3A_453 = arith.constant 0 : i32
          %dma_start3A_454 = tpu.memref_slice %arg7[%add3A_452, %dma_start3A_453] : memref<16x128xi32, #tpu.memory_space<vmem>> -> memref<1x128xi32, #tpu.memory_space<vmem>>
          %dma_start3A_455 = tpu.memref_squeeze %dma_start3A_454 : memref<1x128xi32, #tpu.memory_space<vmem>> -> memref<128xi32, #tpu.memory_space<vmem>>
          %dma_start3A_456 = arith.constant 0 : i32
          %dma_start3A_457 = arith.constant 0 : i32
          %dma_start3A_458 = tpu.memref_slice %arg2[%dma_start3A_456, %dma_start3A_457] : memref<10240x128xf32, #tpu.memory_space<hbm>> -> memref<10240x128xf32, #tpu.memory_space<hbm>>
          tpu.enqueue_indirect_dma source(%dma_start3A_458 : memref<10240x128xf32, #tpu.memory_space<hbm>>) target(%arg9 : memref<128x128xf32, #tpu.memory_space<vmem>>) offsets(%dma_start3A_455 : memref<128xi32, #tpu.memory_space<vmem>>) semaphore(%arg15 : memref<!tpu.dma_semaphore, #tpu.memory_space<semaphore_mem>>)
        } else {
        }
        %mul3A_429 = arith.constant 2 : i32
        %mul3A_430 = arith.muli %scan3A_408, %mul3A_429 : i32
        %add3A_431 = arith.constant 1 : i32
        %add3A_432 = arith.addi %mul3A_430, %add3A_431 : i32
        %dma_wait3A_433 = arith.constant 0 : i32
        %dma_wait3A_434 = tpu.memref_slice %arg7[%add3A_432, %dma_wait3A_433] : memref<16x128xi32, #tpu.memory_space<vmem>> -> memref<1x128xi32, #tpu.memory_space<vmem>>
        %dma_wait3A_435 = tpu.memref_squeeze %dma_wait3A_434 : memref<1x128xi32, #tpu.memory_space<vmem>> -> memref<128xi32, #tpu.memory_space<vmem>>
        %dma_wait3A_436 = arith.constant 0 : i32
        %dma_wait3A_437 = arith.constant 0 : i32
        %dma_wait3A_438 = tpu.memref_slice %arg2[%dma_wait3A_436, %dma_wait3A_437] : memref<10240x128xf32, #tpu.memory_space<hbm>> -> memref<10240x128xf32, #tpu.memory_space<hbm>>
        tpu.wait_indirect_dma semaphore(%arg16 : memref<!tpu.dma_semaphore, #tpu.memory_space<semaphore_mem>>) src(%dma_wait3A_438 : memref<10240x128xf32, #tpu.memory_space<hbm>>) dst(%arg10 : memref<128x128xf32, #tpu.memory_space<vmem>>)
        %dma_start3A_439 = arith.constant 0 : i32
        %dma_start3A_440 = tpu.memref_slice %arg8[%add3A_432, %dma_start3A_439] : memref<16x128xi32, #tpu.memory_space<vmem>> -> memref<1x128xi32, #tpu.memory_space<vmem>>
        %dma_start3A_441 = tpu.memref_squeeze %dma_start3A_440 : memref<1x128xi32, #tpu.memory_space<vmem>> -> memref<128xi32, #tpu.memory_space<vmem>>
        %dma_start3A_442 = arith.constant 0 : i32
        %dma_start3A_443 = tpu.memref_slice %arg14[%dma_start3A_442] : memref<10240xf32, #tpu.memory_space<vmem_shared>> -> memref<10240xf32, #tpu.memory_space<vmem_shared>>
        tpu.enqueue_indirect_dma source(%arg11 : memref<128xf32, #tpu.memory_space<vmem>>) target(%dma_start3A_443 : memref<10240xf32, #tpu.memory_space<vmem_shared>>) offsets(%dma_start3A_441 : memref<128xi32, #tpu.memory_space<vmem>>) semaphore(%arg17 : memref<!tpu.dma_semaphore, #tpu.memory_space<semaphore_mem>>) {add = true}
        "tpu.region"() ({
          %run_scoped3A = tpu.sem_alloc : memref<!tpu.dma_semaphore, #tpu.memory_space<semaphore_mem>>
          %dma_start3A_451 = arith.constant 0 : i32
          %dma_start3A_452 = tpu.memref_slice %arg8[%add3A_432, %dma_start3A_451] : memref<16x128xi32, #tpu.memory_space<vmem>> -> memref<1x128xi32, #tpu.memory_space<vmem>>
          %dma_start3A_453 = tpu.memref_squeeze %dma_start3A_452 : memref<1x128xi32, #tpu.memory_space<vmem>> -> memref<128xi32, #tpu.memory_space<vmem>>
          %dma_start3A_454 = arith.constant 0 : i32
          %dma_start3A_455 = arith.constant 0 : i32
          %dma_start3A_456 = tpu.memref_slice %arg13[%dma_start3A_454, %dma_start3A_455] : memref<10240x128xf32, #tpu.memory_space<vmem_shared>> -> memref<10240x128xf32, #tpu.memory_space<vmem_shared>>
          tpu.enqueue_indirect_dma source(%arg10 : memref<128x128xf32, #tpu.memory_space<vmem>>) target(%dma_start3A_456 : memref<10240x128xf32, #tpu.memory_space<vmem_shared>>) offsets(%dma_start3A_453 : memref<128xi32, #tpu.memory_space<vmem>>) semaphore(%run_scoped3A : memref<!tpu.dma_semaphore, #tpu.memory_space<semaphore_mem>>) {add = true}
          %dma_wait3A_457 = arith.constant 0 : i32
          %dma_wait3A_458 = tpu.memref_slice %arg8[%add3A_432, %dma_wait3A_457] : memref<16x128xi32, #tpu.memory_space<vmem>> -> memref<1x128xi32, #tpu.memory_space<vmem>>
          %dma_wait3A_459 = tpu.memref_squeeze %dma_wait3A_458 : memref<1x128xi32, #tpu.memory_space<vmem>> -> memref<128xi32, #tpu.memory_space<vmem>>
          %dma_wait3A_460 = arith.constant 0 : i32
          %dma_wait3A_461 = arith.constant 0 : i32
          %dma_wait3A_462 = tpu.memref_slice %arg13[%dma_wait3A_460, %dma_wait3A_461] : memref<10240x128xf32, #tpu.memory_space<vmem_shared>> -> memref<10240x128xf32, #tpu.memory_space<vmem_shared>>
          tpu.wait_indirect_dma semaphore(%run_scoped3A : memref<!tpu.dma_semaphore, #tpu.memory_space<semaphore_mem>>) src(%arg10 : memref<128x128xf32, #tpu.memory_space<vmem>>) dst(%dma_wait3A_462 : memref<10240x128xf32, #tpu.memory_space<vmem_shared>>)
          tpu.yield
        }) : () -> ()
        %add3A_444 = arith.constant 2 : i32
        %add3A_445 = arith.addi %add3A_432, %add3A_444 : i32
        %lt3A_446 = arith.constant 16 : i32
        %lt3A_447 = arith.cmpi slt, %add3A_445, %lt3A_446 : i32
        %convert_element_type3A_448 = arith.extui %lt3A_447 : i1 to i32
        %cond3A_449 = arith.constant 0 : i32
        %cond3A_450 = arith.cmpi ne, %convert_element_type3A_448, %cond3A_449 : i32
        scf.if %cond3A_450 {
          %add3A_451 = arith.constant 2 : i32
          %add3A_452 = arith.addi %add3A_432, %add3A_451 : i32
          %dma_start3A_453 = arith.constant 0 : i32
          %dma_start3A_454 = tpu.memref_slice %arg7[%add3A_452, %dma_start3A_453] : memref<16x128xi32, #tpu.memory_space<vmem>> -> memref<1x128xi32, #tpu.memory_space<vmem>>
          %dma_start3A_455 = tpu.memref_squeeze %dma_start3A_454 : memref<1x128xi32, #tpu.memory_space<vmem>> -> memref<128xi32, #tpu.memory_space<vmem>>
          %dma_start3A_456 = arith.constant 0 : i32
          %dma_start3A_457 = arith.constant 0 : i32
          %dma_start3A_458 = tpu.memref_slice %arg2[%dma_start3A_456, %dma_start3A_457] : memref<10240x128xf32, #tpu.memory_space<hbm>> -> memref<10240x128xf32, #tpu.memory_space<hbm>>
          tpu.enqueue_indirect_dma source(%dma_start3A_458 : memref<10240x128xf32, #tpu.memory_space<hbm>>) target(%arg10 : memref<128x128xf32, #tpu.memory_space<vmem>>) offsets(%dma_start3A_455 : memref<128xi32, #tpu.memory_space<vmem>>) semaphore(%arg16 : memref<!tpu.dma_semaphore, #tpu.memory_space<semaphore_mem>>)
        } else {
        }
      }
      %scan3A_401 = arith.constant 8 : i32
      %scan3A_402 = arith.constant 0 : i32
      %scan3A_403 = arith.constant 0 : i32
      %scan3A_404 = arith.constant 16 : i32
      %scan3A_405 = arith.addi %scan3A_403, %scan3A_404 : i32
      %scan3A_406 = arith.constant 1 : i32
      scf.for %scan3A_408 = %scan3A_403 to %scan3A_405 step %scan3A_406  : i32 {
        %dma_wait3A = arith.constant 0 : i32
        %dma_wait3A_409 = tpu.memref_slice %arg8[%scan3A_408, %dma_wait3A] : memref<16x128xi32, #tpu.memory_space<vmem>> -> memref<1x128xi32, #tpu.memory_space<vmem>>
        %dma_wait3A_410 = tpu.memref_squeeze %dma_wait3A_409 : memref<1x128xi32, #tpu.memory_space<vmem>> -> memref<128xi32, #tpu.memory_space<vmem>>
        %dma_wait3A_411 = arith.constant 0 : i32
        %dma_wait3A_412 = tpu.memref_slice %arg14[%dma_wait3A_411] : memref<10240xf32, #tpu.memory_space<vmem_shared>> -> memref<10240xf32, #tpu.memory_space<vmem_shared>>
        tpu.wait_indirect_dma semaphore(%arg17 : memref<!tpu.dma_semaphore, #tpu.memory_space<semaphore_mem>>) src(%arg11 : memref<128xf32, #tpu.memory_space<vmem>>) dst(%dma_wait3A_412 : memref<10240xf32, #tpu.memory_space<vmem_shared>>)
      }
      %scan3A_407 = arith.constant 16 : i32
    } else {
    }
    %gt3A_334 = arith.constant 3 : i32
    %gt3A_335 = arith.cmpi sgt, %select_n3A_8, %gt3A_334 : i32
    %convert_element_type3A_336 = arith.extui %gt3A_335 : i1 to i32
    %cond3A_337 = arith.constant 0 : i32
    %cond3A_338 = arith.cmpi ne, %convert_element_type3A_336, %cond3A_337 : i32
    scf.if %cond3A_338 {
      %add3A_379 = arith.constant 48 : i32
      %add3A_380 = arith.addi %select_n3A, %add3A_379 : i32
      "tpu.region"() ({
        %run_scoped3A = tpu.sem_alloc : memref<!tpu.dma_semaphore, #tpu.memory_space<semaphore_mem>>
        %dma_start3A_408 = arith.constant 0 : i32
        %dma_start3A_409 = tpu.memref_slice %arg3[%add3A_380, %dma_start3A_408] : memref<2560x128xi32, #tpu.memory_space<hbm>> -> memref<16x128xi32, #tpu.memory_space<hbm>>
        %dma_start3A_410 = arith.constant 0 : i32
        %dma_start3A_411 = tpu.memref_slice %arg3[%add3A_380, %dma_start3A_410] : memref<2560x128xi32, #tpu.memory_space<hbm>> -> memref<16x128xi32, #tpu.memory_space<hbm>>
        tpu.enqueue_dma source(%dma_start3A_411 : memref<16x128xi32, #tpu.memory_space<hbm>>) target(%arg7 : memref<16x128xi32, #tpu.memory_space<vmem>>) target_semaphore(%run_scoped3A : memref<!tpu.dma_semaphore, #tpu.memory_space<semaphore_mem>>)
        %dma_wait3A = arith.constant 0 : i32
        %dma_wait3A_412 = tpu.memref_slice %arg3[%add3A_380, %dma_wait3A] : memref<2560x128xi32, #tpu.memory_space<hbm>> -> memref<16x128xi32, #tpu.memory_space<hbm>>
        %dma_wait3A_413 = arith.constant 0 : i32
        %dma_wait3A_414 = tpu.memref_slice %arg3[%add3A_380, %dma_wait3A_413] : memref<2560x128xi32, #tpu.memory_space<hbm>> -> memref<16x128xi32, #tpu.memory_space<hbm>>
        tpu.wait_dma2 semaphore(%run_scoped3A : memref<!tpu.dma_semaphore, #tpu.memory_space<semaphore_mem>>) src(%dma_wait3A_414 : memref<16x128xi32, #tpu.memory_space<hbm>>) dst(%arg7 : memref<16x128xi32, #tpu.memory_space<vmem>>)
        tpu.yield
      }) : () -> ()
      %add3A_381 = arith.constant 48 : i32
      %add3A_382 = arith.addi %select_n3A, %add3A_381 : i32
      "tpu.region"() ({
        %run_scoped3A = tpu.sem_alloc : memref<!tpu.dma_semaphore, #tpu.memory_space<semaphore_mem>>
        %dma_start3A_408 = arith.constant 0 : i32
        %dma_start3A_409 = tpu.memref_slice %arg4[%add3A_382, %dma_start3A_408] : memref<2560x128xi32, #tpu.memory_space<hbm>> -> memref<16x128xi32, #tpu.memory_space<hbm>>
        %dma_start3A_410 = arith.constant 0 : i32
        %dma_start3A_411 = tpu.memref_slice %arg4[%add3A_382, %dma_start3A_410] : memref<2560x128xi32, #tpu.memory_space<hbm>> -> memref<16x128xi32, #tpu.memory_space<hbm>>
        tpu.enqueue_dma source(%dma_start3A_411 : memref<16x128xi32, #tpu.memory_space<hbm>>) target(%arg8 : memref<16x128xi32, #tpu.memory_space<vmem>>) target_semaphore(%run_scoped3A : memref<!tpu.dma_semaphore, #tpu.memory_space<semaphore_mem>>)
        %dma_wait3A = arith.constant 0 : i32
        %dma_wait3A_412 = tpu.memref_slice %arg4[%add3A_382, %dma_wait3A] : memref<2560x128xi32, #tpu.memory_space<hbm>> -> memref<16x128xi32, #tpu.memory_space<hbm>>
        %dma_wait3A_413 = arith.constant 0 : i32
        %dma_wait3A_414 = tpu.memref_slice %arg4[%add3A_382, %dma_wait3A_413] : memref<2560x128xi32, #tpu.memory_space<hbm>> -> memref<16x128xi32, #tpu.memory_space<hbm>>
        tpu.wait_dma2 semaphore(%run_scoped3A : memref<!tpu.dma_semaphore, #tpu.memory_space<semaphore_mem>>) src(%dma_wait3A_414 : memref<16x128xi32, #tpu.memory_space<hbm>>) dst(%arg8 : memref<16x128xi32, #tpu.memory_space<vmem>>)
        tpu.yield
      }) : () -> ()
      %dma_start3A = arith.constant 0 : i32
      %dma_start3A_383 = arith.constant 0 : i32
      %dma_start3A_384 = tpu.memref_slice %arg7[%dma_start3A, %dma_start3A_383] : memref<16x128xi32, #tpu.memory_space<vmem>> -> memref<1x128xi32, #tpu.memory_space<vmem>>
      %dma_start3A_385 = tpu.memref_squeeze %dma_start3A_384 : memref<1x128xi32, #tpu.memory_space<vmem>> -> memref<128xi32, #tpu.memory_space<vmem>>
      %dma_start3A_386 = arith.constant 0 : i32
      %dma_start3A_387 = arith.constant 0 : i32
      %dma_start3A_388 = tpu.memref_slice %arg2[%dma_start3A_386, %dma_start3A_387] : memref<10240x128xf32, #tpu.memory_space<hbm>> -> memref<10240x128xf32, #tpu.memory_space<hbm>>
      tpu.enqueue_indirect_dma source(%dma_start3A_388 : memref<10240x128xf32, #tpu.memory_space<hbm>>) target(%arg9 : memref<128x128xf32, #tpu.memory_space<vmem>>) offsets(%dma_start3A_385 : memref<128xi32, #tpu.memory_space<vmem>>) semaphore(%arg15 : memref<!tpu.dma_semaphore, #tpu.memory_space<semaphore_mem>>)
      %dma_start3A_389 = arith.constant 1 : i32
      %dma_start3A_390 = arith.constant 0 : i32
      %dma_start3A_391 = tpu.memref_slice %arg7[%dma_start3A_389, %dma_start3A_390] : memref<16x128xi32, #tpu.memory_space<vmem>> -> memref<1x128xi32, #tpu.memory_space<vmem>>
      %dma_start3A_392 = tpu.memref_squeeze %dma_start3A_391 : memref<1x128xi32, #tpu.memory_space<vmem>> -> memref<128xi32, #tpu.memory_space<vmem>>
      %dma_start3A_393 = arith.constant 0 : i32
      %dma_start3A_394 = arith.constant 0 : i32
      %dma_start3A_395 = tpu.memref_slice %arg2[%dma_start3A_393, %dma_start3A_394] : memref<10240x128xf32, #tpu.memory_space<hbm>> -> memref<10240x128xf32, #tpu.memory_space<hbm>>
      tpu.enqueue_indirect_dma source(%dma_start3A_395 : memref<10240x128xf32, #tpu.memory_space<hbm>>) target(%arg10 : memref<128x128xf32, #tpu.memory_space<vmem>>) offsets(%dma_start3A_392 : memref<128xi32, #tpu.memory_space<vmem>>) semaphore(%arg16 : memref<!tpu.dma_semaphore, #tpu.memory_space<semaphore_mem>>)
      %scan3A_396 = arith.constant 0 : i32
      %scan3A_397 = arith.constant 0 : i32
      %scan3A_398 = arith.constant 8 : i32
      %scan3A_399 = arith.addi %scan3A_397, %scan3A_398 : i32
      %scan3A_400 = arith.constant 1 : i32
      scf.for %scan3A_408 = %scan3A_397 to %scan3A_399 step %scan3A_400  : i32 {
        %mul3A_409 = arith.constant 2 : i32
        %mul3A_410 = arith.muli %scan3A_408, %mul3A_409 : i32
        %add3A_411 = arith.constant 0 : i32
        %add3A_412 = arith.addi %mul3A_410, %add3A_411 : i32
        %dma_wait3A = arith.constant 0 : i32
        %dma_wait3A_413 = tpu.memref_slice %arg7[%add3A_412, %dma_wait3A] : memref<16x128xi32, #tpu.memory_space<vmem>> -> memref<1x128xi32, #tpu.memory_space<vmem>>
        %dma_wait3A_414 = tpu.memref_squeeze %dma_wait3A_413 : memref<1x128xi32, #tpu.memory_space<vmem>> -> memref<128xi32, #tpu.memory_space<vmem>>
        %dma_wait3A_415 = arith.constant 0 : i32
        %dma_wait3A_416 = arith.constant 0 : i32
        %dma_wait3A_417 = tpu.memref_slice %arg2[%dma_wait3A_415, %dma_wait3A_416] : memref<10240x128xf32, #tpu.memory_space<hbm>> -> memref<10240x128xf32, #tpu.memory_space<hbm>>
        tpu.wait_indirect_dma semaphore(%arg15 : memref<!tpu.dma_semaphore, #tpu.memory_space<semaphore_mem>>) src(%dma_wait3A_417 : memref<10240x128xf32, #tpu.memory_space<hbm>>) dst(%arg9 : memref<128x128xf32, #tpu.memory_space<vmem>>)
        %dma_start3A_418 = arith.constant 0 : i32
        %dma_start3A_419 = tpu.memref_slice %arg8[%add3A_412, %dma_start3A_418] : memref<16x128xi32, #tpu.memory_space<vmem>> -> memref<1x128xi32, #tpu.memory_space<vmem>>
        %dma_start3A_420 = tpu.memref_squeeze %dma_start3A_419 : memref<1x128xi32, #tpu.memory_space<vmem>> -> memref<128xi32, #tpu.memory_space<vmem>>
        %dma_start3A_421 = arith.constant 0 : i32
        %dma_start3A_422 = tpu.memref_slice %arg14[%dma_start3A_421] : memref<10240xf32, #tpu.memory_space<vmem_shared>> -> memref<10240xf32, #tpu.memory_space<vmem_shared>>
        tpu.enqueue_indirect_dma source(%arg11 : memref<128xf32, #tpu.memory_space<vmem>>) target(%dma_start3A_422 : memref<10240xf32, #tpu.memory_space<vmem_shared>>) offsets(%dma_start3A_420 : memref<128xi32, #tpu.memory_space<vmem>>) semaphore(%arg17 : memref<!tpu.dma_semaphore, #tpu.memory_space<semaphore_mem>>) {add = true}
        "tpu.region"() ({
          %run_scoped3A = tpu.sem_alloc : memref<!tpu.dma_semaphore, #tpu.memory_space<semaphore_mem>>
          %dma_start3A_451 = arith.constant 0 : i32
          %dma_start3A_452 = tpu.memref_slice %arg8[%add3A_412, %dma_start3A_451] : memref<16x128xi32, #tpu.memory_space<vmem>> -> memref<1x128xi32, #tpu.memory_space<vmem>>
          %dma_start3A_453 = tpu.memref_squeeze %dma_start3A_452 : memref<1x128xi32, #tpu.memory_space<vmem>> -> memref<128xi32, #tpu.memory_space<vmem>>
          %dma_start3A_454 = arith.constant 0 : i32
          %dma_start3A_455 = arith.constant 0 : i32
          %dma_start3A_456 = tpu.memref_slice %arg13[%dma_start3A_454, %dma_start3A_455] : memref<10240x128xf32, #tpu.memory_space<vmem_shared>> -> memref<10240x128xf32, #tpu.memory_space<vmem_shared>>
          tpu.enqueue_indirect_dma source(%arg9 : memref<128x128xf32, #tpu.memory_space<vmem>>) target(%dma_start3A_456 : memref<10240x128xf32, #tpu.memory_space<vmem_shared>>) offsets(%dma_start3A_453 : memref<128xi32, #tpu.memory_space<vmem>>) semaphore(%run_scoped3A : memref<!tpu.dma_semaphore, #tpu.memory_space<semaphore_mem>>) {add = true}
          %dma_wait3A_457 = arith.constant 0 : i32
          %dma_wait3A_458 = tpu.memref_slice %arg8[%add3A_412, %dma_wait3A_457] : memref<16x128xi32, #tpu.memory_space<vmem>> -> memref<1x128xi32, #tpu.memory_space<vmem>>
          %dma_wait3A_459 = tpu.memref_squeeze %dma_wait3A_458 : memref<1x128xi32, #tpu.memory_space<vmem>> -> memref<128xi32, #tpu.memory_space<vmem>>
          %dma_wait3A_460 = arith.constant 0 : i32
          %dma_wait3A_461 = arith.constant 0 : i32
          %dma_wait3A_462 = tpu.memref_slice %arg13[%dma_wait3A_460, %dma_wait3A_461] : memref<10240x128xf32, #tpu.memory_space<vmem_shared>> -> memref<10240x128xf32, #tpu.memory_space<vmem_shared>>
          tpu.wait_indirect_dma semaphore(%run_scoped3A : memref<!tpu.dma_semaphore, #tpu.memory_space<semaphore_mem>>) src(%arg9 : memref<128x128xf32, #tpu.memory_space<vmem>>) dst(%dma_wait3A_462 : memref<10240x128xf32, #tpu.memory_space<vmem_shared>>)
          tpu.yield
        }) : () -> ()
        %add3A_423 = arith.constant 2 : i32
        %add3A_424 = arith.addi %add3A_412, %add3A_423 : i32
        %lt3A = arith.constant 16 : i32
        %lt3A_425 = arith.cmpi slt, %add3A_424, %lt3A : i32
        %convert_element_type3A_426 = arith.extui %lt3A_425 : i1 to i32
        %cond3A_427 = arith.constant 0 : i32
        %cond3A_428 = arith.cmpi ne, %convert_element_type3A_426, %cond3A_427 : i32
        scf.if %cond3A_428 {
          %add3A_451 = arith.constant 2 : i32
          %add3A_452 = arith.addi %add3A_412, %add3A_451 : i32
          %dma_start3A_453 = arith.constant 0 : i32
          %dma_start3A_454 = tpu.memref_slice %arg7[%add3A_452, %dma_start3A_453] : memref<16x128xi32, #tpu.memory_space<vmem>> -> memref<1x128xi32, #tpu.memory_space<vmem>>
          %dma_start3A_455 = tpu.memref_squeeze %dma_start3A_454 : memref<1x128xi32, #tpu.memory_space<vmem>> -> memref<128xi32, #tpu.memory_space<vmem>>
          %dma_start3A_456 = arith.constant 0 : i32
          %dma_start3A_457 = arith.constant 0 : i32
          %dma_start3A_458 = tpu.memref_slice %arg2[%dma_start3A_456, %dma_start3A_457] : memref<10240x128xf32, #tpu.memory_space<hbm>> -> memref<10240x128xf32, #tpu.memory_space<hbm>>
          tpu.enqueue_indirect_dma source(%dma_start3A_458 : memref<10240x128xf32, #tpu.memory_space<hbm>>) target(%arg9 : memref<128x128xf32, #tpu.memory_space<vmem>>) offsets(%dma_start3A_455 : memref<128xi32, #tpu.memory_space<vmem>>) semaphore(%arg15 : memref<!tpu.dma_semaphore, #tpu.memory_space<semaphore_mem>>)
        } else {
        }
        %mul3A_429 = arith.constant 2 : i32
        %mul3A_430 = arith.muli %scan3A_408, %mul3A_429 : i32
        %add3A_431 = arith.constant 1 : i32
        %add3A_432 = arith.addi %mul3A_430, %add3A_431 : i32
        %dma_wait3A_433 = arith.constant 0 : i32
        %dma_wait3A_434 = tpu.memref_slice %arg7[%add3A_432, %dma_wait3A_433] : memref<16x128xi32, #tpu.memory_space<vmem>> -> memref<1x128xi32, #tpu.memory_space<vmem>>
        %dma_wait3A_435 = tpu.memref_squeeze %dma_wait3A_434 : memref<1x128xi32, #tpu.memory_space<vmem>> -> memref<128xi32, #tpu.memory_space<vmem>>
        %dma_wait3A_436 = arith.constant 0 : i32
        %dma_wait3A_437 = arith.constant 0 : i32
        %dma_wait3A_438 = tpu.memref_slice %arg2[%dma_wait3A_436, %dma_wait3A_437] : memref<10240x128xf32, #tpu.memory_space<hbm>> -> memref<10240x128xf32, #tpu.memory_space<hbm>>
        tpu.wait_indirect_dma semaphore(%arg16 : memref<!tpu.dma_semaphore, #tpu.memory_space<semaphore_mem>>) src(%dma_wait3A_438 : memref<10240x128xf32, #tpu.memory_space<hbm>>) dst(%arg10 : memref<128x128xf32, #tpu.memory_space<vmem>>)
        %dma_start3A_439 = arith.constant 0 : i32
        %dma_start3A_440 = tpu.memref_slice %arg8[%add3A_432, %dma_start3A_439] : memref<16x128xi32, #tpu.memory_space<vmem>> -> memref<1x128xi32, #tpu.memory_space<vmem>>
        %dma_start3A_441 = tpu.memref_squeeze %dma_start3A_440 : memref<1x128xi32, #tpu.memory_space<vmem>> -> memref<128xi32, #tpu.memory_space<vmem>>
        %dma_start3A_442 = arith.constant 0 : i32
        %dma_start3A_443 = tpu.memref_slice %arg14[%dma_start3A_442] : memref<10240xf32, #tpu.memory_space<vmem_shared>> -> memref<10240xf32, #tpu.memory_space<vmem_shared>>
        tpu.enqueue_indirect_dma source(%arg11 : memref<128xf32, #tpu.memory_space<vmem>>) target(%dma_start3A_443 : memref<10240xf32, #tpu.memory_space<vmem_shared>>) offsets(%dma_start3A_441 : memref<128xi32, #tpu.memory_space<vmem>>) semaphore(%arg17 : memref<!tpu.dma_semaphore, #tpu.memory_space<semaphore_mem>>) {add = true}
        "tpu.region"() ({
          %run_scoped3A = tpu.sem_alloc : memref<!tpu.dma_semaphore, #tpu.memory_space<semaphore_mem>>
          %dma_start3A_451 = arith.constant 0 : i32
          %dma_start3A_452 = tpu.memref_slice %arg8[%add3A_432, %dma_start3A_451] : memref<16x128xi32, #tpu.memory_space<vmem>> -> memref<1x128xi32, #tpu.memory_space<vmem>>
          %dma_start3A_453 = tpu.memref_squeeze %dma_start3A_452 : memref<1x128xi32, #tpu.memory_space<vmem>> -> memref<128xi32, #tpu.memory_space<vmem>>
          %dma_start3A_454 = arith.constant 0 : i32
          %dma_start3A_455 = arith.constant 0 : i32
          %dma_start3A_456 = tpu.memref_slice %arg13[%dma_start3A_454, %dma_start3A_455] : memref<10240x128xf32, #tpu.memory_space<vmem_shared>> -> memref<10240x128xf32, #tpu.memory_space<vmem_shared>>
          tpu.enqueue_indirect_dma source(%arg10 : memref<128x128xf32, #tpu.memory_space<vmem>>) target(%dma_start3A_456 : memref<10240x128xf32, #tpu.memory_space<vmem_shared>>) offsets(%dma_start3A_453 : memref<128xi32, #tpu.memory_space<vmem>>) semaphore(%run_scoped3A : memref<!tpu.dma_semaphore, #tpu.memory_space<semaphore_mem>>) {add = true}
          %dma_wait3A_457 = arith.constant 0 : i32
          %dma_wait3A_458 = tpu.memref_slice %arg8[%add3A_432, %dma_wait3A_457] : memref<16x128xi32, #tpu.memory_space<vmem>> -> memref<1x128xi32, #tpu.memory_space<vmem>>
          %dma_wait3A_459 = tpu.memref_squeeze %dma_wait3A_458 : memref<1x128xi32, #tpu.memory_space<vmem>> -> memref<128xi32, #tpu.memory_space<vmem>>
          %dma_wait3A_460 = arith.constant 0 : i32
          %dma_wait3A_461 = arith.constant 0 : i32
          %dma_wait3A_462 = tpu.memref_slice %arg13[%dma_wait3A_460, %dma_wait3A_461] : memref<10240x128xf32, #tpu.memory_space<vmem_shared>> -> memref<10240x128xf32, #tpu.memory_space<vmem_shared>>
          tpu.wait_indirect_dma semaphore(%run_scoped3A : memref<!tpu.dma_semaphore, #tpu.memory_space<semaphore_mem>>) src(%arg10 : memref<128x128xf32, #tpu.memory_space<vmem>>) dst(%dma_wait3A_462 : memref<10240x128xf32, #tpu.memory_space<vmem_shared>>)
          tpu.yield
        }) : () -> ()
        %add3A_444 = arith.constant 2 : i32
        %add3A_445 = arith.addi %add3A_432, %add3A_444 : i32
        %lt3A_446 = arith.constant 16 : i32
        %lt3A_447 = arith.cmpi slt, %add3A_445, %lt3A_446 : i32
        %convert_element_type3A_448 = arith.extui %lt3A_447 : i1 to i32
        %cond3A_449 = arith.constant 0 : i32
        %cond3A_450 = arith.cmpi ne, %convert_element_type3A_448, %cond3A_449 : i32
        scf.if %cond3A_450 {
          %add3A_451 = arith.constant 2 : i32
          %add3A_452 = arith.addi %add3A_432, %add3A_451 : i32
          %dma_start3A_453 = arith.constant 0 : i32
          %dma_start3A_454 = tpu.memref_slice %arg7[%add3A_452, %dma_start3A_453] : memref<16x128xi32, #tpu.memory_space<vmem>> -> memref<1x128xi32, #tpu.memory_space<vmem>>
          %dma_start3A_455 = tpu.memref_squeeze %dma_start3A_454 : memref<1x128xi32, #tpu.memory_space<vmem>> -> memref<128xi32, #tpu.memory_space<vmem>>
          %dma_start3A_456 = arith.constant 0 : i32
          %dma_start3A_457 = arith.constant 0 : i32
          %dma_start3A_458 = tpu.memref_slice %arg2[%dma_start3A_456, %dma_start3A_457] : memref<10240x128xf32, #tpu.memory_space<hbm>> -> memref<10240x128xf32, #tpu.memory_space<hbm>>
          tpu.enqueue_indirect_dma source(%dma_start3A_458 : memref<10240x128xf32, #tpu.memory_space<hbm>>) target(%arg10 : memref<128x128xf32, #tpu.memory_space<vmem>>) offsets(%dma_start3A_455 : memref<128xi32, #tpu.memory_space<vmem>>) semaphore(%arg16 : memref<!tpu.dma_semaphore, #tpu.memory_space<semaphore_mem>>)
        } else {
        }
      }
      %scan3A_401 = arith.constant 8 : i32
      %scan3A_402 = arith.constant 0 : i32
      %scan3A_403 = arith.constant 0 : i32
      %scan3A_404 = arith.constant 16 : i32
      %scan3A_405 = arith.addi %scan3A_403, %scan3A_404 : i32
      %scan3A_406 = arith.constant 1 : i32
      scf.for %scan3A_408 = %scan3A_403 to %scan3A_405 step %scan3A_406  : i32 {
        %dma_wait3A = arith.constant 0 : i32
        %dma_wait3A_409 = tpu.memref_slice %arg8[%scan3A_408, %dma_wait3A] : memref<16x128xi32, #tpu.memory_space<vmem>> -> memref<1x128xi32, #tpu.memory_space<vmem>>
        %dma_wait3A_410 = tpu.memref_squeeze %dma_wait3A_409 : memref<1x128xi32, #tpu.memory_space<vmem>> -> memref<128xi32, #tpu.memory_space<vmem>>
        %dma_wait3A_411 = arith.constant 0 : i32
        %dma_wait3A_412 = tpu.memref_slice %arg14[%dma_wait3A_411] : memref<10240xf32, #tpu.memory_space<vmem_shared>> -> memref<10240xf32, #tpu.memory_space<vmem_shared>>
        tpu.wait_indirect_dma semaphore(%arg17 : memref<!tpu.dma_semaphore, #tpu.memory_space<semaphore_mem>>) src(%arg11 : memref<128xf32, #tpu.memory_space<vmem>>) dst(%dma_wait3A_412 : memref<10240xf32, #tpu.memory_space<vmem_shared>>)
      }
      %scan3A_407 = arith.constant 16 : i32
    } else {
    }
    %gt3A_339 = arith.constant 4 : i32
    %gt3A_340 = arith.cmpi sgt, %select_n3A_8, %gt3A_339 : i32
    %convert_element_type3A_341 = arith.extui %gt3A_340 : i1 to i32
    %cond3A_342 = arith.constant 0 : i32
    %cond3A_343 = arith.cmpi ne, %convert_element_type3A_341, %cond3A_342 : i32
    scf.if %cond3A_343 {
      %add3A_379 = arith.constant 64 : i32
      %add3A_380 = arith.addi %select_n3A, %add3A_379 : i32
      "tpu.region"() ({
        %run_scoped3A = tpu.sem_alloc : memref<!tpu.dma_semaphore, #tpu.memory_space<semaphore_mem>>
        %dma_start3A_408 = arith.constant 0 : i32
        %dma_start3A_409 = tpu.memref_slice %arg3[%add3A_380, %dma_start3A_408] : memref<2560x128xi32, #tpu.memory_space<hbm>> -> memref<16x128xi32, #tpu.memory_space<hbm>>
        %dma_start3A_410 = arith.constant 0 : i32
        %dma_start3A_411 = tpu.memref_slice %arg3[%add3A_380, %dma_start3A_410] : memref<2560x128xi32, #tpu.memory_space<hbm>> -> memref<16x128xi32, #tpu.memory_space<hbm>>
        tpu.enqueue_dma source(%dma_start3A_411 : memref<16x128xi32, #tpu.memory_space<hbm>>) target(%arg7 : memref<16x128xi32, #tpu.memory_space<vmem>>) target_semaphore(%run_scoped3A : memref<!tpu.dma_semaphore, #tpu.memory_space<semaphore_mem>>)
        %dma_wait3A = arith.constant 0 : i32
        %dma_wait3A_412 = tpu.memref_slice %arg3[%add3A_380, %dma_wait3A] : memref<2560x128xi32, #tpu.memory_space<hbm>> -> memref<16x128xi32, #tpu.memory_space<hbm>>
        %dma_wait3A_413 = arith.constant 0 : i32
        %dma_wait3A_414 = tpu.memref_slice %arg3[%add3A_380, %dma_wait3A_413] : memref<2560x128xi32, #tpu.memory_space<hbm>> -> memref<16x128xi32, #tpu.memory_space<hbm>>
        tpu.wait_dma2 semaphore(%run_scoped3A : memref<!tpu.dma_semaphore, #tpu.memory_space<semaphore_mem>>) src(%dma_wait3A_414 : memref<16x128xi32, #tpu.memory_space<hbm>>) dst(%arg7 : memref<16x128xi32, #tpu.memory_space<vmem>>)
        tpu.yield
      }) : () -> ()
      %add3A_381 = arith.constant 64 : i32
      %add3A_382 = arith.addi %select_n3A, %add3A_381 : i32
      "tpu.region"() ({
        %run_scoped3A = tpu.sem_alloc : memref<!tpu.dma_semaphore, #tpu.memory_space<semaphore_mem>>
        %dma_start3A_408 = arith.constant 0 : i32
        %dma_start3A_409 = tpu.memref_slice %arg4[%add3A_382, %dma_start3A_408] : memref<2560x128xi32, #tpu.memory_space<hbm>> -> memref<16x128xi32, #tpu.memory_space<hbm>>
        %dma_start3A_410 = arith.constant 0 : i32
        %dma_start3A_411 = tpu.memref_slice %arg4[%add3A_382, %dma_start3A_410] : memref<2560x128xi32, #tpu.memory_space<hbm>> -> memref<16x128xi32, #tpu.memory_space<hbm>>
        tpu.enqueue_dma source(%dma_start3A_411 : memref<16x128xi32, #tpu.memory_space<hbm>>) target(%arg8 : memref<16x128xi32, #tpu.memory_space<vmem>>) target_semaphore(%run_scoped3A : memref<!tpu.dma_semaphore, #tpu.memory_space<semaphore_mem>>)
        %dma_wait3A = arith.constant 0 : i32
        %dma_wait3A_412 = tpu.memref_slice %arg4[%add3A_382, %dma_wait3A] : memref<2560x128xi32, #tpu.memory_space<hbm>> -> memref<16x128xi32, #tpu.memory_space<hbm>>
        %dma_wait3A_413 = arith.constant 0 : i32
        %dma_wait3A_414 = tpu.memref_slice %arg4[%add3A_382, %dma_wait3A_413] : memref<2560x128xi32, #tpu.memory_space<hbm>> -> memref<16x128xi32, #tpu.memory_space<hbm>>
        tpu.wait_dma2 semaphore(%run_scoped3A : memref<!tpu.dma_semaphore, #tpu.memory_space<semaphore_mem>>) src(%dma_wait3A_414 : memref<16x128xi32, #tpu.memory_space<hbm>>) dst(%arg8 : memref<16x128xi32, #tpu.memory_space<vmem>>)
        tpu.yield
      }) : () -> ()
      %dma_start3A = arith.constant 0 : i32
      %dma_start3A_383 = arith.constant 0 : i32
      %dma_start3A_384 = tpu.memref_slice %arg7[%dma_start3A, %dma_start3A_383] : memref<16x128xi32, #tpu.memory_space<vmem>> -> memref<1x128xi32, #tpu.memory_space<vmem>>
      %dma_start3A_385 = tpu.memref_squeeze %dma_start3A_384 : memref<1x128xi32, #tpu.memory_space<vmem>> -> memref<128xi32, #tpu.memory_space<vmem>>
      %dma_start3A_386 = arith.constant 0 : i32
      %dma_start3A_387 = arith.constant 0 : i32
      %dma_start3A_388 = tpu.memref_slice %arg2[%dma_start3A_386, %dma_start3A_387] : memref<10240x128xf32, #tpu.memory_space<hbm>> -> memref<10240x128xf32, #tpu.memory_space<hbm>>
      tpu.enqueue_indirect_dma source(%dma_start3A_388 : memref<10240x128xf32, #tpu.memory_space<hbm>>) target(%arg9 : memref<128x128xf32, #tpu.memory_space<vmem>>) offsets(%dma_start3A_385 : memref<128xi32, #tpu.memory_space<vmem>>) semaphore(%arg15 : memref<!tpu.dma_semaphore, #tpu.memory_space<semaphore_mem>>)
      %dma_start3A_389 = arith.constant 1 : i32
      %dma_start3A_390 = arith.constant 0 : i32
      %dma_start3A_391 = tpu.memref_slice %arg7[%dma_start3A_389, %dma_start3A_390] : memref<16x128xi32, #tpu.memory_space<vmem>> -> memref<1x128xi32, #tpu.memory_space<vmem>>
      %dma_start3A_392 = tpu.memref_squeeze %dma_start3A_391 : memref<1x128xi32, #tpu.memory_space<vmem>> -> memref<128xi32, #tpu.memory_space<vmem>>
      %dma_start3A_393 = arith.constant 0 : i32
      %dma_start3A_394 = arith.constant 0 : i32
      %dma_start3A_395 = tpu.memref_slice %arg2[%dma_start3A_393, %dma_start3A_394] : memref<10240x128xf32, #tpu.memory_space<hbm>> -> memref<10240x128xf32, #tpu.memory_space<hbm>>
      tpu.enqueue_indirect_dma source(%dma_start3A_395 : memref<10240x128xf32, #tpu.memory_space<hbm>>) target(%arg10 : memref<128x128xf32, #tpu.memory_space<vmem>>) offsets(%dma_start3A_392 : memref<128xi32, #tpu.memory_space<vmem>>) semaphore(%arg16 : memref<!tpu.dma_semaphore, #tpu.memory_space<semaphore_mem>>)
      %scan3A_396 = arith.constant 0 : i32
      %scan3A_397 = arith.constant 0 : i32
      %scan3A_398 = arith.constant 8 : i32
      %scan3A_399 = arith.addi %scan3A_397, %scan3A_398 : i32
      %scan3A_400 = arith.constant 1 : i32
      scf.for %scan3A_408 = %scan3A_397 to %scan3A_399 step %scan3A_400  : i32 {
        %mul3A_409 = arith.constant 2 : i32
        %mul3A_410 = arith.muli %scan3A_408, %mul3A_409 : i32
        %add3A_411 = arith.constant 0 : i32
        %add3A_412 = arith.addi %mul3A_410, %add3A_411 : i32
        %dma_wait3A = arith.constant 0 : i32
        %dma_wait3A_413 = tpu.memref_slice %arg7[%add3A_412, %dma_wait3A] : memref<16x128xi32, #tpu.memory_space<vmem>> -> memref<1x128xi32, #tpu.memory_space<vmem>>
        %dma_wait3A_414 = tpu.memref_squeeze %dma_wait3A_413 : memref<1x128xi32, #tpu.memory_space<vmem>> -> memref<128xi32, #tpu.memory_space<vmem>>
        %dma_wait3A_415 = arith.constant 0 : i32
        %dma_wait3A_416 = arith.constant 0 : i32
        %dma_wait3A_417 = tpu.memref_slice %arg2[%dma_wait3A_415, %dma_wait3A_416] : memref<10240x128xf32, #tpu.memory_space<hbm>> -> memref<10240x128xf32, #tpu.memory_space<hbm>>
        tpu.wait_indirect_dma semaphore(%arg15 : memref<!tpu.dma_semaphore, #tpu.memory_space<semaphore_mem>>) src(%dma_wait3A_417 : memref<10240x128xf32, #tpu.memory_space<hbm>>) dst(%arg9 : memref<128x128xf32, #tpu.memory_space<vmem>>)
        %dma_start3A_418 = arith.constant 0 : i32
        %dma_start3A_419 = tpu.memref_slice %arg8[%add3A_412, %dma_start3A_418] : memref<16x128xi32, #tpu.memory_space<vmem>> -> memref<1x128xi32, #tpu.memory_space<vmem>>
        %dma_start3A_420 = tpu.memref_squeeze %dma_start3A_419 : memref<1x128xi32, #tpu.memory_space<vmem>> -> memref<128xi32, #tpu.memory_space<vmem>>
        %dma_start3A_421 = arith.constant 0 : i32
        %dma_start3A_422 = tpu.memref_slice %arg14[%dma_start3A_421] : memref<10240xf32, #tpu.memory_space<vmem_shared>> -> memref<10240xf32, #tpu.memory_space<vmem_shared>>
        tpu.enqueue_indirect_dma source(%arg11 : memref<128xf32, #tpu.memory_space<vmem>>) target(%dma_start3A_422 : memref<10240xf32, #tpu.memory_space<vmem_shared>>) offsets(%dma_start3A_420 : memref<128xi32, #tpu.memory_space<vmem>>) semaphore(%arg17 : memref<!tpu.dma_semaphore, #tpu.memory_space<semaphore_mem>>) {add = true}
        "tpu.region"() ({
          %run_scoped3A = tpu.sem_alloc : memref<!tpu.dma_semaphore, #tpu.memory_space<semaphore_mem>>
          %dma_start3A_451 = arith.constant 0 : i32
          %dma_start3A_452 = tpu.memref_slice %arg8[%add3A_412, %dma_start3A_451] : memref<16x128xi32, #tpu.memory_space<vmem>> -> memref<1x128xi32, #tpu.memory_space<vmem>>
          %dma_start3A_453 = tpu.memref_squeeze %dma_start3A_452 : memref<1x128xi32, #tpu.memory_space<vmem>> -> memref<128xi32, #tpu.memory_space<vmem>>
          %dma_start3A_454 = arith.constant 0 : i32
          %dma_start3A_455 = arith.constant 0 : i32
          %dma_start3A_456 = tpu.memref_slice %arg13[%dma_start3A_454, %dma_start3A_455] : memref<10240x128xf32, #tpu.memory_space<vmem_shared>> -> memref<10240x128xf32, #tpu.memory_space<vmem_shared>>
          tpu.enqueue_indirect_dma source(%arg9 : memref<128x128xf32, #tpu.memory_space<vmem>>) target(%dma_start3A_456 : memref<10240x128xf32, #tpu.memory_space<vmem_shared>>) offsets(%dma_start3A_453 : memref<128xi32, #tpu.memory_space<vmem>>) semaphore(%run_scoped3A : memref<!tpu.dma_semaphore, #tpu.memory_space<semaphore_mem>>) {add = true}
          %dma_wait3A_457 = arith.constant 0 : i32
          %dma_wait3A_458 = tpu.memref_slice %arg8[%add3A_412, %dma_wait3A_457] : memref<16x128xi32, #tpu.memory_space<vmem>> -> memref<1x128xi32, #tpu.memory_space<vmem>>
          %dma_wait3A_459 = tpu.memref_squeeze %dma_wait3A_458 : memref<1x128xi32, #tpu.memory_space<vmem>> -> memref<128xi32, #tpu.memory_space<vmem>>
          %dma_wait3A_460 = arith.constant 0 : i32
          %dma_wait3A_461 = arith.constant 0 : i32
          %dma_wait3A_462 = tpu.memref_slice %arg13[%dma_wait3A_460, %dma_wait3A_461] : memref<10240x128xf32, #tpu.memory_space<vmem_shared>> -> memref<10240x128xf32, #tpu.memory_space<vmem_shared>>
          tpu.wait_indirect_dma semaphore(%run_scoped3A : memref<!tpu.dma_semaphore, #tpu.memory_space<semaphore_mem>>) src(%arg9 : memref<128x128xf32, #tpu.memory_space<vmem>>) dst(%dma_wait3A_462 : memref<10240x128xf32, #tpu.memory_space<vmem_shared>>)
          tpu.yield
        }) : () -> ()
        %add3A_423 = arith.constant 2 : i32
        %add3A_424 = arith.addi %add3A_412, %add3A_423 : i32
        %lt3A = arith.constant 16 : i32
        %lt3A_425 = arith.cmpi slt, %add3A_424, %lt3A : i32
        %convert_element_type3A_426 = arith.extui %lt3A_425 : i1 to i32
        %cond3A_427 = arith.constant 0 : i32
        %cond3A_428 = arith.cmpi ne, %convert_element_type3A_426, %cond3A_427 : i32
        scf.if %cond3A_428 {
          %add3A_451 = arith.constant 2 : i32
          %add3A_452 = arith.addi %add3A_412, %add3A_451 : i32
          %dma_start3A_453 = arith.constant 0 : i32
          %dma_start3A_454 = tpu.memref_slice %arg7[%add3A_452, %dma_start3A_453] : memref<16x128xi32, #tpu.memory_space<vmem>> -> memref<1x128xi32, #tpu.memory_space<vmem>>
          %dma_start3A_455 = tpu.memref_squeeze %dma_start3A_454 : memref<1x128xi32, #tpu.memory_space<vmem>> -> memref<128xi32, #tpu.memory_space<vmem>>
          %dma_start3A_456 = arith.constant 0 : i32
          %dma_start3A_457 = arith.constant 0 : i32
          %dma_start3A_458 = tpu.memref_slice %arg2[%dma_start3A_456, %dma_start3A_457] : memref<10240x128xf32, #tpu.memory_space<hbm>> -> memref<10240x128xf32, #tpu.memory_space<hbm>>
          tpu.enqueue_indirect_dma source(%dma_start3A_458 : memref<10240x128xf32, #tpu.memory_space<hbm>>) target(%arg9 : memref<128x128xf32, #tpu.memory_space<vmem>>) offsets(%dma_start3A_455 : memref<128xi32, #tpu.memory_space<vmem>>) semaphore(%arg15 : memref<!tpu.dma_semaphore, #tpu.memory_space<semaphore_mem>>)
        } else {
        }
        %mul3A_429 = arith.constant 2 : i32
        %mul3A_430 = arith.muli %scan3A_408, %mul3A_429 : i32
        %add3A_431 = arith.constant 1 : i32
        %add3A_432 = arith.addi %mul3A_430, %add3A_431 : i32
        %dma_wait3A_433 = arith.constant 0 : i32
        %dma_wait3A_434 = tpu.memref_slice %arg7[%add3A_432, %dma_wait3A_433] : memref<16x128xi32, #tpu.memory_space<vmem>> -> memref<1x128xi32, #tpu.memory_space<vmem>>
        %dma_wait3A_435 = tpu.memref_squeeze %dma_wait3A_434 : memref<1x128xi32, #tpu.memory_space<vmem>> -> memref<128xi32, #tpu.memory_space<vmem>>
        %dma_wait3A_436 = arith.constant 0 : i32
        %dma_wait3A_437 = arith.constant 0 : i32
        %dma_wait3A_438 = tpu.memref_slice %arg2[%dma_wait3A_436, %dma_wait3A_437] : memref<10240x128xf32, #tpu.memory_space<hbm>> -> memref<10240x128xf32, #tpu.memory_space<hbm>>
        tpu.wait_indirect_dma semaphore(%arg16 : memref<!tpu.dma_semaphore, #tpu.memory_space<semaphore_mem>>) src(%dma_wait3A_438 : memref<10240x128xf32, #tpu.memory_space<hbm>>) dst(%arg10 : memref<128x128xf32, #tpu.memory_space<vmem>>)
        %dma_start3A_439 = arith.constant 0 : i32
        %dma_start3A_440 = tpu.memref_slice %arg8[%add3A_432, %dma_start3A_439] : memref<16x128xi32, #tpu.memory_space<vmem>> -> memref<1x128xi32, #tpu.memory_space<vmem>>
        %dma_start3A_441 = tpu.memref_squeeze %dma_start3A_440 : memref<1x128xi32, #tpu.memory_space<vmem>> -> memref<128xi32, #tpu.memory_space<vmem>>
        %dma_start3A_442 = arith.constant 0 : i32
        %dma_start3A_443 = tpu.memref_slice %arg14[%dma_start3A_442] : memref<10240xf32, #tpu.memory_space<vmem_shared>> -> memref<10240xf32, #tpu.memory_space<vmem_shared>>
        tpu.enqueue_indirect_dma source(%arg11 : memref<128xf32, #tpu.memory_space<vmem>>) target(%dma_start3A_443 : memref<10240xf32, #tpu.memory_space<vmem_shared>>) offsets(%dma_start3A_441 : memref<128xi32, #tpu.memory_space<vmem>>) semaphore(%arg17 : memref<!tpu.dma_semaphore, #tpu.memory_space<semaphore_mem>>) {add = true}
        "tpu.region"() ({
          %run_scoped3A = tpu.sem_alloc : memref<!tpu.dma_semaphore, #tpu.memory_space<semaphore_mem>>
          %dma_start3A_451 = arith.constant 0 : i32
          %dma_start3A_452 = tpu.memref_slice %arg8[%add3A_432, %dma_start3A_451] : memref<16x128xi32, #tpu.memory_space<vmem>> -> memref<1x128xi32, #tpu.memory_space<vmem>>
          %dma_start3A_453 = tpu.memref_squeeze %dma_start3A_452 : memref<1x128xi32, #tpu.memory_space<vmem>> -> memref<128xi32, #tpu.memory_space<vmem>>
          %dma_start3A_454 = arith.constant 0 : i32
          %dma_start3A_455 = arith.constant 0 : i32
          %dma_start3A_456 = tpu.memref_slice %arg13[%dma_start3A_454, %dma_start3A_455] : memref<10240x128xf32, #tpu.memory_space<vmem_shared>> -> memref<10240x128xf32, #tpu.memory_space<vmem_shared>>
          tpu.enqueue_indirect_dma source(%arg10 : memref<128x128xf32, #tpu.memory_space<vmem>>) target(%dma_start3A_456 : memref<10240x128xf32, #tpu.memory_space<vmem_shared>>) offsets(%dma_start3A_453 : memref<128xi32, #tpu.memory_space<vmem>>) semaphore(%run_scoped3A : memref<!tpu.dma_semaphore, #tpu.memory_space<semaphore_mem>>) {add = true}
          %dma_wait3A_457 = arith.constant 0 : i32
          %dma_wait3A_458 = tpu.memref_slice %arg8[%add3A_432, %dma_wait3A_457] : memref<16x128xi32, #tpu.memory_space<vmem>> -> memref<1x128xi32, #tpu.memory_space<vmem>>
          %dma_wait3A_459 = tpu.memref_squeeze %dma_wait3A_458 : memref<1x128xi32, #tpu.memory_space<vmem>> -> memref<128xi32, #tpu.memory_space<vmem>>
          %dma_wait3A_460 = arith.constant 0 : i32
          %dma_wait3A_461 = arith.constant 0 : i32
          %dma_wait3A_462 = tpu.memref_slice %arg13[%dma_wait3A_460, %dma_wait3A_461] : memref<10240x128xf32, #tpu.memory_space<vmem_shared>> -> memref<10240x128xf32, #tpu.memory_space<vmem_shared>>
          tpu.wait_indirect_dma semaphore(%run_scoped3A : memref<!tpu.dma_semaphore, #tpu.memory_space<semaphore_mem>>) src(%arg10 : memref<128x128xf32, #tpu.memory_space<vmem>>) dst(%dma_wait3A_462 : memref<10240x128xf32, #tpu.memory_space<vmem_shared>>)
          tpu.yield
        }) : () -> ()
        %add3A_444 = arith.constant 2 : i32
        %add3A_445 = arith.addi %add3A_432, %add3A_444 : i32
        %lt3A_446 = arith.constant 16 : i32
        %lt3A_447 = arith.cmpi slt, %add3A_445, %lt3A_446 : i32
        %convert_element_type3A_448 = arith.extui %lt3A_447 : i1 to i32
        %cond3A_449 = arith.constant 0 : i32
        %cond3A_450 = arith.cmpi ne, %convert_element_type3A_448, %cond3A_449 : i32
        scf.if %cond3A_450 {
          %add3A_451 = arith.constant 2 : i32
          %add3A_452 = arith.addi %add3A_432, %add3A_451 : i32
          %dma_start3A_453 = arith.constant 0 : i32
          %dma_start3A_454 = tpu.memref_slice %arg7[%add3A_452, %dma_start3A_453] : memref<16x128xi32, #tpu.memory_space<vmem>> -> memref<1x128xi32, #tpu.memory_space<vmem>>
          %dma_start3A_455 = tpu.memref_squeeze %dma_start3A_454 : memref<1x128xi32, #tpu.memory_space<vmem>> -> memref<128xi32, #tpu.memory_space<vmem>>
          %dma_start3A_456 = arith.constant 0 : i32
          %dma_start3A_457 = arith.constant 0 : i32
          %dma_start3A_458 = tpu.memref_slice %arg2[%dma_start3A_456, %dma_start3A_457] : memref<10240x128xf32, #tpu.memory_space<hbm>> -> memref<10240x128xf32, #tpu.memory_space<hbm>>
          tpu.enqueue_indirect_dma source(%dma_start3A_458 : memref<10240x128xf32, #tpu.memory_space<hbm>>) target(%arg10 : memref<128x128xf32, #tpu.memory_space<vmem>>) offsets(%dma_start3A_455 : memref<128xi32, #tpu.memory_space<vmem>>) semaphore(%arg16 : memref<!tpu.dma_semaphore, #tpu.memory_space<semaphore_mem>>)
        } else {
        }
      }
      %scan3A_401 = arith.constant 8 : i32
      %scan3A_402 = arith.constant 0 : i32
      %scan3A_403 = arith.constant 0 : i32
      %scan3A_404 = arith.constant 16 : i32
      %scan3A_405 = arith.addi %scan3A_403, %scan3A_404 : i32
      %scan3A_406 = arith.constant 1 : i32
      scf.for %scan3A_408 = %scan3A_403 to %scan3A_405 step %scan3A_406  : i32 {
        %dma_wait3A = arith.constant 0 : i32
        %dma_wait3A_409 = tpu.memref_slice %arg8[%scan3A_408, %dma_wait3A] : memref<16x128xi32, #tpu.memory_space<vmem>> -> memref<1x128xi32, #tpu.memory_space<vmem>>
        %dma_wait3A_410 = tpu.memref_squeeze %dma_wait3A_409 : memref<1x128xi32, #tpu.memory_space<vmem>> -> memref<128xi32, #tpu.memory_space<vmem>>
        %dma_wait3A_411 = arith.constant 0 : i32
        %dma_wait3A_412 = tpu.memref_slice %arg14[%dma_wait3A_411] : memref<10240xf32, #tpu.memory_space<vmem_shared>> -> memref<10240xf32, #tpu.memory_space<vmem_shared>>
        tpu.wait_indirect_dma semaphore(%arg17 : memref<!tpu.dma_semaphore, #tpu.memory_space<semaphore_mem>>) src(%arg11 : memref<128xf32, #tpu.memory_space<vmem>>) dst(%dma_wait3A_412 : memref<10240xf32, #tpu.memory_space<vmem_shared>>)
      }
      %scan3A_407 = arith.constant 16 : i32
    } else {
    }
    %gt3A_344 = arith.constant 5 : i32
    %gt3A_345 = arith.cmpi sgt, %select_n3A_8, %gt3A_344 : i32
    %convert_element_type3A_346 = arith.extui %gt3A_345 : i1 to i32
    %cond3A_347 = arith.constant 0 : i32
    %cond3A_348 = arith.cmpi ne, %convert_element_type3A_346, %cond3A_347 : i32
    scf.if %cond3A_348 {
      %add3A_379 = arith.constant 80 : i32
      %add3A_380 = arith.addi %select_n3A, %add3A_379 : i32
      "tpu.region"() ({
        %run_scoped3A = tpu.sem_alloc : memref<!tpu.dma_semaphore, #tpu.memory_space<semaphore_mem>>
        %dma_start3A_408 = arith.constant 0 : i32
        %dma_start3A_409 = tpu.memref_slice %arg3[%add3A_380, %dma_start3A_408] : memref<2560x128xi32, #tpu.memory_space<hbm>> -> memref<16x128xi32, #tpu.memory_space<hbm>>
        %dma_start3A_410 = arith.constant 0 : i32
        %dma_start3A_411 = tpu.memref_slice %arg3[%add3A_380, %dma_start3A_410] : memref<2560x128xi32, #tpu.memory_space<hbm>> -> memref<16x128xi32, #tpu.memory_space<hbm>>
        tpu.enqueue_dma source(%dma_start3A_411 : memref<16x128xi32, #tpu.memory_space<hbm>>) target(%arg7 : memref<16x128xi32, #tpu.memory_space<vmem>>) target_semaphore(%run_scoped3A : memref<!tpu.dma_semaphore, #tpu.memory_space<semaphore_mem>>)
        %dma_wait3A = arith.constant 0 : i32
        %dma_wait3A_412 = tpu.memref_slice %arg3[%add3A_380, %dma_wait3A] : memref<2560x128xi32, #tpu.memory_space<hbm>> -> memref<16x128xi32, #tpu.memory_space<hbm>>
        %dma_wait3A_413 = arith.constant 0 : i32
        %dma_wait3A_414 = tpu.memref_slice %arg3[%add3A_380, %dma_wait3A_413] : memref<2560x128xi32, #tpu.memory_space<hbm>> -> memref<16x128xi32, #tpu.memory_space<hbm>>
        tpu.wait_dma2 semaphore(%run_scoped3A : memref<!tpu.dma_semaphore, #tpu.memory_space<semaphore_mem>>) src(%dma_wait3A_414 : memref<16x128xi32, #tpu.memory_space<hbm>>) dst(%arg7 : memref<16x128xi32, #tpu.memory_space<vmem>>)
        tpu.yield
      }) : () -> ()
      %add3A_381 = arith.constant 80 : i32
      %add3A_382 = arith.addi %select_n3A, %add3A_381 : i32
      "tpu.region"() ({
        %run_scoped3A = tpu.sem_alloc : memref<!tpu.dma_semaphore, #tpu.memory_space<semaphore_mem>>
        %dma_start3A_408 = arith.constant 0 : i32
        %dma_start3A_409 = tpu.memref_slice %arg4[%add3A_382, %dma_start3A_408] : memref<2560x128xi32, #tpu.memory_space<hbm>> -> memref<16x128xi32, #tpu.memory_space<hbm>>
        %dma_start3A_410 = arith.constant 0 : i32
        %dma_start3A_411 = tpu.memref_slice %arg4[%add3A_382, %dma_start3A_410] : memref<2560x128xi32, #tpu.memory_space<hbm>> -> memref<16x128xi32, #tpu.memory_space<hbm>>
        tpu.enqueue_dma source(%dma_start3A_411 : memref<16x128xi32, #tpu.memory_space<hbm>>) target(%arg8 : memref<16x128xi32, #tpu.memory_space<vmem>>) target_semaphore(%run_scoped3A : memref<!tpu.dma_semaphore, #tpu.memory_space<semaphore_mem>>)
        %dma_wait3A = arith.constant 0 : i32
        %dma_wait3A_412 = tpu.memref_slice %arg4[%add3A_382, %dma_wait3A] : memref<2560x128xi32, #tpu.memory_space<hbm>> -> memref<16x128xi32, #tpu.memory_space<hbm>>
        %dma_wait3A_413 = arith.constant 0 : i32
        %dma_wait3A_414 = tpu.memref_slice %arg4[%add3A_382, %dma_wait3A_413] : memref<2560x128xi32, #tpu.memory_space<hbm>> -> memref<16x128xi32, #tpu.memory_space<hbm>>
        tpu.wait_dma2 semaphore(%run_scoped3A : memref<!tpu.dma_semaphore, #tpu.memory_space<semaphore_mem>>) src(%dma_wait3A_414 : memref<16x128xi32, #tpu.memory_space<hbm>>) dst(%arg8 : memref<16x128xi32, #tpu.memory_space<vmem>>)
        tpu.yield
      }) : () -> ()
      %dma_start3A = arith.constant 0 : i32
      %dma_start3A_383 = arith.constant 0 : i32
      %dma_start3A_384 = tpu.memref_slice %arg7[%dma_start3A, %dma_start3A_383] : memref<16x128xi32, #tpu.memory_space<vmem>> -> memref<1x128xi32, #tpu.memory_space<vmem>>
      %dma_start3A_385 = tpu.memref_squeeze %dma_start3A_384 : memref<1x128xi32, #tpu.memory_space<vmem>> -> memref<128xi32, #tpu.memory_space<vmem>>
      %dma_start3A_386 = arith.constant 0 : i32
      %dma_start3A_387 = arith.constant 0 : i32
      %dma_start3A_388 = tpu.memref_slice %arg2[%dma_start3A_386, %dma_start3A_387] : memref<10240x128xf32, #tpu.memory_space<hbm>> -> memref<10240x128xf32, #tpu.memory_space<hbm>>
      tpu.enqueue_indirect_dma source(%dma_start3A_388 : memref<10240x128xf32, #tpu.memory_space<hbm>>) target(%arg9 : memref<128x128xf32, #tpu.memory_space<vmem>>) offsets(%dma_start3A_385 : memref<128xi32, #tpu.memory_space<vmem>>) semaphore(%arg15 : memref<!tpu.dma_semaphore, #tpu.memory_space<semaphore_mem>>)
      %dma_start3A_389 = arith.constant 1 : i32
      %dma_start3A_390 = arith.constant 0 : i32
      %dma_start3A_391 = tpu.memref_slice %arg7[%dma_start3A_389, %dma_start3A_390] : memref<16x128xi32, #tpu.memory_space<vmem>> -> memref<1x128xi32, #tpu.memory_space<vmem>>
      %dma_start3A_392 = tpu.memref_squeeze %dma_start3A_391 : memref<1x128xi32, #tpu.memory_space<vmem>> -> memref<128xi32, #tpu.memory_space<vmem>>
      %dma_start3A_393 = arith.constant 0 : i32
      %dma_start3A_394 = arith.constant 0 : i32
      %dma_start3A_395 = tpu.memref_slice %arg2[%dma_start3A_393, %dma_start3A_394] : memref<10240x128xf32, #tpu.memory_space<hbm>> -> memref<10240x128xf32, #tpu.memory_space<hbm>>
      tpu.enqueue_indirect_dma source(%dma_start3A_395 : memref<10240x128xf32, #tpu.memory_space<hbm>>) target(%arg10 : memref<128x128xf32, #tpu.memory_space<vmem>>) offsets(%dma_start3A_392 : memref<128xi32, #tpu.memory_space<vmem>>) semaphore(%arg16 : memref<!tpu.dma_semaphore, #tpu.memory_space<semaphore_mem>>)
      %scan3A_396 = arith.constant 0 : i32
      %scan3A_397 = arith.constant 0 : i32
      %scan3A_398 = arith.constant 8 : i32
      %scan3A_399 = arith.addi %scan3A_397, %scan3A_398 : i32
      %scan3A_400 = arith.constant 1 : i32
      scf.for %scan3A_408 = %scan3A_397 to %scan3A_399 step %scan3A_400  : i32 {
        %mul3A_409 = arith.constant 2 : i32
        %mul3A_410 = arith.muli %scan3A_408, %mul3A_409 : i32
        %add3A_411 = arith.constant 0 : i32
        %add3A_412 = arith.addi %mul3A_410, %add3A_411 : i32
        %dma_wait3A = arith.constant 0 : i32
        %dma_wait3A_413 = tpu.memref_slice %arg7[%add3A_412, %dma_wait3A] : memref<16x128xi32, #tpu.memory_space<vmem>> -> memref<1x128xi32, #tpu.memory_space<vmem>>
        %dma_wait3A_414 = tpu.memref_squeeze %dma_wait3A_413 : memref<1x128xi32, #tpu.memory_space<vmem>> -> memref<128xi32, #tpu.memory_space<vmem>>
        %dma_wait3A_415 = arith.constant 0 : i32
        %dma_wait3A_416 = arith.constant 0 : i32
        %dma_wait3A_417 = tpu.memref_slice %arg2[%dma_wait3A_415, %dma_wait3A_416] : memref<10240x128xf32, #tpu.memory_space<hbm>> -> memref<10240x128xf32, #tpu.memory_space<hbm>>
        tpu.wait_indirect_dma semaphore(%arg15 : memref<!tpu.dma_semaphore, #tpu.memory_space<semaphore_mem>>) src(%dma_wait3A_417 : memref<10240x128xf32, #tpu.memory_space<hbm>>) dst(%arg9 : memref<128x128xf32, #tpu.memory_space<vmem>>)
        %dma_start3A_418 = arith.constant 0 : i32
        %dma_start3A_419 = tpu.memref_slice %arg8[%add3A_412, %dma_start3A_418] : memref<16x128xi32, #tpu.memory_space<vmem>> -> memref<1x128xi32, #tpu.memory_space<vmem>>
        %dma_start3A_420 = tpu.memref_squeeze %dma_start3A_419 : memref<1x128xi32, #tpu.memory_space<vmem>> -> memref<128xi32, #tpu.memory_space<vmem>>
        %dma_start3A_421 = arith.constant 0 : i32
        %dma_start3A_422 = tpu.memref_slice %arg14[%dma_start3A_421] : memref<10240xf32, #tpu.memory_space<vmem_shared>> -> memref<10240xf32, #tpu.memory_space<vmem_shared>>
        tpu.enqueue_indirect_dma source(%arg11 : memref<128xf32, #tpu.memory_space<vmem>>) target(%dma_start3A_422 : memref<10240xf32, #tpu.memory_space<vmem_shared>>) offsets(%dma_start3A_420 : memref<128xi32, #tpu.memory_space<vmem>>) semaphore(%arg17 : memref<!tpu.dma_semaphore, #tpu.memory_space<semaphore_mem>>) {add = true}
        "tpu.region"() ({
          %run_scoped3A = tpu.sem_alloc : memref<!tpu.dma_semaphore, #tpu.memory_space<semaphore_mem>>
          %dma_start3A_451 = arith.constant 0 : i32
          %dma_start3A_452 = tpu.memref_slice %arg8[%add3A_412, %dma_start3A_451] : memref<16x128xi32, #tpu.memory_space<vmem>> -> memref<1x128xi32, #tpu.memory_space<vmem>>
          %dma_start3A_453 = tpu.memref_squeeze %dma_start3A_452 : memref<1x128xi32, #tpu.memory_space<vmem>> -> memref<128xi32, #tpu.memory_space<vmem>>
          %dma_start3A_454 = arith.constant 0 : i32
          %dma_start3A_455 = arith.constant 0 : i32
          %dma_start3A_456 = tpu.memref_slice %arg13[%dma_start3A_454, %dma_start3A_455] : memref<10240x128xf32, #tpu.memory_space<vmem_shared>> -> memref<10240x128xf32, #tpu.memory_space<vmem_shared>>
          tpu.enqueue_indirect_dma source(%arg9 : memref<128x128xf32, #tpu.memory_space<vmem>>) target(%dma_start3A_456 : memref<10240x128xf32, #tpu.memory_space<vmem_shared>>) offsets(%dma_start3A_453 : memref<128xi32, #tpu.memory_space<vmem>>) semaphore(%run_scoped3A : memref<!tpu.dma_semaphore, #tpu.memory_space<semaphore_mem>>) {add = true}
          %dma_wait3A_457 = arith.constant 0 : i32
          %dma_wait3A_458 = tpu.memref_slice %arg8[%add3A_412, %dma_wait3A_457] : memref<16x128xi32, #tpu.memory_space<vmem>> -> memref<1x128xi32, #tpu.memory_space<vmem>>
          %dma_wait3A_459 = tpu.memref_squeeze %dma_wait3A_458 : memref<1x128xi32, #tpu.memory_space<vmem>> -> memref<128xi32, #tpu.memory_space<vmem>>
          %dma_wait3A_460 = arith.constant 0 : i32
          %dma_wait3A_461 = arith.constant 0 : i32
          %dma_wait3A_462 = tpu.memref_slice %arg13[%dma_wait3A_460, %dma_wait3A_461] : memref<10240x128xf32, #tpu.memory_space<vmem_shared>> -> memref<10240x128xf32, #tpu.memory_space<vmem_shared>>
          tpu.wait_indirect_dma semaphore(%run_scoped3A : memref<!tpu.dma_semaphore, #tpu.memory_space<semaphore_mem>>) src(%arg9 : memref<128x128xf32, #tpu.memory_space<vmem>>) dst(%dma_wait3A_462 : memref<10240x128xf32, #tpu.memory_space<vmem_shared>>)
          tpu.yield
        }) : () -> ()
        %add3A_423 = arith.constant 2 : i32
        %add3A_424 = arith.addi %add3A_412, %add3A_423 : i32
        %lt3A = arith.constant 16 : i32
        %lt3A_425 = arith.cmpi slt, %add3A_424, %lt3A : i32
        %convert_element_type3A_426 = arith.extui %lt3A_425 : i1 to i32
        %cond3A_427 = arith.constant 0 : i32
        %cond3A_428 = arith.cmpi ne, %convert_element_type3A_426, %cond3A_427 : i32
        scf.if %cond3A_428 {
          %add3A_451 = arith.constant 2 : i32
          %add3A_452 = arith.addi %add3A_412, %add3A_451 : i32
          %dma_start3A_453 = arith.constant 0 : i32
          %dma_start3A_454 = tpu.memref_slice %arg7[%add3A_452, %dma_start3A_453] : memref<16x128xi32, #tpu.memory_space<vmem>> -> memref<1x128xi32, #tpu.memory_space<vmem>>
          %dma_start3A_455 = tpu.memref_squeeze %dma_start3A_454 : memref<1x128xi32, #tpu.memory_space<vmem>> -> memref<128xi32, #tpu.memory_space<vmem>>
          %dma_start3A_456 = arith.constant 0 : i32
          %dma_start3A_457 = arith.constant 0 : i32
          %dma_start3A_458 = tpu.memref_slice %arg2[%dma_start3A_456, %dma_start3A_457] : memref<10240x128xf32, #tpu.memory_space<hbm>> -> memref<10240x128xf32, #tpu.memory_space<hbm>>
          tpu.enqueue_indirect_dma source(%dma_start3A_458 : memref<10240x128xf32, #tpu.memory_space<hbm>>) target(%arg9 : memref<128x128xf32, #tpu.memory_space<vmem>>) offsets(%dma_start3A_455 : memref<128xi32, #tpu.memory_space<vmem>>) semaphore(%arg15 : memref<!tpu.dma_semaphore, #tpu.memory_space<semaphore_mem>>)
        } else {
        }
        %mul3A_429 = arith.constant 2 : i32
        %mul3A_430 = arith.muli %scan3A_408, %mul3A_429 : i32
        %add3A_431 = arith.constant 1 : i32
        %add3A_432 = arith.addi %mul3A_430, %add3A_431 : i32
        %dma_wait3A_433 = arith.constant 0 : i32
        %dma_wait3A_434 = tpu.memref_slice %arg7[%add3A_432, %dma_wait3A_433] : memref<16x128xi32, #tpu.memory_space<vmem>> -> memref<1x128xi32, #tpu.memory_space<vmem>>
        %dma_wait3A_435 = tpu.memref_squeeze %dma_wait3A_434 : memref<1x128xi32, #tpu.memory_space<vmem>> -> memref<128xi32, #tpu.memory_space<vmem>>
        %dma_wait3A_436 = arith.constant 0 : i32
        %dma_wait3A_437 = arith.constant 0 : i32
        %dma_wait3A_438 = tpu.memref_slice %arg2[%dma_wait3A_436, %dma_wait3A_437] : memref<10240x128xf32, #tpu.memory_space<hbm>> -> memref<10240x128xf32, #tpu.memory_space<hbm>>
        tpu.wait_indirect_dma semaphore(%arg16 : memref<!tpu.dma_semaphore, #tpu.memory_space<semaphore_mem>>) src(%dma_wait3A_438 : memref<10240x128xf32, #tpu.memory_space<hbm>>) dst(%arg10 : memref<128x128xf32, #tpu.memory_space<vmem>>)
        %dma_start3A_439 = arith.constant 0 : i32
        %dma_start3A_440 = tpu.memref_slice %arg8[%add3A_432, %dma_start3A_439] : memref<16x128xi32, #tpu.memory_space<vmem>> -> memref<1x128xi32, #tpu.memory_space<vmem>>
        %dma_start3A_441 = tpu.memref_squeeze %dma_start3A_440 : memref<1x128xi32, #tpu.memory_space<vmem>> -> memref<128xi32, #tpu.memory_space<vmem>>
        %dma_start3A_442 = arith.constant 0 : i32
        %dma_start3A_443 = tpu.memref_slice %arg14[%dma_start3A_442] : memref<10240xf32, #tpu.memory_space<vmem_shared>> -> memref<10240xf32, #tpu.memory_space<vmem_shared>>
        tpu.enqueue_indirect_dma source(%arg11 : memref<128xf32, #tpu.memory_space<vmem>>) target(%dma_start3A_443 : memref<10240xf32, #tpu.memory_space<vmem_shared>>) offsets(%dma_start3A_441 : memref<128xi32, #tpu.memory_space<vmem>>) semaphore(%arg17 : memref<!tpu.dma_semaphore, #tpu.memory_space<semaphore_mem>>) {add = true}
        "tpu.region"() ({
          %run_scoped3A = tpu.sem_alloc : memref<!tpu.dma_semaphore, #tpu.memory_space<semaphore_mem>>
          %dma_start3A_451 = arith.constant 0 : i32
          %dma_start3A_452 = tpu.memref_slice %arg8[%add3A_432, %dma_start3A_451] : memref<16x128xi32, #tpu.memory_space<vmem>> -> memref<1x128xi32, #tpu.memory_space<vmem>>
          %dma_start3A_453 = tpu.memref_squeeze %dma_start3A_452 : memref<1x128xi32, #tpu.memory_space<vmem>> -> memref<128xi32, #tpu.memory_space<vmem>>
          %dma_start3A_454 = arith.constant 0 : i32
          %dma_start3A_455 = arith.constant 0 : i32
          %dma_start3A_456 = tpu.memref_slice %arg13[%dma_start3A_454, %dma_start3A_455] : memref<10240x128xf32, #tpu.memory_space<vmem_shared>> -> memref<10240x128xf32, #tpu.memory_space<vmem_shared>>
          tpu.enqueue_indirect_dma source(%arg10 : memref<128x128xf32, #tpu.memory_space<vmem>>) target(%dma_start3A_456 : memref<10240x128xf32, #tpu.memory_space<vmem_shared>>) offsets(%dma_start3A_453 : memref<128xi32, #tpu.memory_space<vmem>>) semaphore(%run_scoped3A : memref<!tpu.dma_semaphore, #tpu.memory_space<semaphore_mem>>) {add = true}
          %dma_wait3A_457 = arith.constant 0 : i32
          %dma_wait3A_458 = tpu.memref_slice %arg8[%add3A_432, %dma_wait3A_457] : memref<16x128xi32, #tpu.memory_space<vmem>> -> memref<1x128xi32, #tpu.memory_space<vmem>>
          %dma_wait3A_459 = tpu.memref_squeeze %dma_wait3A_458 : memref<1x128xi32, #tpu.memory_space<vmem>> -> memref<128xi32, #tpu.memory_space<vmem>>
          %dma_wait3A_460 = arith.constant 0 : i32
          %dma_wait3A_461 = arith.constant 0 : i32
          %dma_wait3A_462 = tpu.memref_slice %arg13[%dma_wait3A_460, %dma_wait3A_461] : memref<10240x128xf32, #tpu.memory_space<vmem_shared>> -> memref<10240x128xf32, #tpu.memory_space<vmem_shared>>
          tpu.wait_indirect_dma semaphore(%run_scoped3A : memref<!tpu.dma_semaphore, #tpu.memory_space<semaphore_mem>>) src(%arg10 : memref<128x128xf32, #tpu.memory_space<vmem>>) dst(%dma_wait3A_462 : memref<10240x128xf32, #tpu.memory_space<vmem_shared>>)
          tpu.yield
        }) : () -> ()
        %add3A_444 = arith.constant 2 : i32
        %add3A_445 = arith.addi %add3A_432, %add3A_444 : i32
        %lt3A_446 = arith.constant 16 : i32
        %lt3A_447 = arith.cmpi slt, %add3A_445, %lt3A_446 : i32
        %convert_element_type3A_448 = arith.extui %lt3A_447 : i1 to i32
        %cond3A_449 = arith.constant 0 : i32
        %cond3A_450 = arith.cmpi ne, %convert_element_type3A_448, %cond3A_449 : i32
        scf.if %cond3A_450 {
          %add3A_451 = arith.constant 2 : i32
          %add3A_452 = arith.addi %add3A_432, %add3A_451 : i32
          %dma_start3A_453 = arith.constant 0 : i32
          %dma_start3A_454 = tpu.memref_slice %arg7[%add3A_452, %dma_start3A_453] : memref<16x128xi32, #tpu.memory_space<vmem>> -> memref<1x128xi32, #tpu.memory_space<vmem>>
          %dma_start3A_455 = tpu.memref_squeeze %dma_start3A_454 : memref<1x128xi32, #tpu.memory_space<vmem>> -> memref<128xi32, #tpu.memory_space<vmem>>
          %dma_start3A_456 = arith.constant 0 : i32
          %dma_start3A_457 = arith.constant 0 : i32
          %dma_start3A_458 = tpu.memref_slice %arg2[%dma_start3A_456, %dma_start3A_457] : memref<10240x128xf32, #tpu.memory_space<hbm>> -> memref<10240x128xf32, #tpu.memory_space<hbm>>
          tpu.enqueue_indirect_dma source(%dma_start3A_458 : memref<10240x128xf32, #tpu.memory_space<hbm>>) target(%arg10 : memref<128x128xf32, #tpu.memory_space<vmem>>) offsets(%dma_start3A_455 : memref<128xi32, #tpu.memory_space<vmem>>) semaphore(%arg16 : memref<!tpu.dma_semaphore, #tpu.memory_space<semaphore_mem>>)
        } else {
        }
      }
      %scan3A_401 = arith.constant 8 : i32
      %scan3A_402 = arith.constant 0 : i32
      %scan3A_403 = arith.constant 0 : i32
      %scan3A_404 = arith.constant 16 : i32
      %scan3A_405 = arith.addi %scan3A_403, %scan3A_404 : i32
      %scan3A_406 = arith.constant 1 : i32
      scf.for %scan3A_408 = %scan3A_403 to %scan3A_405 step %scan3A_406  : i32 {
        %dma_wait3A = arith.constant 0 : i32
        %dma_wait3A_409 = tpu.memref_slice %arg8[%scan3A_408, %dma_wait3A] : memref<16x128xi32, #tpu.memory_space<vmem>> -> memref<1x128xi32, #tpu.memory_space<vmem>>
        %dma_wait3A_410 = tpu.memref_squeeze %dma_wait3A_409 : memref<1x128xi32, #tpu.memory_space<vmem>> -> memref<128xi32, #tpu.memory_space<vmem>>
        %dma_wait3A_411 = arith.constant 0 : i32
        %dma_wait3A_412 = tpu.memref_slice %arg14[%dma_wait3A_411] : memref<10240xf32, #tpu.memory_space<vmem_shared>> -> memref<10240xf32, #tpu.memory_space<vmem_shared>>
        tpu.wait_indirect_dma semaphore(%arg17 : memref<!tpu.dma_semaphore, #tpu.memory_space<semaphore_mem>>) src(%arg11 : memref<128xf32, #tpu.memory_space<vmem>>) dst(%dma_wait3A_412 : memref<10240xf32, #tpu.memory_space<vmem_shared>>)
      }
      %scan3A_407 = arith.constant 16 : i32
    } else {
    }
    %gt3A_349 = arith.constant 6 : i32
    %gt3A_350 = arith.cmpi sgt, %select_n3A_8, %gt3A_349 : i32
    %convert_element_type3A_351 = arith.extui %gt3A_350 : i1 to i32
    %cond3A_352 = arith.constant 0 : i32
    %cond3A_353 = arith.cmpi ne, %convert_element_type3A_351, %cond3A_352 : i32
    scf.if %cond3A_353 {
      %add3A_379 = arith.constant 96 : i32
      %add3A_380 = arith.addi %select_n3A, %add3A_379 : i32
      "tpu.region"() ({
        %run_scoped3A = tpu.sem_alloc : memref<!tpu.dma_semaphore, #tpu.memory_space<semaphore_mem>>
        %dma_start3A_408 = arith.constant 0 : i32
        %dma_start3A_409 = tpu.memref_slice %arg3[%add3A_380, %dma_start3A_408] : memref<2560x128xi32, #tpu.memory_space<hbm>> -> memref<16x128xi32, #tpu.memory_space<hbm>>
        %dma_start3A_410 = arith.constant 0 : i32
        %dma_start3A_411 = tpu.memref_slice %arg3[%add3A_380, %dma_start3A_410] : memref<2560x128xi32, #tpu.memory_space<hbm>> -> memref<16x128xi32, #tpu.memory_space<hbm>>
        tpu.enqueue_dma source(%dma_start3A_411 : memref<16x128xi32, #tpu.memory_space<hbm>>) target(%arg7 : memref<16x128xi32, #tpu.memory_space<vmem>>) target_semaphore(%run_scoped3A : memref<!tpu.dma_semaphore, #tpu.memory_space<semaphore_mem>>)
        %dma_wait3A = arith.constant 0 : i32
        %dma_wait3A_412 = tpu.memref_slice %arg3[%add3A_380, %dma_wait3A] : memref<2560x128xi32, #tpu.memory_space<hbm>> -> memref<16x128xi32, #tpu.memory_space<hbm>>
        %dma_wait3A_413 = arith.constant 0 : i32
        %dma_wait3A_414 = tpu.memref_slice %arg3[%add3A_380, %dma_wait3A_413] : memref<2560x128xi32, #tpu.memory_space<hbm>> -> memref<16x128xi32, #tpu.memory_space<hbm>>
        tpu.wait_dma2 semaphore(%run_scoped3A : memref<!tpu.dma_semaphore, #tpu.memory_space<semaphore_mem>>) src(%dma_wait3A_414 : memref<16x128xi32, #tpu.memory_space<hbm>>) dst(%arg7 : memref<16x128xi32, #tpu.memory_space<vmem>>)
        tpu.yield
      }) : () -> ()
      %add3A_381 = arith.constant 96 : i32
      %add3A_382 = arith.addi %select_n3A, %add3A_381 : i32
      "tpu.region"() ({
        %run_scoped3A = tpu.sem_alloc : memref<!tpu.dma_semaphore, #tpu.memory_space<semaphore_mem>>
        %dma_start3A_408 = arith.constant 0 : i32
        %dma_start3A_409 = tpu.memref_slice %arg4[%add3A_382, %dma_start3A_408] : memref<2560x128xi32, #tpu.memory_space<hbm>> -> memref<16x128xi32, #tpu.memory_space<hbm>>
        %dma_start3A_410 = arith.constant 0 : i32
        %dma_start3A_411 = tpu.memref_slice %arg4[%add3A_382, %dma_start3A_410] : memref<2560x128xi32, #tpu.memory_space<hbm>> -> memref<16x128xi32, #tpu.memory_space<hbm>>
        tpu.enqueue_dma source(%dma_start3A_411 : memref<16x128xi32, #tpu.memory_space<hbm>>) target(%arg8 : memref<16x128xi32, #tpu.memory_space<vmem>>) target_semaphore(%run_scoped3A : memref<!tpu.dma_semaphore, #tpu.memory_space<semaphore_mem>>)
        %dma_wait3A = arith.constant 0 : i32
        %dma_wait3A_412 = tpu.memref_slice %arg4[%add3A_382, %dma_wait3A] : memref<2560x128xi32, #tpu.memory_space<hbm>> -> memref<16x128xi32, #tpu.memory_space<hbm>>
        %dma_wait3A_413 = arith.constant 0 : i32
        %dma_wait3A_414 = tpu.memref_slice %arg4[%add3A_382, %dma_wait3A_413] : memref<2560x128xi32, #tpu.memory_space<hbm>> -> memref<16x128xi32, #tpu.memory_space<hbm>>
        tpu.wait_dma2 semaphore(%run_scoped3A : memref<!tpu.dma_semaphore, #tpu.memory_space<semaphore_mem>>) src(%dma_wait3A_414 : memref<16x128xi32, #tpu.memory_space<hbm>>) dst(%arg8 : memref<16x128xi32, #tpu.memory_space<vmem>>)
        tpu.yield
      }) : () -> ()
      %dma_start3A = arith.constant 0 : i32
      %dma_start3A_383 = arith.constant 0 : i32
      %dma_start3A_384 = tpu.memref_slice %arg7[%dma_start3A, %dma_start3A_383] : memref<16x128xi32, #tpu.memory_space<vmem>> -> memref<1x128xi32, #tpu.memory_space<vmem>>
      %dma_start3A_385 = tpu.memref_squeeze %dma_start3A_384 : memref<1x128xi32, #tpu.memory_space<vmem>> -> memref<128xi32, #tpu.memory_space<vmem>>
      %dma_start3A_386 = arith.constant 0 : i32
      %dma_start3A_387 = arith.constant 0 : i32
      %dma_start3A_388 = tpu.memref_slice %arg2[%dma_start3A_386, %dma_start3A_387] : memref<10240x128xf32, #tpu.memory_space<hbm>> -> memref<10240x128xf32, #tpu.memory_space<hbm>>
      tpu.enqueue_indirect_dma source(%dma_start3A_388 : memref<10240x128xf32, #tpu.memory_space<hbm>>) target(%arg9 : memref<128x128xf32, #tpu.memory_space<vmem>>) offsets(%dma_start3A_385 : memref<128xi32, #tpu.memory_space<vmem>>) semaphore(%arg15 : memref<!tpu.dma_semaphore, #tpu.memory_space<semaphore_mem>>)
      %dma_start3A_389 = arith.constant 1 : i32
      %dma_start3A_390 = arith.constant 0 : i32
      %dma_start3A_391 = tpu.memref_slice %arg7[%dma_start3A_389, %dma_start3A_390] : memref<16x128xi32, #tpu.memory_space<vmem>> -> memref<1x128xi32, #tpu.memory_space<vmem>>
      %dma_start3A_392 = tpu.memref_squeeze %dma_start3A_391 : memref<1x128xi32, #tpu.memory_space<vmem>> -> memref<128xi32, #tpu.memory_space<vmem>>
      %dma_start3A_393 = arith.constant 0 : i32
      %dma_start3A_394 = arith.constant 0 : i32
      %dma_start3A_395 = tpu.memref_slice %arg2[%dma_start3A_393, %dma_start3A_394] : memref<10240x128xf32, #tpu.memory_space<hbm>> -> memref<10240x128xf32, #tpu.memory_space<hbm>>
      tpu.enqueue_indirect_dma source(%dma_start3A_395 : memref<10240x128xf32, #tpu.memory_space<hbm>>) target(%arg10 : memref<128x128xf32, #tpu.memory_space<vmem>>) offsets(%dma_start3A_392 : memref<128xi32, #tpu.memory_space<vmem>>) semaphore(%arg16 : memref<!tpu.dma_semaphore, #tpu.memory_space<semaphore_mem>>)
      %scan3A_396 = arith.constant 0 : i32
      %scan3A_397 = arith.constant 0 : i32
      %scan3A_398 = arith.constant 8 : i32
      %scan3A_399 = arith.addi %scan3A_397, %scan3A_398 : i32
      %scan3A_400 = arith.constant 1 : i32
      scf.for %scan3A_408 = %scan3A_397 to %scan3A_399 step %scan3A_400  : i32 {
        %mul3A_409 = arith.constant 2 : i32
        %mul3A_410 = arith.muli %scan3A_408, %mul3A_409 : i32
        %add3A_411 = arith.constant 0 : i32
        %add3A_412 = arith.addi %mul3A_410, %add3A_411 : i32
        %dma_wait3A = arith.constant 0 : i32
        %dma_wait3A_413 = tpu.memref_slice %arg7[%add3A_412, %dma_wait3A] : memref<16x128xi32, #tpu.memory_space<vmem>> -> memref<1x128xi32, #tpu.memory_space<vmem>>
        %dma_wait3A_414 = tpu.memref_squeeze %dma_wait3A_413 : memref<1x128xi32, #tpu.memory_space<vmem>> -> memref<128xi32, #tpu.memory_space<vmem>>
        %dma_wait3A_415 = arith.constant 0 : i32
        %dma_wait3A_416 = arith.constant 0 : i32
        %dma_wait3A_417 = tpu.memref_slice %arg2[%dma_wait3A_415, %dma_wait3A_416] : memref<10240x128xf32, #tpu.memory_space<hbm>> -> memref<10240x128xf32, #tpu.memory_space<hbm>>
        tpu.wait_indirect_dma semaphore(%arg15 : memref<!tpu.dma_semaphore, #tpu.memory_space<semaphore_mem>>) src(%dma_wait3A_417 : memref<10240x128xf32, #tpu.memory_space<hbm>>) dst(%arg9 : memref<128x128xf32, #tpu.memory_space<vmem>>)
        %dma_start3A_418 = arith.constant 0 : i32
        %dma_start3A_419 = tpu.memref_slice %arg8[%add3A_412, %dma_start3A_418] : memref<16x128xi32, #tpu.memory_space<vmem>> -> memref<1x128xi32, #tpu.memory_space<vmem>>
        %dma_start3A_420 = tpu.memref_squeeze %dma_start3A_419 : memref<1x128xi32, #tpu.memory_space<vmem>> -> memref<128xi32, #tpu.memory_space<vmem>>
        %dma_start3A_421 = arith.constant 0 : i32
        %dma_start3A_422 = tpu.memref_slice %arg14[%dma_start3A_421] : memref<10240xf32, #tpu.memory_space<vmem_shared>> -> memref<10240xf32, #tpu.memory_space<vmem_shared>>
        tpu.enqueue_indirect_dma source(%arg11 : memref<128xf32, #tpu.memory_space<vmem>>) target(%dma_start3A_422 : memref<10240xf32, #tpu.memory_space<vmem_shared>>) offsets(%dma_start3A_420 : memref<128xi32, #tpu.memory_space<vmem>>) semaphore(%arg17 : memref<!tpu.dma_semaphore, #tpu.memory_space<semaphore_mem>>) {add = true}
        "tpu.region"() ({
          %run_scoped3A = tpu.sem_alloc : memref<!tpu.dma_semaphore, #tpu.memory_space<semaphore_mem>>
          %dma_start3A_451 = arith.constant 0 : i32
          %dma_start3A_452 = tpu.memref_slice %arg8[%add3A_412, %dma_start3A_451] : memref<16x128xi32, #tpu.memory_space<vmem>> -> memref<1x128xi32, #tpu.memory_space<vmem>>
          %dma_start3A_453 = tpu.memref_squeeze %dma_start3A_452 : memref<1x128xi32, #tpu.memory_space<vmem>> -> memref<128xi32, #tpu.memory_space<vmem>>
          %dma_start3A_454 = arith.constant 0 : i32
          %dma_start3A_455 = arith.constant 0 : i32
          %dma_start3A_456 = tpu.memref_slice %arg13[%dma_start3A_454, %dma_start3A_455] : memref<10240x128xf32, #tpu.memory_space<vmem_shared>> -> memref<10240x128xf32, #tpu.memory_space<vmem_shared>>
          tpu.enqueue_indirect_dma source(%arg9 : memref<128x128xf32, #tpu.memory_space<vmem>>) target(%dma_start3A_456 : memref<10240x128xf32, #tpu.memory_space<vmem_shared>>) offsets(%dma_start3A_453 : memref<128xi32, #tpu.memory_space<vmem>>) semaphore(%run_scoped3A : memref<!tpu.dma_semaphore, #tpu.memory_space<semaphore_mem>>) {add = true}
          %dma_wait3A_457 = arith.constant 0 : i32
          %dma_wait3A_458 = tpu.memref_slice %arg8[%add3A_412, %dma_wait3A_457] : memref<16x128xi32, #tpu.memory_space<vmem>> -> memref<1x128xi32, #tpu.memory_space<vmem>>
          %dma_wait3A_459 = tpu.memref_squeeze %dma_wait3A_458 : memref<1x128xi32, #tpu.memory_space<vmem>> -> memref<128xi32, #tpu.memory_space<vmem>>
          %dma_wait3A_460 = arith.constant 0 : i32
          %dma_wait3A_461 = arith.constant 0 : i32
          %dma_wait3A_462 = tpu.memref_slice %arg13[%dma_wait3A_460, %dma_wait3A_461] : memref<10240x128xf32, #tpu.memory_space<vmem_shared>> -> memref<10240x128xf32, #tpu.memory_space<vmem_shared>>
          tpu.wait_indirect_dma semaphore(%run_scoped3A : memref<!tpu.dma_semaphore, #tpu.memory_space<semaphore_mem>>) src(%arg9 : memref<128x128xf32, #tpu.memory_space<vmem>>) dst(%dma_wait3A_462 : memref<10240x128xf32, #tpu.memory_space<vmem_shared>>)
          tpu.yield
        }) : () -> ()
        %add3A_423 = arith.constant 2 : i32
        %add3A_424 = arith.addi %add3A_412, %add3A_423 : i32
        %lt3A = arith.constant 16 : i32
        %lt3A_425 = arith.cmpi slt, %add3A_424, %lt3A : i32
        %convert_element_type3A_426 = arith.extui %lt3A_425 : i1 to i32
        %cond3A_427 = arith.constant 0 : i32
        %cond3A_428 = arith.cmpi ne, %convert_element_type3A_426, %cond3A_427 : i32
        scf.if %cond3A_428 {
          %add3A_451 = arith.constant 2 : i32
          %add3A_452 = arith.addi %add3A_412, %add3A_451 : i32
          %dma_start3A_453 = arith.constant 0 : i32
          %dma_start3A_454 = tpu.memref_slice %arg7[%add3A_452, %dma_start3A_453] : memref<16x128xi32, #tpu.memory_space<vmem>> -> memref<1x128xi32, #tpu.memory_space<vmem>>
          %dma_start3A_455 = tpu.memref_squeeze %dma_start3A_454 : memref<1x128xi32, #tpu.memory_space<vmem>> -> memref<128xi32, #tpu.memory_space<vmem>>
          %dma_start3A_456 = arith.constant 0 : i32
          %dma_start3A_457 = arith.constant 0 : i32
          %dma_start3A_458 = tpu.memref_slice %arg2[%dma_start3A_456, %dma_start3A_457] : memref<10240x128xf32, #tpu.memory_space<hbm>> -> memref<10240x128xf32, #tpu.memory_space<hbm>>
          tpu.enqueue_indirect_dma source(%dma_start3A_458 : memref<10240x128xf32, #tpu.memory_space<hbm>>) target(%arg9 : memref<128x128xf32, #tpu.memory_space<vmem>>) offsets(%dma_start3A_455 : memref<128xi32, #tpu.memory_space<vmem>>) semaphore(%arg15 : memref<!tpu.dma_semaphore, #tpu.memory_space<semaphore_mem>>)
        } else {
        }
        %mul3A_429 = arith.constant 2 : i32
        %mul3A_430 = arith.muli %scan3A_408, %mul3A_429 : i32
        %add3A_431 = arith.constant 1 : i32
        %add3A_432 = arith.addi %mul3A_430, %add3A_431 : i32
        %dma_wait3A_433 = arith.constant 0 : i32
        %dma_wait3A_434 = tpu.memref_slice %arg7[%add3A_432, %dma_wait3A_433] : memref<16x128xi32, #tpu.memory_space<vmem>> -> memref<1x128xi32, #tpu.memory_space<vmem>>
        %dma_wait3A_435 = tpu.memref_squeeze %dma_wait3A_434 : memref<1x128xi32, #tpu.memory_space<vmem>> -> memref<128xi32, #tpu.memory_space<vmem>>
        %dma_wait3A_436 = arith.constant 0 : i32
        %dma_wait3A_437 = arith.constant 0 : i32
        %dma_wait3A_438 = tpu.memref_slice %arg2[%dma_wait3A_436, %dma_wait3A_437] : memref<10240x128xf32, #tpu.memory_space<hbm>> -> memref<10240x128xf32, #tpu.memory_space<hbm>>
        tpu.wait_indirect_dma semaphore(%arg16 : memref<!tpu.dma_semaphore, #tpu.memory_space<semaphore_mem>>) src(%dma_wait3A_438 : memref<10240x128xf32, #tpu.memory_space<hbm>>) dst(%arg10 : memref<128x128xf32, #tpu.memory_space<vmem>>)
        %dma_start3A_439 = arith.constant 0 : i32
        %dma_start3A_440 = tpu.memref_slice %arg8[%add3A_432, %dma_start3A_439] : memref<16x128xi32, #tpu.memory_space<vmem>> -> memref<1x128xi32, #tpu.memory_space<vmem>>
        %dma_start3A_441 = tpu.memref_squeeze %dma_start3A_440 : memref<1x128xi32, #tpu.memory_space<vmem>> -> memref<128xi32, #tpu.memory_space<vmem>>
        %dma_start3A_442 = arith.constant 0 : i32
        %dma_start3A_443 = tpu.memref_slice %arg14[%dma_start3A_442] : memref<10240xf32, #tpu.memory_space<vmem_shared>> -> memref<10240xf32, #tpu.memory_space<vmem_shared>>
        tpu.enqueue_indirect_dma source(%arg11 : memref<128xf32, #tpu.memory_space<vmem>>) target(%dma_start3A_443 : memref<10240xf32, #tpu.memory_space<vmem_shared>>) offsets(%dma_start3A_441 : memref<128xi32, #tpu.memory_space<vmem>>) semaphore(%arg17 : memref<!tpu.dma_semaphore, #tpu.memory_space<semaphore_mem>>) {add = true}
        "tpu.region"() ({
          %run_scoped3A = tpu.sem_alloc : memref<!tpu.dma_semaphore, #tpu.memory_space<semaphore_mem>>
          %dma_start3A_451 = arith.constant 0 : i32
          %dma_start3A_452 = tpu.memref_slice %arg8[%add3A_432, %dma_start3A_451] : memref<16x128xi32, #tpu.memory_space<vmem>> -> memref<1x128xi32, #tpu.memory_space<vmem>>
          %dma_start3A_453 = tpu.memref_squeeze %dma_start3A_452 : memref<1x128xi32, #tpu.memory_space<vmem>> -> memref<128xi32, #tpu.memory_space<vmem>>
          %dma_start3A_454 = arith.constant 0 : i32
          %dma_start3A_455 = arith.constant 0 : i32
          %dma_start3A_456 = tpu.memref_slice %arg13[%dma_start3A_454, %dma_start3A_455] : memref<10240x128xf32, #tpu.memory_space<vmem_shared>> -> memref<10240x128xf32, #tpu.memory_space<vmem_shared>>
          tpu.enqueue_indirect_dma source(%arg10 : memref<128x128xf32, #tpu.memory_space<vmem>>) target(%dma_start3A_456 : memref<10240x128xf32, #tpu.memory_space<vmem_shared>>) offsets(%dma_start3A_453 : memref<128xi32, #tpu.memory_space<vmem>>) semaphore(%run_scoped3A : memref<!tpu.dma_semaphore, #tpu.memory_space<semaphore_mem>>) {add = true}
          %dma_wait3A_457 = arith.constant 0 : i32
          %dma_wait3A_458 = tpu.memref_slice %arg8[%add3A_432, %dma_wait3A_457] : memref<16x128xi32, #tpu.memory_space<vmem>> -> memref<1x128xi32, #tpu.memory_space<vmem>>
          %dma_wait3A_459 = tpu.memref_squeeze %dma_wait3A_458 : memref<1x128xi32, #tpu.memory_space<vmem>> -> memref<128xi32, #tpu.memory_space<vmem>>
          %dma_wait3A_460 = arith.constant 0 : i32
          %dma_wait3A_461 = arith.constant 0 : i32
          %dma_wait3A_462 = tpu.memref_slice %arg13[%dma_wait3A_460, %dma_wait3A_461] : memref<10240x128xf32, #tpu.memory_space<vmem_shared>> -> memref<10240x128xf32, #tpu.memory_space<vmem_shared>>
          tpu.wait_indirect_dma semaphore(%run_scoped3A : memref<!tpu.dma_semaphore, #tpu.memory_space<semaphore_mem>>) src(%arg10 : memref<128x128xf32, #tpu.memory_space<vmem>>) dst(%dma_wait3A_462 : memref<10240x128xf32, #tpu.memory_space<vmem_shared>>)
          tpu.yield
        }) : () -> ()
        %add3A_444 = arith.constant 2 : i32
        %add3A_445 = arith.addi %add3A_432, %add3A_444 : i32
        %lt3A_446 = arith.constant 16 : i32
        %lt3A_447 = arith.cmpi slt, %add3A_445, %lt3A_446 : i32
        %convert_element_type3A_448 = arith.extui %lt3A_447 : i1 to i32
        %cond3A_449 = arith.constant 0 : i32
        %cond3A_450 = arith.cmpi ne, %convert_element_type3A_448, %cond3A_449 : i32
        scf.if %cond3A_450 {
          %add3A_451 = arith.constant 2 : i32
          %add3A_452 = arith.addi %add3A_432, %add3A_451 : i32
          %dma_start3A_453 = arith.constant 0 : i32
          %dma_start3A_454 = tpu.memref_slice %arg7[%add3A_452, %dma_start3A_453] : memref<16x128xi32, #tpu.memory_space<vmem>> -> memref<1x128xi32, #tpu.memory_space<vmem>>
          %dma_start3A_455 = tpu.memref_squeeze %dma_start3A_454 : memref<1x128xi32, #tpu.memory_space<vmem>> -> memref<128xi32, #tpu.memory_space<vmem>>
          %dma_start3A_456 = arith.constant 0 : i32
          %dma_start3A_457 = arith.constant 0 : i32
          %dma_start3A_458 = tpu.memref_slice %arg2[%dma_start3A_456, %dma_start3A_457] : memref<10240x128xf32, #tpu.memory_space<hbm>> -> memref<10240x128xf32, #tpu.memory_space<hbm>>
          tpu.enqueue_indirect_dma source(%dma_start3A_458 : memref<10240x128xf32, #tpu.memory_space<hbm>>) target(%arg10 : memref<128x128xf32, #tpu.memory_space<vmem>>) offsets(%dma_start3A_455 : memref<128xi32, #tpu.memory_space<vmem>>) semaphore(%arg16 : memref<!tpu.dma_semaphore, #tpu.memory_space<semaphore_mem>>)
        } else {
        }
      }
      %scan3A_401 = arith.constant 8 : i32
      %scan3A_402 = arith.constant 0 : i32
      %scan3A_403 = arith.constant 0 : i32
      %scan3A_404 = arith.constant 16 : i32
      %scan3A_405 = arith.addi %scan3A_403, %scan3A_404 : i32
      %scan3A_406 = arith.constant 1 : i32
      scf.for %scan3A_408 = %scan3A_403 to %scan3A_405 step %scan3A_406  : i32 {
        %dma_wait3A = arith.constant 0 : i32
        %dma_wait3A_409 = tpu.memref_slice %arg8[%scan3A_408, %dma_wait3A] : memref<16x128xi32, #tpu.memory_space<vmem>> -> memref<1x128xi32, #tpu.memory_space<vmem>>
        %dma_wait3A_410 = tpu.memref_squeeze %dma_wait3A_409 : memref<1x128xi32, #tpu.memory_space<vmem>> -> memref<128xi32, #tpu.memory_space<vmem>>
        %dma_wait3A_411 = arith.constant 0 : i32
        %dma_wait3A_412 = tpu.memref_slice %arg14[%dma_wait3A_411] : memref<10240xf32, #tpu.memory_space<vmem_shared>> -> memref<10240xf32, #tpu.memory_space<vmem_shared>>
        tpu.wait_indirect_dma semaphore(%arg17 : memref<!tpu.dma_semaphore, #tpu.memory_space<semaphore_mem>>) src(%arg11 : memref<128xf32, #tpu.memory_space<vmem>>) dst(%dma_wait3A_412 : memref<10240xf32, #tpu.memory_space<vmem_shared>>)
      }
      %scan3A_407 = arith.constant 16 : i32
    } else {
    }
    %gt3A_354 = arith.constant 7 : i32
    %gt3A_355 = arith.cmpi sgt, %select_n3A_8, %gt3A_354 : i32
    %convert_element_type3A_356 = arith.extui %gt3A_355 : i1 to i32
    %cond3A_357 = arith.constant 0 : i32
    %cond3A_358 = arith.cmpi ne, %convert_element_type3A_356, %cond3A_357 : i32
    scf.if %cond3A_358 {
      %add3A_379 = arith.constant 112 : i32
      %add3A_380 = arith.addi %select_n3A, %add3A_379 : i32
      "tpu.region"() ({
        %run_scoped3A = tpu.sem_alloc : memref<!tpu.dma_semaphore, #tpu.memory_space<semaphore_mem>>
        %dma_start3A_408 = arith.constant 0 : i32
        %dma_start3A_409 = tpu.memref_slice %arg3[%add3A_380, %dma_start3A_408] : memref<2560x128xi32, #tpu.memory_space<hbm>> -> memref<16x128xi32, #tpu.memory_space<hbm>>
        %dma_start3A_410 = arith.constant 0 : i32
        %dma_start3A_411 = tpu.memref_slice %arg3[%add3A_380, %dma_start3A_410] : memref<2560x128xi32, #tpu.memory_space<hbm>> -> memref<16x128xi32, #tpu.memory_space<hbm>>
        tpu.enqueue_dma source(%dma_start3A_411 : memref<16x128xi32, #tpu.memory_space<hbm>>) target(%arg7 : memref<16x128xi32, #tpu.memory_space<vmem>>) target_semaphore(%run_scoped3A : memref<!tpu.dma_semaphore, #tpu.memory_space<semaphore_mem>>)
        %dma_wait3A = arith.constant 0 : i32
        %dma_wait3A_412 = tpu.memref_slice %arg3[%add3A_380, %dma_wait3A] : memref<2560x128xi32, #tpu.memory_space<hbm>> -> memref<16x128xi32, #tpu.memory_space<hbm>>
        %dma_wait3A_413 = arith.constant 0 : i32
        %dma_wait3A_414 = tpu.memref_slice %arg3[%add3A_380, %dma_wait3A_413] : memref<2560x128xi32, #tpu.memory_space<hbm>> -> memref<16x128xi32, #tpu.memory_space<hbm>>
        tpu.wait_dma2 semaphore(%run_scoped3A : memref<!tpu.dma_semaphore, #tpu.memory_space<semaphore_mem>>) src(%dma_wait3A_414 : memref<16x128xi32, #tpu.memory_space<hbm>>) dst(%arg7 : memref<16x128xi32, #tpu.memory_space<vmem>>)
        tpu.yield
      }) : () -> ()
      %add3A_381 = arith.constant 112 : i32
      %add3A_382 = arith.addi %select_n3A, %add3A_381 : i32
      "tpu.region"() ({
        %run_scoped3A = tpu.sem_alloc : memref<!tpu.dma_semaphore, #tpu.memory_space<semaphore_mem>>
        %dma_start3A_408 = arith.constant 0 : i32
        %dma_start3A_409 = tpu.memref_slice %arg4[%add3A_382, %dma_start3A_408] : memref<2560x128xi32, #tpu.memory_space<hbm>> -> memref<16x128xi32, #tpu.memory_space<hbm>>
        %dma_start3A_410 = arith.constant 0 : i32
        %dma_start3A_411 = tpu.memref_slice %arg4[%add3A_382, %dma_start3A_410] : memref<2560x128xi32, #tpu.memory_space<hbm>> -> memref<16x128xi32, #tpu.memory_space<hbm>>
        tpu.enqueue_dma source(%dma_start3A_411 : memref<16x128xi32, #tpu.memory_space<hbm>>) target(%arg8 : memref<16x128xi32, #tpu.memory_space<vmem>>) target_semaphore(%run_scoped3A : memref<!tpu.dma_semaphore, #tpu.memory_space<semaphore_mem>>)
        %dma_wait3A = arith.constant 0 : i32
        %dma_wait3A_412 = tpu.memref_slice %arg4[%add3A_382, %dma_wait3A] : memref<2560x128xi32, #tpu.memory_space<hbm>> -> memref<16x128xi32, #tpu.memory_space<hbm>>
        %dma_wait3A_413 = arith.constant 0 : i32
        %dma_wait3A_414 = tpu.memref_slice %arg4[%add3A_382, %dma_wait3A_413] : memref<2560x128xi32, #tpu.memory_space<hbm>> -> memref<16x128xi32, #tpu.memory_space<hbm>>
        tpu.wait_dma2 semaphore(%run_scoped3A : memref<!tpu.dma_semaphore, #tpu.memory_space<semaphore_mem>>) src(%dma_wait3A_414 : memref<16x128xi32, #tpu.memory_space<hbm>>) dst(%arg8 : memref<16x128xi32, #tpu.memory_space<vmem>>)
        tpu.yield
      }) : () -> ()
      %dma_start3A = arith.constant 0 : i32
      %dma_start3A_383 = arith.constant 0 : i32
      %dma_start3A_384 = tpu.memref_slice %arg7[%dma_start3A, %dma_start3A_383] : memref<16x128xi32, #tpu.memory_space<vmem>> -> memref<1x128xi32, #tpu.memory_space<vmem>>
      %dma_start3A_385 = tpu.memref_squeeze %dma_start3A_384 : memref<1x128xi32, #tpu.memory_space<vmem>> -> memref<128xi32, #tpu.memory_space<vmem>>
      %dma_start3A_386 = arith.constant 0 : i32
      %dma_start3A_387 = arith.constant 0 : i32
      %dma_start3A_388 = tpu.memref_slice %arg2[%dma_start3A_386, %dma_start3A_387] : memref<10240x128xf32, #tpu.memory_space<hbm>> -> memref<10240x128xf32, #tpu.memory_space<hbm>>
      tpu.enqueue_indirect_dma source(%dma_start3A_388 : memref<10240x128xf32, #tpu.memory_space<hbm>>) target(%arg9 : memref<128x128xf32, #tpu.memory_space<vmem>>) offsets(%dma_start3A_385 : memref<128xi32, #tpu.memory_space<vmem>>) semaphore(%arg15 : memref<!tpu.dma_semaphore, #tpu.memory_space<semaphore_mem>>)
      %dma_start3A_389 = arith.constant 1 : i32
      %dma_start3A_390 = arith.constant 0 : i32
      %dma_start3A_391 = tpu.memref_slice %arg7[%dma_start3A_389, %dma_start3A_390] : memref<16x128xi32, #tpu.memory_space<vmem>> -> memref<1x128xi32, #tpu.memory_space<vmem>>
      %dma_start3A_392 = tpu.memref_squeeze %dma_start3A_391 : memref<1x128xi32, #tpu.memory_space<vmem>> -> memref<128xi32, #tpu.memory_space<vmem>>
      %dma_start3A_393 = arith.constant 0 : i32
      %dma_start3A_394 = arith.constant 0 : i32
      %dma_start3A_395 = tpu.memref_slice %arg2[%dma_start3A_393, %dma_start3A_394] : memref<10240x128xf32, #tpu.memory_space<hbm>> -> memref<10240x128xf32, #tpu.memory_space<hbm>>
      tpu.enqueue_indirect_dma source(%dma_start3A_395 : memref<10240x128xf32, #tpu.memory_space<hbm>>) target(%arg10 : memref<128x128xf32, #tpu.memory_space<vmem>>) offsets(%dma_start3A_392 : memref<128xi32, #tpu.memory_space<vmem>>) semaphore(%arg16 : memref<!tpu.dma_semaphore, #tpu.memory_space<semaphore_mem>>)
      %scan3A_396 = arith.constant 0 : i32
      %scan3A_397 = arith.constant 0 : i32
      %scan3A_398 = arith.constant 8 : i32
      %scan3A_399 = arith.addi %scan3A_397, %scan3A_398 : i32
      %scan3A_400 = arith.constant 1 : i32
      scf.for %scan3A_408 = %scan3A_397 to %scan3A_399 step %scan3A_400  : i32 {
        %mul3A_409 = arith.constant 2 : i32
        %mul3A_410 = arith.muli %scan3A_408, %mul3A_409 : i32
        %add3A_411 = arith.constant 0 : i32
        %add3A_412 = arith.addi %mul3A_410, %add3A_411 : i32
        %dma_wait3A = arith.constant 0 : i32
        %dma_wait3A_413 = tpu.memref_slice %arg7[%add3A_412, %dma_wait3A] : memref<16x128xi32, #tpu.memory_space<vmem>> -> memref<1x128xi32, #tpu.memory_space<vmem>>
        %dma_wait3A_414 = tpu.memref_squeeze %dma_wait3A_413 : memref<1x128xi32, #tpu.memory_space<vmem>> -> memref<128xi32, #tpu.memory_space<vmem>>
        %dma_wait3A_415 = arith.constant 0 : i32
        %dma_wait3A_416 = arith.constant 0 : i32
        %dma_wait3A_417 = tpu.memref_slice %arg2[%dma_wait3A_415, %dma_wait3A_416] : memref<10240x128xf32, #tpu.memory_space<hbm>> -> memref<10240x128xf32, #tpu.memory_space<hbm>>
        tpu.wait_indirect_dma semaphore(%arg15 : memref<!tpu.dma_semaphore, #tpu.memory_space<semaphore_mem>>) src(%dma_wait3A_417 : memref<10240x128xf32, #tpu.memory_space<hbm>>) dst(%arg9 : memref<128x128xf32, #tpu.memory_space<vmem>>)
        %dma_start3A_418 = arith.constant 0 : i32
        %dma_start3A_419 = tpu.memref_slice %arg8[%add3A_412, %dma_start3A_418] : memref<16x128xi32, #tpu.memory_space<vmem>> -> memref<1x128xi32, #tpu.memory_space<vmem>>
        %dma_start3A_420 = tpu.memref_squeeze %dma_start3A_419 : memref<1x128xi32, #tpu.memory_space<vmem>> -> memref<128xi32, #tpu.memory_space<vmem>>
        %dma_start3A_421 = arith.constant 0 : i32
        %dma_start3A_422 = tpu.memref_slice %arg14[%dma_start3A_421] : memref<10240xf32, #tpu.memory_space<vmem_shared>> -> memref<10240xf32, #tpu.memory_space<vmem_shared>>
        tpu.enqueue_indirect_dma source(%arg11 : memref<128xf32, #tpu.memory_space<vmem>>) target(%dma_start3A_422 : memref<10240xf32, #tpu.memory_space<vmem_shared>>) offsets(%dma_start3A_420 : memref<128xi32, #tpu.memory_space<vmem>>) semaphore(%arg17 : memref<!tpu.dma_semaphore, #tpu.memory_space<semaphore_mem>>) {add = true}
        "tpu.region"() ({
          %run_scoped3A = tpu.sem_alloc : memref<!tpu.dma_semaphore, #tpu.memory_space<semaphore_mem>>
          %dma_start3A_451 = arith.constant 0 : i32
          %dma_start3A_452 = tpu.memref_slice %arg8[%add3A_412, %dma_start3A_451] : memref<16x128xi32, #tpu.memory_space<vmem>> -> memref<1x128xi32, #tpu.memory_space<vmem>>
          %dma_start3A_453 = tpu.memref_squeeze %dma_start3A_452 : memref<1x128xi32, #tpu.memory_space<vmem>> -> memref<128xi32, #tpu.memory_space<vmem>>
          %dma_start3A_454 = arith.constant 0 : i32
          %dma_start3A_455 = arith.constant 0 : i32
          %dma_start3A_456 = tpu.memref_slice %arg13[%dma_start3A_454, %dma_start3A_455] : memref<10240x128xf32, #tpu.memory_space<vmem_shared>> -> memref<10240x128xf32, #tpu.memory_space<vmem_shared>>
          tpu.enqueue_indirect_dma source(%arg9 : memref<128x128xf32, #tpu.memory_space<vmem>>) target(%dma_start3A_456 : memref<10240x128xf32, #tpu.memory_space<vmem_shared>>) offsets(%dma_start3A_453 : memref<128xi32, #tpu.memory_space<vmem>>) semaphore(%run_scoped3A : memref<!tpu.dma_semaphore, #tpu.memory_space<semaphore_mem>>) {add = true}
          %dma_wait3A_457 = arith.constant 0 : i32
          %dma_wait3A_458 = tpu.memref_slice %arg8[%add3A_412, %dma_wait3A_457] : memref<16x128xi32, #tpu.memory_space<vmem>> -> memref<1x128xi32, #tpu.memory_space<vmem>>
          %dma_wait3A_459 = tpu.memref_squeeze %dma_wait3A_458 : memref<1x128xi32, #tpu.memory_space<vmem>> -> memref<128xi32, #tpu.memory_space<vmem>>
          %dma_wait3A_460 = arith.constant 0 : i32
          %dma_wait3A_461 = arith.constant 0 : i32
          %dma_wait3A_462 = tpu.memref_slice %arg13[%dma_wait3A_460, %dma_wait3A_461] : memref<10240x128xf32, #tpu.memory_space<vmem_shared>> -> memref<10240x128xf32, #tpu.memory_space<vmem_shared>>
          tpu.wait_indirect_dma semaphore(%run_scoped3A : memref<!tpu.dma_semaphore, #tpu.memory_space<semaphore_mem>>) src(%arg9 : memref<128x128xf32, #tpu.memory_space<vmem>>) dst(%dma_wait3A_462 : memref<10240x128xf32, #tpu.memory_space<vmem_shared>>)
          tpu.yield
        }) : () -> ()
        %add3A_423 = arith.constant 2 : i32
        %add3A_424 = arith.addi %add3A_412, %add3A_423 : i32
        %lt3A = arith.constant 16 : i32
        %lt3A_425 = arith.cmpi slt, %add3A_424, %lt3A : i32
        %convert_element_type3A_426 = arith.extui %lt3A_425 : i1 to i32
        %cond3A_427 = arith.constant 0 : i32
        %cond3A_428 = arith.cmpi ne, %convert_element_type3A_426, %cond3A_427 : i32
        scf.if %cond3A_428 {
          %add3A_451 = arith.constant 2 : i32
          %add3A_452 = arith.addi %add3A_412, %add3A_451 : i32
          %dma_start3A_453 = arith.constant 0 : i32
          %dma_start3A_454 = tpu.memref_slice %arg7[%add3A_452, %dma_start3A_453] : memref<16x128xi32, #tpu.memory_space<vmem>> -> memref<1x128xi32, #tpu.memory_space<vmem>>
          %dma_start3A_455 = tpu.memref_squeeze %dma_start3A_454 : memref<1x128xi32, #tpu.memory_space<vmem>> -> memref<128xi32, #tpu.memory_space<vmem>>
          %dma_start3A_456 = arith.constant 0 : i32
          %dma_start3A_457 = arith.constant 0 : i32
          %dma_start3A_458 = tpu.memref_slice %arg2[%dma_start3A_456, %dma_start3A_457] : memref<10240x128xf32, #tpu.memory_space<hbm>> -> memref<10240x128xf32, #tpu.memory_space<hbm>>
          tpu.enqueue_indirect_dma source(%dma_start3A_458 : memref<10240x128xf32, #tpu.memory_space<hbm>>) target(%arg9 : memref<128x128xf32, #tpu.memory_space<vmem>>) offsets(%dma_start3A_455 : memref<128xi32, #tpu.memory_space<vmem>>) semaphore(%arg15 : memref<!tpu.dma_semaphore, #tpu.memory_space<semaphore_mem>>)
        } else {
        }
        %mul3A_429 = arith.constant 2 : i32
        %mul3A_430 = arith.muli %scan3A_408, %mul3A_429 : i32
        %add3A_431 = arith.constant 1 : i32
        %add3A_432 = arith.addi %mul3A_430, %add3A_431 : i32
        %dma_wait3A_433 = arith.constant 0 : i32
        %dma_wait3A_434 = tpu.memref_slice %arg7[%add3A_432, %dma_wait3A_433] : memref<16x128xi32, #tpu.memory_space<vmem>> -> memref<1x128xi32, #tpu.memory_space<vmem>>
        %dma_wait3A_435 = tpu.memref_squeeze %dma_wait3A_434 : memref<1x128xi32, #tpu.memory_space<vmem>> -> memref<128xi32, #tpu.memory_space<vmem>>
        %dma_wait3A_436 = arith.constant 0 : i32
        %dma_wait3A_437 = arith.constant 0 : i32
        %dma_wait3A_438 = tpu.memref_slice %arg2[%dma_wait3A_436, %dma_wait3A_437] : memref<10240x128xf32, #tpu.memory_space<hbm>> -> memref<10240x128xf32, #tpu.memory_space<hbm>>
        tpu.wait_indirect_dma semaphore(%arg16 : memref<!tpu.dma_semaphore, #tpu.memory_space<semaphore_mem>>) src(%dma_wait3A_438 : memref<10240x128xf32, #tpu.memory_space<hbm>>) dst(%arg10 : memref<128x128xf32, #tpu.memory_space<vmem>>)
        %dma_start3A_439 = arith.constant 0 : i32
        %dma_start3A_440 = tpu.memref_slice %arg8[%add3A_432, %dma_start3A_439] : memref<16x128xi32, #tpu.memory_space<vmem>> -> memref<1x128xi32, #tpu.memory_space<vmem>>
        %dma_start3A_441 = tpu.memref_squeeze %dma_start3A_440 : memref<1x128xi32, #tpu.memory_space<vmem>> -> memref<128xi32, #tpu.memory_space<vmem>>
        %dma_start3A_442 = arith.constant 0 : i32
        %dma_start3A_443 = tpu.memref_slice %arg14[%dma_start3A_442] : memref<10240xf32, #tpu.memory_space<vmem_shared>> -> memref<10240xf32, #tpu.memory_space<vmem_shared>>
        tpu.enqueue_indirect_dma source(%arg11 : memref<128xf32, #tpu.memory_space<vmem>>) target(%dma_start3A_443 : memref<10240xf32, #tpu.memory_space<vmem_shared>>) offsets(%dma_start3A_441 : memref<128xi32, #tpu.memory_space<vmem>>) semaphore(%arg17 : memref<!tpu.dma_semaphore, #tpu.memory_space<semaphore_mem>>) {add = true}
        "tpu.region"() ({
          %run_scoped3A = tpu.sem_alloc : memref<!tpu.dma_semaphore, #tpu.memory_space<semaphore_mem>>
          %dma_start3A_451 = arith.constant 0 : i32
          %dma_start3A_452 = tpu.memref_slice %arg8[%add3A_432, %dma_start3A_451] : memref<16x128xi32, #tpu.memory_space<vmem>> -> memref<1x128xi32, #tpu.memory_space<vmem>>
          %dma_start3A_453 = tpu.memref_squeeze %dma_start3A_452 : memref<1x128xi32, #tpu.memory_space<vmem>> -> memref<128xi32, #tpu.memory_space<vmem>>
          %dma_start3A_454 = arith.constant 0 : i32
          %dma_start3A_455 = arith.constant 0 : i32
          %dma_start3A_456 = tpu.memref_slice %arg13[%dma_start3A_454, %dma_start3A_455] : memref<10240x128xf32, #tpu.memory_space<vmem_shared>> -> memref<10240x128xf32, #tpu.memory_space<vmem_shared>>
          tpu.enqueue_indirect_dma source(%arg10 : memref<128x128xf32, #tpu.memory_space<vmem>>) target(%dma_start3A_456 : memref<10240x128xf32, #tpu.memory_space<vmem_shared>>) offsets(%dma_start3A_453 : memref<128xi32, #tpu.memory_space<vmem>>) semaphore(%run_scoped3A : memref<!tpu.dma_semaphore, #tpu.memory_space<semaphore_mem>>) {add = true}
          %dma_wait3A_457 = arith.constant 0 : i32
          %dma_wait3A_458 = tpu.memref_slice %arg8[%add3A_432, %dma_wait3A_457] : memref<16x128xi32, #tpu.memory_space<vmem>> -> memref<1x128xi32, #tpu.memory_space<vmem>>
          %dma_wait3A_459 = tpu.memref_squeeze %dma_wait3A_458 : memref<1x128xi32, #tpu.memory_space<vmem>> -> memref<128xi32, #tpu.memory_space<vmem>>
          %dma_wait3A_460 = arith.constant 0 : i32
          %dma_wait3A_461 = arith.constant 0 : i32
          %dma_wait3A_462 = tpu.memref_slice %arg13[%dma_wait3A_460, %dma_wait3A_461] : memref<10240x128xf32, #tpu.memory_space<vmem_shared>> -> memref<10240x128xf32, #tpu.memory_space<vmem_shared>>
          tpu.wait_indirect_dma semaphore(%run_scoped3A : memref<!tpu.dma_semaphore, #tpu.memory_space<semaphore_mem>>) src(%arg10 : memref<128x128xf32, #tpu.memory_space<vmem>>) dst(%dma_wait3A_462 : memref<10240x128xf32, #tpu.memory_space<vmem_shared>>)
          tpu.yield
        }) : () -> ()
        %add3A_444 = arith.constant 2 : i32
        %add3A_445 = arith.addi %add3A_432, %add3A_444 : i32
        %lt3A_446 = arith.constant 16 : i32
        %lt3A_447 = arith.cmpi slt, %add3A_445, %lt3A_446 : i32
        %convert_element_type3A_448 = arith.extui %lt3A_447 : i1 to i32
        %cond3A_449 = arith.constant 0 : i32
        %cond3A_450 = arith.cmpi ne, %convert_element_type3A_448, %cond3A_449 : i32
        scf.if %cond3A_450 {
          %add3A_451 = arith.constant 2 : i32
          %add3A_452 = arith.addi %add3A_432, %add3A_451 : i32
          %dma_start3A_453 = arith.constant 0 : i32
          %dma_start3A_454 = tpu.memref_slice %arg7[%add3A_452, %dma_start3A_453] : memref<16x128xi32, #tpu.memory_space<vmem>> -> memref<1x128xi32, #tpu.memory_space<vmem>>
          %dma_start3A_455 = tpu.memref_squeeze %dma_start3A_454 : memref<1x128xi32, #tpu.memory_space<vmem>> -> memref<128xi32, #tpu.memory_space<vmem>>
          %dma_start3A_456 = arith.constant 0 : i32
          %dma_start3A_457 = arith.constant 0 : i32
          %dma_start3A_458 = tpu.memref_slice %arg2[%dma_start3A_456, %dma_start3A_457] : memref<10240x128xf32, #tpu.memory_space<hbm>> -> memref<10240x128xf32, #tpu.memory_space<hbm>>
          tpu.enqueue_indirect_dma source(%dma_start3A_458 : memref<10240x128xf32, #tpu.memory_space<hbm>>) target(%arg10 : memref<128x128xf32, #tpu.memory_space<vmem>>) offsets(%dma_start3A_455 : memref<128xi32, #tpu.memory_space<vmem>>) semaphore(%arg16 : memref<!tpu.dma_semaphore, #tpu.memory_space<semaphore_mem>>)
        } else {
        }
      }
      %scan3A_401 = arith.constant 8 : i32
      %scan3A_402 = arith.constant 0 : i32
      %scan3A_403 = arith.constant 0 : i32
      %scan3A_404 = arith.constant 16 : i32
      %scan3A_405 = arith.addi %scan3A_403, %scan3A_404 : i32
      %scan3A_406 = arith.constant 1 : i32
      scf.for %scan3A_408 = %scan3A_403 to %scan3A_405 step %scan3A_406  : i32 {
        %dma_wait3A = arith.constant 0 : i32
        %dma_wait3A_409 = tpu.memref_slice %arg8[%scan3A_408, %dma_wait3A] : memref<16x128xi32, #tpu.memory_space<vmem>> -> memref<1x128xi32, #tpu.memory_space<vmem>>
        %dma_wait3A_410 = tpu.memref_squeeze %dma_wait3A_409 : memref<1x128xi32, #tpu.memory_space<vmem>> -> memref<128xi32, #tpu.memory_space<vmem>>
        %dma_wait3A_411 = arith.constant 0 : i32
        %dma_wait3A_412 = tpu.memref_slice %arg14[%dma_wait3A_411] : memref<10240xf32, #tpu.memory_space<vmem_shared>> -> memref<10240xf32, #tpu.memory_space<vmem_shared>>
        tpu.wait_indirect_dma semaphore(%arg17 : memref<!tpu.dma_semaphore, #tpu.memory_space<semaphore_mem>>) src(%arg11 : memref<128xf32, #tpu.memory_space<vmem>>) dst(%dma_wait3A_412 : memref<10240xf32, #tpu.memory_space<vmem_shared>>)
      }
      %scan3A_407 = arith.constant 16 : i32
    } else {
    }
    %gt3A_359 = arith.constant 8 : i32
    %gt3A_360 = arith.cmpi sgt, %select_n3A_8, %gt3A_359 : i32
    %convert_element_type3A_361 = arith.extui %gt3A_360 : i1 to i32
    %cond3A_362 = arith.constant 0 : i32
    %cond3A_363 = arith.cmpi ne, %convert_element_type3A_361, %cond3A_362 : i32
    scf.if %cond3A_363 {
      %add3A_379 = arith.constant 128 : i32
      %add3A_380 = arith.addi %select_n3A, %add3A_379 : i32
      "tpu.region"() ({
        %run_scoped3A = tpu.sem_alloc : memref<!tpu.dma_semaphore, #tpu.memory_space<semaphore_mem>>
        %dma_start3A_408 = arith.constant 0 : i32
        %dma_start3A_409 = tpu.memref_slice %arg3[%add3A_380, %dma_start3A_408] : memref<2560x128xi32, #tpu.memory_space<hbm>> -> memref<16x128xi32, #tpu.memory_space<hbm>>
        %dma_start3A_410 = arith.constant 0 : i32
        %dma_start3A_411 = tpu.memref_slice %arg3[%add3A_380, %dma_start3A_410] : memref<2560x128xi32, #tpu.memory_space<hbm>> -> memref<16x128xi32, #tpu.memory_space<hbm>>
        tpu.enqueue_dma source(%dma_start3A_411 : memref<16x128xi32, #tpu.memory_space<hbm>>) target(%arg7 : memref<16x128xi32, #tpu.memory_space<vmem>>) target_semaphore(%run_scoped3A : memref<!tpu.dma_semaphore, #tpu.memory_space<semaphore_mem>>)
        %dma_wait3A = arith.constant 0 : i32
        %dma_wait3A_412 = tpu.memref_slice %arg3[%add3A_380, %dma_wait3A] : memref<2560x128xi32, #tpu.memory_space<hbm>> -> memref<16x128xi32, #tpu.memory_space<hbm>>
        %dma_wait3A_413 = arith.constant 0 : i32
        %dma_wait3A_414 = tpu.memref_slice %arg3[%add3A_380, %dma_wait3A_413] : memref<2560x128xi32, #tpu.memory_space<hbm>> -> memref<16x128xi32, #tpu.memory_space<hbm>>
        tpu.wait_dma2 semaphore(%run_scoped3A : memref<!tpu.dma_semaphore, #tpu.memory_space<semaphore_mem>>) src(%dma_wait3A_414 : memref<16x128xi32, #tpu.memory_space<hbm>>) dst(%arg7 : memref<16x128xi32, #tpu.memory_space<vmem>>)
        tpu.yield
      }) : () -> ()
      %add3A_381 = arith.constant 128 : i32
      %add3A_382 = arith.addi %select_n3A, %add3A_381 : i32
      "tpu.region"() ({
        %run_scoped3A = tpu.sem_alloc : memref<!tpu.dma_semaphore, #tpu.memory_space<semaphore_mem>>
        %dma_start3A_408 = arith.constant 0 : i32
        %dma_start3A_409 = tpu.memref_slice %arg4[%add3A_382, %dma_start3A_408] : memref<2560x128xi32, #tpu.memory_space<hbm>> -> memref<16x128xi32, #tpu.memory_space<hbm>>
        %dma_start3A_410 = arith.constant 0 : i32
        %dma_start3A_411 = tpu.memref_slice %arg4[%add3A_382, %dma_start3A_410] : memref<2560x128xi32, #tpu.memory_space<hbm>> -> memref<16x128xi32, #tpu.memory_space<hbm>>
        tpu.enqueue_dma source(%dma_start3A_411 : memref<16x128xi32, #tpu.memory_space<hbm>>) target(%arg8 : memref<16x128xi32, #tpu.memory_space<vmem>>) target_semaphore(%run_scoped3A : memref<!tpu.dma_semaphore, #tpu.memory_space<semaphore_mem>>)
        %dma_wait3A = arith.constant 0 : i32
        %dma_wait3A_412 = tpu.memref_slice %arg4[%add3A_382, %dma_wait3A] : memref<2560x128xi32, #tpu.memory_space<hbm>> -> memref<16x128xi32, #tpu.memory_space<hbm>>
        %dma_wait3A_413 = arith.constant 0 : i32
        %dma_wait3A_414 = tpu.memref_slice %arg4[%add3A_382, %dma_wait3A_413] : memref<2560x128xi32, #tpu.memory_space<hbm>> -> memref<16x128xi32, #tpu.memory_space<hbm>>
        tpu.wait_dma2 semaphore(%run_scoped3A : memref<!tpu.dma_semaphore, #tpu.memory_space<semaphore_mem>>) src(%dma_wait3A_414 : memref<16x128xi32, #tpu.memory_space<hbm>>) dst(%arg8 : memref<16x128xi32, #tpu.memory_space<vmem>>)
        tpu.yield
      }) : () -> ()
      %dma_start3A = arith.constant 0 : i32
      %dma_start3A_383 = arith.constant 0 : i32
      %dma_start3A_384 = tpu.memref_slice %arg7[%dma_start3A, %dma_start3A_383] : memref<16x128xi32, #tpu.memory_space<vmem>> -> memref<1x128xi32, #tpu.memory_space<vmem>>
      %dma_start3A_385 = tpu.memref_squeeze %dma_start3A_384 : memref<1x128xi32, #tpu.memory_space<vmem>> -> memref<128xi32, #tpu.memory_space<vmem>>
      %dma_start3A_386 = arith.constant 0 : i32
      %dma_start3A_387 = arith.constant 0 : i32
      %dma_start3A_388 = tpu.memref_slice %arg2[%dma_start3A_386, %dma_start3A_387] : memref<10240x128xf32, #tpu.memory_space<hbm>> -> memref<10240x128xf32, #tpu.memory_space<hbm>>
      tpu.enqueue_indirect_dma source(%dma_start3A_388 : memref<10240x128xf32, #tpu.memory_space<hbm>>) target(%arg9 : memref<128x128xf32, #tpu.memory_space<vmem>>) offsets(%dma_start3A_385 : memref<128xi32, #tpu.memory_space<vmem>>) semaphore(%arg15 : memref<!tpu.dma_semaphore, #tpu.memory_space<semaphore_mem>>)
      %dma_start3A_389 = arith.constant 1 : i32
      %dma_start3A_390 = arith.constant 0 : i32
      %dma_start3A_391 = tpu.memref_slice %arg7[%dma_start3A_389, %dma_start3A_390] : memref<16x128xi32, #tpu.memory_space<vmem>> -> memref<1x128xi32, #tpu.memory_space<vmem>>
      %dma_start3A_392 = tpu.memref_squeeze %dma_start3A_391 : memref<1x128xi32, #tpu.memory_space<vmem>> -> memref<128xi32, #tpu.memory_space<vmem>>
      %dma_start3A_393 = arith.constant 0 : i32
      %dma_start3A_394 = arith.constant 0 : i32
      %dma_start3A_395 = tpu.memref_slice %arg2[%dma_start3A_393, %dma_start3A_394] : memref<10240x128xf32, #tpu.memory_space<hbm>> -> memref<10240x128xf32, #tpu.memory_space<hbm>>
      tpu.enqueue_indirect_dma source(%dma_start3A_395 : memref<10240x128xf32, #tpu.memory_space<hbm>>) target(%arg10 : memref<128x128xf32, #tpu.memory_space<vmem>>) offsets(%dma_start3A_392 : memref<128xi32, #tpu.memory_space<vmem>>) semaphore(%arg16 : memref<!tpu.dma_semaphore, #tpu.memory_space<semaphore_mem>>)
      %scan3A_396 = arith.constant 0 : i32
      %scan3A_397 = arith.constant 0 : i32
      %scan3A_398 = arith.constant 8 : i32
      %scan3A_399 = arith.addi %scan3A_397, %scan3A_398 : i32
      %scan3A_400 = arith.constant 1 : i32
      scf.for %scan3A_408 = %scan3A_397 to %scan3A_399 step %scan3A_400  : i32 {
        %mul3A_409 = arith.constant 2 : i32
        %mul3A_410 = arith.muli %scan3A_408, %mul3A_409 : i32
        %add3A_411 = arith.constant 0 : i32
        %add3A_412 = arith.addi %mul3A_410, %add3A_411 : i32
        %dma_wait3A = arith.constant 0 : i32
        %dma_wait3A_413 = tpu.memref_slice %arg7[%add3A_412, %dma_wait3A] : memref<16x128xi32, #tpu.memory_space<vmem>> -> memref<1x128xi32, #tpu.memory_space<vmem>>
        %dma_wait3A_414 = tpu.memref_squeeze %dma_wait3A_413 : memref<1x128xi32, #tpu.memory_space<vmem>> -> memref<128xi32, #tpu.memory_space<vmem>>
        %dma_wait3A_415 = arith.constant 0 : i32
        %dma_wait3A_416 = arith.constant 0 : i32
        %dma_wait3A_417 = tpu.memref_slice %arg2[%dma_wait3A_415, %dma_wait3A_416] : memref<10240x128xf32, #tpu.memory_space<hbm>> -> memref<10240x128xf32, #tpu.memory_space<hbm>>
        tpu.wait_indirect_dma semaphore(%arg15 : memref<!tpu.dma_semaphore, #tpu.memory_space<semaphore_mem>>) src(%dma_wait3A_417 : memref<10240x128xf32, #tpu.memory_space<hbm>>) dst(%arg9 : memref<128x128xf32, #tpu.memory_space<vmem>>)
        %dma_start3A_418 = arith.constant 0 : i32
        %dma_start3A_419 = tpu.memref_slice %arg8[%add3A_412, %dma_start3A_418] : memref<16x128xi32, #tpu.memory_space<vmem>> -> memref<1x128xi32, #tpu.memory_space<vmem>>
        %dma_start3A_420 = tpu.memref_squeeze %dma_start3A_419 : memref<1x128xi32, #tpu.memory_space<vmem>> -> memref<128xi32, #tpu.memory_space<vmem>>
        %dma_start3A_421 = arith.constant 0 : i32
        %dma_start3A_422 = tpu.memref_slice %arg14[%dma_start3A_421] : memref<10240xf32, #tpu.memory_space<vmem_shared>> -> memref<10240xf32, #tpu.memory_space<vmem_shared>>
        tpu.enqueue_indirect_dma source(%arg11 : memref<128xf32, #tpu.memory_space<vmem>>) target(%dma_start3A_422 : memref<10240xf32, #tpu.memory_space<vmem_shared>>) offsets(%dma_start3A_420 : memref<128xi32, #tpu.memory_space<vmem>>) semaphore(%arg17 : memref<!tpu.dma_semaphore, #tpu.memory_space<semaphore_mem>>) {add = true}
        "tpu.region"() ({
          %run_scoped3A = tpu.sem_alloc : memref<!tpu.dma_semaphore, #tpu.memory_space<semaphore_mem>>
          %dma_start3A_451 = arith.constant 0 : i32
          %dma_start3A_452 = tpu.memref_slice %arg8[%add3A_412, %dma_start3A_451] : memref<16x128xi32, #tpu.memory_space<vmem>> -> memref<1x128xi32, #tpu.memory_space<vmem>>
          %dma_start3A_453 = tpu.memref_squeeze %dma_start3A_452 : memref<1x128xi32, #tpu.memory_space<vmem>> -> memref<128xi32, #tpu.memory_space<vmem>>
          %dma_start3A_454 = arith.constant 0 : i32
          %dma_start3A_455 = arith.constant 0 : i32
          %dma_start3A_456 = tpu.memref_slice %arg13[%dma_start3A_454, %dma_start3A_455] : memref<10240x128xf32, #tpu.memory_space<vmem_shared>> -> memref<10240x128xf32, #tpu.memory_space<vmem_shared>>
          tpu.enqueue_indirect_dma source(%arg9 : memref<128x128xf32, #tpu.memory_space<vmem>>) target(%dma_start3A_456 : memref<10240x128xf32, #tpu.memory_space<vmem_shared>>) offsets(%dma_start3A_453 : memref<128xi32, #tpu.memory_space<vmem>>) semaphore(%run_scoped3A : memref<!tpu.dma_semaphore, #tpu.memory_space<semaphore_mem>>) {add = true}
          %dma_wait3A_457 = arith.constant 0 : i32
          %dma_wait3A_458 = tpu.memref_slice %arg8[%add3A_412, %dma_wait3A_457] : memref<16x128xi32, #tpu.memory_space<vmem>> -> memref<1x128xi32, #tpu.memory_space<vmem>>
          %dma_wait3A_459 = tpu.memref_squeeze %dma_wait3A_458 : memref<1x128xi32, #tpu.memory_space<vmem>> -> memref<128xi32, #tpu.memory_space<vmem>>
          %dma_wait3A_460 = arith.constant 0 : i32
          %dma_wait3A_461 = arith.constant 0 : i32
          %dma_wait3A_462 = tpu.memref_slice %arg13[%dma_wait3A_460, %dma_wait3A_461] : memref<10240x128xf32, #tpu.memory_space<vmem_shared>> -> memref<10240x128xf32, #tpu.memory_space<vmem_shared>>
          tpu.wait_indirect_dma semaphore(%run_scoped3A : memref<!tpu.dma_semaphore, #tpu.memory_space<semaphore_mem>>) src(%arg9 : memref<128x128xf32, #tpu.memory_space<vmem>>) dst(%dma_wait3A_462 : memref<10240x128xf32, #tpu.memory_space<vmem_shared>>)
          tpu.yield
        }) : () -> ()
        %add3A_423 = arith.constant 2 : i32
        %add3A_424 = arith.addi %add3A_412, %add3A_423 : i32
        %lt3A = arith.constant 16 : i32
        %lt3A_425 = arith.cmpi slt, %add3A_424, %lt3A : i32
        %convert_element_type3A_426 = arith.extui %lt3A_425 : i1 to i32
        %cond3A_427 = arith.constant 0 : i32
        %cond3A_428 = arith.cmpi ne, %convert_element_type3A_426, %cond3A_427 : i32
        scf.if %cond3A_428 {
          %add3A_451 = arith.constant 2 : i32
          %add3A_452 = arith.addi %add3A_412, %add3A_451 : i32
          %dma_start3A_453 = arith.constant 0 : i32
          %dma_start3A_454 = tpu.memref_slice %arg7[%add3A_452, %dma_start3A_453] : memref<16x128xi32, #tpu.memory_space<vmem>> -> memref<1x128xi32, #tpu.memory_space<vmem>>
          %dma_start3A_455 = tpu.memref_squeeze %dma_start3A_454 : memref<1x128xi32, #tpu.memory_space<vmem>> -> memref<128xi32, #tpu.memory_space<vmem>>
          %dma_start3A_456 = arith.constant 0 : i32
          %dma_start3A_457 = arith.constant 0 : i32
          %dma_start3A_458 = tpu.memref_slice %arg2[%dma_start3A_456, %dma_start3A_457] : memref<10240x128xf32, #tpu.memory_space<hbm>> -> memref<10240x128xf32, #tpu.memory_space<hbm>>
          tpu.enqueue_indirect_dma source(%dma_start3A_458 : memref<10240x128xf32, #tpu.memory_space<hbm>>) target(%arg9 : memref<128x128xf32, #tpu.memory_space<vmem>>) offsets(%dma_start3A_455 : memref<128xi32, #tpu.memory_space<vmem>>) semaphore(%arg15 : memref<!tpu.dma_semaphore, #tpu.memory_space<semaphore_mem>>)
        } else {
        }
        %mul3A_429 = arith.constant 2 : i32
        %mul3A_430 = arith.muli %scan3A_408, %mul3A_429 : i32
        %add3A_431 = arith.constant 1 : i32
        %add3A_432 = arith.addi %mul3A_430, %add3A_431 : i32
        %dma_wait3A_433 = arith.constant 0 : i32
        %dma_wait3A_434 = tpu.memref_slice %arg7[%add3A_432, %dma_wait3A_433] : memref<16x128xi32, #tpu.memory_space<vmem>> -> memref<1x128xi32, #tpu.memory_space<vmem>>
        %dma_wait3A_435 = tpu.memref_squeeze %dma_wait3A_434 : memref<1x128xi32, #tpu.memory_space<vmem>> -> memref<128xi32, #tpu.memory_space<vmem>>
        %dma_wait3A_436 = arith.constant 0 : i32
        %dma_wait3A_437 = arith.constant 0 : i32
        %dma_wait3A_438 = tpu.memref_slice %arg2[%dma_wait3A_436, %dma_wait3A_437] : memref<10240x128xf32, #tpu.memory_space<hbm>> -> memref<10240x128xf32, #tpu.memory_space<hbm>>
        tpu.wait_indirect_dma semaphore(%arg16 : memref<!tpu.dma_semaphore, #tpu.memory_space<semaphore_mem>>) src(%dma_wait3A_438 : memref<10240x128xf32, #tpu.memory_space<hbm>>) dst(%arg10 : memref<128x128xf32, #tpu.memory_space<vmem>>)
        %dma_start3A_439 = arith.constant 0 : i32
        %dma_start3A_440 = tpu.memref_slice %arg8[%add3A_432, %dma_start3A_439] : memref<16x128xi32, #tpu.memory_space<vmem>> -> memref<1x128xi32, #tpu.memory_space<vmem>>
        %dma_start3A_441 = tpu.memref_squeeze %dma_start3A_440 : memref<1x128xi32, #tpu.memory_space<vmem>> -> memref<128xi32, #tpu.memory_space<vmem>>
        %dma_start3A_442 = arith.constant 0 : i32
        %dma_start3A_443 = tpu.memref_slice %arg14[%dma_start3A_442] : memref<10240xf32, #tpu.memory_space<vmem_shared>> -> memref<10240xf32, #tpu.memory_space<vmem_shared>>
        tpu.enqueue_indirect_dma source(%arg11 : memref<128xf32, #tpu.memory_space<vmem>>) target(%dma_start3A_443 : memref<10240xf32, #tpu.memory_space<vmem_shared>>) offsets(%dma_start3A_441 : memref<128xi32, #tpu.memory_space<vmem>>) semaphore(%arg17 : memref<!tpu.dma_semaphore, #tpu.memory_space<semaphore_mem>>) {add = true}
        "tpu.region"() ({
          %run_scoped3A = tpu.sem_alloc : memref<!tpu.dma_semaphore, #tpu.memory_space<semaphore_mem>>
          %dma_start3A_451 = arith.constant 0 : i32
          %dma_start3A_452 = tpu.memref_slice %arg8[%add3A_432, %dma_start3A_451] : memref<16x128xi32, #tpu.memory_space<vmem>> -> memref<1x128xi32, #tpu.memory_space<vmem>>
          %dma_start3A_453 = tpu.memref_squeeze %dma_start3A_452 : memref<1x128xi32, #tpu.memory_space<vmem>> -> memref<128xi32, #tpu.memory_space<vmem>>
          %dma_start3A_454 = arith.constant 0 : i32
          %dma_start3A_455 = arith.constant 0 : i32
          %dma_start3A_456 = tpu.memref_slice %arg13[%dma_start3A_454, %dma_start3A_455] : memref<10240x128xf32, #tpu.memory_space<vmem_shared>> -> memref<10240x128xf32, #tpu.memory_space<vmem_shared>>
          tpu.enqueue_indirect_dma source(%arg10 : memref<128x128xf32, #tpu.memory_space<vmem>>) target(%dma_start3A_456 : memref<10240x128xf32, #tpu.memory_space<vmem_shared>>) offsets(%dma_start3A_453 : memref<128xi32, #tpu.memory_space<vmem>>) semaphore(%run_scoped3A : memref<!tpu.dma_semaphore, #tpu.memory_space<semaphore_mem>>) {add = true}
          %dma_wait3A_457 = arith.constant 0 : i32
          %dma_wait3A_458 = tpu.memref_slice %arg8[%add3A_432, %dma_wait3A_457] : memref<16x128xi32, #tpu.memory_space<vmem>> -> memref<1x128xi32, #tpu.memory_space<vmem>>
          %dma_wait3A_459 = tpu.memref_squeeze %dma_wait3A_458 : memref<1x128xi32, #tpu.memory_space<vmem>> -> memref<128xi32, #tpu.memory_space<vmem>>
          %dma_wait3A_460 = arith.constant 0 : i32
          %dma_wait3A_461 = arith.constant 0 : i32
          %dma_wait3A_462 = tpu.memref_slice %arg13[%dma_wait3A_460, %dma_wait3A_461] : memref<10240x128xf32, #tpu.memory_space<vmem_shared>> -> memref<10240x128xf32, #tpu.memory_space<vmem_shared>>
          tpu.wait_indirect_dma semaphore(%run_scoped3A : memref<!tpu.dma_semaphore, #tpu.memory_space<semaphore_mem>>) src(%arg10 : memref<128x128xf32, #tpu.memory_space<vmem>>) dst(%dma_wait3A_462 : memref<10240x128xf32, #tpu.memory_space<vmem_shared>>)
          tpu.yield
        }) : () -> ()
        %add3A_444 = arith.constant 2 : i32
        %add3A_445 = arith.addi %add3A_432, %add3A_444 : i32
        %lt3A_446 = arith.constant 16 : i32
        %lt3A_447 = arith.cmpi slt, %add3A_445, %lt3A_446 : i32
        %convert_element_type3A_448 = arith.extui %lt3A_447 : i1 to i32
        %cond3A_449 = arith.constant 0 : i32
        %cond3A_450 = arith.cmpi ne, %convert_element_type3A_448, %cond3A_449 : i32
        scf.if %cond3A_450 {
          %add3A_451 = arith.constant 2 : i32
          %add3A_452 = arith.addi %add3A_432, %add3A_451 : i32
          %dma_start3A_453 = arith.constant 0 : i32
          %dma_start3A_454 = tpu.memref_slice %arg7[%add3A_452, %dma_start3A_453] : memref<16x128xi32, #tpu.memory_space<vmem>> -> memref<1x128xi32, #tpu.memory_space<vmem>>
          %dma_start3A_455 = tpu.memref_squeeze %dma_start3A_454 : memref<1x128xi32, #tpu.memory_space<vmem>> -> memref<128xi32, #tpu.memory_space<vmem>>
          %dma_start3A_456 = arith.constant 0 : i32
          %dma_start3A_457 = arith.constant 0 : i32
          %dma_start3A_458 = tpu.memref_slice %arg2[%dma_start3A_456, %dma_start3A_457] : memref<10240x128xf32, #tpu.memory_space<hbm>> -> memref<10240x128xf32, #tpu.memory_space<hbm>>
          tpu.enqueue_indirect_dma source(%dma_start3A_458 : memref<10240x128xf32, #tpu.memory_space<hbm>>) target(%arg10 : memref<128x128xf32, #tpu.memory_space<vmem>>) offsets(%dma_start3A_455 : memref<128xi32, #tpu.memory_space<vmem>>) semaphore(%arg16 : memref<!tpu.dma_semaphore, #tpu.memory_space<semaphore_mem>>)
        } else {
        }
      }
      %scan3A_401 = arith.constant 8 : i32
      %scan3A_402 = arith.constant 0 : i32
      %scan3A_403 = arith.constant 0 : i32
      %scan3A_404 = arith.constant 16 : i32
      %scan3A_405 = arith.addi %scan3A_403, %scan3A_404 : i32
      %scan3A_406 = arith.constant 1 : i32
      scf.for %scan3A_408 = %scan3A_403 to %scan3A_405 step %scan3A_406  : i32 {
        %dma_wait3A = arith.constant 0 : i32
        %dma_wait3A_409 = tpu.memref_slice %arg8[%scan3A_408, %dma_wait3A] : memref<16x128xi32, #tpu.memory_space<vmem>> -> memref<1x128xi32, #tpu.memory_space<vmem>>
        %dma_wait3A_410 = tpu.memref_squeeze %dma_wait3A_409 : memref<1x128xi32, #tpu.memory_space<vmem>> -> memref<128xi32, #tpu.memory_space<vmem>>
        %dma_wait3A_411 = arith.constant 0 : i32
        %dma_wait3A_412 = tpu.memref_slice %arg14[%dma_wait3A_411] : memref<10240xf32, #tpu.memory_space<vmem_shared>> -> memref<10240xf32, #tpu.memory_space<vmem_shared>>
        tpu.wait_indirect_dma semaphore(%arg17 : memref<!tpu.dma_semaphore, #tpu.memory_space<semaphore_mem>>) src(%arg11 : memref<128xf32, #tpu.memory_space<vmem>>) dst(%dma_wait3A_412 : memref<10240xf32, #tpu.memory_space<vmem_shared>>)
      }
      %scan3A_407 = arith.constant 16 : i32
    } else {
    }
    %barrier3A_364 = arith.constant 0 : index
    tpu.barrier barrier_id(%barrier3A_364)
    %mul3A_365 = arith.constant 640 : i32
    %mul3A_366 = arith.muli %arg1, %mul3A_365 : i32
    %mul3A_367 = arith.constant 10240 : i32
    %mul3A_368 = arith.muli %arg0, %mul3A_367 : i32
    %mul3A_369 = arith.constant 640 : i32
    %mul3A_370 = arith.muli %arg1, %mul3A_369 : i32
    %add3A_371 = arith.addi %mul3A_368, %mul3A_370 : i32
    "tpu.region"() ({
      %run_scoped3A = tpu.sem_alloc : memref<!tpu.dma_semaphore, #tpu.memory_space<semaphore_mem>>
      %dma_start3A = arith.constant 0 : i32
      %dma_start3A_379 = tpu.memref_slice %arg5[%add3A_371, %dma_start3A] : memref<20480x128xf32, #tpu.memory_space<hbm>> -> memref<640x128xf32, #tpu.memory_space<hbm>>
      %dma_start3A_380 = arith.constant 0 : i32
      %dma_start3A_381 = tpu.memref_slice %arg13[%mul3A_366, %dma_start3A_380] : memref<10240x128xf32, #tpu.memory_space<vmem_shared>> -> memref<640x128xf32, #tpu.memory_space<vmem_shared>>
      tpu.enqueue_dma source(%dma_start3A_381 : memref<640x128xf32, #tpu.memory_space<vmem_shared>>) target(%dma_start3A_379 : memref<640x128xf32, #tpu.memory_space<hbm>>) target_semaphore(%run_scoped3A : memref<!tpu.dma_semaphore, #tpu.memory_space<semaphore_mem>>)
      %dma_wait3A = arith.constant 0 : i32
      %dma_wait3A_382 = tpu.memref_slice %arg5[%add3A_371, %dma_wait3A] : memref<20480x128xf32, #tpu.memory_space<hbm>> -> memref<640x128xf32, #tpu.memory_space<hbm>>
      %dma_wait3A_383 = arith.constant 0 : i32
      %dma_wait3A_384 = tpu.memref_slice %arg13[%mul3A_366, %dma_wait3A_383] : memref<10240x128xf32, #tpu.memory_space<vmem_shared>> -> memref<640x128xf32, #tpu.memory_space<vmem_shared>>
      tpu.wait_dma2 semaphore(%run_scoped3A : memref<!tpu.dma_semaphore, #tpu.memory_space<semaphore_mem>>) src(%dma_wait3A_384 : memref<640x128xf32, #tpu.memory_space<vmem_shared>>) dst(%dma_wait3A_382 : memref<640x128xf32, #tpu.memory_space<hbm>>)
      tpu.yield
    }) : () -> ()
    %mul3A_372 = arith.constant 640 : i32
    %mul3A_373 = arith.muli %arg1, %mul3A_372 : i32
    "tpu.region"() ({
      %run_scoped3A = tpu.sem_alloc : memref<!tpu.dma_semaphore, #tpu.memory_space<semaphore_mem>>
      %dma_start3A = tpu.memref_slice %arg14[%mul3A_373] : memref<10240xf32, #tpu.memory_space<vmem_shared>> -> memref<640xf32, #tpu.memory_space<vmem_shared>>
      %dma_start3A_379 = tpu.memref_slice %arg14[%mul3A_373] : memref<10240xf32, #tpu.memory_space<vmem_shared>> -> memref<640xf32, #tpu.memory_space<vmem_shared>>
      tpu.enqueue_dma source(%dma_start3A_379 : memref<640xf32, #tpu.memory_space<vmem_shared>>) target(%arg12 : memref<640xf32, #tpu.memory_space<vmem>>) target_semaphore(%run_scoped3A : memref<!tpu.dma_semaphore, #tpu.memory_space<semaphore_mem>>)
      %dma_wait3A = tpu.memref_slice %arg14[%mul3A_373] : memref<10240xf32, #tpu.memory_space<vmem_shared>> -> memref<640xf32, #tpu.memory_space<vmem_shared>>
      %dma_wait3A_380 = tpu.memref_slice %arg14[%mul3A_373] : memref<10240xf32, #tpu.memory_space<vmem_shared>> -> memref<640xf32, #tpu.memory_space<vmem_shared>>
      tpu.wait_dma2 semaphore(%run_scoped3A : memref<!tpu.dma_semaphore, #tpu.memory_space<semaphore_mem>>) src(%dma_wait3A_380 : memref<640xf32, #tpu.memory_space<vmem_shared>>) dst(%arg12 : memref<640xf32, #tpu.memory_space<vmem>>)
      tpu.yield
    }) : () -> ()
    %mul3A_374 = arith.constant 10240 : i32
    %mul3A_375 = arith.muli %arg0, %mul3A_374 : i32
    %mul3A_376 = arith.constant 640 : i32
    %mul3A_377 = arith.muli %arg1, %mul3A_376 : i32
    %add3A_378 = arith.addi %mul3A_375, %mul3A_377 : i32
    "tpu.region"() ({
      %run_scoped3A = tpu.sem_alloc : memref<!tpu.dma_semaphore, #tpu.memory_space<semaphore_mem>>
      %dma_start3A = tpu.memref_slice %arg6[%add3A_378] : memref<20480xf32, #tpu.memory_space<hbm>> -> memref<640xf32, #tpu.memory_space<hbm>>
      %dma_start3A_379 = tpu.memref_slice %arg6[%add3A_378] : memref<20480xf32, #tpu.memory_space<hbm>> -> memref<640xf32, #tpu.memory_space<hbm>>
      tpu.enqueue_dma source(%arg12 : memref<640xf32, #tpu.memory_space<vmem>>) target(%dma_start3A_379 : memref<640xf32, #tpu.memory_space<hbm>>) target_semaphore(%run_scoped3A : memref<!tpu.dma_semaphore, #tpu.memory_space<semaphore_mem>>)
      %dma_wait3A = tpu.memref_slice %arg6[%add3A_378] : memref<20480xf32, #tpu.memory_space<hbm>> -> memref<640xf32, #tpu.memory_space<hbm>>
      %dma_wait3A_380 = tpu.memref_slice %arg6[%add3A_378] : memref<20480xf32, #tpu.memory_space<hbm>> -> memref<640xf32, #tpu.memory_space<hbm>>
      tpu.wait_dma2 semaphore(%run_scoped3A : memref<!tpu.dma_semaphore, #tpu.memory_space<semaphore_mem>>) src(%arg12 : memref<640xf32, #tpu.memory_space<vmem>>) dst(%dma_wait3A_380 : memref<640xf32, #tpu.memory_space<hbm>>)
      tpu.yield
    }) : () -> ()
    return
  }
}

module attributes {stable_mosaic.version = 14 : i64} {
  func.func @_tc_body(%arg0: i32, %arg1: memref<400x128xf32, #tpu.memory_space<vmem>>, %arg2: memref<400x128xf32, #tpu.memory_space<vmem>>, %arg3: memref<400x128xf32, #tpu.memory_space<vmem>>, %arg4: memref<400x1xf32, #tpu.memory_space<vmem>>, %arg5: memref<400x1xf32, #tpu.memory_space<vmem>>, %arg6: memref<128x128xf32, #tpu.memory_space<vmem>>, %arg7: memref<1x128xf32, #tpu.memory_space<vmem>>, %arg8: memref<128x64xf32, #tpu.memory_space<vmem>>, %arg9: memref<1x64xf32, #tpu.memory_space<vmem>>, %arg10: memref<128x128xf32, #tpu.memory_space<vmem>>, %arg11: memref<128x128xf32, #tpu.memory_space<vmem>>, %arg12: memref<1x128xf32, #tpu.memory_space<vmem>>, %arg13: memref<128x64xf32, #tpu.memory_space<vmem>>, %arg14: memref<1x64xf32, #tpu.memory_space<vmem>>, %arg15: memref<400x64xf32, #tpu.memory_space<vmem>>) attributes {dimension_semantics = [#tpu.dimension_semantics<arbitrary>], iteration_bounds = array<i64: 25>, scalar_prefetch = 0 : i64, scratch_operands = 0 : i64, tpu.core_type = #tpu.core_type<tc>, window_params = [{transform_indices = @transform_0, window_bounds = array<i64: 400, 128>}, {transform_indices = @transform_1, window_bounds = array<i64: 400, 128>}, {transform_indices = @transform_2, window_bounds = array<i64: 400, 128>}, {transform_indices = @transform_3, window_bounds = array<i64: 400, 1>}, {transform_indices = @transform_4, window_bounds = array<i64: 400, 1>}, {pipeline_mode = #tpu.pipeline_mode<synchronous>, transform_indices = @transform_5, window_bounds = array<i64: 128, 128>}, {pipeline_mode = #tpu.pipeline_mode<synchronous>, transform_indices = @transform_6, window_bounds = array<i64: 1, 128>}, {pipeline_mode = #tpu.pipeline_mode<synchronous>, transform_indices = @transform_7, window_bounds = array<i64: 128, 64>}, {pipeline_mode = #tpu.pipeline_mode<synchronous>, transform_indices = @transform_8, window_bounds = array<i64: 1, 64>}, {pipeline_mode = #tpu.pipeline_mode<synchronous>, transform_indices = @transform_9, window_bounds = array<i64: 128, 128>}, {pipeline_mode = #tpu.pipeline_mode<synchronous>, transform_indices = @transform_10, window_bounds = array<i64: 128, 128>}, {pipeline_mode = #tpu.pipeline_mode<synchronous>, transform_indices = @transform_11, window_bounds = array<i64: 1, 128>}, {pipeline_mode = #tpu.pipeline_mode<synchronous>, transform_indices = @transform_12, window_bounds = array<i64: 128, 64>}, {pipeline_mode = #tpu.pipeline_mode<synchronous>, transform_indices = @transform_13, window_bounds = array<i64: 1, 64>}, {transform_indices = @transform_14, window_bounds = array<i64: 400, 64>}]} {
    %get3A = arith.constant 0 : index
    %get3A_0 = arith.constant 0 : index
    %get3A_1 = vector.load %arg1[%get3A, %get3A_0] : memref<400x128xf32, #tpu.memory_space<vmem>>, vector<400x128xf32>
    %get3A_2 = arith.constant 0 : index
    %get3A_3 = arith.constant 0 : index
    %get3A_4 = vector.load %arg6[%get3A_2, %get3A_3] : memref<128x128xf32, #tpu.memory_space<vmem>>, vector<128x128xf32>
    %dot_general3A = arith.constant dense<0.000000e+00> : vector<400x128xf32>
    %dot_general3A_5 = tpu.matmul %get3A_1, %get3A_4, %dot_general3A {dimension_numbers = #tpu.dot_dimension_numbers<[1], [0], [0], [1], [0, 0, 1, 1], [], []>, precision = #tpu.contract_precision<fp32>, transpose_lhs_hint = false} : vector<400x128xf32>, vector<128x128xf32>, vector<400x128xf32> -> vector<400x128xf32>
    %get3A_6 = arith.constant 0 : index
    %get3A_7 = arith.constant 0 : index
    %get3A_8 = vector.load %arg7[%get3A_6, %get3A_7] : memref<1x128xf32, #tpu.memory_space<vmem>>, vector<1x128xf32>
    %add3A = vector.broadcast %get3A_8 : vector<1x128xf32> to vector<400x128xf32>
    %add3A_9 = arith.addf %dot_general3A_5, %add3A : vector<400x128xf32>
    %max3A = arith.constant 0.000000e+00 : f32
    %max3A_10 = vector.broadcast %max3A : f32 to vector<400x128xf32>
    %max3A_11 = arith.maximumf %add3A_9, %max3A_10 : vector<400x128xf32>
    %get3A_12 = arith.constant 0 : index
    %get3A_13 = arith.constant 0 : index
    %get3A_14 = vector.load %arg8[%get3A_12, %get3A_13] : memref<128x64xf32, #tpu.memory_space<vmem>>, vector<128x64xf32>
    %dot_general3A_15 = arith.constant dense<0.000000e+00> : vector<400x64xf32>
    %dot_general3A_16 = tpu.matmul %max3A_11, %get3A_14, %dot_general3A_15 {dimension_numbers = #tpu.dot_dimension_numbers<[1], [0], [0], [1], [0, 0, 1, 1], [], []>, precision = #tpu.contract_precision<fp32>, transpose_lhs_hint = false} : vector<400x128xf32>, vector<128x64xf32>, vector<400x64xf32> -> vector<400x64xf32>
    %get3A_17 = arith.constant 0 : index
    %get3A_18 = arith.constant 0 : index
    %get3A_19 = vector.load %arg9[%get3A_17, %get3A_18] : memref<1x64xf32, #tpu.memory_space<vmem>>, vector<1x64xf32>
    %add3A_20 = vector.broadcast %get3A_19 : vector<1x64xf32> to vector<400x64xf32>
    %add3A_21 = arith.addf %dot_general3A_16, %add3A_20 : vector<400x64xf32>
    %get3A_22 = arith.constant 0 : index
    %get3A_23 = arith.constant 0 : index
    %get3A_24 = vector.load %arg2[%get3A_22, %get3A_23] : memref<400x128xf32, #tpu.memory_space<vmem>>, vector<400x128xf32>
    %get3A_25 = arith.constant 0 : index
    %get3A_26 = arith.constant 0 : index
    %get3A_27 = vector.load %arg3[%get3A_25, %get3A_26] : memref<400x128xf32, #tpu.memory_space<vmem>>, vector<400x128xf32>
    %add3A_28 = arith.addf %get3A_24, %get3A_27 : vector<400x128xf32>
    %get3A_29 = arith.constant 0 : index
    %get3A_30 = arith.constant 0 : index
    %get3A_31 = vector.load %arg4[%get3A_29, %get3A_30] : memref<400x1xf32, #tpu.memory_space<vmem>>, vector<400x1xf32>
    %get3A_32 = arith.constant 0 : index
    %get3A_33 = arith.constant 0 : index
    %get3A_34 = vector.load %arg5[%get3A_32, %get3A_33] : memref<400x1xf32, #tpu.memory_space<vmem>>, vector<400x1xf32>
    %add3A_35 = arith.addf %get3A_31, %get3A_34 : vector<400x1xf32>
    %max3A_36 = arith.constant 1.000000e+00 : f32
    %max3A_37 = vector.broadcast %max3A_36 : f32 to vector<400x1xf32>
    %max3A_38 = arith.maximumf %add3A_35, %max3A_37 : vector<400x1xf32>
    %div3A = vector.broadcast %max3A_38 : vector<400x1xf32> to vector<400x128xf32>
    %div3A_39 = arith.divf %add3A_28, %div3A : vector<400x128xf32>
    %get3A_40 = arith.constant 0 : index
    %get3A_41 = arith.constant 0 : index
    %get3A_42 = vector.load %arg10[%get3A_40, %get3A_41] : memref<128x128xf32, #tpu.memory_space<vmem>>, vector<128x128xf32>
    %dot_general3A_43 = arith.constant dense<0.000000e+00> : vector<400x128xf32>
    %dot_general3A_44 = tpu.matmul %div3A_39, %get3A_42, %dot_general3A_43 {dimension_numbers = #tpu.dot_dimension_numbers<[1], [0], [0], [1], [0, 0, 1, 1], [], []>, precision = #tpu.contract_precision<fp32>, transpose_lhs_hint = false} : vector<400x128xf32>, vector<128x128xf32>, vector<400x128xf32> -> vector<400x128xf32>
    %get3A_45 = arith.constant 0 : index
    %get3A_46 = arith.constant 0 : index
    %get3A_47 = vector.load %arg11[%get3A_45, %get3A_46] : memref<128x128xf32, #tpu.memory_space<vmem>>, vector<128x128xf32>
    %dot_general3A_48 = arith.constant dense<0.000000e+00> : vector<400x128xf32>
    %dot_general3A_49 = tpu.matmul %dot_general3A_44, %get3A_47, %dot_general3A_48 {dimension_numbers = #tpu.dot_dimension_numbers<[1], [0], [0], [1], [0, 0, 1, 1], [], []>, precision = #tpu.contract_precision<fp32>, transpose_lhs_hint = false} : vector<400x128xf32>, vector<128x128xf32>, vector<400x128xf32> -> vector<400x128xf32>
    %get3A_50 = arith.constant 0 : index
    %get3A_51 = arith.constant 0 : index
    %get3A_52 = vector.load %arg12[%get3A_50, %get3A_51] : memref<1x128xf32, #tpu.memory_space<vmem>>, vector<1x128xf32>
    %add3A_53 = vector.broadcast %get3A_52 : vector<1x128xf32> to vector<400x128xf32>
    %add3A_54 = arith.addf %dot_general3A_49, %add3A_53 : vector<400x128xf32>
    %max3A_55 = arith.constant 0.000000e+00 : f32
    %max3A_56 = vector.broadcast %max3A_55 : f32 to vector<400x128xf32>
    %max3A_57 = arith.maximumf %add3A_54, %max3A_56 : vector<400x128xf32>
    %get3A_58 = arith.constant 0 : index
    %get3A_59 = arith.constant 0 : index
    %get3A_60 = vector.load %arg13[%get3A_58, %get3A_59] : memref<128x64xf32, #tpu.memory_space<vmem>>, vector<128x64xf32>
    %dot_general3A_61 = arith.constant dense<0.000000e+00> : vector<400x64xf32>
    %dot_general3A_62 = tpu.matmul %max3A_57, %get3A_60, %dot_general3A_61 {dimension_numbers = #tpu.dot_dimension_numbers<[1], [0], [0], [1], [0, 0, 1, 1], [], []>, precision = #tpu.contract_precision<fp32>, transpose_lhs_hint = false} : vector<400x128xf32>, vector<128x64xf32>, vector<400x64xf32> -> vector<400x64xf32>
    %get3A_63 = arith.constant 0 : index
    %get3A_64 = arith.constant 0 : index
    %get3A_65 = vector.load %arg14[%get3A_63, %get3A_64] : memref<1x64xf32, #tpu.memory_space<vmem>>, vector<1x64xf32>
    %add3A_66 = vector.broadcast %get3A_65 : vector<1x64xf32> to vector<400x64xf32>
    %add3A_67 = arith.addf %dot_general3A_62, %add3A_66 : vector<400x64xf32>
    %add3A_68 = arith.addf %add3A_21, %add3A_67 : vector<400x64xf32>
    %swap3A = arith.constant 0 : index
    %swap3A_69 = arith.constant 0 : index
    %swap3A_70 = vector.load %arg15[%swap3A, %swap3A_69] : memref<400x64xf32, #tpu.memory_space<vmem>>, vector<400x64xf32>
    tpu.vector_store %arg15[%swap3A, %swap3A_69], %add3A_68 {strides = array<i32>} : memref<400x64xf32, #tpu.memory_space<vmem>>, vector<400x64xf32>,
    return
  }
  func.func @transform_0(%arg0: i32) -> (i32, i32) {
    %c0_i32 = arith.constant 0 : i32
    %c0_i32_0 = arith.constant 0 : i32
    return %arg0, %c0_i32 : i32, i32
  }
  func.func @transform_1(%arg0: i32) -> (i32, i32) {
    %c0_i32 = arith.constant 0 : i32
    %c0_i32_0 = arith.constant 0 : i32
    return %arg0, %c0_i32 : i32, i32
  }
  func.func @transform_2(%arg0: i32) -> (i32, i32) {
    %c0_i32 = arith.constant 0 : i32
    %c0_i32_0 = arith.constant 0 : i32
    return %arg0, %c0_i32 : i32, i32
  }
  func.func @transform_3(%arg0: i32) -> (i32, i32) {
    %c0_i32 = arith.constant 0 : i32
    %c0_i32_0 = arith.constant 0 : i32
    return %arg0, %c0_i32 : i32, i32
  }
  func.func @transform_4(%arg0: i32) -> (i32, i32) {
    %c0_i32 = arith.constant 0 : i32
    %c0_i32_0 = arith.constant 0 : i32
    return %arg0, %c0_i32 : i32, i32
  }
  func.func @transform_5(%arg0: i32) -> (i32, i32) {
    %c0_i32 = arith.constant 0 : i32
    %c0_i32_0 = arith.constant 0 : i32
    %c0_i32_1 = arith.constant 0 : i32
    return %c0_i32, %c0_i32_0 : i32, i32
  }
  func.func @transform_6(%arg0: i32) -> (i32, i32) {
    %c0_i32 = arith.constant 0 : i32
    %c0_i32_0 = arith.constant 0 : i32
    %c0_i32_1 = arith.constant 0 : i32
    return %c0_i32, %c0_i32_0 : i32, i32
  }
  func.func @transform_7(%arg0: i32) -> (i32, i32) {
    %c0_i32 = arith.constant 0 : i32
    %c0_i32_0 = arith.constant 0 : i32
    %c0_i32_1 = arith.constant 0 : i32
    return %c0_i32, %c0_i32_0 : i32, i32
  }
  func.func @transform_8(%arg0: i32) -> (i32, i32) {
    %c0_i32 = arith.constant 0 : i32
    %c0_i32_0 = arith.constant 0 : i32
    %c0_i32_1 = arith.constant 0 : i32
    return %c0_i32, %c0_i32_0 : i32, i32
  }
  func.func @transform_9(%arg0: i32) -> (i32, i32) {
    %c0_i32 = arith.constant 0 : i32
    %c0_i32_0 = arith.constant 0 : i32
    %c0_i32_1 = arith.constant 0 : i32
    return %c0_i32, %c0_i32_0 : i32, i32
  }
  func.func @transform_10(%arg0: i32) -> (i32, i32) {
    %c0_i32 = arith.constant 0 : i32
    %c0_i32_0 = arith.constant 0 : i32
    %c0_i32_1 = arith.constant 0 : i32
    return %c0_i32, %c0_i32_0 : i32, i32
  }
  func.func @transform_11(%arg0: i32) -> (i32, i32) {
    %c0_i32 = arith.constant 0 : i32
    %c0_i32_0 = arith.constant 0 : i32
    %c0_i32_1 = arith.constant 0 : i32
    return %c0_i32, %c0_i32_0 : i32, i32
  }
  func.func @transform_12(%arg0: i32) -> (i32, i32) {
    %c0_i32 = arith.constant 0 : i32
    %c0_i32_0 = arith.constant 0 : i32
    %c0_i32_1 = arith.constant 0 : i32
    return %c0_i32, %c0_i32_0 : i32, i32
  }
  func.func @transform_13(%arg0: i32) -> (i32, i32) {
    %c0_i32 = arith.constant 0 : i32
    %c0_i32_0 = arith.constant 0 : i32
    %c0_i32_1 = arith.constant 0 : i32
    return %c0_i32, %c0_i32_0 : i32, i32
  }
  func.func @transform_14(%arg0: i32) -> (i32, i32) {
    %c0_i32 = arith.constant 0 : i32
    %c0_i32_0 = arith.constant 0 : i32
    return %arg0, %c0_i32 : i32, i32
  }
}

</mosaic_0001>

<sc_bundles>
// kernel: kernel.4.cloned.1.call-start
scs
__scs_entry_jumppad:
0x0: {  	(pc) =	sbr.rel $0x88, $3  }
0x1: {  	(tag) =	ssettag $0x0;
	lr =	simm.s32 $0x1  }
0x2: {  	[smem:$0x3F96] =	sst lr;
	_ =	strace $0xD0000000  }
0x3: {  	_ = 	snop  }
0x4: {  	_ = 	snop  }
0x5: {  	_ = 	snop  }
0x6: {  	_ = 	snop  }
0x7: {  	_ = 	snop  }
__scs_overlays_trampoline_lowered:
0x8: {  	[smem:$0x3FA5] =	sst s0  }
0x9: {  	[smem:$0x3FA6] =	sst s1  }
0xa: {  	[smem:$0x3FA7] =	sst s2  }
0xb: {  	[smem:$0x3FA8] =	sst s3  }
0xc: {  	[smem:$0x3FA9] =	sst s4  }
0xd: {  	[smem:$0x3FAA] =	sst s5  }
0xe: {  	[smem:$0x3FAB] =	sst s6  }
0xf: {  	[smem:$0x3FAC] =	sst s7  }
0x10: {  	[smem:$0x3FAD] =	sst s8  }
0x11: {  	[smem:$0x3FAE] =	sst s9;
	s0 =	simm.s32 @!p0 $0x0  }
0x12: {  	s1 =	sld [smem:$0x3F94];
	s0 =	simm.s32 @p0 $0x1  }
0x13: {  	[smem:$0x3FAF] =	sst s0;
	s0 =	simm.s32 @!p1 $0x0  }
0x14: {  	s2 =	sld [smem:$0x3F93];
	s0 =	simm.s32 @p1 $0x1  }
0x15: {  	[smem:$0x3FB0] =	sst s0;
	s0 =	simm.s32 @!p2 $0x0  }
0x16: {  	s3 =	sld [smem:$0x3FDB];
	s0 =	simm.s32 @p2 $0x1  }
0x17: {  	s4 =	simm.s32 $0x1BF5;
	[smem:$0x3FB2] =	sst s0  }
0x18: {  	s0 =	sld [smem:$0x3F95];
	_ =	swait.ge [sflag:s4], $0x0  }
0x19: {  	s7 =	sld [smem:$0x3F96]  }
0x1a: {  	s8 =	sadd.s32 $0xFFFFE003, lr  }
0x1b: {  	s9 =	sadd.s32 $0xFFFFFEF7, lr;
	s5 =	simm.s32 $0xFFFFFFFF;
	p2 =	slt.u32 s8, $0xFFFFF086  }
0x1c: {  	p1 =	slt.u32 s9, $0xF7A;
	s5 =	simm.s32 @!p2 $0x0  }
0x1d: {  	s5 =	simm.s32 @p1 $0x1;
	p0 =	seq.s32 s7, s2  }
0x1e: {  	s7 =	smul.u32 @!p0 $0xF7A, s2;
	p2 =	seq.s32 @!p0 s5, $0x0  }
0x1f: {  	s9 =	smul.u32 $0xF7A, s1;
	s8 =	simm.s32 @!p0 $0x1BF5;
	p2 =	por !p2, p0  }
0x20: {  	[sflag:s8] =	ssyncset.s32 @!p0 $0xFFFFF086;
	s6 =	sadd.s32 @!p0 s3, s7;
	s7 =	simm.s32 @!p0 $0x108  }
0x21: {  	s3 =	sadd.s32 s3, s9;
	s6 =	sadd.s32 @!p0 $0x88, s6;
	s7 =	simm.s32 @p2 $0x1082  }
0x22: {  	[simem:s7], [sflag:s8] =	dma.local @!p0 [hbm:s6], $0xF7A  }
0x23: {  	s9 =	sor.u32 $0xD0000000, s2;
	s6 =	simm.s32 $0x108;
	_ =	swait.ge @!p0 [sflag:s8], $0x0  }
0x24: {  	s3 =	sadd.s32 $0x88, s3;
	s6 =	simm.s32 @!p1 $0x1082;
	[sflag:s4] =	ssyncset.s32 $0xFFFFF086  }
0x25: {  	[simem:s6], [sflag:s4] =	dma.local [hbm:s3], $0xF7A  }
0x26: {  	[smem:$0x3F96] =	sst s1;
	(tag) =	ssettag s2;
	_ =	strace s9  }
0x27: {  	s1 =	sld [smem:$0x3FA6]  }
0x28: {  	s2 =	sld [smem:$0x3FA7]  }
0x29: {  	s4 =	sld [smem:$0x3FA9]  }
0x2a: {  	p0 =	seq.s32 s5, $0x0;
	s5 =	sld [smem:$0x3FAA]  }
0x2b: {  	s6 =	sld [smem:$0x3FAB]  }
0x2c: {  	s7 =	sld [smem:$0x3FAC]  }
0x2d: {  	s3 =	simm.s32 $0x108;
	s8 =	sld [smem:$0x3FAD]  }
0x2e: {  	s3 =	simm.s32 @!p0 $0x1082;
	s9 =	sld [smem:$0x3FAE]  }
0x2f: {  	lr =	sadd.s32 s0, s3;
	s0 =	sld [smem:$0x3FA5]  }
0x30: {  	s3 =	sld [smem:$0x3FA8]  }
0x31: {  	[smem:$0x3FB1] =	sst s10  }
0x32: {  	s10 =	sld [smem:$0x3FAF];
	_ =	sdelay $0x3  }
0x33: {  	p0 =	seq.s32 s10, $0x1;
	s10 =	sld [smem:$0x3FB1];
	_ =	sdelay $0x3  }
0x34: {  	[smem:$0x3FB1] =	sst s10  }
0x35: {  	s10 =	sld [smem:$0x3FB0];
	_ =	sdelay $0x3  }
0x36: {  	p1 =	seq.s32 s10, $0x1;
	s10 =	sld [smem:$0x3FB1];
	_ =	sdelay $0x3  }
0x37: {  	[smem:$0x3FB1] =	sst s10  }
0x38: {  	s10 =	sld [smem:$0x3FB2]  }
0x39: {  	_ = 	snop;
	(pc) =	sbr.ind lr, $3  }
0x3a: {  	_ = 	snop  }
0x3b: {  	_ = 	snop  }
0x3c: {  	p2 =	seq.s32 s10, $0x1;
	s10 =	sld [smem:$0x3FB1]  }
0x3d: {  	_ =	shalt  }
0x3e: {  	_ =	shalt  }
0x3f: {  	_ =	shalt  }
0x40: {  	_ =	shalt  }
0x41: {  	_ =	shalt  }
0x42: {  	_ =	shalt  }
0x43: {  	_ =	shalt  }
0x44: {  	_ =	shalt  }
0x45: {  	_ =	shalt  }
0x46: {  	_ =	shalt  }
0x47: {  	_ =	shalt  }
0x48: {  	_ =	shalt  }
0x49: {  	_ =	shalt  }
0x4a: {  	_ =	shalt  }
0x4b: {  	_ =	shalt  }
0x4c: {  	_ =	shalt  }
0x4d: {  	_ =	shalt  }
0x4e: {  	_ =	shalt  }
0x4f: {  	_ =	shalt  }
0x50: {  	_ =	shalt  }
0x51: {  	_ =	shalt  }
0x52: {  	_ =	shalt  }
0x53: {  	_ =	shalt  }
0x54: {  	_ =	shalt  }
0x55: {  	_ =	shalt  }
0x56: {  	_ =	shalt  }
0x57: {  	_ =	shalt  }
0x58: {  	_ =	shalt  }
0x59: {  	_ =	shalt  }
0x5a: {  	_ =	shalt  }
0x5b: {  	_ =	shalt  }
0x5c: {  	_ =	shalt  }
0x5d: {  	_ =	shalt  }
0x5e: {  	_ =	shalt  }
0x5f: {  	_ =	shalt  }
0x60: {  	_ =	shalt  }
0x61: {  	_ =	shalt  }
0x62: {  	_ =	shalt  }
0x63: {  	_ =	shalt  }
0x64: {  	_ =	shalt  }
0x65: {  	_ =	shalt  }
0x66: {  	_ =	shalt  }
0x67: {  	_ =	shalt  }
0x68: {  	_ =	shalt  }
0x69: {  	_ =	shalt  }
0x6a: {  	_ =	shalt  }
0x6b: {  	_ =	shalt  }
0x6c: {  	_ =	shalt  }
0x6d: {  	_ =	shalt  }
0x6e: {  	_ =	shalt  }
0x6f: {  	_ =	shalt  }
0x70: {  	_ =	shalt  }
0x71: {  	_ =	shalt  }
0x72: {  	_ =	shalt  }
0x73: {  	_ =	shalt  }
0x74: {  	_ =	shalt  }
0x75: {  	_ =	shalt  }
0x76: {  	_ =	shalt  }
0x77: {  	_ =	shalt  }
0x78: {  	_ =	shalt  }
0x79: {  	_ =	shalt  }
0x7a: {  	_ =	shalt  }
0x7b: {  	_ =	shalt  }
0x7c: {  	_ =	shalt  }
0x7d: {  	_ =	shalt  }
0x7e: {  	_ =	shalt  }
0x7f: {  	_ =	shalt  }
0x80: {  	_ =	shalt  }
0x81: {  	_ =	shalt  }
0x82: {  	_ =	shalt  }
0x83: {  	_ =	shalt  }
0x84: {  	_ =	shalt  }
0x85: {  	_ =	shalt  }
0x86: {  	_ =	shalt  }
0x87: {  	_ =	shalt  }
.Lfunc_end0:
.L_simem_size_0:
called_computation_lowered:
.L_overlay_start_0:
0x88: {  	s2 =	sld [smem:$0x3FD9]  }
0x89: {  	s3 =	sld [smem:$0x3FFE];
	_ =	sdelay $0x1  }
0x8a: {  	s1 =	srdreg.scid  }
0x8b: {  	s0 =	sand.u32 $0x1, s1  }
0x8c: {  	s17 =	sshll.u32 s0, $0xA;
	s2 =	sadd.s32 s3, s2  }
0x8d: {  	s2 =	sadd.s32 s2, s17  }
0x8e: {  	[smem:$0x3FBD] =	sst s2  }
0x8f: {  	_ = 	snop  }
0x90: {  	s2 =	sld [smem:$0x3FD0];
	(tm) =	ssettm $0x1  }
0x91: {  	s18 =	sld [smem:$0x3FFB];
	_ =	sdelay $0x3  }
0x92: {  	_ =	strace s18  }
0x93: {  	s3 =	sld [smem:$0x3FFC];
	_ =	sdelay $0x3  }
0x94: {  	_ =	strace s3  }
0x95: {  	s3 =	sld [smem:$0x3FFD];
	_ =	sdelay $0x3  }
0x96: {  	_ =	strace s3  }
0x97: {  	_ =	strace $0x8FFFFFFF  }
0x98: {  	s19 =	sld [smem:$0x3FDB];
	_ =	sdelay $0x1  }
0x99: {  	s4 =	simm.s32 $_scs_section_size  }
0x9a: {  	s5 =	simm.s32 $_size__tile_overlayer_lowered;
	s6 =	simm.s32 $_tile_overlayer_lowered  }
0x9b: {  	s22 =	simm.s32 $0x1BFF;
	s21 =	sshll.u32 s6, $0x1;
	s3 =	sadd.s32 s4, s19  }
0x9c: {  	s7 =	simm.s32 $0x0;
	s20 =	sshll.u32 s5, $0x1;
	s5 =	sadd.s32 s21, s3  }
0x9d: {  	[timem:s7], [sflag:s22] =	dma.local [hbm:s5], s20  }
0x9e: {  	_ =	swait.ge [sflag:s22], s20  }
0x9f: {  	s4 =	ssub.s32 $0x0, s20;
	[sflag:s22] =	ssyncset.done $0x0  }
0xa0: {  	[sflag:s22] =	ssyncadd.s32 s4;
	_ =	sdelay $0x1  }
0xa1: {  	s23 =	simm.s32 $0x1B8B  }
0xa2: {  	_ =	swait.ge [sflag:s23], $0x1  }
0xa3: {  	[sflag:s23] =	ssyncset.done $0x0  }
0xa4: {  	s25 =	simm.s32 $0x1B8E;
	s24 =	sld [smem:$0x3FFE];
	[sflag:s23] =	ssyncadd.s32 $0xFFFFFFFF  }
0xa5: {  	s26 =	simm.s32 $execute0_lowered;
	[smem:$0x3FD2] =	sst s25  }
0xa6: {  	s5 =	sshll.u32 s26, $0x1;
	_ =	strace $0x80000046;
	[dreg:$0x1] =	wrdreg $0xFFFFFFFF  }
0xa7: {  	s28 =	simm.s32 $_size_execute0_lowered;
	s3 =	sadd.s32 s3, s5;
	[dreg:$0x0] =	wrdreg $0x0  }
0xa8: {  	s5 =	sshll.u32 s28, $0x1;
	[dreg:$0x2] =	wrdreg s3  }
0xa9: {  	[dreg:$0x3] =	wrdreg s5  }
0xaa: {  	[dreg:$0x4] =	wrdreg $0xC0  }
0xab: {  	_ =	task [dreg:s7], $0x5FFFF  }
0xac: {  	[dreg:$0x1] =	wrdreg $0xFFFFFFFF  }
0xad: {  	[dreg:$0x0] =	wrdreg $0x60  }
0xae: {  	[dreg:$0x2] =	wrdreg s24  }
0xaf: {  	[dreg:$0x3] =	wrdreg s2  }
0xb0: {  	[dreg:$0x4] =	wrdreg $0x93000  }
0xb1: {  	[dreg:$0x5] =	wrdreg $0x1D3000  }
0xb2: {  	[dreg:$0x6] =	wrdreg $0x9  }
0xb3: {  	_ =	task.clear_ibuf [dreg:s7], $0x7FFFF;
	_ =	strace $0x90000046  }
0xb4: {  	s29 =	simm.s32 $0x9;
	_ =	strace $0x80000048  }
0xb5: {  	_ =	swait.ge [sflag:s29], $0x1  }
0xb6: {  	[sflag:s29] =	ssyncadd.s32 $0xFFFFFFFF  }
0xb7: {  	_ =	strace $0x90000048  }
0xb8: {  	_ =	sfence  }
0xb9: {  	s30 =	sld [smem:$0x0];
	_ =	sdelay $0x2  }
0xba: {  	s31 =	sshll.u32 s1, $0xD;
	s1 =	sshrl.u32 s1, $0x2  }
0xbb: {  	s3 =	sand.u32 $0x4000, s31;
	s1 =	sadd.s32 s1, s30  }
0xbc: {  	s0 =	sor.u32 s3, s0;
	s1 =	sshll.u32 s1, $0x11  }
0xbd: {  	s0 =	sor.u32 s1, s0  }
0xbe: {  	s0 =	sadd.s32 $0x8F2B, s0  }
0xbf: {  	[sflag:s0] =	ssyncadd.remote.s32 $0x1  }
0xc0: {  	_ =	sfence.sel $0xFFFF  }
0xc1: {  	[dreg:$0x0] =	wrdreg $0xFFFFFFFF;
	(pc) =	sbr.abs _section_cstart, $3  }
0xc2: {  	[dreg:$0x1] =	wrdreg $0xFFFFFFFF  }
0xc3: {  	_ =	task.clear_ibuf [dreg:s7], $0x2FFFF;
	_ =	strace $0x9FFFFFFF  }
0xc4: {  	(tm) =	ssettm $0x7FFFFFFF  }
0xc5: {  	_ =	shalt  }
tec
execute0_lowered:
.L_overlay_start_1:
0x0: {  	(tag) =	ssettag $0x1  }
0x1: {  	s0 =	rddreg [dreg:$0x0]  }
0x2: {  	s3 =	rddreg [dreg:$0x1]  }
0x3: {  	s1 =	rddreg [dreg:$0x2]  }
0x4: {  	s2 =	simm.s32 $0x0;
	s12 =	stileid.u32;
	s6 =	srdreg.scid  }
0x5: {  	s31 =	simm.s32 $0x300;
	s30 =	simm.s32 $0x500;
	s29 =	simm.s32 $0xF80  }
0x6: {  	s7 =	smul.u32 $0x90, s12;
	s6 =	sand.u32 $0x1, s6;
	s8 =	sshll.u32 s12, $0x4  }
0x7: {  	s9 =	smul.u32 $0x4800, s12;
	p0 =	seq.s32 s6, $0x0;
	s8 =	sor.u32 $0x900, s8  }
0x8: {  	[smem:$0x7FF] =	sst s2;
	s4 =	smul.u32 $0x280, s12;
	s8 =	smov.u32 @p0 s7  }
0x9: {  	s5 =	sadd.s32 $0x1C00, s0;
	s7 =	sshrl.u32 s9, $0x3;
	s8 =	sshll.u32 s8, $0x4  }
0xa: {  	s10 =	ssub.s32 $0x2, s6;
	s22 =	sadd.s32 $0x500, s7;
	s13 =	sadd.s32 s5, s8  }
0xb: {  	s24 =	sadd.s32 s5, s22;
	s25 =	sadd.s32 s3, s22;
	s22 =	rddreg [dreg:$0x3]  }
0xc: {  	s28 =	sadd.s32 $0x100, s7;
	s8 =	sadd.s32 s3, s8;
	[dreg:$0x5] =	wrdreg s13  }
0xd: {  	s11 =	sshrl.u32 s10, $0x1;
	s14 =	sadd.s32 s5, s28;
	[dreg:$0x6] =	wrdreg s8  }
0xe: {  	s16 =	sadd.s32 $0x200, s7;
	s15 =	sadd.s32 s3, s28;
	[dreg:$0x7] =	wrdreg s14  }
0xf: {  	s17 =	sadd.s32 $0x300, s7;
	s18 =	sadd.s32 s5, s16;
	[dreg:$0x8] =	wrdreg s15  }
0x10: {  	p0 =	sne.s32 s6, $0x0;
	s19 =	sadd.s32 s5, s17;
	[dreg:$0x9] =	wrdreg s18  }
0x11: {  	s21 =	sadd.s32 $0x400, s7;
	s20 =	sadd.s32 s3, s17;
	[dreg:$0xb] =	wrdreg s19  }
0x12: {  	s9 =	ssub.s32 s10, s11;
	s23 =	sadd.s32 s5, s21;
	[dreg:$0xc] =	wrdreg s20  }
0x13: {  	s26 =	sadd.s32 $0x600, s7;
	s10 =	simm.s32 $0x80;
	[dreg:$0xd] =	wrdreg s23  }
0x14: {  	s11 =	simm.s32 $0x5000;
	s28 =	sadd.s32 $0x700, s7;
	[dreg:$0xf] =	wrdreg s24  }
0x15: {  	s7 =	sadd.s32 $0x800, s7;
	s8 =	sadd.s32 s3, s16;
	[dreg:$0x10] =	wrdreg s25  }
0x16: {  	s13 =	sadd.s32 s5, s26;
	s14 =	sadd.s32 s5, s28;
	s15 =	sadd.s32 s3, s28  }
0x17: {  	s16 =	smul.u32 $0x2800, s6;
	s5 =	sadd.s32 s5, s7;
	[dreg:$0xa] =	wrdreg s8  }
0x18: {  	s18 =	smul.u32 $0x50000, s12;
	s23 =	sadd.s32 $0xBC00, s0;
	[dreg:$0x11] =	wrdreg s13  }
0x19: {  	s24 =	smax.u32 s9, $0x1;
	s9 =	simm.s32 $0x800;
	[dreg:$0x13] =	wrdreg s14  }
0x1a: {  	s12 =	simm.s32 $0x1;
	s8 =	sadd.s32 s3, s21;
	[dreg:$0x14] =	wrdreg s15  }
0x1b: {  	[dreg:$0x15] =	wrdreg s5;
	s13 =	simm.s32 $0x9000;
	s15 =	simm.s32 $0x2  }
0x1c: {  	s14 =	simm.s32 $0x400;
	[dreg:$0xe] =	wrdreg s8;
	s8 =	sadd.s32 s3, s26  }
0x1d: {  	s3 =	sadd.s32 s3, s7;
	s17 =	sadd.s32 s4, s16;
	s5 =	sshrl.u32 s18, $0x2  }
0x1e: {  	s4 =	sadd.s32 s4, s22;
	s7 =	simm.s32 $0x4;
	[dreg:$0x12] =	wrdreg s8  }
0x1f: {  	s18 =	simm.s32 $0x9080;
	[dreg:$0x16] =	wrdreg s3;
	s19 =	sshll.u32 s17, $0x4  }
0x20: {  	s3 =	sshrl.u32 s17, $0x3;
	s20 =	sadd.s32 s5, s1;
	s8 =	simm.s32 $0x580  }
0x21: {  	s17 =	simm.s32 $0x3;
	_ =	strace $0x80000047;
	[dreg:$0x18] =	wrdreg s4  }
0x22: {  	s6 =	sadd.s32 s19, s0;
	s3 =	sadd.s32 s3, s0;
	[dreg:$0x1b] =	wrdreg s24  }
0x23: {  	s25 =	sadd.s32 $0x4000, s20;
	s26 =	sadd.s32 $0x8000, s20;
	[dreg:$0x17] =	wrdreg s20  }
0x24: {  	s28 =	sadd.s32 $0xC000, s20;
	s0 =	sadd.s32 $0x10000, s20;
	[dreg:$0x1c] =	wrdreg s25  }
.Ltmp0:
0x25: {  	s20 =	simm.s32 $0x480;
	[dreg:$0x1d] =	wrdreg s26;
	(pc) =	sbr.rel .LBB2_1-.Ltmp0, $4  }
0x26: {  	s24 =	simm.s32 $0x600;
	s21 =	sadd.s32 $0x33C00, s6;
	[dreg:$0x1e] =	wrdreg s28  }
0x27: {  	s3 =	sadd.s32 $0x83C00, s3;
	[dreg:$0x1f] =	wrdreg s0;
	s6 =	simm.s32 $0x1000  }
0x28: {  	s25 =	simm.s32 $0x700;
	s26 =	simm.s32 $0x780;
	[dreg:$0x19] =	wrdreg s21  }
0x29: {  	v0 =	vimm.f32 $0.0e+00;
	v1 =	vimm.f32 $1.000000000e+00;
	s0 =	simm.s32 $0x0;
	[dreg:$0x1a] =	wrdreg s3;
	s21 =	simm.s32 $0x680  }
.LBB2_5:
0x2a: {  	s19 =	stileid.u32;
	[bflag:$0x0] =	sbarrier.arrive $0xFFFF  }
0x2b: {  	s19 =	sshll.u32 s19, $0x6;
	s28 =	rddreg [dreg:$0x17]  }
0x2c: {  	s16 =	rddreg [dreg:$0x19];
	s19 =	sor.u32 $0x1C04, s19;
	s28 =	sshrl.u32 s28, $0x3  }
0x2d: {  	[hbm:s16], [sflag:s19] =	dma.local [spmem:s28], $0x2800  }
0x2e: {  	_ =	swait.ge [sflag:s7], $0x2800  }
0x2f: {  	[sflag:s7] =	ssyncset.done $0x0  }
0x30: {  	s16 =	simm.s32 $0x9080;
	s5 =	rddreg [dreg:$0x18];
	[sflag:s7] =	ssyncadd.s32 $0xFFFFD800  }
0x31: {  	[tilespmem:s16], [sflag:$0x4] =	stream.linear.gather [spmem:s5], $0x280, $0x38;
	[tilespmem:$0x1D580] =	vst v63  }
0x32: {  	_ =	swait.ge [sflag:s7], $0x280  }
0x33: {  	[sflag:s7] =	ssyncset.done $0x0  }
0x34: {  	s19 =	rddreg [dreg:$0x1a];
	[sflag:s7] =	ssyncadd.s32 $0xFFFFFD80  }
0x35: {  	[hbm4b:s19+s2] =	stream.linear.scatter [tilespmem:s16], [sflag:$0x4], $0x280, $0x38;
	[tilespmem:$0x1D580] =	vst v63  }
0x36: {  	_ =	swait.ge [sflag:s7], $0x280  }
0x37: {  	s0 =	sadd.s32 $0x1, s0;
	s28 =	rddreg [dreg:$0x1b]  }
0x38: {  	p1 =	sne.s32 s0, s28  }
.Ltmp1:
0x39: {  	_ = 	snop;
	(pc) =	sbr.rel @!p1 .LBB2_6-.Ltmp1, $3  }
0x3a: {  	_ =	sdelay $0x1  }
0x3b: {  	[sflag:s7] =	ssyncset.done $0x0  }
0x3c: {  	s18 =	simm.s32 $0x9080;
	[sflag:s7] =	ssyncadd.s32 $0xFFFFFD80  }
.LBB2_1:
0x3d: {  	s28 =	simm.s32 $0x0;
	s19 =	simm.s32 $0x200  }
.LBB2_2:
0x3e: {  	p1 =	sne.s32 s19, $0xFE00;
	[tilespmem:s28+$0x1070] =	vst v0  }
0x3f: {  	[tilespmem:s28+$0x1000] =	vst v0  }
0x40: {  	[tilespmem:s28+$0x1010] =	vst v0  }
.Ltmp2:
0x41: {  	[tilespmem:s28+$0x1020] =	vst v0;
	(pc) =	sbr.rel @p1 .LBB2_2-.Ltmp2, $4  }
0x42: {  	[tilespmem:s28+$0x1030] =	vst v0  }
0x43: {  	[tilespmem:s28+$0x1040] =	vst v0  }
0x44: {  	[tilespmem:s28+$0x1050] =	vst v0  }
0x45: {  	[tilespmem:s28+$0x1060] =	vst v0;
	s28 =	sshra.s32 s19, $0x2;
	s19 =	sadd.s32 $0x200, s19  }
0x46: {  	[tilespmem:s28+$0x1070] =	vst v0  }
0x47: {  	[tilespmem:s28+$0x1000] =	vst v0  }
0x48: {  	[tilespmem:s28+$0x1010] =	vst v0  }
0x49: {  	[tilespmem:s28+$0x1020] =	vst v0  }
0x4a: {  	[tilespmem:s28+$0x1030] =	vst v0  }
0x4b: {  	[tilespmem:s28+$0x1040] =	vst v0  }
0x4c: {  	[tilespmem:s28+$0x1050] =	vst v0  }
0x4d: {  	[tilespmem:s28+$0x1060] =	vst v0;
	s19 =	rddreg [dreg:$0x17]  }
0x4e: {  	[spmem:s19] =	stream.linear.scatter [tilespmem:s6], [sflag:$0x4], $0x4000, $0x38;
	[tilespmem:$0x1D580] =	vst v63  }
0x4f: {  	_ =	swait.ge [sflag:s7], $0x4000  }
0x50: {  	[sflag:s7] =	ssyncset.done $0x0  }
0x51: {  	s16 =	rddreg [dreg:$0x1c];
	[sflag:s7] =	ssyncadd.s32 $0xFFFFC000  }
0x52: {  	[spmem:s16] =	stream.linear.scatter [tilespmem:s6], [sflag:$0x4], $0x4000, $0x38;
	[tilespmem:$0x1D580] =	vst v63  }
0x53: {  	_ =	swait.ge [sflag:s7], $0x4000  }
0x54: {  	[sflag:s7] =	ssyncset.done $0x0  }
0x55: {  	s4 =	rddreg [dreg:$0x1d];
	[sflag:s7] =	ssyncadd.s32 $0xFFFFC000  }
0x56: {  	[spmem:s4] =	stream.linear.scatter [tilespmem:s6], [sflag:$0x4], $0x4000, $0x38;
	[tilespmem:$0x1D580] =	vst v63  }
0x57: {  	_ =	swait.ge [sflag:s7], $0x4000  }
0x58: {  	[sflag:s7] =	ssyncset.done $0x0  }
0x59: {  	s5 =	rddreg [dreg:$0x1e];
	[sflag:s7] =	ssyncadd.s32 $0xFFFFC000  }
0x5a: {  	[spmem:s5] =	stream.linear.scatter [tilespmem:s6], [sflag:$0x4], $0x4000, $0x38;
	[tilespmem:$0x1D580] =	vst v63  }
0x5b: {  	_ =	swait.ge [sflag:s7], $0x4000  }
0x5c: {  	[sflag:s7] =	ssyncset.done $0x0  }
0x5d: {  	s19 =	rddreg [dreg:$0x1f];
	[sflag:s7] =	ssyncadd.s32 $0xFFFFC000  }
0x5e: {  	[spmem:s19] =	stream.linear.scatter [tilespmem:s6], [sflag:$0x4], $0x4000, $0x38;
	[tilespmem:$0x1D580] =	vst v63  }
0x5f: {  	_ =	swait.ge [sflag:s7], $0x4000  }
0x60: {  	[sflag:s7] =	ssyncset.done $0x0  }
0x61: {  	[sflag:s7] =	ssyncadd.s32 $0xFFFFC000  }
0x62: {  	[tilespmem:$0x9080] =	vst v0  }
0x63: {  	[tilespmem:$0x9090] =	vst v0  }
0x64: {  	[tilespmem:$0x90A0] =	vst v0  }
0x65: {  	[tilespmem:$0x90B0] =	vst v0  }
0x66: {  	[tilespmem:$0x90C0] =	vst v0  }
0x67: {  	[tilespmem:$0x90D0] =	vst v0  }
0x68: {  	[tilespmem:$0x90E0] =	vst v0  }
0x69: {  	[tilespmem:$0x90F0] =	vst v0  }
0x6a: {  	[tilespmem:$0x9100] =	vst v0  }
0x6b: {  	[tilespmem:$0x9110] =	vst v0  }
0x6c: {  	[tilespmem:$0x9120] =	vst v0  }
0x6d: {  	[tilespmem:$0x9130] =	vst v0  }
0x6e: {  	[tilespmem:$0x9140] =	vst v0  }
0x6f: {  	[tilespmem:$0x9150] =	vst v0  }
0x70: {  	[tilespmem:$0x9160] =	vst v0  }
0x71: {  	[tilespmem:$0x9170] =	vst v0  }
0x72: {  	[tilespmem:$0x9180] =	vst v0  }
0x73: {  	[tilespmem:$0x9190] =	vst v0  }
0x74: {  	[tilespmem:$0x91A0] =	vst v0  }
0x75: {  	[tilespmem:$0x91B0] =	vst v0  }
0x76: {  	[tilespmem:$0x91C0] =	vst v0  }
0x77: {  	[tilespmem:$0x91D0] =	vst v0  }
0x78: {  	[tilespmem:$0x91E0] =	vst v0  }
0x79: {  	[tilespmem:$0x91F0] =	vst v0  }
0x7a: {  	[tilespmem:$0x9200] =	vst v0  }
0x7b: {  	[tilespmem:$0x9210] =	vst v0  }
0x7c: {  	[tilespmem:$0x9220] =	vst v0  }
0x7d: {  	[tilespmem:$0x9230] =	vst v0  }
0x7e: {  	[tilespmem:$0x9240] =	vst v0  }
0x7f: {  	[tilespmem:$0x9250] =	vst v0  }
0x80: {  	[tilespmem:$0x9260] =	vst v0  }
0x81: {  	[tilespmem:$0x9270] =	vst v0  }
0x82: {  	[tilespmem:$0x9280] =	vst v0  }
0x83: {  	[tilespmem:$0x9290] =	vst v0  }
0x84: {  	[tilespmem:$0x92A0] =	vst v0  }
0x85: {  	[tilespmem:$0x92B0] =	vst v0  }
0x86: {  	[tilespmem:$0x92C0] =	vst v0  }
0x87: {  	[tilespmem:$0x92D0] =	vst v0  }
0x88: {  	[tilespmem:$0x92E0] =	vst v0  }
0x89: {  	s28 =	rddreg [dreg:$0x18];
	[tilespmem:$0x92F0] =	vst v0  }
0x8a: {  	[spmem:s28] =	stream.linear.scatter [tilespmem:s18], [sflag:$0x4], $0x280, $0x38;
	[tilespmem:$0x1D580] =	vst v63  }
0x8b: {  	_ =	swait.ge [sflag:s7], $0x280  }
0x8c: {  	[sflag:s7] =	ssyncset.done $0x0  }
0x8d: {  	[sflag:s7] =	ssyncadd.s32 $0xFFFFFD80  }
0x8e: {  	[tilespmem:$0x9000] =	vst v1  }
0x8f: {  	[tilespmem:$0x9010] =	vst v1  }
0x90: {  	[tilespmem:$0x9020] =	vst v1  }
0x91: {  	[tilespmem:$0x9030] =	vst v1  }
0x92: {  	[tilespmem:$0x9040] =	vst v1  }
0x93: {  	[tilespmem:$0x9050] =	vst v1  }
0x94: {  	[tilespmem:$0x9060] =	vst v1  }
0x95: {  	[tilespmem:$0x9070] =	vst v1  }
0x96: {  	[bflag:$0x0] =	sbarrier.arrive $0xFFFF  }
0x97: {  	s3 =	rddreg [dreg:$0x5]  }
0x98: {  	[tilespmem:s2], [sflag:$0x4] =	stream.linear.gather [hbm4b:s3+s2], $0x800, $0x38;
	[tilespmem:$0x1D580] =	vst v63  }
0x99: {  	_ =	swait.ge [sflag:s7], $0x800  }
0x9a: {  	[sflag:s7] =	ssyncset.done $0x0  }
0x9b: {  	s4 =	rddreg [dreg:$0x6];
	[sflag:s7] =	ssyncadd.s32 $0xFFFFF800  }
0x9c: {  	[tilespmem:s9], [sflag:$0x4] =	stream.linear.gather [hbm4b:s4+s2], $0x800, $0x38;
	[tilespmem:$0x1D580] =	vst v63  }
0x9d: {  	_ =	swait.ge [sflag:s7], $0x800  }
0x9e: {  	[sflag:s7] =	ssyncset.done $0x0  }
0x9f: {  	[sflag:s7] =	ssyncadd.s32 $0xFFFFF800  }
0xa0: {  	[tilespmem:s6], [sflag:$0x1] =	stream.indirect.gather [hbm4b:s23+s10], $0x80, s2, s10, $0xb8;
	[tilespmem:$0x1D580] =	vst v63  }
0xa1: {  	_ = 	snop  }
0xa2: {  	[tilespmem:s11], [sflag:$0x2] =	stream.indirect.gather [hbm4b:s23+s10], $0x80, s10, s10, $0xb8;
	[tilespmem:$0x1D580] =	vst v63  }
0xa3: {  	_ =	swait.ge [sflag:s12], $0x4000  }
0xa4: {  	[sflag:s12] =	ssyncset.done $0x0  }
0xa5: {  	[sflag:s12] =	ssyncadd.s32 $0xFFFFC000  }
0xa6: {  	[spmem:s22] =	stream.indirect.scatter.add.f32 [tilespmem:s13], [sflag:$0x3], $0x1, s9, s10, $0xb8;
	[tilespmem:$0x1D580] =	vst v63  }
0xa7: {  	_ = 	snop  }
0xa8: {  	[spmem:s1] =	stream.indirect.scatter.add.f32 [tilespmem:s6], [sflag:$0x4], $0x80, s9, s10, $0xb8;
	[tilespmem:$0x1D580] =	vst v63  }
0xa9: {  	_ =	swait.ge [sflag:s7], $0x4000  }
0xaa: {  	[sflag:s7] =	ssyncset.done $0x0  }
0xab: {  	s3 =	simm.s32 $0x100;
	[sflag:s7] =	ssyncadd.s32 $0xFFFFC000  }
0xac: {  	[tilespmem:s6], [sflag:$0x1] =	stream.indirect.gather [hbm4b:s23+s10], $0x80, s3, s10, $0xb8;
	[tilespmem:$0x1D580] =	vst v63  }
0xad: {  	_ =	swait.ge [sflag:s15], $0x4000  }
0xae: {  	[sflag:s15] =	ssyncset.done $0x0  }
0xaf: {  	s5 =	simm.s32 $0x880;
	[sflag:s15] =	ssyncadd.s32 $0xFFFFC000  }
0xb0: {  	[spmem:s22] =	stream.indirect.scatter.add.f32 [tilespmem:s13], [sflag:$0x3], $0x1, s5, s10, $0xb8;
	[tilespmem:$0x1D580] =	vst v63  }
0xb1: {  	_ = 	snop  }
0xb2: {  	[spmem:s1] =	stream.indirect.scatter.add.f32 [tilespmem:s11], [sflag:$0x4], $0x80, s5, s10, $0xb8;
	[tilespmem:$0x1D580] =	vst v63  }
0xb3: {  	_ =	swait.ge [sflag:s7], $0x4000  }
0xb4: {  	[sflag:s7] =	ssyncset.done $0x0  }
0xb5: {  	s18 =	simm.s32 $0x180;
	[sflag:s7] =	ssyncadd.s32 $0xFFFFC000  }
0xb6: {  	[tilespmem:s11], [sflag:$0x2] =	stream.indirect.gather [hbm4b:s23+s10], $0x80, s18, s10, $0xb8;
	[tilespmem:$0x1D580] =	vst v63  }
0xb7: {  	_ =	swait.ge [sflag:s12], $0x4000  }
0xb8: {  	[sflag:s12] =	ssyncset.done $0x0  }
0xb9: {  	s19 =	simm.s32 $0x900;
	[sflag:s12] =	ssyncadd.s32 $0xFFFFC000  }
0xba: {  	[spmem:s22] =	stream.indirect.scatter.add.f32 [tilespmem:s13], [sflag:$0x3], $0x1, s19, s10, $0xb8;
	[tilespmem:$0x1D580] =	vst v63  }
0xbb: {  	_ = 	snop  }
0xbc: {  	[spmem:s1] =	stream.indirect.scatter.add.f32 [tilespmem:s6], [sflag:$0x4], $0x80, s19, s10, $0xb8;
	[tilespmem:$0x1D580] =	vst v63  }
0xbd: {  	_ =	swait.ge [sflag:s7], $0x4000  }
0xbe: {  	[sflag:s7] =	ssyncset.done $0x0  }
0xbf: {  	s28 =	simm.s32 $0x200;
	[sflag:s7] =	ssyncadd.s32 $0xFFFFC000  }
0xc0: {  	[tilespmem:s6], [sflag:$0x1] =	stream.indirect.gather [hbm4b:s23+s10], $0x80, s28, s10, $0xb8;
	[tilespmem:$0x1D580] =	vst v63  }
0xc1: {  	_ =	swait.ge [sflag:s15], $0x4000  }
0xc2: {  	[sflag:s15] =	ssyncset.done $0x0  }
0xc3: {  	s3 =	simm.s32 $0x980;
	[sflag:s15] =	ssyncadd.s32 $0xFFFFC000  }
0xc4: {  	[spmem:s22] =	stream.indirect.scatter.add.f32 [tilespmem:s13], [sflag:$0x3], $0x1, s3, s10, $0xb8;
	[tilespmem:$0x1D580] =	vst v63  }
0xc5: {  	_ = 	snop  }
0xc6: {  	[spmem:s1] =	stream.indirect.scatter.add.f32 [tilespmem:s11], [sflag:$0x4], $0x80, s3, s10, $0xb8;
	[tilespmem:$0x1D580] =	vst v63  }
0xc7: {  	_ =	swait.ge [sflag:s7], $0x4000  }
0xc8: {  	[sflag:s7] =	ssyncset.done $0x0  }
0xc9: {  	s4 =	simm.s32 $0x280;
	[sflag:s7] =	ssyncadd.s32 $0xFFFFC000  }
0xca: {  	[tilespmem:s11], [sflag:$0x2] =	stream.indirect.gather [hbm4b:s23+s10], $0x80, s4, s10, $0xb8;
	[tilespmem:$0x1D580] =	vst v63  }
0xcb: {  	_ =	swait.ge [sflag:s12], $0x4000  }
0xcc: {  	[sflag:s12] =	ssyncset.done $0x0  }
0xcd: {  	s5 =	simm.s32 $0xA00;
	[sflag:s12] =	ssyncadd.s32 $0xFFFFC000  }
0xce: {  	[spmem:s22] =	stream.indirect.scatter.add.f32 [tilespmem:s13], [sflag:$0x3], $0x1, s5, s10, $0xb8;
	[tilespmem:$0x1D580] =	vst v63  }
0xcf: {  	_ = 	snop  }
0xd0: {  	[spmem:s1] =	stream.indirect.scatter.add.f32 [tilespmem:s6], [sflag:$0x4], $0x80, s5, s10, $0xb8;
	[tilespmem:$0x1D580] =	vst v63  }
0xd1: {  	_ =	swait.ge [sflag:s7], $0x4000  }
0xd2: {  	[sflag:s7] =	ssyncset.done $0x0  }
0xd3: {  	[sflag:s7] =	ssyncadd.s32 $0xFFFFC000  }
0xd4: {  	[tilespmem:s6], [sflag:$0x1] =	stream.indirect.gather [hbm4b:s23+s10], $0x80, s31, s10, $0xb8;
	[tilespmem:$0x1D580] =	vst v63  }
0xd5: {  	_ =	swait.ge [sflag:s15], $0x4000  }
0xd6: {  	[sflag:s15] =	ssyncset.done $0x0  }
0xd7: {  	s5 =	simm.s32 $0xA80;
	[sflag:s15] =	ssyncadd.s32 $0xFFFFC000  }
0xd8: {  	[spmem:s22] =	stream.indirect.scatter.add.f32 [tilespmem:s13], [sflag:$0x3], $0x1, s5, s10, $0xb8;
	[tilespmem:$0x1D580] =	vst v63  }
0xd9: {  	_ = 	snop  }
0xda: {  	[spmem:s1] =	stream.indirect.scatter.add.f32 [tilespmem:s11], [sflag:$0x4], $0x80, s5, s10, $0xb8;
	[tilespmem:$0x1D580] =	vst v63  }
0xdb: {  	_ =	swait.ge [sflag:s7], $0x4000  }
0xdc: {  	[sflag:s7] =	ssyncset.done $0x0  }
0xdd: {  	s18 =	simm.s32 $0x380;
	[sflag:s7] =	ssyncadd.s32 $0xFFFFC000  }
0xde: {  	[tilespmem:s11], [sflag:$0x2] =	stream.indirect.gather [hbm4b:s23+s10], $0x80, s18, s10, $0xb8;
	[tilespmem:$0x1D580] =	vst v63  }
0xdf: {  	_ =	swait.ge [sflag:s12], $0x4000  }
0xe0: {  	[sflag:s12] =	ssyncset.done $0x0  }
0xe1: {  	s19 =	simm.s32 $0xB00;
	[sflag:s12] =	ssyncadd.s32 $0xFFFFC000  }
0xe2: {  	[spmem:s22] =	stream.indirect.scatter.add.f32 [tilespmem:s13], [sflag:$0x3], $0x1, s19, s10, $0xb8;
	[tilespmem:$0x1D580] =	vst v63  }
0xe3: {  	_ = 	snop  }
0xe4: {  	[spmem:s1] =	stream.indirect.scatter.add.f32 [tilespmem:s6], [sflag:$0x4], $0x80, s19, s10, $0xb8;
	[tilespmem:$0x1D580] =	vst v63  }
0xe5: {  	_ =	swait.ge [sflag:s7], $0x4000  }
0xe6: {  	[sflag:s7] =	ssyncset.done $0x0  }
0xe7: {  	[sflag:s7] =	ssyncadd.s32 $0xFFFFC000  }
0xe8: {  	[tilespmem:s6], [sflag:$0x1] =	stream.indirect.gather [hbm4b:s23+s10], $0x80, s14, s10, $0xb8;
	[tilespmem:$0x1D580] =	vst v63  }
0xe9: {  	_ =	swait.ge [sflag:s15], $0x4000  }
0xea: {  	[sflag:s15] =	ssyncset.done $0x0  }
0xeb: {  	s28 =	simm.s32 $0xB80;
	[sflag:s15] =	ssyncadd.s32 $0xFFFFC000  }
0xec: {  	[spmem:s22] =	stream.indirect.scatter.add.f32 [tilespmem:s13], [sflag:$0x3], $0x1, s28, s10, $0xb8;
	[tilespmem:$0x1D580] =	vst v63  }
0xed: {  	_ = 	snop  }
0xee: {  	[spmem:s1] =	stream.indirect.scatter.add.f32 [tilespmem:s11], [sflag:$0x4], $0x80, s28, s10, $0xb8;
	[tilespmem:$0x1D580] =	vst v63  }
0xef: {  	_ =	swait.ge [sflag:s7], $0x4000  }
0xf0: {  	[sflag:s7] =	ssyncset.done $0x0  }
0xf1: {  	[sflag:s7] =	ssyncadd.s32 $0xFFFFC000  }
0xf2: {  	[tilespmem:s11], [sflag:$0x2] =	stream.indirect.gather [hbm4b:s23+s10], $0x80, s20, s10, $0xb8;
	[tilespmem:$0x1D580] =	vst v63  }
0xf3: {  	_ =	swait.ge [sflag:s12], $0x4000  }
0xf4: {  	[sflag:s12] =	ssyncset.done $0x0  }
0xf5: {  	s4 =	simm.s32 $0xC00;
	[sflag:s12] =	ssyncadd.s32 $0xFFFFC000  }
0xf6: {  	[spmem:s22] =	stream.indirect.scatter.add.f32 [tilespmem:s13], [sflag:$0x3], $0x1, s4, s10, $0xb8;
	[tilespmem:$0x1D580] =	vst v63  }
0xf7: {  	_ = 	snop  }
0xf8: {  	[spmem:s1] =	stream.indirect.scatter.add.f32 [tilespmem:s6], [sflag:$0x4], $0x80, s4, s10, $0xb8;
	[tilespmem:$0x1D580] =	vst v63  }
0xf9: {  	_ =	swait.ge [sflag:s7], $0x4000  }
0xfa: {  	[sflag:s7] =	ssyncset.done $0x0  }
0xfb: {  	[sflag:s7] =	ssyncadd.s32 $0xFFFFC000  }
0xfc: {  	[tilespmem:s6], [sflag:$0x1] =	stream.indirect.gather [hbm4b:s23+s10], $0x80, s30, s10, $0xb8;
	[tilespmem:$0x1D580] =	vst v63  }
0xfd: {  	_ =	swait.ge [sflag:s15], $0x4000  }
0xfe: {  	[sflag:s15] =	ssyncset.done $0x0  }
0xff: {  	s3 =	simm.s32 $0xC80;
	[sflag:s15] =	ssyncadd.s32 $0xFFFFC000  }
0x100: {  	[spmem:s22] =	stream.indirect.scatter.add.f32 [tilespmem:s13], [sflag:$0x3], $0x1, s3, s10, $0xb8;
	[tilespmem:$0x1D580] =	vst v63  }
0x101: {  	_ = 	snop  }
0x102: {  	[spmem:s1] =	stream.indirect.scatter.add.f32 [tilespmem:s11], [sflag:$0x4], $0x80, s3, s10, $0xb8;
	[tilespmem:$0x1D580] =	vst v63  }
0x103: {  	_ =	swait.ge [sflag:s7], $0x4000  }
0x104: {  	[sflag:s7] =	ssyncset.done $0x0  }
0x105: {  	[sflag:s7] =	ssyncadd.s32 $0xFFFFC000  }
0x106: {  	[tilespmem:s11], [sflag:$0x2] =	stream.indirect.gather [hbm4b:s23+s10], $0x80, s8, s10, $0xb8;
	[tilespmem:$0x1D580] =	vst v63  }
0x107: {  	_ =	swait.ge [sflag:s12], $0x4000  }
0x108: {  	[sflag:s12] =	ssyncset.done $0x0  }
0x109: {  	s5 =	simm.s32 $0xD00;
	[sflag:s12] =	ssyncadd.s32 $0xFFFFC000  }
0x10a: {  	[spmem:s22] =	stream.indirect.scatter.add.f32 [tilespmem:s13], [sflag:$0x3], $0x1, s5, s10, $0xb8;
	[tilespmem:$0x1D580] =	vst v63  }
0x10b: {  	_ = 	snop  }
0x10c: {  	[spmem:s1] =	stream.indirect.scatter.add.f32 [tilespmem:s6], [sflag:$0x4], $0x80, s5, s10, $0xb8;
	[tilespmem:$0x1D580] =	vst v63  }
0x10d: {  	_ =	swait.ge [sflag:s7], $0x4000  }
0x10e: {  	[sflag:s7] =	ssyncset.done $0x0  }
0x10f: {  	[sflag:s7] =	ssyncadd.s32 $0xFFFFC000  }
0x110: {  	[tilespmem:s6], [sflag:$0x1] =	stream.indirect.gather [hbm4b:s23+s10], $0x80, s24, s10, $0xb8;
	[tilespmem:$0x1D580] =	vst v63  }
0x111: {  	_ =	swait.ge [sflag:s15], $0x4000  }
0x112: {  	[sflag:s15] =	ssyncset.done $0x0  }
0x113: {  	s16 =	simm.s32 $0xD80;
	[sflag:s15] =	ssyncadd.s32 $0xFFFFC000  }
0x114: {  	[spmem:s22] =	stream.indirect.scatter.add.f32 [tilespmem:s13], [sflag:$0x3], $0x1, s16, s10, $0xb8;
	[tilespmem:$0x1D580] =	vst v63  }
0x115: {  	_ = 	snop  }
0x116: {  	[spmem:s1] =	stream.indirect.scatter.add.f32 [tilespmem:s11], [sflag:$0x4], $0x80, s16, s10, $0xb8;
	[tilespmem:$0x1D580] =	vst v63  }
0x117: {  	_ =	swait.ge [sflag:s7], $0x4000  }
0x118: {  	[sflag:s7] =	ssyncset.done $0x0  }
0x119: {  	[sflag:s7] =	ssyncadd.s32 $0xFFFFC000  }
0x11a: {  	[tilespmem:s11], [sflag:$0x2] =	stream.indirect.gather [hbm4b:s23+s10], $0x80, s21, s10, $0xb8;
	[tilespmem:$0x1D580] =	vst v63  }
0x11b: {  	_ =	swait.ge [sflag:s12], $0x4000  }
0x11c: {  	[sflag:s12] =	ssyncset.done $0x0  }
0x11d: {  	s18 =	simm.s32 $0xE00;
	[sflag:s12] =	ssyncadd.s32 $0xFFFFC000  }
0x11e: {  	[spmem:s22] =	stream.indirect.scatter.add.f32 [tilespmem:s13], [sflag:$0x3], $0x1, s18, s10, $0xb8;
	[tilespmem:$0x1D580] =	vst v63  }
0x11f: {  	_ = 	snop  }
0x120: {  	[spmem:s1] =	stream.indirect.scatter.add.f32 [tilespmem:s6], [sflag:$0x4], $0x80, s18, s10, $0xb8;
	[tilespmem:$0x1D580] =	vst v63  }
0x121: {  	_ =	swait.ge [sflag:s7], $0x4000  }
0x122: {  	[sflag:s7] =	ssyncset.done $0x0  }
0x123: {  	[sflag:s7] =	ssyncadd.s32 $0xFFFFC000  }
0x124: {  	[tilespmem:s6], [sflag:$0x1] =	stream.indirect.gather [hbm4b:s23+s10], $0x80, s25, s10, $0xb8;
	[tilespmem:$0x1D580] =	vst v63  }
0x125: {  	_ =	swait.ge [sflag:s15], $0x4000  }
0x126: {  	[sflag:s15] =	ssyncset.done $0x0  }
0x127: {  	s19 =	simm.s32 $0xE80;
	[sflag:s15] =	ssyncadd.s32 $0xFFFFC000  }
0x128: {  	[spmem:s22] =	stream.indirect.scatter.add.f32 [tilespmem:s13], [sflag:$0x3], $0x1, s19, s10, $0xb8;
	[tilespmem:$0x1D580] =	vst v63  }
0x129: {  	_ = 	snop  }
0x12a: {  	[spmem:s1] =	stream.indirect.scatter.add.f32 [tilespmem:s11], [sflag:$0x4], $0x80, s19, s10, $0xb8;
	[tilespmem:$0x1D580] =	vst v63  }
0x12b: {  	_ =	swait.ge [sflag:s7], $0x4000  }
0x12c: {  	[sflag:s7] =	ssyncset.done $0x0  }
0x12d: {  	[sflag:s7] =	ssyncadd.s32 $0xFFFFC000  }
0x12e: {  	[tilespmem:s11], [sflag:$0x2] =	stream.indirect.gather [hbm4b:s23+s10], $0x80, s26, s10, $0xb8;
	[tilespmem:$0x1D580] =	vst v63  }
0x12f: {  	_ =	swait.ge [sflag:s12], $0x4000  }
0x130: {  	[sflag:s12] =	ssyncset.done $0x0  }
0x131: {  	s28 =	simm.s32 $0xF00;
	[sflag:s12] =	ssyncadd.s32 $0xFFFFC000  }
0x132: {  	[spmem:s22] =	stream.indirect.scatter.add.f32 [tilespmem:s13], [sflag:$0x3], $0x1, s28, s10, $0xb8;
	[tilespmem:$0x1D580] =	vst v63  }
0x133: {  	_ = 	snop  }
0x134: {  	[spmem:s1] =	stream.indirect.scatter.add.f32 [tilespmem:s6], [sflag:$0x4], $0x80, s28, s10, $0xb8;
	[tilespmem:$0x1D580] =	vst v63  }
0x135: {  	_ =	swait.ge [sflag:s7], $0x4000  }
0x136: {  	[sflag:s7] =	ssyncset.done $0x0  }
0x137: {  	[sflag:s7] =	ssyncadd.s32 $0xFFFFC000  }
0x138: {  	_ =	swait.ge [sflag:s15], $0x4000  }
0x139: {  	[sflag:s15] =	ssyncset.done $0x0  }
0x13a: {  	[sflag:s15] =	ssyncadd.s32 $0xFFFFC000  }
0x13b: {  	[spmem:s22] =	stream.indirect.scatter.add.f32 [tilespmem:s13], [sflag:$0x3], $0x1, s29, s10, $0xb8;
	[tilespmem:$0x1D580] =	vst v63  }
0x13c: {  	_ = 	snop  }
0x13d: {  	[spmem:s1] =	stream.indirect.scatter.add.f32 [tilespmem:s11], [sflag:$0x4], $0x80, s29, s10, $0xb8;
	[tilespmem:$0x1D580] =	vst v63  }
0x13e: {  	_ =	swait.ge [sflag:s7], $0x4000  }
0x13f: {  	[sflag:s7] =	ssyncset.done $0x0  }
0x140: {  	[sflag:s7] =	ssyncadd.s32 $0xFFFFC000  }
0x141: {  	_ =	swait.ge [sflag:s17], $0x80  }
0x142: {  	[sflag:s17] =	ssyncset.done $0x0  }
0x143: {  	[sflag:s17] =	ssyncadd.s32 $0xFFFFFF80  }
0x144: {  	_ =	swait.ge [sflag:s17], $0x80  }
0x145: {  	[sflag:s17] =	ssyncset.done $0x0  }
0x146: {  	[sflag:s17] =	ssyncadd.s32 $0xFFFFFF80  }
0x147: {  	_ =	swait.ge [sflag:s17], $0x80  }
0x148: {  	[sflag:s17] =	ssyncset.done $0x0  }
0x149: {  	[sflag:s17] =	ssyncadd.s32 $0xFFFFFF80  }
0x14a: {  	_ =	swait.ge [sflag:s17], $0x80  }
0x14b: {  	[sflag:s17] =	ssyncset.done $0x0  }
0x14c: {  	[sflag:s17] =	ssyncadd.s32 $0xFFFFFF80  }
0x14d: {  	_ =	swait.ge [sflag:s17], $0x80  }
0x14e: {  	[sflag:s17] =	ssyncset.done $0x0  }
0x14f: {  	[sflag:s17] =	ssyncadd.s32 $0xFFFFFF80  }
0x150: {  	_ =	swait.ge [sflag:s17], $0x80  }
0x151: {  	[sflag:s17] =	ssyncset.done $0x0  }
0x152: {  	[sflag:s17] =	ssyncadd.s32 $0xFFFFFF80  }
0x153: {  	_ =	swait.ge [sflag:s17], $0x80  }
0x154: {  	[sflag:s17] =	ssyncset.done $0x0  }
0x155: {  	[sflag:s17] =	ssyncadd.s32 $0xFFFFFF80  }
0x156: {  	_ =	swait.ge [sflag:s17], $0x80  }
0x157: {  	[sflag:s17] =	ssyncset.done $0x0  }
0x158: {  	[sflag:s17] =	ssyncadd.s32 $0xFFFFFF80  }
0x159: {  	_ =	swait.ge [sflag:s17], $0x80  }
0x15a: {  	[sflag:s17] =	ssyncset.done $0x0  }
0x15b: {  	[sflag:s17] =	ssyncadd.s32 $0xFFFFFF80  }
0x15c: {  	_ =	swait.ge [sflag:s17], $0x80  }
0x15d: {  	[sflag:s17] =	ssyncset.done $0x0  }
0x15e: {  	[sflag:s17] =	ssyncadd.s32 $0xFFFFFF80  }
0x15f: {  	_ =	swait.ge [sflag:s17], $0x80  }
0x160: {  	[sflag:s17] =	ssyncset.done $0x0  }
0x161: {  	[sflag:s17] =	ssyncadd.s32 $0xFFFFFF80  }
0x162: {  	_ =	swait.ge [sflag:s17], $0x80  }
0x163: {  	[sflag:s17] =	ssyncset.done $0x0  }
0x164: {  	[sflag:s17] =	ssyncadd.s32 $0xFFFFFF80  }
0x165: {  	_ =	swait.ge [sflag:s17], $0x80  }
0x166: {  	[sflag:s17] =	ssyncset.done $0x0  }
0x167: {  	[sflag:s17] =	ssyncadd.s32 $0xFFFFFF80  }
0x168: {  	_ =	swait.ge [sflag:s17], $0x80  }
0x169: {  	[sflag:s17] =	ssyncset.done $0x0  }
0x16a: {  	[sflag:s17] =	ssyncadd.s32 $0xFFFFFF80  }
0x16b: {  	_ =	swait.ge [sflag:s17], $0x80  }
.Ltmp3:
0x16c: {  	[sflag:s17] =	ssyncset.done $0x0;
	(pc) =	sbr.rel @p0 .LBB2_5-.Ltmp3, $4  }
0x16d: {  	[sflag:s17] =	ssyncadd.s32 $0xFFFFFF80  }
0x16e: {  	_ =	swait.ge [sflag:s17], $0x80  }
0x16f: {  	[sflag:s17] =	ssyncset.done $0x0  }
0x170: {  	[sflag:s17] =	ssyncadd.s32 $0xFFFFFF80  }
0x171: {  	s19 =	rddreg [dreg:$0x7]  }
0x172: {  	[tilespmem:s2], [sflag:$0x4] =	stream.linear.gather [hbm4b:s19+s2], $0x800, $0x38;
	[tilespmem:$0x1D580] =	vst v63  }
0x173: {  	_ =	swait.ge [sflag:s7], $0x800  }
0x174: {  	[sflag:s7] =	ssyncset.done $0x0  }
0x175: {  	s24 =	rddreg [dreg:$0x8];
	[sflag:s7] =	ssyncadd.s32 $0xFFFFF800  }
0x176: {  	[tilespmem:s9], [sflag:$0x4] =	stream.linear.gather [hbm4b:s24+s2], $0x800, $0x38;
	[tilespmem:$0x1D580] =	vst v63  }
0x177: {  	_ =	swait.ge [sflag:s7], $0x800  }
0x178: {  	[sflag:s7] =	ssyncset.done $0x0  }
0x179: {  	[sflag:s7] =	ssyncadd.s32 $0xFFFFF800  }
0x17a: {  	[tilespmem:s6], [sflag:$0x1] =	stream.indirect.gather [hbm4b:s23+s10], $0x80, s2, s10, $0xb8;
	[tilespmem:$0x1D580] =	vst v63  }
0x17b: {  	_ = 	snop  }
0x17c: {  	[tilespmem:s11], [sflag:$0x2] =	stream.indirect.gather [hbm4b:s23+s10], $0x80, s10, s10, $0xb8;
	[tilespmem:$0x1D580] =	vst v63  }
0x17d: {  	_ =	swait.ge [sflag:s12], $0x4000  }
0x17e: {  	[sflag:s12] =	ssyncset.done $0x0  }
0x17f: {  	[sflag:s12] =	ssyncadd.s32 $0xFFFFC000  }
0x180: {  	[spmem:s22] =	stream.indirect.scatter.add.f32 [tilespmem:s13], [sflag:$0x3], $0x1, s9, s10, $0xb8;
	[tilespmem:$0x1D580] =	vst v63  }
0x181: {  	_ = 	snop  }
0x182: {  	[spmem:s1] =	stream.indirect.scatter.add.f32 [tilespmem:s6], [sflag:$0x4], $0x80, s9, s10, $0xb8;
	[tilespmem:$0x1D580] =	vst v63  }
0x183: {  	_ =	swait.ge [sflag:s7], $0x4000  }
0x184: {  	[sflag:s7] =	ssyncset.done $0x0  }
0x185: {  	s3 =	simm.s32 $0x100;
	[sflag:s7] =	ssyncadd.s32 $0xFFFFC000  }
0x186: {  	[tilespmem:s6], [sflag:$0x1] =	stream.indirect.gather [hbm4b:s23+s10], $0x80, s3, s10, $0xb8;
	[tilespmem:$0x1D580] =	vst v63  }
0x187: {  	_ =	swait.ge [sflag:s15], $0x4000  }
0x188: {  	[sflag:s15] =	ssyncset.done $0x0  }
0x189: {  	s25 =	simm.s32 $0x880;
	[sflag:s15] =	ssyncadd.s32 $0xFFFFC000  }
0x18a: {  	[spmem:s22] =	stream.indirect.scatter.add.f32 [tilespmem:s13], [sflag:$0x3], $0x1, s25, s10, $0xb8;
	[tilespmem:$0x1D580] =	vst v63  }
0x18b: {  	_ = 	snop  }
0x18c: {  	[spmem:s1] =	stream.indirect.scatter.add.f32 [tilespmem:s11], [sflag:$0x4], $0x80, s25, s10, $0xb8;
	[tilespmem:$0x1D580] =	vst v63  }
0x18d: {  	_ =	swait.ge [sflag:s7], $0x4000  }
0x18e: {  	[sflag:s7] =	ssyncset.done $0x0  }
0x18f: {  	s26 =	simm.s32 $0x180;
	[sflag:s7] =	ssyncadd.s32 $0xFFFFC000  }
0x190: {  	[tilespmem:s11], [sflag:$0x2] =	stream.indirect.gather [hbm4b:s23+s10], $0x80, s26, s10, $0xb8;
	[tilespmem:$0x1D580] =	vst v63  }
0x191: {  	_ =	swait.ge [sflag:s12], $0x4000  }
0x192: {  	[sflag:s12] =	ssyncset.done $0x0  }
0x193: {  	s28 =	simm.s32 $0x900;
	[sflag:s12] =	ssyncadd.s32 $0xFFFFC000  }
0x194: {  	[spmem:s22] =	stream.indirect.scatter.add.f32 [tilespmem:s13], [sflag:$0x3], $0x1, s28, s10, $0xb8;
	[tilespmem:$0x1D580] =	vst v63  }
0x195: {  	_ = 	snop  }
0x196: {  	[spmem:s1] =	stream.indirect.scatter.add.f32 [tilespmem:s6], [sflag:$0x4], $0x80, s28, s10, $0xb8;
	[tilespmem:$0x1D580] =	vst v63  }
0x197: {  	_ =	swait.ge [sflag:s7], $0x4000  }
0x198: {  	[sflag:s7] =	ssyncset.done $0x0  }
0x199: {  	s4 =	simm.s32 $0x200;
	[sflag:s7] =	ssyncadd.s32 $0xFFFFC000  }
0x19a: {  	[tilespmem:s6], [sflag:$0x1] =	stream.indirect.gather [hbm4b:s23+s10], $0x80, s4, s10, $0xb8;
	[tilespmem:$0x1D580] =	vst v63  }
0x19b: {  	_ =	swait.ge [sflag:s15], $0x4000  }
0x19c: {  	[sflag:s15] =	ssyncset.done $0x0  }
0x19d: {  	s14 =	simm.s32 $0x980;
	[sflag:s15] =	ssyncadd.s32 $0xFFFFC000  }
0x19e: {  	[spmem:s22] =	stream.indirect.scatter.add.f32 [tilespmem:s13], [sflag:$0x3], $0x1, s14, s10, $0xb8;
	[tilespmem:$0x1D580] =	vst v63  }
0x19f: {  	_ = 	snop  }
0x1a0: {  	[spmem:s1] =	stream.indirect.scatter.add.f32 [tilespmem:s11], [sflag:$0x4], $0x80, s14, s10, $0xb8;
	[tilespmem:$0x1D580] =	vst v63  }
0x1a1: {  	_ =	swait.ge [sflag:s7], $0x4000  }
0x1a2: {  	[sflag:s7] =	ssyncset.done $0x0  }
0x1a3: {  	s16 =	simm.s32 $0x280;
	[sflag:s7] =	ssyncadd.s32 $0xFFFFC000  }
0x1a4: {  	[tilespmem:s11], [sflag:$0x2] =	stream.indirect.gather [hbm4b:s23+s10], $0x80, s16, s10, $0xb8;
	[tilespmem:$0x1D580] =	vst v63  }
0x1a5: {  	_ =	swait.ge [sflag:s12], $0x4000  }
0x1a6: {  	[sflag:s12] =	ssyncset.done $0x0  }
0x1a7: {  	s18 =	simm.s32 $0xA00;
	[sflag:s12] =	ssyncadd.s32 $0xFFFFC000  }
0x1a8: {  	[spmem:s22] =	stream.indirect.scatter.add.f32 [tilespmem:s13], [sflag:$0x3], $0x1, s18, s10, $0xb8;
	[tilespmem:$0x1D580] =	vst v63  }
0x1a9: {  	_ = 	snop  }
0x1aa: {  	[spmem:s1] =	stream.indirect.scatter.add.f32 [tilespmem:s6], [sflag:$0x4], $0x80, s18, s10, $0xb8;
	[tilespmem:$0x1D580] =	vst v63  }
0x1ab: {  	_ =	swait.ge [sflag:s7], $0x4000  }
0x1ac: {  	[sflag:s7] =	ssyncset.done $0x0  }
0x1ad: {  	s19 =	simm.s32 $0x300;
	[sflag:s7] =	ssyncadd.s32 $0xFFFFC000  }
0x1ae: {  	[tilespmem:s6], [sflag:$0x1] =	stream.indirect.gather [hbm4b:s23+s10], $0x80, s19, s10, $0xb8;
	[tilespmem:$0x1D580] =	vst v63  }
0x1af: {  	_ =	swait.ge [sflag:s15], $0x4000  }
0x1b0: {  	[sflag:s15] =	ssyncset.done $0x0  }
0x1b1: {  	s21 =	simm.s32 $0xA80;
	[sflag:s15] =	ssyncadd.s32 $0xFFFFC000  }
0x1b2: {  	[spmem:s22] =	stream.indirect.scatter.add.f32 [tilespmem:s13], [sflag:$0x3], $0x1, s21, s10, $0xb8;
	[tilespmem:$0x1D580] =	vst v63  }
0x1b3: {  	_ = 	snop  }
0x1b4: {  	[spmem:s1] =	stream.indirect.scatter.add.f32 [tilespmem:s11], [sflag:$0x4], $0x80, s21, s10, $0xb8;
	[tilespmem:$0x1D580] =	vst v63  }
0x1b5: {  	_ =	swait.ge [sflag:s7], $0x4000  }
0x1b6: {  	[sflag:s7] =	ssyncset.done $0x0  }
0x1b7: {  	s24 =	simm.s32 $0x380;
	[sflag:s7] =	ssyncadd.s32 $0xFFFFC000  }
0x1b8: {  	[tilespmem:s11], [sflag:$0x2] =	stream.indirect.gather [hbm4b:s23+s10], $0x80, s24, s10, $0xb8;
	[tilespmem:$0x1D580] =	vst v63  }
0x1b9: {  	_ =	swait.ge [sflag:s12], $0x4000  }
0x1ba: {  	[sflag:s12] =	ssyncset.done $0x0  }
0x1bb: {  	s25 =	simm.s32 $0xB00;
	[sflag:s12] =	ssyncadd.s32 $0xFFFFC000  }
0x1bc: {  	[spmem:s22] =	stream.indirect.scatter.add.f32 [tilespmem:s13], [sflag:$0x3], $0x1, s25, s10, $0xb8;
	[tilespmem:$0x1D580] =	vst v63  }
0x1bd: {  	_ = 	snop  }
0x1be: {  	[spmem:s1] =	stream.indirect.scatter.add.f32 [tilespmem:s6], [sflag:$0x4], $0x80, s25, s10, $0xb8;
	[tilespmem:$0x1D580] =	vst v63  }
0x1bf: {  	_ =	swait.ge [sflag:s7], $0x4000  }
0x1c0: {  	[sflag:s7] =	ssyncset.done $0x0  }
0x1c1: {  	s26 =	simm.s32 $0x400;
	[sflag:s7] =	ssyncadd.s32 $0xFFFFC000  }
0x1c2: {  	[tilespmem:s6], [sflag:$0x1] =	stream.indirect.gather [hbm4b:s23+s10], $0x80, s26, s10, $0xb8;
	[tilespmem:$0x1D580] =	vst v63  }
0x1c3: {  	_ =	swait.ge [sflag:s15], $0x4000  }
0x1c4: {  	[sflag:s15] =	ssyncset.done $0x0  }
0x1c5: {  	s28 =	simm.s32 $0xB80;
	[sflag:s15] =	ssyncadd.s32 $0xFFFFC000  }
0x1c6: {  	[spmem:s22] =	stream.indirect.scatter.add.f32 [tilespmem:s13], [sflag:$0x3], $0x1, s28, s10, $0xb8;
	[tilespmem:$0x1D580] =	vst v63  }
0x1c7: {  	_ = 	snop  }
0x1c8: {  	[spmem:s1] =	stream.indirect.scatter.add.f32 [tilespmem:s11], [sflag:$0x4], $0x80, s28, s10, $0xb8;
	[tilespmem:$0x1D580] =	vst v63  }
0x1c9: {  	_ =	swait.ge [sflag:s7], $0x4000  }
0x1ca: {  	[sflag:s7] =	ssyncset.done $0x0  }
0x1cb: {  	s4 =	simm.s32 $0x480;
	[sflag:s7] =	ssyncadd.s32 $0xFFFFC000  }
0x1cc: {  	[tilespmem:s11], [sflag:$0x2] =	stream.indirect.gather [hbm4b:s23+s10], $0x80, s4, s10, $0xb8;
	[tilespmem:$0x1D580] =	vst v63  }
0x1cd: {  	_ =	swait.ge [sflag:s12], $0x4000  }
0x1ce: {  	[sflag:s12] =	ssyncset.done $0x0  }
0x1cf: {  	s19 =	simm.s32 $0xC00;
	[sflag:s12] =	ssyncadd.s32 $0xFFFFC000  }
0x1d0: {  	[spmem:s22] =	stream.indirect.scatter.add.f32 [tilespmem:s13], [sflag:$0x3], $0x1, s19, s10, $0xb8;
	[tilespmem:$0x1D580] =	vst v63  }
0x1d1: {  	_ = 	snop  }
0x1d2: {  	[spmem:s1] =	stream.indirect.scatter.add.f32 [tilespmem:s6], [sflag:$0x4], $0x80, s19, s10, $0xb8;
	[tilespmem:$0x1D580] =	vst v63  }
0x1d3: {  	_ =	swait.ge [sflag:s7], $0x4000  }
0x1d4: {  	[sflag:s7] =	ssyncset.done $0x0  }
0x1d5: {  	s21 =	simm.s32 $0x500;
	[sflag:s7] =	ssyncadd.s32 $0xFFFFC000  }
0x1d6: {  	[tilespmem:s6], [sflag:$0x1] =	stream.indirect.gather [hbm4b:s23+s10], $0x80, s21, s10, $0xb8;
	[tilespmem:$0x1D580] =	vst v63  }
0x1d7: {  	_ =	swait.ge [sflag:s15], $0x4000  }
0x1d8: {  	[sflag:s15] =	ssyncset.done $0x0  }
0x1d9: {  	s24 =	simm.s32 $0xC80;
	[sflag:s15] =	ssyncadd.s32 $0xFFFFC000  }
0x1da: {  	[spmem:s22] =	stream.indirect.scatter.add.f32 [tilespmem:s13], [sflag:$0x3], $0x1, s24, s10, $0xb8;
	[tilespmem:$0x1D580] =	vst v63  }
0x1db: {  	_ = 	snop  }
0x1dc: {  	[spmem:s1] =	stream.indirect.scatter.add.f32 [tilespmem:s11], [sflag:$0x4], $0x80, s24, s10, $0xb8;
	[tilespmem:$0x1D580] =	vst v63  }
0x1dd: {  	_ =	swait.ge [sflag:s7], $0x4000  }
0x1de: {  	[sflag:s7] =	ssyncset.done $0x0  }
0x1df: {  	s25 =	simm.s32 $0x580;
	[sflag:s7] =	ssyncadd.s32 $0xFFFFC000  }
0x1e0: {  	[tilespmem:s11], [sflag:$0x2] =	stream.indirect.gather [hbm4b:s23+s10], $0x80, s25, s10, $0xb8;
	[tilespmem:$0x1D580] =	vst v63  }
0x1e1: {  	_ =	swait.ge [sflag:s12], $0x4000  }
0x1e2: {  	[sflag:s12] =	ssyncset.done $0x0  }
0x1e3: {  	s26 =	simm.s32 $0xD00;
	[sflag:s12] =	ssyncadd.s32 $0xFFFFC000  }
0x1e4: {  	[spmem:s22] =	stream.indirect.scatter.add.f32 [tilespmem:s13], [sflag:$0x3], $0x1, s26, s10, $0xb8;
	[tilespmem:$0x1D580] =	vst v63  }
0x1e5: {  	_ = 	snop  }
0x1e6: {  	[spmem:s1] =	stream.indirect.scatter.add.f32 [tilespmem:s6], [sflag:$0x4], $0x80, s26, s10, $0xb8;
	[tilespmem:$0x1D580] =	vst v63  }
0x1e7: {  	_ =	swait.ge [sflag:s7], $0x4000  }
0x1e8: {  	[sflag:s7] =	ssyncset.done $0x0  }
0x1e9: {  	s19 =	simm.s32 $0x600;
	[sflag:s7] =	ssyncadd.s32 $0xFFFFC000  }
0x1ea: {  	[tilespmem:s6], [sflag:$0x1] =	stream.indirect.gather [hbm4b:s23+s10], $0x80, s19, s10, $0xb8;
	[tilespmem:$0x1D580] =	vst v63  }
0x1eb: {  	_ =	swait.ge [sflag:s15], $0x4000  }
0x1ec: {  	[sflag:s15] =	ssyncset.done $0x0  }
0x1ed: {  	s24 =	simm.s32 $0xD80;
	[sflag:s15] =	ssyncadd.s32 $0xFFFFC000  }
0x1ee: {  	[spmem:s22] =	stream.indirect.scatter.add.f32 [tilespmem:s13], [sflag:$0x3], $0x1, s24, s10, $0xb8;
	[tilespmem:$0x1D580] =	vst v63  }
0x1ef: {  	_ = 	snop  }
0x1f0: {  	[spmem:s1] =	stream.indirect.scatter.add.f32 [tilespmem:s11], [sflag:$0x4], $0x80, s24, s10, $0xb8;
	[tilespmem:$0x1D580] =	vst v63  }
0x1f1: {  	_ =	swait.ge [sflag:s7], $0x4000  }
0x1f2: {  	[sflag:s7] =	ssyncset.done $0x0  }
0x1f3: {  	s25 =	simm.s32 $0x680;
	[sflag:s7] =	ssyncadd.s32 $0xFFFFC000  }
0x1f4: {  	[tilespmem:s11], [sflag:$0x2] =	stream.indirect.gather [hbm4b:s23+s10], $0x80, s25, s10, $0xb8;
	[tilespmem:$0x1D580] =	vst v63  }
0x1f5: {  	_ =	swait.ge [sflag:s12], $0x4000  }
0x1f6: {  	[sflag:s12] =	ssyncset.done $0x0  }
0x1f7: {  	s26 =	simm.s32 $0xE00;
	[sflag:s12] =	ssyncadd.s32 $0xFFFFC000  }
0x1f8: {  	[spmem:s22] =	stream.indirect.scatter.add.f32 [tilespmem:s13], [sflag:$0x3], $0x1, s26, s10, $0xb8;
	[tilespmem:$0x1D580] =	vst v63  }
0x1f9: {  	_ = 	snop  }
0x1fa: {  	[spmem:s1] =	stream.indirect.scatter.add.f32 [tilespmem:s6], [sflag:$0x4], $0x80, s26, s10, $0xb8;
	[tilespmem:$0x1D580] =	vst v63  }
0x1fb: {  	_ =	swait.ge [sflag:s7], $0x4000  }
0x1fc: {  	[sflag:s7] =	ssyncset.done $0x0  }
0x1fd: {  	s3 =	simm.s32 $0x700;
	[sflag:s7] =	ssyncadd.s32 $0xFFFFC000  }
0x1fe: {  	[tilespmem:s6], [sflag:$0x1] =	stream.indirect.gather [hbm4b:s23+s10], $0x80, s3, s10, $0xb8;
	[tilespmem:$0x1D580] =	vst v63  }
0x1ff: {  	_ =	swait.ge [sflag:s15], $0x4000  }
0x200: {  	[sflag:s15] =	ssyncset.done $0x0  }
0x201: {  	s26 =	simm.s32 $0xE80;
	[sflag:s15] =	ssyncadd.s32 $0xFFFFC000  }
0x202: {  	[spmem:s22] =	stream.indirect.scatter.add.f32 [tilespmem:s13], [sflag:$0x3], $0x1, s26, s10, $0xb8;
	[tilespmem:$0x1D580] =	vst v63  }
0x203: {  	_ = 	snop  }
0x204: {  	[spmem:s1] =	stream.indirect.scatter.add.f32 [tilespmem:s11], [sflag:$0x4], $0x80, s26, s10, $0xb8;
	[tilespmem:$0x1D580] =	vst v63  }
0x205: {  	_ =	swait.ge [sflag:s7], $0x4000  }
0x206: {  	[sflag:s7] =	ssyncset.done $0x0  }
0x207: {  	s3 =	simm.s32 $0x780;
	[sflag:s7] =	ssyncadd.s32 $0xFFFFC000  }
0x208: {  	[tilespmem:s11], [sflag:$0x2] =	stream.indirect.gather [hbm4b:s23+s10], $0x80, s3, s10, $0xb8;
	[tilespmem:$0x1D580] =	vst v63  }
0x209: {  	_ =	swait.ge [sflag:s12], $0x4000  }
0x20a: {  	[sflag:s12] =	ssyncset.done $0x0  }
0x20b: {  	s19 =	simm.s32 $0xF00;
	[sflag:s12] =	ssyncadd.s32 $0xFFFFC000  }
0x20c: {  	[spmem:s22] =	stream.indirect.scatter.add.f32 [tilespmem:s13], [sflag:$0x3], $0x1, s19, s10, $0xb8;
	[tilespmem:$0x1D580] =	vst v63  }
0x20d: {  	_ = 	snop  }
0x20e: {  	[spmem:s1] =	stream.indirect.scatter.add.f32 [tilespmem:s6], [sflag:$0x4], $0x80, s19, s10, $0xb8;
	[tilespmem:$0x1D580] =	vst v63  }
0x20f: {  	_ =	swait.ge [sflag:s7], $0x4000  }
0x210: {  	[sflag:s7] =	ssyncset.done $0x0  }
0x211: {  	[sflag:s7] =	ssyncadd.s32 $0xFFFFC000  }
0x212: {  	_ =	swait.ge [sflag:s15], $0x4000  }
0x213: {  	[sflag:s15] =	ssyncset.done $0x0  }
0x214: {  	s19 =	simm.s32 $0xF80;
	[sflag:s15] =	ssyncadd.s32 $0xFFFFC000  }
0x215: {  	[spmem:s22] =	stream.indirect.scatter.add.f32 [tilespmem:s13], [sflag:$0x3], $0x1, s19, s10, $0xb8;
	[tilespmem:$0x1D580] =	vst v63  }
0x216: {  	s19 =	simm.s32 $0xF80  }
0x217: {  	[spmem:s1] =	stream.indirect.scatter.add.f32 [tilespmem:s11], [sflag:$0x4], $0x80, s19, s10, $0xb8;
	[tilespmem:$0x1D580] =	vst v63  }
0x218: {  	_ =	swait.ge [sflag:s7], $0x4000  }
0x219: {  	[sflag:s7] =	ssyncset.done $0x0  }
0x21a: {  	[sflag:s7] =	ssyncadd.s32 $0xFFFFC000  }
0x21b: {  	_ =	swait.ge [sflag:s17], $0x80  }
0x21c: {  	[sflag:s17] =	ssyncset.done $0x0  }
0x21d: {  	[sflag:s17] =	ssyncadd.s32 $0xFFFFFF80  }
0x21e: {  	_ =	swait.ge [sflag:s17], $0x80  }
0x21f: {  	[sflag:s17] =	ssyncset.done $0x0  }
0x220: {  	[sflag:s17] =	ssyncadd.s32 $0xFFFFFF80  }
0x221: {  	_ =	swait.ge [sflag:s17], $0x80  }
0x222: {  	[sflag:s17] =	ssyncset.done $0x0  }
0x223: {  	[sflag:s17] =	ssyncadd.s32 $0xFFFFFF80  }
0x224: {  	_ =	swait.ge [sflag:s17], $0x80  }
0x225: {  	[sflag:s17] =	ssyncset.done $0x0  }
0x226: {  	[sflag:s17] =	ssyncadd.s32 $0xFFFFFF80  }
0x227: {  	_ =	swait.ge [sflag:s17], $0x80  }
0x228: {  	[sflag:s17] =	ssyncset.done $0x0  }
0x229: {  	[sflag:s17] =	ssyncadd.s32 $0xFFFFFF80  }
0x22a: {  	_ =	swait.ge [sflag:s17], $0x80  }
0x22b: {  	[sflag:s17] =	ssyncset.done $0x0  }
0x22c: {  	[sflag:s17] =	ssyncadd.s32 $0xFFFFFF80  }
0x22d: {  	_ =	swait.ge [sflag:s17], $0x80  }
0x22e: {  	[sflag:s17] =	ssyncset.done $0x0  }
0x22f: {  	[sflag:s17] =	ssyncadd.s32 $0xFFFFFF80  }
0x230: {  	_ =	swait.ge [sflag:s17], $0x80  }
0x231: {  	[sflag:s17] =	ssyncset.done $0x0  }
0x232: {  	[sflag:s17] =	ssyncadd.s32 $0xFFFFFF80  }
0x233: {  	_ =	swait.ge [sflag:s17], $0x80  }
0x234: {  	[sflag:s17] =	ssyncset.done $0x0  }
0x235: {  	[sflag:s17] =	ssyncadd.s32 $0xFFFFFF80  }
0x236: {  	_ =	swait.ge [sflag:s17], $0x80  }
0x237: {  	[sflag:s17] =	ssyncset.done $0x0  }
0x238: {  	[sflag:s17] =	ssyncadd.s32 $0xFFFFFF80  }
0x239: {  	_ =	swait.ge [sflag:s17], $0x80  }
0x23a: {  	[sflag:s17] =	ssyncset.done $0x0  }
0x23b: {  	[sflag:s17] =	ssyncadd.s32 $0xFFFFFF80  }
0x23c: {  	_ =	swait.ge [sflag:s17], $0x80  }
0x23d: {  	[sflag:s17] =	ssyncset.done $0x0  }
0x23e: {  	[sflag:s17] =	ssyncadd.s32 $0xFFFFFF80  }
0x23f: {  	_ =	swait.ge [sflag:s17], $0x80  }
0x240: {  	[sflag:s17] =	ssyncset.done $0x0  }
0x241: {  	[sflag:s17] =	ssyncadd.s32 $0xFFFFFF80  }
0x242: {  	_ =	swait.ge [sflag:s17], $0x80  }
0x243: {  	[sflag:s17] =	ssyncset.done $0x0  }
0x244: {  	[sflag:s17] =	ssyncadd.s32 $0xFFFFFF80  }
0x245: {  	_ =	swait.ge [sflag:s17], $0x80  }
0x246: {  	[sflag:s17] =	ssyncset.done $0x0  }
0x247: {  	[sflag:s17] =	ssyncadd.s32 $0xFFFFFF80  }
0x248: {  	_ =	swait.ge [sflag:s17], $0x80  }
0x249: {  	[sflag:s17] =	ssyncset.done $0x0  }
0x24a: {  	s19 =	rddreg [dreg:$0x9];
	[sflag:s17] =	ssyncadd.s32 $0xFFFFFF80  }
0x24b: {  	[tilespmem:s2], [sflag:$0x4] =	stream.linear.gather [hbm4b:s19+s2], $0x800, $0x38;
	[tilespmem:$0x1D580] =	vst v63  }
0x24c: {  	_ =	swait.ge [sflag:s7], $0x800  }
0x24d: {  	[sflag:s7] =	ssyncset.done $0x0  }
0x24e: {  	s19 =	rddreg [dreg:$0xa];
	[sflag:s7] =	ssyncadd.s32 $0xFFFFF800  }
0x24f: {  	[tilespmem:s9], [sflag:$0x4] =	stream.linear.gather [hbm4b:s19+s2], $0x800, $0x38;
	[tilespmem:$0x1D580] =	vst v63  }
0x250: {  	_ =	swait.ge [sflag:s7], $0x800  }
0x251: {  	[sflag:s7] =	ssyncset.done $0x0  }
0x252: {  	[sflag:s7] =	ssyncadd.s32 $0xFFFFF800  }
0x253: {  	[tilespmem:s6], [sflag:$0x1] =	stream.indirect.gather [hbm4b:s23+s10], $0x80, s2, s10, $0xb8;
	[tilespmem:$0x1D580] =	vst v63  }
0x254: {  	_ = 	snop  }
0x255: {  	[tilespmem:s11], [sflag:$0x2] =	stream.indirect.gather [hbm4b:s23+s10], $0x80, s10, s10, $0xb8;
	[tilespmem:$0x1D580] =	vst v63  }
0x256: {  	_ =	swait.ge [sflag:s12], $0x4000  }
0x257: {  	[sflag:s12] =	ssyncset.done $0x0  }
0x258: {  	[sflag:s12] =	ssyncadd.s32 $0xFFFFC000  }
0x259: {  	[spmem:s22] =	stream.indirect.scatter.add.f32 [tilespmem:s13], [sflag:$0x3], $0x1, s9, s10, $0xb8;
	[tilespmem:$0x1D580] =	vst v63  }
0x25a: {  	_ = 	snop  }
0x25b: {  	[spmem:s1] =	stream.indirect.scatter.add.f32 [tilespmem:s6], [sflag:$0x4], $0x80, s9, s10, $0xb8;
	[tilespmem:$0x1D580] =	vst v63  }
0x25c: {  	_ =	swait.ge [sflag:s7], $0x4000  }
0x25d: {  	[sflag:s7] =	ssyncset.done $0x0  }
0x25e: {  	s30 =	simm.s32 $0x100;
	[sflag:s7] =	ssyncadd.s32 $0xFFFFC000  }
0x25f: {  	[tilespmem:s6], [sflag:$0x1] =	stream.indirect.gather [hbm4b:s23+s10], $0x80, s30, s10, $0xb8;
	[tilespmem:$0x1D580] =	vst v63  }
0x260: {  	_ =	swait.ge [sflag:s15], $0x4000  }
0x261: {  	[sflag:s15] =	ssyncset.done $0x0  }
0x262: {  	s8 =	simm.s32 $0x880;
	[sflag:s15] =	ssyncadd.s32 $0xFFFFC000  }
0x263: {  	[spmem:s22] =	stream.indirect.scatter.add.f32 [tilespmem:s13], [sflag:$0x3], $0x1, s8, s10, $0xb8;
	[tilespmem:$0x1D580] =	vst v63  }
0x264: {  	_ = 	snop  }
0x265: {  	[spmem:s1] =	stream.indirect.scatter.add.f32 [tilespmem:s11], [sflag:$0x4], $0x80, s8, s10, $0xb8;
	[tilespmem:$0x1D580] =	vst v63  }
0x266: {  	_ =	swait.ge [sflag:s7], $0x4000  }
0x267: {  	[sflag:s7] =	ssyncset.done $0x0  }
0x268: {  	s8 =	simm.s32 $0x180;
	[sflag:s7] =	ssyncadd.s32 $0xFFFFC000  }
0x269: {  	[tilespmem:s11], [sflag:$0x2] =	stream.indirect.gather [hbm4b:s23+s10], $0x80, s8, s10, $0xb8;
	[tilespmem:$0x1D580] =	vst v63  }
0x26a: {  	_ =	swait.ge [sflag:s12], $0x4000  }
0x26b: {  	[sflag:s12] =	ssyncset.done $0x0  }
0x26c: {  	s5 =	simm.s32 $0x900;
	[sflag:s12] =	ssyncadd.s32 $0xFFFFC000  }
0x26d: {  	[spmem:s22] =	stream.indirect.scatter.add.f32 [tilespmem:s13], [sflag:$0x3], $0x1, s5, s10, $0xb8;
	[tilespmem:$0x1D580] =	vst v63  }
0x26e: {  	_ = 	snop  }
0x26f: {  	[spmem:s1] =	stream.indirect.scatter.add.f32 [tilespmem:s6], [sflag:$0x4], $0x80, s5, s10, $0xb8;
	[tilespmem:$0x1D580] =	vst v63  }
0x270: {  	_ =	swait.ge [sflag:s7], $0x4000  }
0x271: {  	[sflag:s7] =	ssyncset.done $0x0  }
0x272: {  	s5 =	simm.s32 $0x200;
	[sflag:s7] =	ssyncadd.s32 $0xFFFFC000  }
0x273: {  	[tilespmem:s6], [sflag:$0x1] =	stream.indirect.gather [hbm4b:s23+s10], $0x80, s5, s10, $0xb8;
	[tilespmem:$0x1D580] =	vst v63  }
0x274: {  	_ =	swait.ge [sflag:s15], $0x4000  }
0x275: {  	[sflag:s15] =	ssyncset.done $0x0  }
0x276: {  	s20 =	simm.s32 $0x980;
	[sflag:s15] =	ssyncadd.s32 $0xFFFFC000  }
0x277: {  	[spmem:s22] =	stream.indirect.scatter.add.f32 [tilespmem:s13], [sflag:$0x3], $0x1, s20, s10, $0xb8;
	[tilespmem:$0x1D580] =	vst v63  }
0x278: {  	_ = 	snop  }
0x279: {  	[spmem:s1] =	stream.indirect.scatter.add.f32 [tilespmem:s11], [sflag:$0x4], $0x80, s20, s10, $0xb8;
	[tilespmem:$0x1D580] =	vst v63  }
0x27a: {  	_ =	swait.ge [sflag:s7], $0x4000  }
0x27b: {  	[sflag:s7] =	ssyncset.done $0x0  }
0x27c: {  	s29 =	simm.s32 $0x280;
	[sflag:s7] =	ssyncadd.s32 $0xFFFFC000  }
0x27d: {  	[tilespmem:s11], [sflag:$0x2] =	stream.indirect.gather [hbm4b:s23+s10], $0x80, s29, s10, $0xb8;
	[tilespmem:$0x1D580] =	vst v63  }
0x27e: {  	_ =	swait.ge [sflag:s12], $0x4000  }
0x27f: {  	[sflag:s12] =	ssyncset.done $0x0  }
0x280: {  	s31 =	simm.s32 $0xA00;
	[sflag:s12] =	ssyncadd.s32 $0xFFFFC000  }
0x281: {  	[spmem:s22] =	stream.indirect.scatter.add.f32 [tilespmem:s13], [sflag:$0x3], $0x1, s31, s10, $0xb8;
	[tilespmem:$0x1D580] =	vst v63  }
0x282: {  	_ = 	snop  }
0x283: {  	[spmem:s1] =	stream.indirect.scatter.add.f32 [tilespmem:s6], [sflag:$0x4], $0x80, s31, s10, $0xb8;
	[tilespmem:$0x1D580] =	vst v63  }
0x284: {  	_ =	swait.ge [sflag:s7], $0x4000  }
0x285: {  	[sflag:s7] =	ssyncset.done $0x0  }
0x286: {  	s20 =	simm.s32 $0x300;
	[sflag:s7] =	ssyncadd.s32 $0xFFFFC000  }
0x287: {  	[tilespmem:s6], [sflag:$0x1] =	stream.indirect.gather [hbm4b:s23+s10], $0x80, s20, s10, $0xb8;
	[tilespmem:$0x1D580] =	vst v63  }
0x288: {  	_ =	swait.ge [sflag:s15], $0x4000  }
0x289: {  	[sflag:s15] =	ssyncset.done $0x0  }
0x28a: {  	s14 =	simm.s32 $0xA80;
	[sflag:s15] =	ssyncadd.s32 $0xFFFFC000  }
0x28b: {  	[spmem:s22] =	stream.indirect.scatter.add.f32 [tilespmem:s13], [sflag:$0x3], $0x1, s14, s10, $0xb8;
	[tilespmem:$0x1D580] =	vst v63  }
0x28c: {  	_ = 	snop  }
0x28d: {  	[spmem:s1] =	stream.indirect.scatter.add.f32 [tilespmem:s11], [sflag:$0x4], $0x80, s14, s10, $0xb8;
	[tilespmem:$0x1D580] =	vst v63  }
0x28e: {  	_ =	swait.ge [sflag:s7], $0x4000  }
0x28f: {  	[sflag:s7] =	ssyncset.done $0x0  }
0x290: {  	s31 =	simm.s32 $0x380;
	[sflag:s7] =	ssyncadd.s32 $0xFFFFC000  }
0x291: {  	[tilespmem:s11], [sflag:$0x2] =	stream.indirect.gather [hbm4b:s23+s10], $0x80, s31, s10, $0xb8;
	[tilespmem:$0x1D580] =	vst v63  }
0x292: {  	_ =	swait.ge [sflag:s12], $0x4000  }
0x293: {  	[sflag:s12] =	ssyncset.done $0x0  }
0x294: {  	s16 =	simm.s32 $0xB00;
	[sflag:s12] =	ssyncadd.s32 $0xFFFFC000  }
0x295: {  	[spmem:s22] =	stream.indirect.scatter.add.f32 [tilespmem:s13], [sflag:$0x3], $0x1, s16, s10, $0xb8;
	[tilespmem:$0x1D580] =	vst v63  }
0x296: {  	_ = 	snop  }
0x297: {  	[spmem:s1] =	stream.indirect.scatter.add.f32 [tilespmem:s6], [sflag:$0x4], $0x80, s16, s10, $0xb8;
	[tilespmem:$0x1D580] =	vst v63  }
0x298: {  	_ =	swait.ge [sflag:s7], $0x4000  }
0x299: {  	[sflag:s7] =	ssyncset.done $0x0  }
0x29a: {  	s16 =	simm.s32 $0x400;
	[sflag:s7] =	ssyncadd.s32 $0xFFFFC000  }
0x29b: {  	[tilespmem:s6], [sflag:$0x1] =	stream.indirect.gather [hbm4b:s23+s10], $0x80, s16, s10, $0xb8;
	[tilespmem:$0x1D580] =	vst v63  }
0x29c: {  	_ =	swait.ge [sflag:s15], $0x4000  }
0x29d: {  	[sflag:s15] =	ssyncset.done $0x0  }
0x29e: {  	s18 =	simm.s32 $0xB80;
	[sflag:s15] =	ssyncadd.s32 $0xFFFFC000  }
0x29f: {  	[spmem:s22] =	stream.indirect.scatter.add.f32 [tilespmem:s13], [sflag:$0x3], $0x1, s18, s10, $0xb8;
	[tilespmem:$0x1D580] =	vst v63  }
0x2a0: {  	_ = 	snop  }
0x2a1: {  	[spmem:s1] =	stream.indirect.scatter.add.f32 [tilespmem:s11], [sflag:$0x4], $0x80, s18, s10, $0xb8;
	[tilespmem:$0x1D580] =	vst v63  }
0x2a2: {  	_ =	swait.ge [sflag:s7], $0x4000  }
0x2a3: {  	[sflag:s7] =	ssyncset.done $0x0  }
0x2a4: {  	s18 =	simm.s32 $0x480;
	[sflag:s7] =	ssyncadd.s32 $0xFFFFC000  }
0x2a5: {  	[tilespmem:s11], [sflag:$0x2] =	stream.indirect.gather [hbm4b:s23+s10], $0x80, s18, s10, $0xb8;
	[tilespmem:$0x1D580] =	vst v63  }
0x2a6: {  	_ =	swait.ge [sflag:s12], $0x4000  }
0x2a7: {  	[sflag:s12] =	ssyncset.done $0x0  }
0x2a8: {  	s28 =	simm.s32 $0xC00;
	[sflag:s12] =	ssyncadd.s32 $0xFFFFC000  }
0x2a9: {  	[spmem:s22] =	stream.indirect.scatter.add.f32 [tilespmem:s13], [sflag:$0x3], $0x1, s28, s10, $0xb8;
	[tilespmem:$0x1D580] =	vst v63  }
0x2aa: {  	_ = 	snop  }
0x2ab: {  	[spmem:s1] =	stream.indirect.scatter.add.f32 [tilespmem:s6], [sflag:$0x4], $0x80, s28, s10, $0xb8;
	[tilespmem:$0x1D580] =	vst v63  }
0x2ac: {  	_ =	swait.ge [sflag:s7], $0x4000  }
0x2ad: {  	[sflag:s7] =	ssyncset.done $0x0  }
0x2ae: {  	s18 =	simm.s32 $0x500;
	[sflag:s7] =	ssyncadd.s32 $0xFFFFC000  }
0x2af: {  	[tilespmem:s6], [sflag:$0x1] =	stream.indirect.gather [hbm4b:s23+s10], $0x80, s18, s10, $0xb8;
	[tilespmem:$0x1D580] =	vst v63  }
0x2b0: {  	_ =	swait.ge [sflag:s15], $0x4000  }
0x2b1: {  	[sflag:s15] =	ssyncset.done $0x0  }
0x2b2: {  	s4 =	simm.s32 $0xC80;
	[sflag:s15] =	ssyncadd.s32 $0xFFFFC000  }
0x2b3: {  	[spmem:s22] =	stream.indirect.scatter.add.f32 [tilespmem:s13], [sflag:$0x3], $0x1, s4, s10, $0xb8;
	[tilespmem:$0x1D580] =	vst v63  }
0x2b4: {  	_ = 	snop  }
0x2b5: {  	[spmem:s1] =	stream.indirect.scatter.add.f32 [tilespmem:s11], [sflag:$0x4], $0x80, s4, s10, $0xb8;
	[tilespmem:$0x1D580] =	vst v63  }
0x2b6: {  	_ =	swait.ge [sflag:s7], $0x4000  }
0x2b7: {  	[sflag:s7] =	ssyncset.done $0x0  }
0x2b8: {  	s20 =	simm.s32 $0x580;
	[sflag:s7] =	ssyncadd.s32 $0xFFFFC000  }
0x2b9: {  	[tilespmem:s11], [sflag:$0x2] =	stream.indirect.gather [hbm4b:s23+s10], $0x80, s20, s10, $0xb8;
	[tilespmem:$0x1D580] =	vst v63  }
0x2ba: {  	_ =	swait.ge [sflag:s12], $0x4000  }
0x2bb: {  	[sflag:s12] =	ssyncset.done $0x0  }
0x2bc: {  	s21 =	simm.s32 $0xD00;
	[sflag:s12] =	ssyncadd.s32 $0xFFFFC000  }
0x2bd: {  	[spmem:s22] =	stream.indirect.scatter.add.f32 [tilespmem:s13], [sflag:$0x3], $0x1, s21, s10, $0xb8;
	[tilespmem:$0x1D580] =	vst v63  }
0x2be: {  	_ = 	snop  }
0x2bf: {  	[spmem:s1] =	stream.indirect.scatter.add.f32 [tilespmem:s6], [sflag:$0x4], $0x80, s21, s10, $0xb8;
	[tilespmem:$0x1D580] =	vst v63  }
0x2c0: {  	_ =	swait.ge [sflag:s7], $0x4000  }
0x2c1: {  	[sflag:s7] =	ssyncset.done $0x0  }
0x2c2: {  	s21 =	simm.s32 $0x600;
	[sflag:s7] =	ssyncadd.s32 $0xFFFFC000  }
0x2c3: {  	[tilespmem:s6], [sflag:$0x1] =	stream.indirect.gather [hbm4b:s23+s10], $0x80, s21, s10, $0xb8;
	[tilespmem:$0x1D580] =	vst v63  }
0x2c4: {  	_ =	swait.ge [sflag:s15], $0x4000  }
0x2c5: {  	[sflag:s15] =	ssyncset.done $0x0  }
0x2c6: {  	s24 =	simm.s32 $0xD80;
	[sflag:s15] =	ssyncadd.s32 $0xFFFFC000  }
0x2c7: {  	[spmem:s22] =	stream.indirect.scatter.add.f32 [tilespmem:s13], [sflag:$0x3], $0x1, s24, s10, $0xb8;
	[tilespmem:$0x1D580] =	vst v63  }
0x2c8: {  	_ = 	snop  }
0x2c9: {  	[spmem:s1] =	stream.indirect.scatter.add.f32 [tilespmem:s11], [sflag:$0x4], $0x80, s24, s10, $0xb8;
	[tilespmem:$0x1D580] =	vst v63  }
0x2ca: {  	_ =	swait.ge [sflag:s7], $0x4000  }
0x2cb: {  	[sflag:s7] =	ssyncset.done $0x0  }
0x2cc: {  	s24 =	simm.s32 $0x680;
	[sflag:s7] =	ssyncadd.s32 $0xFFFFC000  }
0x2cd: {  	[tilespmem:s11], [sflag:$0x2] =	stream.indirect.gather [hbm4b:s23+s10], $0x80, s24, s10, $0xb8;
	[tilespmem:$0x1D580] =	vst v63  }
0x2ce: {  	_ =	swait.ge [sflag:s12], $0x4000  }
0x2cf: {  	[sflag:s12] =	ssyncset.done $0x0  }
0x2d0: {  	s25 =	simm.s32 $0xE00;
	[sflag:s12] =	ssyncadd.s32 $0xFFFFC000  }
0x2d1: {  	[spmem:s22] =	stream.indirect.scatter.add.f32 [tilespmem:s13], [sflag:$0x3], $0x1, s25, s10, $0xb8;
	[tilespmem:$0x1D580] =	vst v63  }
0x2d2: {  	_ = 	snop  }
0x2d3: {  	[spmem:s1] =	stream.indirect.scatter.add.f32 [tilespmem:s6], [sflag:$0x4], $0x80, s25, s10, $0xb8;
	[tilespmem:$0x1D580] =	vst v63  }
0x2d4: {  	_ =	swait.ge [sflag:s7], $0x4000  }
0x2d5: {  	[sflag:s7] =	ssyncset.done $0x0  }
0x2d6: {  	s25 =	simm.s32 $0x700;
	[sflag:s7] =	ssyncadd.s32 $0xFFFFC000  }
0x2d7: {  	[tilespmem:s6], [sflag:$0x1] =	stream.indirect.gather [hbm4b:s23+s10], $0x80, s25, s10, $0xb8;
	[tilespmem:$0x1D580] =	vst v63  }
0x2d8: {  	_ =	swait.ge [sflag:s15], $0x4000  }
0x2d9: {  	[sflag:s15] =	ssyncset.done $0x0  }
0x2da: {  	s26 =	simm.s32 $0xE80;
	[sflag:s15] =	ssyncadd.s32 $0xFFFFC000  }
0x2db: {  	[spmem:s22] =	stream.indirect.scatter.add.f32 [tilespmem:s13], [sflag:$0x3], $0x1, s26, s10, $0xb8;
	[tilespmem:$0x1D580] =	vst v63  }
0x2dc: {  	_ = 	snop  }
0x2dd: {  	[spmem:s1] =	stream.indirect.scatter.add.f32 [tilespmem:s11], [sflag:$0x4], $0x80, s26, s10, $0xb8;
	[tilespmem:$0x1D580] =	vst v63  }
0x2de: {  	_ =	swait.ge [sflag:s7], $0x4000  }
0x2df: {  	[sflag:s7] =	ssyncset.done $0x0  }
0x2e0: {  	s26 =	simm.s32 $0x780;
	[sflag:s7] =	ssyncadd.s32 $0xFFFFC000  }
0x2e1: {  	[tilespmem:s11], [sflag:$0x2] =	stream.indirect.gather [hbm4b:s23+s10], $0x80, s26, s10, $0xb8;
	[tilespmem:$0x1D580] =	vst v63  }
0x2e2: {  	_ =	swait.ge [sflag:s12], $0x4000  }
0x2e3: {  	[sflag:s12] =	ssyncset.done $0x0  }
0x2e4: {  	s3 =	simm.s32 $0xF00;
	[sflag:s12] =	ssyncadd.s32 $0xFFFFC000  }
0x2e5: {  	[spmem:s22] =	stream.indirect.scatter.add.f32 [tilespmem:s13], [sflag:$0x3], $0x1, s3, s10, $0xb8;
	[tilespmem:$0x1D580] =	vst v63  }
0x2e6: {  	_ = 	snop  }
0x2e7: {  	[spmem:s1] =	stream.indirect.scatter.add.f32 [tilespmem:s6], [sflag:$0x4], $0x80, s3, s10, $0xb8;
	[tilespmem:$0x1D580] =	vst v63  }
0x2e8: {  	_ =	swait.ge [sflag:s7], $0x4000  }
0x2e9: {  	[sflag:s7] =	ssyncset.done $0x0  }
0x2ea: {  	[sflag:s7] =	ssyncadd.s32 $0xFFFFC000  }
0x2eb: {  	_ =	swait.ge [sflag:s15], $0x4000  }
0x2ec: {  	[sflag:s15] =	ssyncset.done $0x0  }
0x2ed: {  	s4 =	simm.s32 $0xF80;
	[sflag:s15] =	ssyncadd.s32 $0xFFFFC000  }
0x2ee: {  	[spmem:s22] =	stream.indirect.scatter.add.f32 [tilespmem:s13], [sflag:$0x3], $0x1, s4, s10, $0xb8;
	[tilespmem:$0x1D580] =	vst v63  }
0x2ef: {  	s14 =	simm.s32 $0xF80  }
0x2f0: {  	[spmem:s1] =	stream.indirect.scatter.add.f32 [tilespmem:s11], [sflag:$0x4], $0x80, s14, s10, $0xb8;
	[tilespmem:$0x1D580] =	vst v63  }
0x2f1: {  	_ =	swait.ge [sflag:s7], $0x4000  }
0x2f2: {  	[sflag:s7] =	ssyncset.done $0x0  }
0x2f3: {  	[sflag:s7] =	ssyncadd.s32 $0xFFFFC000  }
0x2f4: {  	_ =	swait.ge [sflag:s17], $0x80  }
0x2f5: {  	[sflag:s17] =	ssyncset.done $0x0  }
0x2f6: {  	[sflag:s17] =	ssyncadd.s32 $0xFFFFFF80  }
0x2f7: {  	_ =	swait.ge [sflag:s17], $0x80  }
0x2f8: {  	[sflag:s17] =	ssyncset.done $0x0  }
0x2f9: {  	[sflag:s17] =	ssyncadd.s32 $0xFFFFFF80  }
0x2fa: {  	_ =	swait.ge [sflag:s17], $0x80  }
0x2fb: {  	[sflag:s17] =	ssyncset.done $0x0  }
0x2fc: {  	[sflag:s17] =	ssyncadd.s32 $0xFFFFFF80  }
0x2fd: {  	_ =	swait.ge [sflag:s17], $0x80  }
0x2fe: {  	[sflag:s17] =	ssyncset.done $0x0  }
0x2ff: {  	[sflag:s17] =	ssyncadd.s32 $0xFFFFFF80  }
0x300: {  	_ =	swait.ge [sflag:s17], $0x80  }
0x301: {  	[sflag:s17] =	ssyncset.done $0x0  }
0x302: {  	[sflag:s17] =	ssyncadd.s32 $0xFFFFFF80  }
0x303: {  	_ =	swait.ge [sflag:s17], $0x80  }
0x304: {  	[sflag:s17] =	ssyncset.done $0x0  }
0x305: {  	[sflag:s17] =	ssyncadd.s32 $0xFFFFFF80  }
0x306: {  	_ =	swait.ge [sflag:s17], $0x80  }
0x307: {  	[sflag:s17] =	ssyncset.done $0x0  }
0x308: {  	[sflag:s17] =	ssyncadd.s32 $0xFFFFFF80  }
0x309: {  	_ =	swait.ge [sflag:s17], $0x80  }
0x30a: {  	[sflag:s17] =	ssyncset.done $0x0  }
0x30b: {  	[sflag:s17] =	ssyncadd.s32 $0xFFFFFF80  }
0x30c: {  	_ =	swait.ge [sflag:s17], $0x80  }
0x30d: {  	[sflag:s17] =	ssyncset.done $0x0  }
0x30e: {  	[sflag:s17] =	ssyncadd.s32 $0xFFFFFF80  }
0x30f: {  	_ =	swait.ge [sflag:s17], $0x80  }
0x310: {  	[sflag:s17] =	ssyncset.done $0x0  }
0x311: {  	[sflag:s17] =	ssyncadd.s32 $0xFFFFFF80  }
0x312: {  	_ =	swait.ge [sflag:s17], $0x80  }
0x313: {  	[sflag:s17] =	ssyncset.done $0x0  }
0x314: {  	[sflag:s17] =	ssyncadd.s32 $0xFFFFFF80  }
0x315: {  	_ =	swait.ge [sflag:s17], $0x80  }
0x316: {  	[sflag:s17] =	ssyncset.done $0x0  }
0x317: {  	[sflag:s17] =	ssyncadd.s32 $0xFFFFFF80  }
0x318: {  	_ =	swait.ge [sflag:s17], $0x80  }
0x319: {  	[sflag:s17] =	ssyncset.done $0x0  }
0x31a: {  	[sflag:s17] =	ssyncadd.s32 $0xFFFFFF80  }
0x31b: {  	_ =	swait.ge [sflag:s17], $0x80  }
0x31c: {  	[sflag:s17] =	ssyncset.done $0x0  }
0x31d: {  	[sflag:s17] =	ssyncadd.s32 $0xFFFFFF80  }
0x31e: {  	_ =	swait.ge [sflag:s17], $0x80  }
0x31f: {  	[sflag:s17] =	ssyncset.done $0x0  }
0x320: {  	[sflag:s17] =	ssyncadd.s32 $0xFFFFFF80  }
0x321: {  	_ =	swait.ge [sflag:s17], $0x80  }
0x322: {  	[sflag:s17] =	ssyncset.done $0x0  }
0x323: {  	s16 =	rddreg [dreg:$0xb];
	[sflag:s17] =	ssyncadd.s32 $0xFFFFFF80  }
0x324: {  	[tilespmem:s2], [sflag:$0x4] =	stream.linear.gather [hbm4b:s16+s2], $0x800, $0x38;
	[tilespmem:$0x1D580] =	vst v63  }
0x325: {  	_ =	swait.ge [sflag:s7], $0x800  }
0x326: {  	[sflag:s7] =	ssyncset.done $0x0  }
0x327: {  	s20 =	rddreg [dreg:$0xc];
	[sflag:s7] =	ssyncadd.s32 $0xFFFFF800  }
0x328: {  	[tilespmem:s9], [sflag:$0x4] =	stream.linear.gather [hbm4b:s20+s2], $0x800, $0x38;
	[tilespmem:$0x1D580] =	vst v63  }
0x329: {  	_ =	swait.ge [sflag:s7], $0x800  }
0x32a: {  	[sflag:s7] =	ssyncset.done $0x0  }
0x32b: {  	[sflag:s7] =	ssyncadd.s32 $0xFFFFF800  }
0x32c: {  	[tilespmem:s6], [sflag:$0x1] =	stream.indirect.gather [hbm4b:s23+s10], $0x80, s2, s10, $0xb8;
	[tilespmem:$0x1D580] =	vst v63  }
0x32d: {  	_ = 	snop  }
0x32e: {  	[tilespmem:s11], [sflag:$0x2] =	stream.indirect.gather [hbm4b:s23+s10], $0x80, s10, s10, $0xb8;
	[tilespmem:$0x1D580] =	vst v63  }
0x32f: {  	_ =	swait.ge [sflag:s12], $0x4000  }
0x330: {  	[sflag:s12] =	ssyncset.done $0x0  }
0x331: {  	[sflag:s12] =	ssyncadd.s32 $0xFFFFC000  }
0x332: {  	[spmem:s22] =	stream.indirect.scatter.add.f32 [tilespmem:s13], [sflag:$0x3], $0x1, s9, s10, $0xb8;
	[tilespmem:$0x1D580] =	vst v63  }
0x333: {  	_ = 	snop  }
0x334: {  	[spmem:s1] =	stream.indirect.scatter.add.f32 [tilespmem:s6], [sflag:$0x4], $0x80, s9, s10, $0xb8;
	[tilespmem:$0x1D580] =	vst v63  }
0x335: {  	_ =	swait.ge [sflag:s7], $0x4000  }
0x336: {  	[sflag:s7] =	ssyncset.done $0x0  }
0x337: {  	[sflag:s7] =	ssyncadd.s32 $0xFFFFC000  }
0x338: {  	[tilespmem:s6], [sflag:$0x1] =	stream.indirect.gather [hbm4b:s23+s10], $0x80, s30, s10, $0xb8;
	[tilespmem:$0x1D580] =	vst v63  }
0x339: {  	_ =	swait.ge [sflag:s15], $0x4000  }
0x33a: {  	[sflag:s15] =	ssyncset.done $0x0  }
0x33b: {  	s21 =	simm.s32 $0x880;
	[sflag:s15] =	ssyncadd.s32 $0xFFFFC000  }
0x33c: {  	[spmem:s22] =	stream.indirect.scatter.add.f32 [tilespmem:s13], [sflag:$0x3], $0x1, s21, s10, $0xb8;
	[tilespmem:$0x1D580] =	vst v63  }
0x33d: {  	_ = 	snop  }
0x33e: {  	[spmem:s1] =	stream.indirect.scatter.add.f32 [tilespmem:s11], [sflag:$0x4], $0x80, s21, s10, $0xb8;
	[tilespmem:$0x1D580] =	vst v63  }
0x33f: {  	_ =	swait.ge [sflag:s7], $0x4000  }
0x340: {  	[sflag:s7] =	ssyncset.done $0x0  }
0x341: {  	[sflag:s7] =	ssyncadd.s32 $0xFFFFC000  }
0x342: {  	[tilespmem:s11], [sflag:$0x2] =	stream.indirect.gather [hbm4b:s23+s10], $0x80, s8, s10, $0xb8;
	[tilespmem:$0x1D580] =	vst v63  }
0x343: {  	_ =	swait.ge [sflag:s12], $0x4000  }
0x344: {  	[sflag:s12] =	ssyncset.done $0x0  }
0x345: {  	s24 =	simm.s32 $0x900;
	[sflag:s12] =	ssyncadd.s32 $0xFFFFC000  }
0x346: {  	[spmem:s22] =	stream.indirect.scatter.add.f32 [tilespmem:s13], [sflag:$0x3], $0x1, s24, s10, $0xb8;
	[tilespmem:$0x1D580] =	vst v63  }
0x347: {  	_ = 	snop  }
0x348: {  	[spmem:s1] =	stream.indirect.scatter.add.f32 [tilespmem:s6], [sflag:$0x4], $0x80, s24, s10, $0xb8;
	[tilespmem:$0x1D580] =	vst v63  }
0x349: {  	_ =	swait.ge [sflag:s7], $0x4000  }
0x34a: {  	[sflag:s7] =	ssyncset.done $0x0  }
0x34b: {  	[sflag:s7] =	ssyncadd.s32 $0xFFFFC000  }
0x34c: {  	[tilespmem:s6], [sflag:$0x1] =	stream.indirect.gather [hbm4b:s23+s10], $0x80, s5, s10, $0xb8;
	[tilespmem:$0x1D580] =	vst v63  }
0x34d: {  	_ =	swait.ge [sflag:s15], $0x4000  }
0x34e: {  	[sflag:s15] =	ssyncset.done $0x0  }
0x34f: {  	s25 =	simm.s32 $0x980;
	[sflag:s15] =	ssyncadd.s32 $0xFFFFC000  }
0x350: {  	[spmem:s22] =	stream.indirect.scatter.add.f32 [tilespmem:s13], [sflag:$0x3], $0x1, s25, s10, $0xb8;
	[tilespmem:$0x1D580] =	vst v63  }
0x351: {  	_ = 	snop  }
0x352: {  	[spmem:s1] =	stream.indirect.scatter.add.f32 [tilespmem:s11], [sflag:$0x4], $0x80, s25, s10, $0xb8;
	[tilespmem:$0x1D580] =	vst v63  }
0x353: {  	_ =	swait.ge [sflag:s7], $0x4000  }
0x354: {  	[sflag:s7] =	ssyncset.done $0x0  }
0x355: {  	[sflag:s7] =	ssyncadd.s32 $0xFFFFC000  }
0x356: {  	[tilespmem:s11], [sflag:$0x2] =	stream.indirect.gather [hbm4b:s23+s10], $0x80, s29, s10, $0xb8;
	[tilespmem:$0x1D580] =	vst v63  }
0x357: {  	_ =	swait.ge [sflag:s12], $0x4000  }
0x358: {  	[sflag:s12] =	ssyncset.done $0x0  }
0x359: {  	s26 =	simm.s32 $0xA00;
	[sflag:s12] =	ssyncadd.s32 $0xFFFFC000  }
0x35a: {  	[spmem:s22] =	stream.indirect.scatter.add.f32 [tilespmem:s13], [sflag:$0x3], $0x1, s26, s10, $0xb8;
	[tilespmem:$0x1D580] =	vst v63  }
0x35b: {  	_ = 	snop  }
0x35c: {  	[spmem:s1] =	stream.indirect.scatter.add.f32 [tilespmem:s6], [sflag:$0x4], $0x80, s26, s10, $0xb8;
	[tilespmem:$0x1D580] =	vst v63  }
0x35d: {  	_ =	swait.ge [sflag:s7], $0x4000  }
0x35e: {  	[sflag:s7] =	ssyncset.done $0x0  }
0x35f: {  	s3 =	simm.s32 $0x300;
	[sflag:s7] =	ssyncadd.s32 $0xFFFFC000  }
0x360: {  	[tilespmem:s6], [sflag:$0x1] =	stream.indirect.gather [hbm4b:s23+s10], $0x80, s3, s10, $0xb8;
	[tilespmem:$0x1D580] =	vst v63  }
0x361: {  	_ =	swait.ge [sflag:s15], $0x4000  }
0x362: {  	[sflag:s15] =	ssyncset.done $0x0  }
0x363: {  	s4 =	simm.s32 $0xA80;
	[sflag:s15] =	ssyncadd.s32 $0xFFFFC000  }
0x364: {  	[spmem:s22] =	stream.indirect.scatter.add.f32 [tilespmem:s13], [sflag:$0x3], $0x1, s4, s10, $0xb8;
	[tilespmem:$0x1D580] =	vst v63  }
0x365: {  	_ = 	snop  }
0x366: {  	[spmem:s1] =	stream.indirect.scatter.add.f32 [tilespmem:s11], [sflag:$0x4], $0x80, s4, s10, $0xb8;
	[tilespmem:$0x1D580] =	vst v63  }
0x367: {  	_ =	swait.ge [sflag:s7], $0x4000  }
0x368: {  	[sflag:s7] =	ssyncset.done $0x0  }
0x369: {  	[sflag:s7] =	ssyncadd.s32 $0xFFFFC000  }
0x36a: {  	[tilespmem:s11], [sflag:$0x2] =	stream.indirect.gather [hbm4b:s23+s10], $0x80, s31, s10, $0xb8;
	[tilespmem:$0x1D580] =	vst v63  }
0x36b: {  	_ =	swait.ge [sflag:s12], $0x4000  }
0x36c: {  	[sflag:s12] =	ssyncset.done $0x0  }
0x36d: {  	s5 =	simm.s32 $0xB00;
	[sflag:s12] =	ssyncadd.s32 $0xFFFFC000  }
0x36e: {  	[spmem:s22] =	stream.indirect.scatter.add.f32 [tilespmem:s13], [sflag:$0x3], $0x1, s5, s10, $0xb8;
	[tilespmem:$0x1D580] =	vst v63  }
0x36f: {  	_ = 	snop  }
0x370: {  	[spmem:s1] =	stream.indirect.scatter.add.f32 [tilespmem:s6], [sflag:$0x4], $0x80, s5, s10, $0xb8;
	[tilespmem:$0x1D580] =	vst v63  }
0x371: {  	_ =	swait.ge [sflag:s7], $0x4000  }
0x372: {  	[sflag:s7] =	ssyncset.done $0x0  }
0x373: {  	s16 =	simm.s32 $0x400;
	[sflag:s7] =	ssyncadd.s32 $0xFFFFC000  }
0x374: {  	[tilespmem:s6], [sflag:$0x1] =	stream.indirect.gather [hbm4b:s23+s10], $0x80, s16, s10, $0xb8;
	[tilespmem:$0x1D580] =	vst v63  }
0x375: {  	_ =	swait.ge [sflag:s15], $0x4000  }
0x376: {  	[sflag:s15] =	ssyncset.done $0x0  }
0x377: {  	s19 =	simm.s32 $0xB80;
	[sflag:s15] =	ssyncadd.s32 $0xFFFFC000  }
0x378: {  	[spmem:s22] =	stream.indirect.scatter.add.f32 [tilespmem:s13], [sflag:$0x3], $0x1, s19, s10, $0xb8;
	[tilespmem:$0x1D580] =	vst v63  }
0x379: {  	_ = 	snop  }
0x37a: {  	[spmem:s1] =	stream.indirect.scatter.add.f32 [tilespmem:s11], [sflag:$0x4], $0x80, s19, s10, $0xb8;
	[tilespmem:$0x1D580] =	vst v63  }
0x37b: {  	_ =	swait.ge [sflag:s7], $0x4000  }
0x37c: {  	[sflag:s7] =	ssyncset.done $0x0  }
0x37d: {  	s25 =	simm.s32 $0x480;
	[sflag:s7] =	ssyncadd.s32 $0xFFFFC000  }
0x37e: {  	[tilespmem:s11], [sflag:$0x2] =	stream.indirect.gather [hbm4b:s23+s10], $0x80, s25, s10, $0xb8;
	[tilespmem:$0x1D580] =	vst v63  }
0x37f: {  	_ =	swait.ge [sflag:s12], $0x4000  }
0x380: {  	[sflag:s12] =	ssyncset.done $0x0  }
0x381: {  	s26 =	simm.s32 $0xC00;
	[sflag:s12] =	ssyncadd.s32 $0xFFFFC000  }
0x382: {  	[spmem:s22] =	stream.indirect.scatter.add.f32 [tilespmem:s13], [sflag:$0x3], $0x1, s26, s10, $0xb8;
	[tilespmem:$0x1D580] =	vst v63  }
0x383: {  	_ = 	snop  }
0x384: {  	[spmem:s1] =	stream.indirect.scatter.add.f32 [tilespmem:s6], [sflag:$0x4], $0x80, s26, s10, $0xb8;
	[tilespmem:$0x1D580] =	vst v63  }
0x385: {  	_ =	swait.ge [sflag:s7], $0x4000  }
0x386: {  	[sflag:s7] =	ssyncset.done $0x0  }
0x387: {  	[sflag:s7] =	ssyncadd.s32 $0xFFFFC000  }
0x388: {  	[tilespmem:s6], [sflag:$0x1] =	stream.indirect.gather [hbm4b:s23+s10], $0x80, s18, s10, $0xb8;
	[tilespmem:$0x1D580] =	vst v63  }
0x389: {  	_ =	swait.ge [sflag:s15], $0x4000  }
0x38a: {  	[sflag:s15] =	ssyncset.done $0x0  }
0x38b: {  	s19 =	simm.s32 $0xC80;
	[sflag:s15] =	ssyncadd.s32 $0xFFFFC000  }
0x38c: {  	[spmem:s22] =	stream.indirect.scatter.add.f32 [tilespmem:s13], [sflag:$0x3], $0x1, s19, s10, $0xb8;
	[tilespmem:$0x1D580] =	vst v63  }
0x38d: {  	_ = 	snop  }
0x38e: {  	[spmem:s1] =	stream.indirect.scatter.add.f32 [tilespmem:s11], [sflag:$0x4], $0x80, s19, s10, $0xb8;
	[tilespmem:$0x1D580] =	vst v63  }
0x38f: {  	_ =	swait.ge [sflag:s7], $0x4000  }
0x390: {  	[sflag:s7] =	ssyncset.done $0x0  }
0x391: {  	s25 =	simm.s32 $0x580;
	[sflag:s7] =	ssyncadd.s32 $0xFFFFC000  }
0x392: {  	[tilespmem:s11], [sflag:$0x2] =	stream.indirect.gather [hbm4b:s23+s10], $0x80, s25, s10, $0xb8;
	[tilespmem:$0x1D580] =	vst v63  }
0x393: {  	_ =	swait.ge [sflag:s12], $0x4000  }
0x394: {  	[sflag:s12] =	ssyncset.done $0x0  }
0x395: {  	s26 =	simm.s32 $0xD00;
	[sflag:s12] =	ssyncadd.s32 $0xFFFFC000  }
0x396: {  	[spmem:s22] =	stream.indirect.scatter.add.f32 [tilespmem:s13], [sflag:$0x3], $0x1, s26, s10, $0xb8;
	[tilespmem:$0x1D580] =	vst v63  }
0x397: {  	_ = 	snop  }
0x398: {  	[spmem:s1] =	stream.indirect.scatter.add.f32 [tilespmem:s6], [sflag:$0x4], $0x80, s26, s10, $0xb8;
	[tilespmem:$0x1D580] =	vst v63  }
0x399: {  	_ =	swait.ge [sflag:s7], $0x4000  }
0x39a: {  	[sflag:s7] =	ssyncset.done $0x0  }
0x39b: {  	s3 =	simm.s32 $0x600;
	[sflag:s7] =	ssyncadd.s32 $0xFFFFC000  }
0x39c: {  	[tilespmem:s6], [sflag:$0x1] =	stream.indirect.gather [hbm4b:s23+s10], $0x80, s3, s10, $0xb8;
	[tilespmem:$0x1D580] =	vst v63  }
0x39d: {  	_ =	swait.ge [sflag:s15], $0x4000  }
0x39e: {  	[sflag:s15] =	ssyncset.done $0x0  }
0x39f: {  	s26 =	simm.s32 $0xD80;
	[sflag:s15] =	ssyncadd.s32 $0xFFFFC000  }
0x3a0: {  	[spmem:s22] =	stream.indirect.scatter.add.f32 [tilespmem:s13], [sflag:$0x3], $0x1, s26, s10, $0xb8;
	[tilespmem:$0x1D580] =	vst v63  }
0x3a1: {  	_ = 	snop  }
0x3a2: {  	[spmem:s1] =	stream.indirect.scatter.add.f32 [tilespmem:s11], [sflag:$0x4], $0x80, s26, s10, $0xb8;
	[tilespmem:$0x1D580] =	vst v63  }
0x3a3: {  	_ =	swait.ge [sflag:s7], $0x4000  }
0x3a4: {  	[sflag:s7] =	ssyncset.done $0x0  }
0x3a5: {  	s28 =	simm.s32 $0x680;
	[sflag:s7] =	ssyncadd.s32 $0xFFFFC000  }
0x3a6: {  	[tilespmem:s11], [sflag:$0x2] =	stream.indirect.gather [hbm4b:s23+s10], $0x80, s28, s10, $0xb8;
	[tilespmem:$0x1D580] =	vst v63  }
0x3a7: {  	_ =	swait.ge [sflag:s12], $0x4000  }
0x3a8: {  	[sflag:s12] =	ssyncset.done $0x0  }
0x3a9: {  	s28 =	simm.s32 $0xE00;
	[sflag:s12] =	ssyncadd.s32 $0xFFFFC000  }
0x3aa: {  	[spmem:s22] =	stream.indirect.scatter.add.f32 [tilespmem:s13], [sflag:$0x3], $0x1, s28, s10, $0xb8;
	[tilespmem:$0x1D580] =	vst v63  }
0x3ab: {  	_ = 	snop  }
0x3ac: {  	[spmem:s1] =	stream.indirect.scatter.add.f32 [tilespmem:s6], [sflag:$0x4], $0x80, s28, s10, $0xb8;
	[tilespmem:$0x1D580] =	vst v63  }
0x3ad: {  	_ =	swait.ge [sflag:s7], $0x4000  }
0x3ae: {  	[sflag:s7] =	ssyncset.done $0x0  }
0x3af: {  	s3 =	simm.s32 $0x700;
	[sflag:s7] =	ssyncadd.s32 $0xFFFFC000  }
0x3b0: {  	[tilespmem:s6], [sflag:$0x1] =	stream.indirect.gather [hbm4b:s23+s10], $0x80, s3, s10, $0xb8;
	[tilespmem:$0x1D580] =	vst v63  }
0x3b1: {  	_ =	swait.ge [sflag:s15], $0x4000  }
0x3b2: {  	[sflag:s15] =	ssyncset.done $0x0  }
0x3b3: {  	s19 =	simm.s32 $0xE80;
	[sflag:s15] =	ssyncadd.s32 $0xFFFFC000  }
0x3b4: {  	[spmem:s22] =	stream.indirect.scatter.add.f32 [tilespmem:s13], [sflag:$0x3], $0x1, s19, s10, $0xb8;
	[tilespmem:$0x1D580] =	vst v63  }
0x3b5: {  	_ = 	snop  }
0x3b6: {  	[spmem:s1] =	stream.indirect.scatter.add.f32 [tilespmem:s11], [sflag:$0x4], $0x80, s19, s10, $0xb8;
	[tilespmem:$0x1D580] =	vst v63  }
0x3b7: {  	_ =	swait.ge [sflag:s7], $0x4000  }
0x3b8: {  	[sflag:s7] =	ssyncset.done $0x0  }
0x3b9: {  	s3 =	simm.s32 $0x780;
	[sflag:s7] =	ssyncadd.s32 $0xFFFFC000  }
0x3ba: {  	[tilespmem:s11], [sflag:$0x2] =	stream.indirect.gather [hbm4b:s23+s10], $0x80, s3, s10, $0xb8;
	[tilespmem:$0x1D580] =	vst v63  }
0x3bb: {  	_ =	swait.ge [sflag:s12], $0x4000  }
0x3bc: {  	[sflag:s12] =	ssyncset.done $0x0  }
0x3bd: {  	s19 =	simm.s32 $0xF00;
	[sflag:s12] =	ssyncadd.s32 $0xFFFFC000  }
0x3be: {  	[spmem:s22] =	stream.indirect.scatter.add.f32 [tilespmem:s13], [sflag:$0x3], $0x1, s19, s10, $0xb8;
	[tilespmem:$0x1D580] =	vst v63  }
0x3bf: {  	_ = 	snop  }
0x3c0: {  	[spmem:s1] =	stream.indirect.scatter.add.f32 [tilespmem:s6], [sflag:$0x4], $0x80, s19, s10, $0xb8;
	[tilespmem:$0x1D580] =	vst v63  }
0x3c1: {  	_ =	swait.ge [sflag:s7], $0x4000  }
0x3c2: {  	[sflag:s7] =	ssyncset.done $0x0  }
0x3c3: {  	[sflag:s7] =	ssyncadd.s32 $0xFFFFC000  }
0x3c4: {  	_ =	swait.ge [sflag:s15], $0x4000  }
0x3c5: {  	[sflag:s15] =	ssyncset.done $0x0  }
0x3c6: {  	s19 =	simm.s32 $0xF80;
	[sflag:s15] =	ssyncadd.s32 $0xFFFFC000  }
0x3c7: {  	[spmem:s22] =	stream.indirect.scatter.add.f32 [tilespmem:s13], [sflag:$0x3], $0x1, s19, s10, $0xb8;
	[tilespmem:$0x1D580] =	vst v63  }
0x3c8: {  	s19 =	simm.s32 $0xF80  }
0x3c9: {  	[spmem:s1] =	stream.indirect.scatter.add.f32 [tilespmem:s11], [sflag:$0x4], $0x80, s19, s10, $0xb8;
	[tilespmem:$0x1D580] =	vst v63  }
0x3ca: {  	_ =	swait.ge [sflag:s7], $0x4000  }
0x3cb: {  	[sflag:s7] =	ssyncset.done $0x0  }
0x3cc: {  	[sflag:s7] =	ssyncadd.s32 $0xFFFFC000  }
0x3cd: {  	_ =	swait.ge [sflag:s17], $0x80  }
0x3ce: {  	[sflag:s17] =	ssyncset.done $0x0  }
0x3cf: {  	[sflag:s17] =	ssyncadd.s32 $0xFFFFFF80  }
0x3d0: {  	_ =	swait.ge [sflag:s17], $0x80  }
0x3d1: {  	[sflag:s17] =	ssyncset.done $0x0  }
0x3d2: {  	[sflag:s17] =	ssyncadd.s32 $0xFFFFFF80  }
0x3d3: {  	_ =	swait.ge [sflag:s17], $0x80  }
0x3d4: {  	[sflag:s17] =	ssyncset.done $0x0  }
0x3d5: {  	[sflag:s17] =	ssyncadd.s32 $0xFFFFFF80  }
0x3d6: {  	_ =	swait.ge [sflag:s17], $0x80  }
0x3d7: {  	[sflag:s17] =	ssyncset.done $0x0  }
0x3d8: {  	[sflag:s17] =	ssyncadd.s32 $0xFFFFFF80  }
0x3d9: {  	_ =	swait.ge [sflag:s17], $0x80  }
0x3da: {  	[sflag:s17] =	ssyncset.done $0x0  }
0x3db: {  	[sflag:s17] =	ssyncadd.s32 $0xFFFFFF80  }
0x3dc: {  	_ =	swait.ge [sflag:s17], $0x80  }
0x3dd: {  	[sflag:s17] =	ssyncset.done $0x0  }
0x3de: {  	[sflag:s17] =	ssyncadd.s32 $0xFFFFFF80  }
0x3df: {  	_ =	swait.ge [sflag:s17], $0x80  }
0x3e0: {  	[sflag:s17] =	ssyncset.done $0x0  }
0x3e1: {  	[sflag:s17] =	ssyncadd.s32 $0xFFFFFF80  }
0x3e2: {  	_ =	swait.ge [sflag:s17], $0x80  }
0x3e3: {  	[sflag:s17] =	ssyncset.done $0x0  }
0x3e4: {  	[sflag:s17] =	ssyncadd.s32 $0xFFFFFF80  }
0x3e5: {  	_ =	swait.ge [sflag:s17], $0x80  }
0x3e6: {  	[sflag:s17] =	ssyncset.done $0x0  }
0x3e7: {  	[sflag:s17] =	ssyncadd.s32 $0xFFFFFF80  }
0x3e8: {  	_ =	swait.ge [sflag:s17], $0x80  }
0x3e9: {  	[sflag:s17] =	ssyncset.done $0x0  }
0x3ea: {  	[sflag:s17] =	ssyncadd.s32 $0xFFFFFF80  }
0x3eb: {  	_ =	swait.ge [sflag:s17], $0x80  }
0x3ec: {  	[sflag:s17] =	ssyncset.done $0x0  }
0x3ed: {  	[sflag:s17] =	ssyncadd.s32 $0xFFFFFF80  }
0x3ee: {  	_ =	swait.ge [sflag:s17], $0x80  }
0x3ef: {  	[sflag:s17] =	ssyncset.done $0x0  }
0x3f0: {  	[sflag:s17] =	ssyncadd.s32 $0xFFFFFF80  }
0x3f1: {  	_ =	swait.ge [sflag:s17], $0x80  }
0x3f2: {  	[sflag:s17] =	ssyncset.done $0x0  }
0x3f3: {  	[sflag:s17] =	ssyncadd.s32 $0xFFFFFF80  }
0x3f4: {  	_ =	swait.ge [sflag:s17], $0x80  }
0x3f5: {  	[sflag:s17] =	ssyncset.done $0x0  }
0x3f6: {  	[sflag:s17] =	ssyncadd.s32 $0xFFFFFF80  }
0x3f7: {  	_ =	swait.ge [sflag:s17], $0x80  }
0x3f8: {  	[sflag:s17] =	ssyncset.done $0x0  }
0x3f9: {  	[sflag:s17] =	ssyncadd.s32 $0xFFFFFF80  }
0x3fa: {  	_ =	swait.ge [sflag:s17], $0x80  }
0x3fb: {  	[sflag:s17] =	ssyncset.done $0x0  }
0x3fc: {  	s3 =	rddreg [dreg:$0xd];
	[sflag:s17] =	ssyncadd.s32 $0xFFFFFF80  }
0x3fd: {  	[tilespmem:s2], [sflag:$0x4] =	stream.linear.gather [hbm4b:s3+s2], $0x800, $0x38;
	[tilespmem:$0x1D580] =	vst v63  }
0x3fe: {  	_ =	swait.ge [sflag:s7], $0x800  }
0x3ff: {  	[sflag:s7] =	ssyncset.done $0x0  }
0x400: {  	s3 =	rddreg [dreg:$0xe];
	[sflag:s7] =	ssyncadd.s32 $0xFFFFF800  }
0x401: {  	[tilespmem:s9], [sflag:$0x4] =	stream.linear.gather [hbm4b:s3+s2], $0x800, $0x38;
	[tilespmem:$0x1D580] =	vst v63  }
0x402: {  	_ =	swait.ge [sflag:s7], $0x800  }
0x403: {  	[sflag:s7] =	ssyncset.done $0x0  }
0x404: {  	[sflag:s7] =	ssyncadd.s32 $0xFFFFF800  }
0x405: {  	[tilespmem:s6], [sflag:$0x1] =	stream.indirect.gather [hbm4b:s23+s10], $0x80, s2, s10, $0xb8;
	[tilespmem:$0x1D580] =	vst v63  }
0x406: {  	_ = 	snop  }
0x407: {  	[tilespmem:s11], [sflag:$0x2] =	stream.indirect.gather [hbm4b:s23+s10], $0x80, s10, s10, $0xb8;
	[tilespmem:$0x1D580] =	vst v63  }
0x408: {  	_ =	swait.ge [sflag:s12], $0x4000  }
0x409: {  	[sflag:s12] =	ssyncset.done $0x0  }
0x40a: {  	[sflag:s12] =	ssyncadd.s32 $0xFFFFC000  }
0x40b: {  	[spmem:s22] =	stream.indirect.scatter.add.f32 [tilespmem:s13], [sflag:$0x3], $0x1, s9, s10, $0xb8;
	[tilespmem:$0x1D580] =	vst v63  }
0x40c: {  	_ = 	snop  }
0x40d: {  	[spmem:s1] =	stream.indirect.scatter.add.f32 [tilespmem:s6], [sflag:$0x4], $0x80, s9, s10, $0xb8;
	[tilespmem:$0x1D580] =	vst v63  }
0x40e: {  	_ =	swait.ge [sflag:s7], $0x4000  }
0x40f: {  	[sflag:s7] =	ssyncset.done $0x0  }
0x410: {  	s19 =	simm.s32 $0x100;
	[sflag:s7] =	ssyncadd.s32 $0xFFFFC000  }
0x411: {  	[tilespmem:s6], [sflag:$0x1] =	stream.indirect.gather [hbm4b:s23+s10], $0x80, s19, s10, $0xb8;
	[tilespmem:$0x1D580] =	vst v63  }
0x412: {  	_ =	swait.ge [sflag:s15], $0x4000  }
0x413: {  	[sflag:s15] =	ssyncset.done $0x0  }
0x414: {  	s14 =	simm.s32 $0x880;
	[sflag:s15] =	ssyncadd.s32 $0xFFFFC000  }
0x415: {  	[spmem:s22] =	stream.indirect.scatter.add.f32 [tilespmem:s13], [sflag:$0x3], $0x1, s14, s10, $0xb8;
	[tilespmem:$0x1D580] =	vst v63  }
0x416: {  	_ = 	snop  }
0x417: {  	[spmem:s1] =	stream.indirect.scatter.add.f32 [tilespmem:s11], [sflag:$0x4], $0x80, s14, s10, $0xb8;
	[tilespmem:$0x1D580] =	vst v63  }
0x418: {  	_ =	swait.ge [sflag:s7], $0x4000  }
0x419: {  	[sflag:s7] =	ssyncset.done $0x0  }
0x41a: {  	s14 =	simm.s32 $0x180;
	[sflag:s7] =	ssyncadd.s32 $0xFFFFC000  }
0x41b: {  	[tilespmem:s11], [sflag:$0x2] =	stream.indirect.gather [hbm4b:s23+s10], $0x80, s14, s10, $0xb8;
	[tilespmem:$0x1D580] =	vst v63  }
0x41c: {  	_ =	swait.ge [sflag:s12], $0x4000  }
0x41d: {  	[sflag:s12] =	ssyncset.done $0x0  }
0x41e: {  	s8 =	simm.s32 $0x900;
	[sflag:s12] =	ssyncadd.s32 $0xFFFFC000  }
0x41f: {  	[spmem:s22] =	stream.indirect.scatter.add.f32 [tilespmem:s13], [sflag:$0x3], $0x1, s8, s10, $0xb8;
	[tilespmem:$0x1D580] =	vst v63  }
0x420: {  	_ = 	snop  }
0x421: {  	[spmem:s1] =	stream.indirect.scatter.add.f32 [tilespmem:s6], [sflag:$0x4], $0x80, s8, s10, $0xb8;
	[tilespmem:$0x1D580] =	vst v63  }
0x422: {  	_ =	swait.ge [sflag:s7], $0x4000  }
0x423: {  	[sflag:s7] =	ssyncset.done $0x0  }
0x424: {  	s19 =	simm.s32 $0x200;
	[sflag:s7] =	ssyncadd.s32 $0xFFFFC000  }
0x425: {  	[tilespmem:s6], [sflag:$0x1] =	stream.indirect.gather [hbm4b:s23+s10], $0x80, s19, s10, $0xb8;
	[tilespmem:$0x1D580] =	vst v63  }
0x426: {  	_ =	swait.ge [sflag:s15], $0x4000  }
0x427: {  	[sflag:s15] =	ssyncset.done $0x0  }
0x428: {  	s20 =	simm.s32 $0x980;
	[sflag:s15] =	ssyncadd.s32 $0xFFFFC000  }
0x429: {  	[spmem:s22] =	stream.indirect.scatter.add.f32 [tilespmem:s13], [sflag:$0x3], $0x1, s20, s10, $0xb8;
	[tilespmem:$0x1D580] =	vst v63  }
0x42a: {  	_ = 	snop  }
0x42b: {  	[spmem:s1] =	stream.indirect.scatter.add.f32 [tilespmem:s11], [sflag:$0x4], $0x80, s20, s10, $0xb8;
	[tilespmem:$0x1D580] =	vst v63  }
0x42c: {  	_ =	swait.ge [sflag:s7], $0x4000  }
0x42d: {  	[sflag:s7] =	ssyncset.done $0x0  }
0x42e: {  	s24 =	simm.s32 $0x280;
	[sflag:s7] =	ssyncadd.s32 $0xFFFFC000  }
0x42f: {  	[tilespmem:s11], [sflag:$0x2] =	stream.indirect.gather [hbm4b:s23+s10], $0x80, s24, s10, $0xb8;
	[tilespmem:$0x1D580] =	vst v63  }
0x430: {  	_ =	swait.ge [sflag:s12], $0x4000  }
0x431: {  	[sflag:s12] =	ssyncset.done $0x0  }
0x432: {  	s21 =	simm.s32 $0xA00;
	[sflag:s12] =	ssyncadd.s32 $0xFFFFC000  }
0x433: {  	[spmem:s22] =	stream.indirect.scatter.add.f32 [tilespmem:s13], [sflag:$0x3], $0x1, s21, s10, $0xb8;
	[tilespmem:$0x1D580] =	vst v63  }
0x434: {  	_ = 	snop  }
0x435: {  	[spmem:s1] =	stream.indirect.scatter.add.f32 [tilespmem:s6], [sflag:$0x4], $0x80, s21, s10, $0xb8;
	[tilespmem:$0x1D580] =	vst v63  }
0x436: {  	_ =	swait.ge [sflag:s7], $0x4000  }
0x437: {  	[sflag:s7] =	ssyncset.done $0x0  }
0x438: {  	s21 =	simm.s32 $0x300;
	[sflag:s7] =	ssyncadd.s32 $0xFFFFC000  }
0x439: {  	[tilespmem:s6], [sflag:$0x1] =	stream.indirect.gather [hbm4b:s23+s10], $0x80, s21, s10, $0xb8;
	[tilespmem:$0x1D580] =	vst v63  }
0x43a: {  	_ =	swait.ge [sflag:s15], $0x4000  }
0x43b: {  	[sflag:s15] =	ssyncset.done $0x0  }
0x43c: {  	s4 =	simm.s32 $0xA80;
	[sflag:s15] =	ssyncadd.s32 $0xFFFFC000  }
0x43d: {  	[spmem:s22] =	stream.indirect.scatter.add.f32 [tilespmem:s13], [sflag:$0x3], $0x1, s4, s10, $0xb8;
	[tilespmem:$0x1D580] =	vst v63  }
0x43e: {  	_ = 	snop  }
0x43f: {  	[spmem:s1] =	stream.indirect.scatter.add.f32 [tilespmem:s11], [sflag:$0x4], $0x80, s4, s10, $0xb8;
	[tilespmem:$0x1D580] =	vst v63  }
0x440: {  	_ =	swait.ge [sflag:s7], $0x4000  }
0x441: {  	[sflag:s7] =	ssyncset.done $0x0  }
0x442: {  	s24 =	simm.s32 $0x380;
	[sflag:s7] =	ssyncadd.s32 $0xFFFFC000  }
0x443: {  	[tilespmem:s11], [sflag:$0x2] =	stream.indirect.gather [hbm4b:s23+s10], $0x80, s24, s10, $0xb8;
	[tilespmem:$0x1D580] =	vst v63  }
0x444: {  	_ =	swait.ge [sflag:s12], $0x4000  }
0x445: {  	[sflag:s12] =	ssyncset.done $0x0  }
0x446: {  	s5 =	simm.s32 $0xB00;
	[sflag:s12] =	ssyncadd.s32 $0xFFFFC000  }
0x447: {  	[spmem:s22] =	stream.indirect.scatter.add.f32 [tilespmem:s13], [sflag:$0x3], $0x1, s5, s10, $0xb8;
	[tilespmem:$0x1D580] =	vst v63  }
0x448: {  	_ = 	snop  }
0x449: {  	[spmem:s1] =	stream.indirect.scatter.add.f32 [tilespmem:s6], [sflag:$0x4], $0x80, s5, s10, $0xb8;
	[tilespmem:$0x1D580] =	vst v63  }
0x44a: {  	_ =	swait.ge [sflag:s7], $0x4000  }
0x44b: {  	[sflag:s7] =	ssyncset.done $0x0  }
0x44c: {  	s4 =	simm.s32 $0x400;
	[sflag:s7] =	ssyncadd.s32 $0xFFFFC000  }
0x44d: {  	[tilespmem:s6], [sflag:$0x1] =	stream.indirect.gather [hbm4b:s23+s10], $0x80, s4, s10, $0xb8;
	[tilespmem:$0x1D580] =	vst v63  }
0x44e: {  	_ =	swait.ge [sflag:s15], $0x4000  }
0x44f: {  	[sflag:s15] =	ssyncset.done $0x0  }
0x450: {  	s16 =	simm.s32 $0xB80;
	[sflag:s15] =	ssyncadd.s32 $0xFFFFC000  }
0x451: {  	[spmem:s22] =	stream.indirect.scatter.add.f32 [tilespmem:s13], [sflag:$0x3], $0x1, s16, s10, $0xb8;
	[tilespmem:$0x1D580] =	vst v63  }
0x452: {  	_ = 	snop  }
0x453: {  	[spmem:s1] =	stream.indirect.scatter.add.f32 [tilespmem:s11], [sflag:$0x4], $0x80, s16, s10, $0xb8;
	[tilespmem:$0x1D580] =	vst v63  }
0x454: {  	_ =	swait.ge [sflag:s7], $0x4000  }
0x455: {  	[sflag:s7] =	ssyncset.done $0x0  }
0x456: {  	s5 =	simm.s32 $0x480;
	[sflag:s7] =	ssyncadd.s32 $0xFFFFC000  }
0x457: {  	[tilespmem:s11], [sflag:$0x2] =	stream.indirect.gather [hbm4b:s23+s10], $0x80, s5, s10, $0xb8;
	[tilespmem:$0x1D580] =	vst v63  }
0x458: {  	_ =	swait.ge [sflag:s12], $0x4000  }
0x459: {  	[sflag:s12] =	ssyncset.done $0x0  }
0x45a: {  	s31 =	simm.s32 $0xC00;
	[sflag:s12] =	ssyncadd.s32 $0xFFFFC000  }
0x45b: {  	[spmem:s22] =	stream.indirect.scatter.add.f32 [tilespmem:s13], [sflag:$0x3], $0x1, s31, s10, $0xb8;
	[tilespmem:$0x1D580] =	vst v63  }
0x45c: {  	_ = 	snop  }
0x45d: {  	[spmem:s1] =	stream.indirect.scatter.add.f32 [tilespmem:s6], [sflag:$0x4], $0x80, s31, s10, $0xb8;
	[tilespmem:$0x1D580] =	vst v63  }
0x45e: {  	_ =	swait.ge [sflag:s7], $0x4000  }
0x45f: {  	[sflag:s7] =	ssyncset.done $0x0  }
0x460: {  	s16 =	simm.s32 $0x500;
	[sflag:s7] =	ssyncadd.s32 $0xFFFFC000  }
0x461: {  	[tilespmem:s6], [sflag:$0x1] =	stream.indirect.gather [hbm4b:s23+s10], $0x80, s16, s10, $0xb8;
	[tilespmem:$0x1D580] =	vst v63  }
0x462: {  	_ =	swait.ge [sflag:s15], $0x4000  }
0x463: {  	[sflag:s15] =	ssyncset.done $0x0  }
0x464: {  	s18 =	simm.s32 $0xC80;
	[sflag:s15] =	ssyncadd.s32 $0xFFFFC000  }
0x465: {  	[spmem:s22] =	stream.indirect.scatter.add.f32 [tilespmem:s13], [sflag:$0x3], $0x1, s18, s10, $0xb8;
	[tilespmem:$0x1D580] =	vst v63  }
0x466: {  	_ = 	snop  }
0x467: {  	[spmem:s1] =	stream.indirect.scatter.add.f32 [tilespmem:s11], [sflag:$0x4], $0x80, s18, s10, $0xb8;
	[tilespmem:$0x1D580] =	vst v63  }
0x468: {  	_ =	swait.ge [sflag:s7], $0x4000  }
0x469: {  	[sflag:s7] =	ssyncset.done $0x0  }
0x46a: {  	s19 =	simm.s32 $0x580;
	[sflag:s7] =	ssyncadd.s32 $0xFFFFC000  }
0x46b: {  	[tilespmem:s11], [sflag:$0x2] =	stream.indirect.gather [hbm4b:s23+s10], $0x80, s19, s10, $0xb8;
	[tilespmem:$0x1D580] =	vst v63  }
0x46c: {  	_ =	swait.ge [sflag:s12], $0x4000  }
0x46d: {  	[sflag:s12] =	ssyncset.done $0x0  }
0x46e: {  	s25 =	simm.s32 $0xD00;
	[sflag:s12] =	ssyncadd.s32 $0xFFFFC000  }
0x46f: {  	[spmem:s22] =	stream.indirect.scatter.add.f32 [tilespmem:s13], [sflag:$0x3], $0x1, s25, s10, $0xb8;
	[tilespmem:$0x1D580] =	vst v63  }
0x470: {  	_ = 	snop  }
0x471: {  	[spmem:s1] =	stream.indirect.scatter.add.f32 [tilespmem:s6], [sflag:$0x4], $0x80, s25, s10, $0xb8;
	[tilespmem:$0x1D580] =	vst v63  }
0x472: {  	_ =	swait.ge [sflag:s7], $0x4000  }
0x473: {  	[sflag:s7] =	ssyncset.done $0x0  }
0x474: {  	s21 =	simm.s32 $0x600;
	[sflag:s7] =	ssyncadd.s32 $0xFFFFC000  }
0x475: {  	[tilespmem:s6], [sflag:$0x1] =	stream.indirect.gather [hbm4b:s23+s10], $0x80, s21, s10, $0xb8;
	[tilespmem:$0x1D580] =	vst v63  }
0x476: {  	_ =	swait.ge [sflag:s15], $0x4000  }
0x477: {  	[sflag:s15] =	ssyncset.done $0x0  }
0x478: {  	s26 =	simm.s32 $0xD80;
	[sflag:s15] =	ssyncadd.s32 $0xFFFFC000  }
0x479: {  	[spmem:s22] =	stream.indirect.scatter.add.f32 [tilespmem:s13], [sflag:$0x3], $0x1, s26, s10, $0xb8;
	[tilespmem:$0x1D580] =	vst v63  }
0x47a: {  	_ = 	snop  }
0x47b: {  	[spmem:s1] =	stream.indirect.scatter.add.f32 [tilespmem:s11], [sflag:$0x4], $0x80, s26, s10, $0xb8;
	[tilespmem:$0x1D580] =	vst v63  }
0x47c: {  	_ =	swait.ge [sflag:s7], $0x4000  }
0x47d: {  	[sflag:s7] =	ssyncset.done $0x0  }
0x47e: {  	s24 =	simm.s32 $0x680;
	[sflag:s7] =	ssyncadd.s32 $0xFFFFC000  }
0x47f: {  	[tilespmem:s11], [sflag:$0x2] =	stream.indirect.gather [hbm4b:s23+s10], $0x80, s24, s10, $0xb8;
	[tilespmem:$0x1D580] =	vst v63  }
0x480: {  	_ =	swait.ge [sflag:s12], $0x4000  }
0x481: {  	[sflag:s12] =	ssyncset.done $0x0  }
0x482: {  	s28 =	simm.s32 $0xE00;
	[sflag:s12] =	ssyncadd.s32 $0xFFFFC000  }
0x483: {  	[spmem:s22] =	stream.indirect.scatter.add.f32 [tilespmem:s13], [sflag:$0x3], $0x1, s28, s10, $0xb8;
	[tilespmem:$0x1D580] =	vst v63  }
0x484: {  	_ = 	snop  }
0x485: {  	[spmem:s1] =	stream.indirect.scatter.add.f32 [tilespmem:s6], [sflag:$0x4], $0x80, s28, s10, $0xb8;
	[tilespmem:$0x1D580] =	vst v63  }
0x486: {  	_ =	swait.ge [sflag:s7], $0x4000  }
0x487: {  	[sflag:s7] =	ssyncset.done $0x0  }
0x488: {  	s25 =	simm.s32 $0x700;
	[sflag:s7] =	ssyncadd.s32 $0xFFFFC000  }
0x489: {  	[tilespmem:s6], [sflag:$0x1] =	stream.indirect.gather [hbm4b:s23+s10], $0x80, s25, s10, $0xb8;
	[tilespmem:$0x1D580] =	vst v63  }
0x48a: {  	_ =	swait.ge [sflag:s15], $0x4000  }
0x48b: {  	[sflag:s15] =	ssyncset.done $0x0  }
0x48c: {  	s29 =	simm.s32 $0xE80;
	[sflag:s15] =	ssyncadd.s32 $0xFFFFC000  }
0x48d: {  	[spmem:s22] =	stream.indirect.scatter.add.f32 [tilespmem:s13], [sflag:$0x3], $0x1, s29, s10, $0xb8;
	[tilespmem:$0x1D580] =	vst v63  }
0x48e: {  	_ = 	snop  }
0x48f: {  	[spmem:s1] =	stream.indirect.scatter.add.f32 [tilespmem:s11], [sflag:$0x4], $0x80, s29, s10, $0xb8;
	[tilespmem:$0x1D580] =	vst v63  }
0x490: {  	_ =	swait.ge [sflag:s7], $0x4000  }
0x491: {  	[sflag:s7] =	ssyncset.done $0x0  }
0x492: {  	s26 =	simm.s32 $0x780;
	[sflag:s7] =	ssyncadd.s32 $0xFFFFC000  }
0x493: {  	[tilespmem:s11], [sflag:$0x2] =	stream.indirect.gather [hbm4b:s23+s10], $0x80, s26, s10, $0xb8;
	[tilespmem:$0x1D580] =	vst v63  }
0x494: {  	_ =	swait.ge [sflag:s12], $0x4000  }
0x495: {  	[sflag:s12] =	ssyncset.done $0x0  }
0x496: {  	s30 =	simm.s32 $0xF00;
	[sflag:s12] =	ssyncadd.s32 $0xFFFFC000  }
0x497: {  	[spmem:s22] =	stream.indirect.scatter.add.f32 [tilespmem:s13], [sflag:$0x3], $0x1, s30, s10, $0xb8;
	[tilespmem:$0x1D580] =	vst v63  }
0x498: {  	_ = 	snop  }
0x499: {  	[spmem:s1] =	stream.indirect.scatter.add.f32 [tilespmem:s6], [sflag:$0x4], $0x80, s30, s10, $0xb8;
	[tilespmem:$0x1D580] =	vst v63  }
0x49a: {  	_ =	swait.ge [sflag:s7], $0x4000  }
0x49b: {  	[sflag:s7] =	ssyncset.done $0x0  }
0x49c: {  	[sflag:s7] =	ssyncadd.s32 $0xFFFFC000  }
0x49d: {  	_ =	swait.ge [sflag:s15], $0x4000  }
0x49e: {  	[sflag:s15] =	ssyncset.done $0x0  }
0x49f: {  	s28 =	simm.s32 $0xF80;
	[sflag:s15] =	ssyncadd.s32 $0xFFFFC000  }
0x4a0: {  	[spmem:s22] =	stream.indirect.scatter.add.f32 [tilespmem:s13], [sflag:$0x3], $0x1, s28, s10, $0xb8;
	[tilespmem:$0x1D580] =	vst v63  }
0x4a1: {  	s4 =	simm.s32 $0xF80  }
0x4a2: {  	[spmem:s1] =	stream.indirect.scatter.add.f32 [tilespmem:s11], [sflag:$0x4], $0x80, s4, s10, $0xb8;
	[tilespmem:$0x1D580] =	vst v63  }
0x4a3: {  	_ =	swait.ge [sflag:s7], $0x4000  }
0x4a4: {  	[sflag:s7] =	ssyncset.done $0x0  }
0x4a5: {  	[sflag:s7] =	ssyncadd.s32 $0xFFFFC000  }
0x4a6: {  	_ =	swait.ge [sflag:s17], $0x80  }
0x4a7: {  	[sflag:s17] =	ssyncset.done $0x0  }
0x4a8: {  	[sflag:s17] =	ssyncadd.s32 $0xFFFFFF80  }
0x4a9: {  	_ =	swait.ge [sflag:s17], $0x80  }
0x4aa: {  	[sflag:s17] =	ssyncset.done $0x0  }
0x4ab: {  	[sflag:s17] =	ssyncadd.s32 $0xFFFFFF80  }
0x4ac: {  	_ =	swait.ge [sflag:s17], $0x80  }
0x4ad: {  	[sflag:s17] =	ssyncset.done $0x0  }
0x4ae: {  	[sflag:s17] =	ssyncadd.s32 $0xFFFFFF80  }
0x4af: {  	_ =	swait.ge [sflag:s17], $0x80  }
0x4b0: {  	[sflag:s17] =	ssyncset.done $0x0  }
0x4b1: {  	[sflag:s17] =	ssyncadd.s32 $0xFFFFFF80  }
0x4b2: {  	_ =	swait.ge [sflag:s17], $0x80  }
0x4b3: {  	[sflag:s17] =	ssyncset.done $0x0  }
0x4b4: {  	[sflag:s17] =	ssyncadd.s32 $0xFFFFFF80  }
0x4b5: {  	_ =	swait.ge [sflag:s17], $0x80  }
0x4b6: {  	[sflag:s17] =	ssyncset.done $0x0  }
0x4b7: {  	[sflag:s17] =	ssyncadd.s32 $0xFFFFFF80  }
0x4b8: {  	_ =	swait.ge [sflag:s17], $0x80  }
0x4b9: {  	[sflag:s17] =	ssyncset.done $0x0  }
0x4ba: {  	[sflag:s17] =	ssyncadd.s32 $0xFFFFFF80  }
0x4bb: {  	_ =	swait.ge [sflag:s17], $0x80  }
0x4bc: {  	[sflag:s17] =	ssyncset.done $0x0  }
0x4bd: {  	[sflag:s17] =	ssyncadd.s32 $0xFFFFFF80  }
0x4be: {  	_ =	swait.ge [sflag:s17], $0x80  }
0x4bf: {  	[sflag:s17] =	ssyncset.done $0x0  }
0x4c0: {  	[sflag:s17] =	ssyncadd.s32 $0xFFFFFF80  }
0x4c1: {  	_ =	swait.ge [sflag:s17], $0x80  }
0x4c2: {  	[sflag:s17] =	ssyncset.done $0x0  }
0x4c3: {  	[sflag:s17] =	ssyncadd.s32 $0xFFFFFF80  }
0x4c4: {  	_ =	swait.ge [sflag:s17], $0x80  }
0x4c5: {  	[sflag:s17] =	ssyncset.done $0x0  }
0x4c6: {  	[sflag:s17] =	ssyncadd.s32 $0xFFFFFF80  }
0x4c7: {  	_ =	swait.ge [sflag:s17], $0x80  }
0x4c8: {  	[sflag:s17] =	ssyncset.done $0x0  }
0x4c9: {  	[sflag:s17] =	ssyncadd.s32 $0xFFFFFF80  }
0x4ca: {  	_ =	swait.ge [sflag:s17], $0x80  }
0x4cb: {  	[sflag:s17] =	ssyncset.done $0x0  }
0x4cc: {  	[sflag:s17] =	ssyncadd.s32 $0xFFFFFF80  }
0x4cd: {  	_ =	swait.ge [sflag:s17], $0x80  }
0x4ce: {  	[sflag:s17] =	ssyncset.done $0x0  }
0x4cf: {  	[sflag:s17] =	ssyncadd.s32 $0xFFFFFF80  }
0x4d0: {  	_ =	swait.ge [sflag:s17], $0x80  }
0x4d1: {  	[sflag:s17] =	ssyncset.done $0x0  }
0x4d2: {  	[sflag:s17] =	ssyncadd.s32 $0xFFFFFF80  }
0x4d3: {  	_ =	swait.ge [sflag:s17], $0x80  }
0x4d4: {  	[sflag:s17] =	ssyncset.done $0x0  }
0x4d5: {  	s16 =	rddreg [dreg:$0xf];
	[sflag:s17] =	ssyncadd.s32 $0xFFFFFF80  }
0x4d6: {  	[tilespmem:s2], [sflag:$0x4] =	stream.linear.gather [hbm4b:s16+s2], $0x800, $0x38;
	[tilespmem:$0x1D580] =	vst v63  }
0x4d7: {  	_ =	swait.ge [sflag:s7], $0x800  }
0x4d8: {  	[sflag:s7] =	ssyncset.done $0x0  }
0x4d9: {  	s18 =	rddreg [dreg:$0x10];
	[sflag:s7] =	ssyncadd.s32 $0xFFFFF800  }
0x4da: {  	[tilespmem:s9], [sflag:$0x4] =	stream.linear.gather [hbm4b:s18+s2], $0x800, $0x38;
	[tilespmem:$0x1D580] =	vst v63  }
0x4db: {  	_ =	swait.ge [sflag:s7], $0x800  }
0x4dc: {  	[sflag:s7] =	ssyncset.done $0x0  }
0x4dd: {  	[sflag:s7] =	ssyncadd.s32 $0xFFFFF800  }
0x4de: {  	[tilespmem:s6], [sflag:$0x1] =	stream.indirect.gather [hbm4b:s23+s10], $0x80, s2, s10, $0xb8;
	[tilespmem:$0x1D580] =	vst v63  }
0x4df: {  	_ = 	snop  }
0x4e0: {  	[tilespmem:s11], [sflag:$0x2] =	stream.indirect.gather [hbm4b:s23+s10], $0x80, s10, s10, $0xb8;
	[tilespmem:$0x1D580] =	vst v63  }
0x4e1: {  	_ =	swait.ge [sflag:s12], $0x4000  }
0x4e2: {  	[sflag:s12] =	ssyncset.done $0x0  }
0x4e3: {  	[sflag:s12] =	ssyncadd.s32 $0xFFFFC000  }
0x4e4: {  	[spmem:s22] =	stream.indirect.scatter.add.f32 [tilespmem:s13], [sflag:$0x3], $0x1, s9, s10, $0xb8;
	[tilespmem:$0x1D580] =	vst v63  }
0x4e5: {  	_ = 	snop  }
0x4e6: {  	[spmem:s1] =	stream.indirect.scatter.add.f32 [tilespmem:s6], [sflag:$0x4], $0x80, s9, s10, $0xb8;
	[tilespmem:$0x1D580] =	vst v63  }
0x4e7: {  	_ =	swait.ge [sflag:s7], $0x4000  }
0x4e8: {  	[sflag:s7] =	ssyncset.done $0x0  }
0x4e9: {  	s19 =	simm.s32 $0x100;
	[sflag:s7] =	ssyncadd.s32 $0xFFFFC000  }
0x4ea: {  	[tilespmem:s6], [sflag:$0x1] =	stream.indirect.gather [hbm4b:s23+s10], $0x80, s19, s10, $0xb8;
	[tilespmem:$0x1D580] =	vst v63  }
0x4eb: {  	_ =	swait.ge [sflag:s15], $0x4000  }
0x4ec: {  	[sflag:s15] =	ssyncset.done $0x0  }
0x4ed: {  	s21 =	simm.s32 $0x880;
	[sflag:s15] =	ssyncadd.s32 $0xFFFFC000  }
0x4ee: {  	[spmem:s22] =	stream.indirect.scatter.add.f32 [tilespmem:s13], [sflag:$0x3], $0x1, s21, s10, $0xb8;
	[tilespmem:$0x1D580] =	vst v63  }
0x4ef: {  	_ = 	snop  }
0x4f0: {  	[spmem:s1] =	stream.indirect.scatter.add.f32 [tilespmem:s11], [sflag:$0x4], $0x80, s21, s10, $0xb8;
	[tilespmem:$0x1D580] =	vst v63  }
0x4f1: {  	_ =	swait.ge [sflag:s7], $0x4000  }
0x4f2: {  	[sflag:s7] =	ssyncset.done $0x0  }
0x4f3: {  	s14 =	simm.s32 $0x180;
	[sflag:s7] =	ssyncadd.s32 $0xFFFFC000  }
0x4f4: {  	[tilespmem:s11], [sflag:$0x2] =	stream.indirect.gather [hbm4b:s23+s10], $0x80, s14, s10, $0xb8;
	[tilespmem:$0x1D580] =	vst v63  }
0x4f5: {  	_ =	swait.ge [sflag:s12], $0x4000  }
0x4f6: {  	[sflag:s12] =	ssyncset.done $0x0  }
0x4f7: {  	s25 =	simm.s32 $0x900;
	[sflag:s12] =	ssyncadd.s32 $0xFFFFC000  }
0x4f8: {  	[spmem:s22] =	stream.indirect.scatter.add.f32 [tilespmem:s13], [sflag:$0x3], $0x1, s25, s10, $0xb8;
	[tilespmem:$0x1D580] =	vst v63  }
0x4f9: {  	_ = 	snop  }
0x4fa: {  	[spmem:s1] =	stream.indirect.scatter.add.f32 [tilespmem:s6], [sflag:$0x4], $0x80, s25, s10, $0xb8;
	[tilespmem:$0x1D580] =	vst v63  }
0x4fb: {  	_ =	swait.ge [sflag:s7], $0x4000  }
0x4fc: {  	[sflag:s7] =	ssyncset.done $0x0  }
0x4fd: {  	s26 =	simm.s32 $0x200;
	[sflag:s7] =	ssyncadd.s32 $0xFFFFC000  }
0x4fe: {  	[tilespmem:s6], [sflag:$0x1] =	stream.indirect.gather [hbm4b:s23+s10], $0x80, s26, s10, $0xb8;
	[tilespmem:$0x1D580] =	vst v63  }
0x4ff: {  	_ =	swait.ge [sflag:s15], $0x4000  }
0x500: {  	[sflag:s15] =	ssyncset.done $0x0  }
0x501: {  	s28 =	simm.s32 $0x980;
	[sflag:s15] =	ssyncadd.s32 $0xFFFFC000  }
0x502: {  	[spmem:s22] =	stream.indirect.scatter.add.f32 [tilespmem:s13], [sflag:$0x3], $0x1, s28, s10, $0xb8;
	[tilespmem:$0x1D580] =	vst v63  }
0x503: {  	_ = 	snop  }
0x504: {  	[spmem:s1] =	stream.indirect.scatter.add.f32 [tilespmem:s11], [sflag:$0x4], $0x80, s28, s10, $0xb8;
	[tilespmem:$0x1D580] =	vst v63  }
0x505: {  	_ =	swait.ge [sflag:s7], $0x4000  }
0x506: {  	[sflag:s7] =	ssyncset.done $0x0  }
0x507: {  	s8 =	simm.s32 $0x280;
	[sflag:s7] =	ssyncadd.s32 $0xFFFFC000  }
0x508: {  	[tilespmem:s11], [sflag:$0x2] =	stream.indirect.gather [hbm4b:s23+s10], $0x80, s8, s10, $0xb8;
	[tilespmem:$0x1D580] =	vst v63  }
0x509: {  	_ =	swait.ge [sflag:s12], $0x4000  }
0x50a: {  	[sflag:s12] =	ssyncset.done $0x0  }
0x50b: {  	s4 =	simm.s32 $0xA00;
	[sflag:s12] =	ssyncadd.s32 $0xFFFFC000  }
0x50c: {  	[spmem:s22] =	stream.indirect.scatter.add.f32 [tilespmem:s13], [sflag:$0x3], $0x1, s4, s10, $0xb8;
	[tilespmem:$0x1D580] =	vst v63  }
0x50d: {  	_ = 	snop  }
0x50e: {  	[spmem:s1] =	stream.indirect.scatter.add.f32 [tilespmem:s6], [sflag:$0x4], $0x80, s4, s10, $0xb8;
	[tilespmem:$0x1D580] =	vst v63  }
0x50f: {  	_ =	swait.ge [sflag:s7], $0x4000  }
0x510: {  	[sflag:s7] =	ssyncset.done $0x0  }
0x511: {  	s8 =	simm.s32 $0x300;
	[sflag:s7] =	ssyncadd.s32 $0xFFFFC000  }
0x512: {  	[tilespmem:s6], [sflag:$0x1] =	stream.indirect.gather [hbm4b:s23+s10], $0x80, s8, s10, $0xb8;
	[tilespmem:$0x1D580] =	vst v63  }
0x513: {  	_ =	swait.ge [sflag:s15], $0x4000  }
0x514: {  	[sflag:s15] =	ssyncset.done $0x0  }
0x515: {  	s18 =	simm.s32 $0xA80;
	[sflag:s15] =	ssyncadd.s32 $0xFFFFC000  }
0x516: {  	[spmem:s22] =	stream.indirect.scatter.add.f32 [tilespmem:s13], [sflag:$0x3], $0x1, s18, s10, $0xb8;
	[tilespmem:$0x1D580] =	vst v63  }
0x517: {  	_ = 	snop  }
0x518: {  	[spmem:s1] =	stream.indirect.scatter.add.f32 [tilespmem:s11], [sflag:$0x4], $0x80, s18, s10, $0xb8;
	[tilespmem:$0x1D580] =	vst v63  }
0x519: {  	_ =	swait.ge [sflag:s7], $0x4000  }
0x51a: {  	[sflag:s7] =	ssyncset.done $0x0  }
0x51b: {  	s20 =	simm.s32 $0x380;
	[sflag:s7] =	ssyncadd.s32 $0xFFFFC000  }
0x51c: {  	[tilespmem:s11], [sflag:$0x2] =	stream.indirect.gather [hbm4b:s23+s10], $0x80, s20, s10, $0xb8;
	[tilespmem:$0x1D580] =	vst v63  }
0x51d: {  	_ =	swait.ge [sflag:s12], $0x4000  }
0x51e: {  	[sflag:s12] =	ssyncset.done $0x0  }
0x51f: {  	s19 =	simm.s32 $0xB00;
	[sflag:s12] =	ssyncadd.s32 $0xFFFFC000  }
0x520: {  	[spmem:s22] =	stream.indirect.scatter.add.f32 [tilespmem:s13], [sflag:$0x3], $0x1, s19, s10, $0xb8;
	[tilespmem:$0x1D580] =	vst v63  }
0x521: {  	_ = 	snop  }
0x522: {  	[spmem:s1] =	stream.indirect.scatter.add.f32 [tilespmem:s6], [sflag:$0x4], $0x80, s19, s10, $0xb8;
	[tilespmem:$0x1D580] =	vst v63  }
0x523: {  	_ =	swait.ge [sflag:s7], $0x4000  }
0x524: {  	[sflag:s7] =	ssyncset.done $0x0  }
0x525: {  	s20 =	simm.s32 $0x400;
	[sflag:s7] =	ssyncadd.s32 $0xFFFFC000  }
0x526: {  	[tilespmem:s6], [sflag:$0x1] =	stream.indirect.gather [hbm4b:s23+s10], $0x80, s20, s10, $0xb8;
	[tilespmem:$0x1D580] =	vst v63  }
0x527: {  	_ =	swait.ge [sflag:s15], $0x4000  }
0x528: {  	[sflag:s15] =	ssyncset.done $0x0  }
0x529: {  	s21 =	simm.s32 $0xB80;
	[sflag:s15] =	ssyncadd.s32 $0xFFFFC000  }
0x52a: {  	[spmem:s22] =	stream.indirect.scatter.add.f32 [tilespmem:s13], [sflag:$0x3], $0x1, s21, s10, $0xb8;
	[tilespmem:$0x1D580] =	vst v63  }
0x52b: {  	_ = 	snop  }
0x52c: {  	[spmem:s1] =	stream.indirect.scatter.add.f32 [tilespmem:s11], [sflag:$0x4], $0x80, s21, s10, $0xb8;
	[tilespmem:$0x1D580] =	vst v63  }
0x52d: {  	_ =	swait.ge [sflag:s7], $0x4000  }
0x52e: {  	[sflag:s7] =	ssyncset.done $0x0  }
0x52f: {  	s25 =	simm.s32 $0x480;
	[sflag:s7] =	ssyncadd.s32 $0xFFFFC000  }
0x530: {  	[tilespmem:s11], [sflag:$0x2] =	stream.indirect.gather [hbm4b:s23+s10], $0x80, s25, s10, $0xb8;
	[tilespmem:$0x1D580] =	vst v63  }
0x531: {  	_ =	swait.ge [sflag:s12], $0x4000  }
0x532: {  	[sflag:s12] =	ssyncset.done $0x0  }
0x533: {  	s26 =	simm.s32 $0xC00;
	[sflag:s12] =	ssyncadd.s32 $0xFFFFC000  }
0x534: {  	[spmem:s22] =	stream.indirect.scatter.add.f32 [tilespmem:s13], [sflag:$0x3], $0x1, s26, s10, $0xb8;
	[tilespmem:$0x1D580] =	vst v63  }
0x535: {  	_ = 	snop  }
0x536: {  	[spmem:s1] =	stream.indirect.scatter.add.f32 [tilespmem:s6], [sflag:$0x4], $0x80, s26, s10, $0xb8;
	[tilespmem:$0x1D580] =	vst v63  }
0x537: {  	_ =	swait.ge [sflag:s7], $0x4000  }
0x538: {  	[sflag:s7] =	ssyncset.done $0x0  }
0x539: {  	s5 =	simm.s32 $0x500;
	[sflag:s7] =	ssyncadd.s32 $0xFFFFC000  }
0x53a: {  	[tilespmem:s6], [sflag:$0x1] =	stream.indirect.gather [hbm4b:s23+s10], $0x80, s5, s10, $0xb8;
	[tilespmem:$0x1D580] =	vst v63  }
0x53b: {  	_ =	swait.ge [sflag:s15], $0x4000  }
0x53c: {  	[sflag:s15] =	ssyncset.done $0x0  }
0x53d: {  	s19 =	simm.s32 $0xC80;
	[sflag:s15] =	ssyncadd.s32 $0xFFFFC000  }
0x53e: {  	[spmem:s22] =	stream.indirect.scatter.add.f32 [tilespmem:s13], [sflag:$0x3], $0x1, s19, s10, $0xb8;
	[tilespmem:$0x1D580] =	vst v63  }
0x53f: {  	_ = 	snop  }
0x540: {  	[spmem:s1] =	stream.indirect.scatter.add.f32 [tilespmem:s11], [sflag:$0x4], $0x80, s19, s10, $0xb8;
	[tilespmem:$0x1D580] =	vst v63  }
0x541: {  	_ =	swait.ge [sflag:s7], $0x4000  }
0x542: {  	[sflag:s7] =	ssyncset.done $0x0  }
0x543: {  	s20 =	simm.s32 $0x580;
	[sflag:s7] =	ssyncadd.s32 $0xFFFFC000  }
0x544: {  	[tilespmem:s11], [sflag:$0x2] =	stream.indirect.gather [hbm4b:s23+s10], $0x80, s20, s10, $0xb8;
	[tilespmem:$0x1D580] =	vst v63  }
0x545: {  	_ =	swait.ge [sflag:s12], $0x4000  }
0x546: {  	[sflag:s12] =	ssyncset.done $0x0  }
0x547: {  	s21 =	simm.s32 $0xD00;
	[sflag:s12] =	ssyncadd.s32 $0xFFFFC000  }
0x548: {  	[spmem:s22] =	stream.indirect.scatter.add.f32 [tilespmem:s13], [sflag:$0x3], $0x1, s21, s10, $0xb8;
	[tilespmem:$0x1D580] =	vst v63  }
0x549: {  	_ = 	snop  }
0x54a: {  	[spmem:s1] =	stream.indirect.scatter.add.f32 [tilespmem:s6], [sflag:$0x4], $0x80, s21, s10, $0xb8;
	[tilespmem:$0x1D580] =	vst v63  }
0x54b: {  	_ =	swait.ge [sflag:s7], $0x4000  }
0x54c: {  	[sflag:s7] =	ssyncset.done $0x0  }
0x54d: {  	s25 =	simm.s32 $0x600;
	[sflag:s7] =	ssyncadd.s32 $0xFFFFC000  }
0x54e: {  	[tilespmem:s6], [sflag:$0x1] =	stream.indirect.gather [hbm4b:s23+s10], $0x80, s25, s10, $0xb8;
	[tilespmem:$0x1D580] =	vst v63  }
0x54f: {  	_ =	swait.ge [sflag:s15], $0x4000  }
0x550: {  	[sflag:s15] =	ssyncset.done $0x0  }
0x551: {  	s26 =	simm.s32 $0xD80;
	[sflag:s15] =	ssyncadd.s32 $0xFFFFC000  }
0x552: {  	[spmem:s22] =	stream.indirect.scatter.add.f32 [tilespmem:s13], [sflag:$0x3], $0x1, s26, s10, $0xb8;
	[tilespmem:$0x1D580] =	vst v63  }
0x553: {  	_ = 	snop  }
0x554: {  	[spmem:s1] =	stream.indirect.scatter.add.f32 [tilespmem:s11], [sflag:$0x4], $0x80, s26, s10, $0xb8;
	[tilespmem:$0x1D580] =	vst v63  }
0x555: {  	_ =	swait.ge [sflag:s7], $0x4000  }
0x556: {  	[sflag:s7] =	ssyncset.done $0x0  }
0x557: {  	s24 =	simm.s32 $0x680;
	[sflag:s7] =	ssyncadd.s32 $0xFFFFC000  }
0x558: {  	[tilespmem:s11], [sflag:$0x2] =	stream.indirect.gather [hbm4b:s23+s10], $0x80, s24, s10, $0xb8;
	[tilespmem:$0x1D580] =	vst v63  }
0x559: {  	_ =	swait.ge [sflag:s12], $0x4000  }
0x55a: {  	[sflag:s12] =	ssyncset.done $0x0  }
0x55b: {  	s19 =	simm.s32 $0xE00;
	[sflag:s12] =	ssyncadd.s32 $0xFFFFC000  }
0x55c: {  	[spmem:s22] =	stream.indirect.scatter.add.f32 [tilespmem:s13], [sflag:$0x3], $0x1, s19, s10, $0xb8;
	[tilespmem:$0x1D580] =	vst v63  }
0x55d: {  	_ = 	snop  }
0x55e: {  	[spmem:s1] =	stream.indirect.scatter.add.f32 [tilespmem:s6], [sflag:$0x4], $0x80, s19, s10, $0xb8;
	[tilespmem:$0x1D580] =	vst v63  }
0x55f: {  	_ =	swait.ge [sflag:s7], $0x4000  }
0x560: {  	[sflag:s7] =	ssyncset.done $0x0  }
0x561: {  	s24 =	simm.s32 $0x700;
	[sflag:s7] =	ssyncadd.s32 $0xFFFFC000  }
0x562: {  	[tilespmem:s6], [sflag:$0x1] =	stream.indirect.gather [hbm4b:s23+s10], $0x80, s24, s10, $0xb8;
	[tilespmem:$0x1D580] =	vst v63  }
0x563: {  	_ =	swait.ge [sflag:s15], $0x4000  }
0x564: {  	[sflag:s15] =	ssyncset.done $0x0  }
0x565: {  	s26 =	simm.s32 $0xE80;
	[sflag:s15] =	ssyncadd.s32 $0xFFFFC000  }
0x566: {  	[spmem:s22] =	stream.indirect.scatter.add.f32 [tilespmem:s13], [sflag:$0x3], $0x1, s26, s10, $0xb8;
	[tilespmem:$0x1D580] =	vst v63  }
0x567: {  	_ = 	snop  }
0x568: {  	[spmem:s1] =	stream.indirect.scatter.add.f32 [tilespmem:s11], [sflag:$0x4], $0x80, s26, s10, $0xb8;
	[tilespmem:$0x1D580] =	vst v63  }
0x569: {  	_ =	swait.ge [sflag:s7], $0x4000  }
0x56a: {  	[sflag:s7] =	ssyncset.done $0x0  }
0x56b: {  	s3 =	simm.s32 $0x780;
	[sflag:s7] =	ssyncadd.s32 $0xFFFFC000  }
0x56c: {  	[tilespmem:s11], [sflag:$0x2] =	stream.indirect.gather [hbm4b:s23+s10], $0x80, s3, s10, $0xb8;
	[tilespmem:$0x1D580] =	vst v63  }
0x56d: {  	_ =	swait.ge [sflag:s12], $0x4000  }
0x56e: {  	[sflag:s12] =	ssyncset.done $0x0  }
0x56f: {  	s24 =	simm.s32 $0xF00;
	[sflag:s12] =	ssyncadd.s32 $0xFFFFC000  }
0x570: {  	[spmem:s22] =	stream.indirect.scatter.add.f32 [tilespmem:s13], [sflag:$0x3], $0x1, s24, s10, $0xb8;
	[tilespmem:$0x1D580] =	vst v63  }
0x571: {  	_ = 	snop  }
0x572: {  	[spmem:s1] =	stream.indirect.scatter.add.f32 [tilespmem:s6], [sflag:$0x4], $0x80, s24, s10, $0xb8;
	[tilespmem:$0x1D580] =	vst v63  }
0x573: {  	_ =	swait.ge [sflag:s7], $0x4000  }
0x574: {  	[sflag:s7] =	ssyncset.done $0x0  }
0x575: {  	[sflag:s7] =	ssyncadd.s32 $0xFFFFC000  }
0x576: {  	_ =	swait.ge [sflag:s15], $0x4000  }
0x577: {  	[sflag:s15] =	ssyncset.done $0x0  }
0x578: {  	s19 =	simm.s32 $0xF80;
	[sflag:s15] =	ssyncadd.s32 $0xFFFFC000  }
0x579: {  	[spmem:s22] =	stream.indirect.scatter.add.f32 [tilespmem:s13], [sflag:$0x3], $0x1, s19, s10, $0xb8;
	[tilespmem:$0x1D580] =	vst v63  }
0x57a: {  	s19 =	simm.s32 $0xF80  }
0x57b: {  	[spmem:s1] =	stream.indirect.scatter.add.f32 [tilespmem:s11], [sflag:$0x4], $0x80, s19, s10, $0xb8;
	[tilespmem:$0x1D580] =	vst v63  }
0x57c: {  	_ =	swait.ge [sflag:s7], $0x4000  }
0x57d: {  	[sflag:s7] =	ssyncset.done $0x0  }
0x57e: {  	[sflag:s7] =	ssyncadd.s32 $0xFFFFC000  }
0x57f: {  	_ =	swait.ge [sflag:s17], $0x80  }
0x580: {  	[sflag:s17] =	ssyncset.done $0x0  }
0x581: {  	[sflag:s17] =	ssyncadd.s32 $0xFFFFFF80  }
0x582: {  	_ =	swait.ge [sflag:s17], $0x80  }
0x583: {  	[sflag:s17] =	ssyncset.done $0x0  }
0x584: {  	[sflag:s17] =	ssyncadd.s32 $0xFFFFFF80  }
0x585: {  	_ =	swait.ge [sflag:s17], $0x80  }
0x586: {  	[sflag:s17] =	ssyncset.done $0x0  }
0x587: {  	[sflag:s17] =	ssyncadd.s32 $0xFFFFFF80  }
0x588: {  	_ =	swait.ge [sflag:s17], $0x80  }
0x589: {  	[sflag:s17] =	ssyncset.done $0x0  }
0x58a: {  	[sflag:s17] =	ssyncadd.s32 $0xFFFFFF80  }
0x58b: {  	_ =	swait.ge [sflag:s17], $0x80  }
0x58c: {  	[sflag:s17] =	ssyncset.done $0x0  }
0x58d: {  	[sflag:s17] =	ssyncadd.s32 $0xFFFFFF80  }
0x58e: {  	_ =	swait.ge [sflag:s17], $0x80  }
0x58f: {  	[sflag:s17] =	ssyncset.done $0x0  }
0x590: {  	[sflag:s17] =	ssyncadd.s32 $0xFFFFFF80  }
0x591: {  	_ =	swait.ge [sflag:s17], $0x80  }
0x592: {  	[sflag:s17] =	ssyncset.done $0x0  }
0x593: {  	[sflag:s17] =	ssyncadd.s32 $0xFFFFFF80  }
0x594: {  	_ =	swait.ge [sflag:s17], $0x80  }
0x595: {  	[sflag:s17] =	ssyncset.done $0x0  }
0x596: {  	[sflag:s17] =	ssyncadd.s32 $0xFFFFFF80  }
0x597: {  	_ =	swait.ge [sflag:s17], $0x80  }
0x598: {  	[sflag:s17] =	ssyncset.done $0x0  }
0x599: {  	[sflag:s17] =	ssyncadd.s32 $0xFFFFFF80  }
0x59a: {  	_ =	swait.ge [sflag:s17], $0x80  }
0x59b: {  	[sflag:s17] =	ssyncset.done $0x0  }
0x59c: {  	[sflag:s17] =	ssyncadd.s32 $0xFFFFFF80  }
0x59d: {  	_ =	swait.ge [sflag:s17], $0x80  }
0x59e: {  	[sflag:s17] =	ssyncset.done $0x0  }
0x59f: {  	[sflag:s17] =	ssyncadd.s32 $0xFFFFFF80  }
0x5a0: {  	_ =	swait.ge [sflag:s17], $0x80  }
0x5a1: {  	[sflag:s17] =	ssyncset.done $0x0  }
0x5a2: {  	[sflag:s17] =	ssyncadd.s32 $0xFFFFFF80  }
0x5a3: {  	_ =	swait.ge [sflag:s17], $0x80  }
0x5a4: {  	[sflag:s17] =	ssyncset.done $0x0  }
0x5a5: {  	[sflag:s17] =	ssyncadd.s32 $0xFFFFFF80  }
0x5a6: {  	_ =	swait.ge [sflag:s17], $0x80  }
0x5a7: {  	[sflag:s17] =	ssyncset.done $0x0  }
0x5a8: {  	[sflag:s17] =	ssyncadd.s32 $0xFFFFFF80  }
0x5a9: {  	_ =	swait.ge [sflag:s17], $0x80  }
0x5aa: {  	[sflag:s17] =	ssyncset.done $0x0  }
0x5ab: {  	[sflag:s17] =	ssyncadd.s32 $0xFFFFFF80  }
0x5ac: {  	_ =	swait.ge [sflag:s17], $0x80  }
0x5ad: {  	[sflag:s17] =	ssyncset.done $0x0  }
0x5ae: {  	s3 =	rddreg [dreg:$0x11];
	[sflag:s17] =	ssyncadd.s32 $0xFFFFFF80  }
0x5af: {  	[tilespmem:s2], [sflag:$0x4] =	stream.linear.gather [hbm4b:s3+s2], $0x800, $0x38;
	[tilespmem:$0x1D580] =	vst v63  }
0x5b0: {  	_ =	swait.ge [sflag:s7], $0x800  }
0x5b1: {  	[sflag:s7] =	ssyncset.done $0x0  }
0x5b2: {  	s3 =	rddreg [dreg:$0x12];
	[sflag:s7] =	ssyncadd.s32 $0xFFFFF800  }
0x5b3: {  	[tilespmem:s9], [sflag:$0x4] =	stream.linear.gather [hbm4b:s3+s2], $0x800, $0x38;
	[tilespmem:$0x1D580] =	vst v63  }
0x5b4: {  	_ =	swait.ge [sflag:s7], $0x800  }
0x5b5: {  	[sflag:s7] =	ssyncset.done $0x0  }
0x5b6: {  	[sflag:s7] =	ssyncadd.s32 $0xFFFFF800  }
0x5b7: {  	[tilespmem:s6], [sflag:$0x1] =	stream.indirect.gather [hbm4b:s23+s10], $0x80, s2, s10, $0xb8;
	[tilespmem:$0x1D580] =	vst v63  }
0x5b8: {  	_ = 	snop  }
0x5b9: {  	[tilespmem:s11], [sflag:$0x2] =	stream.indirect.gather [hbm4b:s23+s10], $0x80, s10, s10, $0xb8;
	[tilespmem:$0x1D580] =	vst v63  }
0x5ba: {  	_ =	swait.ge [sflag:s12], $0x4000  }
0x5bb: {  	[sflag:s12] =	ssyncset.done $0x0  }
0x5bc: {  	[sflag:s12] =	ssyncadd.s32 $0xFFFFC000  }
0x5bd: {  	[spmem:s22] =	stream.indirect.scatter.add.f32 [tilespmem:s13], [sflag:$0x3], $0x1, s9, s10, $0xb8;
	[tilespmem:$0x1D580] =	vst v63  }
0x5be: {  	_ = 	snop  }
0x5bf: {  	[spmem:s1] =	stream.indirect.scatter.add.f32 [tilespmem:s6], [sflag:$0x4], $0x80, s9, s10, $0xb8;
	[tilespmem:$0x1D580] =	vst v63  }
0x5c0: {  	_ =	swait.ge [sflag:s7], $0x4000  }
0x5c1: {  	[sflag:s7] =	ssyncset.done $0x0  }
0x5c2: {  	s31 =	simm.s32 $0x100;
	[sflag:s7] =	ssyncadd.s32 $0xFFFFC000  }
0x5c3: {  	[tilespmem:s6], [sflag:$0x1] =	stream.indirect.gather [hbm4b:s23+s10], $0x80, s31, s10, $0xb8;
	[tilespmem:$0x1D580] =	vst v63  }
0x5c4: {  	_ =	swait.ge [sflag:s15], $0x4000  }
0x5c5: {  	[sflag:s15] =	ssyncset.done $0x0  }
0x5c6: {  	s16 =	simm.s32 $0x880;
	[sflag:s15] =	ssyncadd.s32 $0xFFFFC000  }
0x5c7: {  	[spmem:s22] =	stream.indirect.scatter.add.f32 [tilespmem:s13], [sflag:$0x3], $0x1, s16, s10, $0xb8;
	[tilespmem:$0x1D580] =	vst v63  }
0x5c8: {  	_ = 	snop  }
0x5c9: {  	[spmem:s1] =	stream.indirect.scatter.add.f32 [tilespmem:s11], [sflag:$0x4], $0x80, s16, s10, $0xb8;
	[tilespmem:$0x1D580] =	vst v63  }
0x5ca: {  	_ =	swait.ge [sflag:s7], $0x4000  }
0x5cb: {  	[sflag:s7] =	ssyncset.done $0x0  }
0x5cc: {  	s16 =	simm.s32 $0x180;
	[sflag:s7] =	ssyncadd.s32 $0xFFFFC000  }
0x5cd: {  	[tilespmem:s11], [sflag:$0x2] =	stream.indirect.gather [hbm4b:s23+s10], $0x80, s16, s10, $0xb8;
	[tilespmem:$0x1D580] =	vst v63  }
0x5ce: {  	_ =	swait.ge [sflag:s12], $0x4000  }
0x5cf: {  	[sflag:s12] =	ssyncset.done $0x0  }
0x5d0: {  	s14 =	simm.s32 $0x900;
	[sflag:s12] =	ssyncadd.s32 $0xFFFFC000  }
0x5d1: {  	[spmem:s22] =	stream.indirect.scatter.add.f32 [tilespmem:s13], [sflag:$0x3], $0x1, s14, s10, $0xb8;
	[tilespmem:$0x1D580] =	vst v63  }
0x5d2: {  	_ = 	snop  }
0x5d3: {  	[spmem:s1] =	stream.indirect.scatter.add.f32 [tilespmem:s6], [sflag:$0x4], $0x80, s14, s10, $0xb8;
	[tilespmem:$0x1D580] =	vst v63  }
0x5d4: {  	_ =	swait.ge [sflag:s7], $0x4000  }
0x5d5: {  	[sflag:s7] =	ssyncset.done $0x0  }
0x5d6: {  	s19 =	simm.s32 $0x200;
	[sflag:s7] =	ssyncadd.s32 $0xFFFFC000  }
0x5d7: {  	[tilespmem:s6], [sflag:$0x1] =	stream.indirect.gather [hbm4b:s23+s10], $0x80, s19, s10, $0xb8;
	[tilespmem:$0x1D580] =	vst v63  }
0x5d8: {  	_ =	swait.ge [sflag:s15], $0x4000  }
0x5d9: {  	[sflag:s15] =	ssyncset.done $0x0  }
0x5da: {  	s28 =	simm.s32 $0x980;
	[sflag:s15] =	ssyncadd.s32 $0xFFFFC000  }
0x5db: {  	[spmem:s22] =	stream.indirect.scatter.add.f32 [tilespmem:s13], [sflag:$0x3], $0x1, s28, s10, $0xb8;
	[tilespmem:$0x1D580] =	vst v63  }
0x5dc: {  	_ = 	snop  }
0x5dd: {  	[spmem:s1] =	stream.indirect.scatter.add.f32 [tilespmem:s11], [sflag:$0x4], $0x80, s28, s10, $0xb8;
	[tilespmem:$0x1D580] =	vst v63  }
0x5de: {  	_ =	swait.ge [sflag:s7], $0x4000  }
0x5df: {  	[sflag:s7] =	ssyncset.done $0x0  }
0x5e0: {  	s28 =	simm.s32 $0x280;
	[sflag:s7] =	ssyncadd.s32 $0xFFFFC000  }
0x5e1: {  	[tilespmem:s11], [sflag:$0x2] =	stream.indirect.gather [hbm4b:s23+s10], $0x80, s28, s10, $0xb8;
	[tilespmem:$0x1D580] =	vst v63  }
0x5e2: {  	_ =	swait.ge [sflag:s12], $0x4000  }
0x5e3: {  	[sflag:s12] =	ssyncset.done $0x0  }
0x5e4: {  	s30 =	simm.s32 $0xA00;
	[sflag:s12] =	ssyncadd.s32 $0xFFFFC000  }
0x5e5: {  	[spmem:s22] =	stream.indirect.scatter.add.f32 [tilespmem:s13], [sflag:$0x3], $0x1, s30, s10, $0xb8;
	[tilespmem:$0x1D580] =	vst v63  }
0x5e6: {  	_ = 	snop  }
0x5e7: {  	[spmem:s1] =	stream.indirect.scatter.add.f32 [tilespmem:s6], [sflag:$0x4], $0x80, s30, s10, $0xb8;
	[tilespmem:$0x1D580] =	vst v63  }
0x5e8: {  	_ =	swait.ge [sflag:s7], $0x4000  }
0x5e9: {  	[sflag:s7] =	ssyncset.done $0x0  }
0x5ea: {  	s3 =	simm.s32 $0x300;
	[sflag:s7] =	ssyncadd.s32 $0xFFFFC000  }
0x5eb: {  	[tilespmem:s6], [sflag:$0x1] =	stream.indirect.gather [hbm4b:s23+s10], $0x80, s3, s10, $0xb8;
	[tilespmem:$0x1D580] =	vst v63  }
0x5ec: {  	_ =	swait.ge [sflag:s15], $0x4000  }
0x5ed: {  	[sflag:s15] =	ssyncset.done $0x0  }
0x5ee: {  	s4 =	simm.s32 $0xA80;
	[sflag:s15] =	ssyncadd.s32 $0xFFFFC000  }
0x5ef: {  	[spmem:s22] =	stream.indirect.scatter.add.f32 [tilespmem:s13], [sflag:$0x3], $0x1, s4, s10, $0xb8;
	[tilespmem:$0x1D580] =	vst v63  }
0x5f0: {  	_ = 	snop  }
0x5f1: {  	[spmem:s1] =	stream.indirect.scatter.add.f32 [tilespmem:s11], [sflag:$0x4], $0x80, s4, s10, $0xb8;
	[tilespmem:$0x1D580] =	vst v63  }
0x5f2: {  	_ =	swait.ge [sflag:s7], $0x4000  }
0x5f3: {  	[sflag:s7] =	ssyncset.done $0x0  }
0x5f4: {  	s4 =	simm.s32 $0x380;
	[sflag:s7] =	ssyncadd.s32 $0xFFFFC000  }
0x5f5: {  	[tilespmem:s11], [sflag:$0x2] =	stream.indirect.gather [hbm4b:s23+s10], $0x80, s4, s10, $0xb8;
	[tilespmem:$0x1D580] =	vst v63  }
0x5f6: {  	_ =	swait.ge [sflag:s12], $0x4000  }
0x5f7: {  	[sflag:s12] =	ssyncset.done $0x0  }
0x5f8: {  	s8 =	simm.s32 $0xB00;
	[sflag:s12] =	ssyncadd.s32 $0xFFFFC000  }
0x5f9: {  	[spmem:s22] =	stream.indirect.scatter.add.f32 [tilespmem:s13], [sflag:$0x3], $0x1, s8, s10, $0xb8;
	[tilespmem:$0x1D580] =	vst v63  }
0x5fa: {  	_ = 	snop  }
0x5fb: {  	[spmem:s1] =	stream.indirect.scatter.add.f32 [tilespmem:s6], [sflag:$0x4], $0x80, s8, s10, $0xb8;
	[tilespmem:$0x1D580] =	vst v63  }
0x5fc: {  	_ =	swait.ge [sflag:s7], $0x4000  }
0x5fd: {  	[sflag:s7] =	ssyncset.done $0x0  }
0x5fe: {  	s8 =	simm.s32 $0x400;
	[sflag:s7] =	ssyncadd.s32 $0xFFFFC000  }
0x5ff: {  	[tilespmem:s6], [sflag:$0x1] =	stream.indirect.gather [hbm4b:s23+s10], $0x80, s8, s10, $0xb8;
	[tilespmem:$0x1D580] =	vst v63  }
0x600: {  	_ =	swait.ge [sflag:s15], $0x4000  }
0x601: {  	[sflag:s15] =	ssyncset.done $0x0  }
0x602: {  	s18 =	simm.s32 $0xB80;
	[sflag:s15] =	ssyncadd.s32 $0xFFFFC000  }
0x603: {  	[spmem:s22] =	stream.indirect.scatter.add.f32 [tilespmem:s13], [sflag:$0x3], $0x1, s18, s10, $0xb8;
	[tilespmem:$0x1D580] =	vst v63  }
0x604: {  	_ = 	snop  }
0x605: {  	[spmem:s1] =	stream.indirect.scatter.add.f32 [tilespmem:s11], [sflag:$0x4], $0x80, s18, s10, $0xb8;
	[tilespmem:$0x1D580] =	vst v63  }
0x606: {  	_ =	swait.ge [sflag:s7], $0x4000  }
0x607: {  	[sflag:s7] =	ssyncset.done $0x0  }
0x608: {  	s18 =	simm.s32 $0x480;
	[sflag:s7] =	ssyncadd.s32 $0xFFFFC000  }
0x609: {  	[tilespmem:s11], [sflag:$0x2] =	stream.indirect.gather [hbm4b:s23+s10], $0x80, s18, s10, $0xb8;
	[tilespmem:$0x1D580] =	vst v63  }
0x60a: {  	_ =	swait.ge [sflag:s12], $0x4000  }
0x60b: {  	[sflag:s12] =	ssyncset.done $0x0  }
0x60c: {  	s29 =	simm.s32 $0xC00;
	[sflag:s12] =	ssyncadd.s32 $0xFFFFC000  }
0x60d: {  	[spmem:s22] =	stream.indirect.scatter.add.f32 [tilespmem:s13], [sflag:$0x3], $0x1, s29, s10, $0xb8;
	[tilespmem:$0x1D580] =	vst v63  }
0x60e: {  	_ = 	snop  }
0x60f: {  	[spmem:s1] =	stream.indirect.scatter.add.f32 [tilespmem:s6], [sflag:$0x4], $0x80, s29, s10, $0xb8;
	[tilespmem:$0x1D580] =	vst v63  }
0x610: {  	_ =	swait.ge [sflag:s7], $0x4000  }
0x611: {  	[sflag:s7] =	ssyncset.done $0x0  }
0x612: {  	s19 =	simm.s32 $0x500;
	[sflag:s7] =	ssyncadd.s32 $0xFFFFC000  }
0x613: {  	[tilespmem:s6], [sflag:$0x1] =	stream.indirect.gather [hbm4b:s23+s10], $0x80, s19, s10, $0xb8;
	[tilespmem:$0x1D580] =	vst v63  }
0x614: {  	_ =	swait.ge [sflag:s15], $0x4000  }
0x615: {  	[sflag:s15] =	ssyncset.done $0x0  }
0x616: {  	s5 =	simm.s32 $0xC80;
	[sflag:s15] =	ssyncadd.s32 $0xFFFFC000  }
0x617: {  	[spmem:s22] =	stream.indirect.scatter.add.f32 [tilespmem:s13], [sflag:$0x3], $0x1, s5, s10, $0xb8;
	[tilespmem:$0x1D580] =	vst v63  }
0x618: {  	_ = 	snop  }
0x619: {  	[spmem:s1] =	stream.indirect.scatter.add.f32 [tilespmem:s11], [sflag:$0x4], $0x80, s5, s10, $0xb8;
	[tilespmem:$0x1D580] =	vst v63  }
0x61a: {  	_ =	swait.ge [sflag:s7], $0x4000  }
0x61b: {  	[sflag:s7] =	ssyncset.done $0x0  }
0x61c: {  	s8 =	simm.s32 $0x580;
	[sflag:s7] =	ssyncadd.s32 $0xFFFFC000  }
0x61d: {  	[tilespmem:s11], [sflag:$0x2] =	stream.indirect.gather [hbm4b:s23+s10], $0x80, s8, s10, $0xb8;
	[tilespmem:$0x1D580] =	vst v63  }
0x61e: {  	_ =	swait.ge [sflag:s12], $0x4000  }
0x61f: {  	[sflag:s12] =	ssyncset.done $0x0  }
0x620: {  	s21 =	simm.s32 $0xD00;
	[sflag:s12] =	ssyncadd.s32 $0xFFFFC000  }
0x621: {  	[spmem:s22] =	stream.indirect.scatter.add.f32 [tilespmem:s13], [sflag:$0x3], $0x1, s21, s10, $0xb8;
	[tilespmem:$0x1D580] =	vst v63  }
0x622: {  	_ = 	snop  }
0x623: {  	[spmem:s1] =	stream.indirect.scatter.add.f32 [tilespmem:s6], [sflag:$0x4], $0x80, s21, s10, $0xb8;
	[tilespmem:$0x1D580] =	vst v63  }
0x624: {  	_ =	swait.ge [sflag:s7], $0x4000  }
0x625: {  	[sflag:s7] =	ssyncset.done $0x0  }
0x626: {  	s18 =	simm.s32 $0x600;
	[sflag:s7] =	ssyncadd.s32 $0xFFFFC000  }
0x627: {  	[tilespmem:s6], [sflag:$0x1] =	stream.indirect.gather [hbm4b:s23+s10], $0x80, s18, s10, $0xb8;
	[tilespmem:$0x1D580] =	vst v63  }
0x628: {  	_ =	swait.ge [sflag:s15], $0x4000  }
0x629: {  	[sflag:s15] =	ssyncset.done $0x0  }
0x62a: {  	s20 =	simm.s32 $0xD80;
	[sflag:s15] =	ssyncadd.s32 $0xFFFFC000  }
0x62b: {  	[spmem:s22] =	stream.indirect.scatter.add.f32 [tilespmem:s13], [sflag:$0x3], $0x1, s20, s10, $0xb8;
	[tilespmem:$0x1D580] =	vst v63  }
0x62c: {  	_ = 	snop  }
0x62d: {  	[spmem:s1] =	stream.indirect.scatter.add.f32 [tilespmem:s11], [sflag:$0x4], $0x80, s20, s10, $0xb8;
	[tilespmem:$0x1D580] =	vst v63  }
0x62e: {  	_ =	swait.ge [sflag:s7], $0x4000  }
0x62f: {  	[sflag:s7] =	ssyncset.done $0x0  }
0x630: {  	s21 =	simm.s32 $0x680;
	[sflag:s7] =	ssyncadd.s32 $0xFFFFC000  }
0x631: {  	[tilespmem:s11], [sflag:$0x2] =	stream.indirect.gather [hbm4b:s23+s10], $0x80, s21, s10, $0xb8;
	[tilespmem:$0x1D580] =	vst v63  }
0x632: {  	_ =	swait.ge [sflag:s12], $0x4000  }
0x633: {  	[sflag:s12] =	ssyncset.done $0x0  }
0x634: {  	s25 =	simm.s32 $0xE00;
	[sflag:s12] =	ssyncadd.s32 $0xFFFFC000  }
0x635: {  	[spmem:s22] =	stream.indirect.scatter.add.f32 [tilespmem:s13], [sflag:$0x3], $0x1, s25, s10, $0xb8;
	[tilespmem:$0x1D580] =	vst v63  }
0x636: {  	_ = 	snop  }
0x637: {  	[spmem:s1] =	stream.indirect.scatter.add.f32 [tilespmem:s6], [sflag:$0x4], $0x80, s25, s10, $0xb8;
	[tilespmem:$0x1D580] =	vst v63  }
0x638: {  	_ =	swait.ge [sflag:s7], $0x4000  }
0x639: {  	[sflag:s7] =	ssyncset.done $0x0  }
0x63a: {  	s5 =	simm.s32 $0x700;
	[sflag:s7] =	ssyncadd.s32 $0xFFFFC000  }
0x63b: {  	[tilespmem:s6], [sflag:$0x1] =	stream.indirect.gather [hbm4b:s23+s10], $0x80, s5, s10, $0xb8;
	[tilespmem:$0x1D580] =	vst v63  }
0x63c: {  	_ =	swait.ge [sflag:s15], $0x4000  }
0x63d: {  	[sflag:s15] =	ssyncset.done $0x0  }
0x63e: {  	s26 =	simm.s32 $0xE80;
	[sflag:s15] =	ssyncadd.s32 $0xFFFFC000  }
0x63f: {  	[spmem:s22] =	stream.indirect.scatter.add.f32 [tilespmem:s13], [sflag:$0x3], $0x1, s26, s10, $0xb8;
	[tilespmem:$0x1D580] =	vst v63  }
0x640: {  	_ = 	snop  }
0x641: {  	[spmem:s1] =	stream.indirect.scatter.add.f32 [tilespmem:s11], [sflag:$0x4], $0x80, s26, s10, $0xb8;
	[tilespmem:$0x1D580] =	vst v63  }
0x642: {  	_ =	swait.ge [sflag:s7], $0x4000  }
0x643: {  	[sflag:s7] =	ssyncset.done $0x0  }
0x644: {  	s8 =	simm.s32 $0x780;
	[sflag:s7] =	ssyncadd.s32 $0xFFFFC000  }
0x645: {  	[tilespmem:s11], [sflag:$0x2] =	stream.indirect.gather [hbm4b:s23+s10], $0x80, s8, s10, $0xb8;
	[tilespmem:$0x1D580] =	vst v63  }
0x646: {  	_ =	swait.ge [sflag:s12], $0x4000  }
0x647: {  	[sflag:s12] =	ssyncset.done $0x0  }
0x648: {  	s24 =	simm.s32 $0xF00;
	[sflag:s12] =	ssyncadd.s32 $0xFFFFC000  }
0x649: {  	[spmem:s22] =	stream.indirect.scatter.add.f32 [tilespmem:s13], [sflag:$0x3], $0x1, s24, s10, $0xb8;
	[tilespmem:$0x1D580] =	vst v63  }
0x64a: {  	_ = 	snop  }
0x64b: {  	[spmem:s1] =	stream.indirect.scatter.add.f32 [tilespmem:s6], [sflag:$0x4], $0x80, s24, s10, $0xb8;
	[tilespmem:$0x1D580] =	vst v63  }
0x64c: {  	_ =	swait.ge [sflag:s7], $0x4000  }
0x64d: {  	[sflag:s7] =	ssyncset.done $0x0  }
0x64e: {  	[sflag:s7] =	ssyncadd.s32 $0xFFFFC000  }
0x64f: {  	_ =	swait.ge [sflag:s15], $0x4000  }
0x650: {  	[sflag:s15] =	ssyncset.done $0x0  }
0x651: {  	s18 =	simm.s32 $0xF80;
	[sflag:s15] =	ssyncadd.s32 $0xFFFFC000  }
0x652: {  	[spmem:s22] =	stream.indirect.scatter.add.f32 [tilespmem:s13], [sflag:$0x3], $0x1, s18, s10, $0xb8;
	[tilespmem:$0x1D580] =	vst v63  }
0x653: {  	s19 =	simm.s32 $0xF80  }
0x654: {  	[spmem:s1] =	stream.indirect.scatter.add.f32 [tilespmem:s11], [sflag:$0x4], $0x80, s19, s10, $0xb8;
	[tilespmem:$0x1D580] =	vst v63  }
0x655: {  	_ =	swait.ge [sflag:s7], $0x4000  }
0x656: {  	[sflag:s7] =	ssyncset.done $0x0  }
0x657: {  	[sflag:s7] =	ssyncadd.s32 $0xFFFFC000  }
0x658: {  	_ =	swait.ge [sflag:s17], $0x80  }
0x659: {  	[sflag:s17] =	ssyncset.done $0x0  }
0x65a: {  	[sflag:s17] =	ssyncadd.s32 $0xFFFFFF80  }
0x65b: {  	_ =	swait.ge [sflag:s17], $0x80  }
0x65c: {  	[sflag:s17] =	ssyncset.done $0x0  }
0x65d: {  	[sflag:s17] =	ssyncadd.s32 $0xFFFFFF80  }
0x65e: {  	_ =	swait.ge [sflag:s17], $0x80  }
0x65f: {  	[sflag:s17] =	ssyncset.done $0x0  }
0x660: {  	[sflag:s17] =	ssyncadd.s32 $0xFFFFFF80  }
0x661: {  	_ =	swait.ge [sflag:s17], $0x80  }
0x662: {  	[sflag:s17] =	ssyncset.done $0x0  }
0x663: {  	[sflag:s17] =	ssyncadd.s32 $0xFFFFFF80  }
0x664: {  	_ =	swait.ge [sflag:s17], $0x80  }
0x665: {  	[sflag:s17] =	ssyncset.done $0x0  }
0x666: {  	[sflag:s17] =	ssyncadd.s32 $0xFFFFFF80  }
0x667: {  	_ =	swait.ge [sflag:s17], $0x80  }
0x668: {  	[sflag:s17] =	ssyncset.done $0x0  }
0x669: {  	[sflag:s17] =	ssyncadd.s32 $0xFFFFFF80  }
0x66a: {  	_ =	swait.ge [sflag:s17], $0x80  }
0x66b: {  	[sflag:s17] =	ssyncset.done $0x0  }
0x66c: {  	[sflag:s17] =	ssyncadd.s32 $0xFFFFFF80  }
0x66d: {  	_ =	swait.ge [sflag:s17], $0x80  }
0x66e: {  	[sflag:s17] =	ssyncset.done $0x0  }
0x66f: {  	[sflag:s17] =	ssyncadd.s32 $0xFFFFFF80  }
0x670: {  	_ =	swait.ge [sflag:s17], $0x80  }
0x671: {  	[sflag:s17] =	ssyncset.done $0x0  }
0x672: {  	[sflag:s17] =	ssyncadd.s32 $0xFFFFFF80  }
0x673: {  	_ =	swait.ge [sflag:s17], $0x80  }
0x674: {  	[sflag:s17] =	ssyncset.done $0x0  }
0x675: {  	[sflag:s17] =	ssyncadd.s32 $0xFFFFFF80  }
0x676: {  	_ =	swait.ge [sflag:s17], $0x80  }
0x677: {  	[sflag:s17] =	ssyncset.done $0x0  }
0x678: {  	[sflag:s17] =	ssyncadd.s32 $0xFFFFFF80  }
0x679: {  	_ =	swait.ge [sflag:s17], $0x80  }
0x67a: {  	[sflag:s17] =	ssyncset.done $0x0  }
0x67b: {  	[sflag:s17] =	ssyncadd.s32 $0xFFFFFF80  }
0x67c: {  	_ =	swait.ge [sflag:s17], $0x80  }
0x67d: {  	[sflag:s17] =	ssyncset.done $0x0  }
0x67e: {  	[sflag:s17] =	ssyncadd.s32 $0xFFFFFF80  }
0x67f: {  	_ =	swait.ge [sflag:s17], $0x80  }
0x680: {  	[sflag:s17] =	ssyncset.done $0x0  }
0x681: {  	[sflag:s17] =	ssyncadd.s32 $0xFFFFFF80  }
0x682: {  	_ =	swait.ge [sflag:s17], $0x80  }
0x683: {  	[sflag:s17] =	ssyncset.done $0x0  }
0x684: {  	[sflag:s17] =	ssyncadd.s32 $0xFFFFFF80  }
0x685: {  	_ =	swait.ge [sflag:s17], $0x80  }
0x686: {  	[sflag:s17] =	ssyncset.done $0x0  }
0x687: {  	s20 =	rddreg [dreg:$0x13];
	[sflag:s17] =	ssyncadd.s32 $0xFFFFFF80  }
0x688: {  	[tilespmem:s2], [sflag:$0x4] =	stream.linear.gather [hbm4b:s20+s2], $0x800, $0x38;
	[tilespmem:$0x1D580] =	vst v63  }
0x689: {  	_ =	swait.ge [sflag:s7], $0x800  }
0x68a: {  	[sflag:s7] =	ssyncset.done $0x0  }
0x68b: {  	s21 =	rddreg [dreg:$0x14];
	[sflag:s7] =	ssyncadd.s32 $0xFFFFF800  }
0x68c: {  	[tilespmem:s9], [sflag:$0x4] =	stream.linear.gather [hbm4b:s21+s2], $0x800, $0x38;
	[tilespmem:$0x1D580] =	vst v63  }
0x68d: {  	_ =	swait.ge [sflag:s7], $0x800  }
0x68e: {  	[sflag:s7] =	ssyncset.done $0x0  }
0x68f: {  	[sflag:s7] =	ssyncadd.s32 $0xFFFFF800  }
0x690: {  	[tilespmem:s6], [sflag:$0x1] =	stream.indirect.gather [hbm4b:s23+s10], $0x80, s2, s10, $0xb8;
	[tilespmem:$0x1D580] =	vst v63  }
0x691: {  	_ = 	snop  }
0x692: {  	[tilespmem:s11], [sflag:$0x2] =	stream.indirect.gather [hbm4b:s23+s10], $0x80, s10, s10, $0xb8;
	[tilespmem:$0x1D580] =	vst v63  }
0x693: {  	_ =	swait.ge [sflag:s12], $0x4000  }
0x694: {  	[sflag:s12] =	ssyncset.done $0x0  }
0x695: {  	[sflag:s12] =	ssyncadd.s32 $0xFFFFC000  }
0x696: {  	[spmem:s22] =	stream.indirect.scatter.add.f32 [tilespmem:s13], [sflag:$0x3], $0x1, s9, s10, $0xb8;
	[tilespmem:$0x1D580] =	vst v63  }
0x697: {  	_ = 	snop  }
0x698: {  	[spmem:s1] =	stream.indirect.scatter.add.f32 [tilespmem:s6], [sflag:$0x4], $0x80, s9, s10, $0xb8;
	[tilespmem:$0x1D580] =	vst v63  }
0x699: {  	_ =	swait.ge [sflag:s7], $0x4000  }
0x69a: {  	[sflag:s7] =	ssyncset.done $0x0  }
0x69b: {  	s31 =	simm.s32 $0x100;
	[sflag:s7] =	ssyncadd.s32 $0xFFFFC000  }
0x69c: {  	[tilespmem:s6], [sflag:$0x1] =	stream.indirect.gather [hbm4b:s23+s10], $0x80, s31, s10, $0xb8;
	[tilespmem:$0x1D580] =	vst v63  }
0x69d: {  	_ =	swait.ge [sflag:s15], $0x4000  }
0x69e: {  	[sflag:s15] =	ssyncset.done $0x0  }
0x69f: {  	s24 =	simm.s32 $0x880;
	[sflag:s15] =	ssyncadd.s32 $0xFFFFC000  }
0x6a0: {  	[spmem:s22] =	stream.indirect.scatter.add.f32 [tilespmem:s13], [sflag:$0x3], $0x1, s24, s10, $0xb8;
	[tilespmem:$0x1D580] =	vst v63  }
0x6a1: {  	_ = 	snop  }
0x6a2: {  	[spmem:s1] =	stream.indirect.scatter.add.f32 [tilespmem:s11], [sflag:$0x4], $0x80, s24, s10, $0xb8;
	[tilespmem:$0x1D580] =	vst v63  }
0x6a3: {  	_ =	swait.ge [sflag:s7], $0x4000  }
0x6a4: {  	[sflag:s7] =	ssyncset.done $0x0  }
0x6a5: {  	s16 =	simm.s32 $0x180;
	[sflag:s7] =	ssyncadd.s32 $0xFFFFC000  }
0x6a6: {  	[tilespmem:s11], [sflag:$0x2] =	stream.indirect.gather [hbm4b:s23+s10], $0x80, s16, s10, $0xb8;
	[tilespmem:$0x1D580] =	vst v63  }
0x6a7: {  	_ =	swait.ge [sflag:s12], $0x4000  }
0x6a8: {  	[sflag:s12] =	ssyncset.done $0x0  }
0x6a9: {  	s25 =	simm.s32 $0x900;
	[sflag:s12] =	ssyncadd.s32 $0xFFFFC000  }
0x6aa: {  	[spmem:s22] =	stream.indirect.scatter.add.f32 [tilespmem:s13], [sflag:$0x3], $0x1, s25, s10, $0xb8;
	[tilespmem:$0x1D580] =	vst v63  }
0x6ab: {  	_ = 	snop  }
0x6ac: {  	[spmem:s1] =	stream.indirect.scatter.add.f32 [tilespmem:s6], [sflag:$0x4], $0x80, s25, s10, $0xb8;
	[tilespmem:$0x1D580] =	vst v63  }
0x6ad: {  	_ =	swait.ge [sflag:s7], $0x4000  }
0x6ae: {  	[sflag:s7] =	ssyncset.done $0x0  }
0x6af: {  	s14 =	simm.s32 $0x200;
	[sflag:s7] =	ssyncadd.s32 $0xFFFFC000  }
0x6b0: {  	[tilespmem:s6], [sflag:$0x1] =	stream.indirect.gather [hbm4b:s23+s10], $0x80, s14, s10, $0xb8;
	[tilespmem:$0x1D580] =	vst v63  }
0x6b1: {  	_ =	swait.ge [sflag:s15], $0x4000  }
0x6b2: {  	[sflag:s15] =	ssyncset.done $0x0  }
0x6b3: {  	s26 =	simm.s32 $0x980;
	[sflag:s15] =	ssyncadd.s32 $0xFFFFC000  }
0x6b4: {  	[spmem:s22] =	stream.indirect.scatter.add.f32 [tilespmem:s13], [sflag:$0x3], $0x1, s26, s10, $0xb8;
	[tilespmem:$0x1D580] =	vst v63  }
0x6b5: {  	_ = 	snop  }
0x6b6: {  	[spmem:s1] =	stream.indirect.scatter.add.f32 [tilespmem:s11], [sflag:$0x4], $0x80, s26, s10, $0xb8;
	[tilespmem:$0x1D580] =	vst v63  }
0x6b7: {  	_ =	swait.ge [sflag:s7], $0x4000  }
0x6b8: {  	[sflag:s7] =	ssyncset.done $0x0  }
0x6b9: {  	s28 =	simm.s32 $0x280;
	[sflag:s7] =	ssyncadd.s32 $0xFFFFC000  }
0x6ba: {  	[tilespmem:s11], [sflag:$0x2] =	stream.indirect.gather [hbm4b:s23+s10], $0x80, s28, s10, $0xb8;
	[tilespmem:$0x1D580] =	vst v63  }
0x6bb: {  	_ =	swait.ge [sflag:s12], $0x4000  }
0x6bc: {  	[sflag:s12] =	ssyncset.done $0x0  }
0x6bd: {  	s28 =	simm.s32 $0xA00;
	[sflag:s12] =	ssyncadd.s32 $0xFFFFC000  }
0x6be: {  	[spmem:s22] =	stream.indirect.scatter.add.f32 [tilespmem:s13], [sflag:$0x3], $0x1, s28, s10, $0xb8;
	[tilespmem:$0x1D580] =	vst v63  }
0x6bf: {  	_ = 	snop  }
0x6c0: {  	[spmem:s1] =	stream.indirect.scatter.add.f32 [tilespmem:s6], [sflag:$0x4], $0x80, s28, s10, $0xb8;
	[tilespmem:$0x1D580] =	vst v63  }
0x6c1: {  	_ =	swait.ge [sflag:s7], $0x4000  }
0x6c2: {  	[sflag:s7] =	ssyncset.done $0x0  }
0x6c3: {  	s3 =	simm.s32 $0x300;
	[sflag:s7] =	ssyncadd.s32 $0xFFFFC000  }
0x6c4: {  	[tilespmem:s6], [sflag:$0x1] =	stream.indirect.gather [hbm4b:s23+s10], $0x80, s3, s10, $0xb8;
	[tilespmem:$0x1D580] =	vst v63  }
0x6c5: {  	_ =	swait.ge [sflag:s15], $0x4000  }
0x6c6: {  	[sflag:s15] =	ssyncset.done $0x0  }
0x6c7: {  	s14 =	simm.s32 $0xA80;
	[sflag:s15] =	ssyncadd.s32 $0xFFFFC000  }
0x6c8: {  	[spmem:s22] =	stream.indirect.scatter.add.f32 [tilespmem:s13], [sflag:$0x3], $0x1, s14, s10, $0xb8;
	[tilespmem:$0x1D580] =	vst v63  }
0x6c9: {  	_ = 	snop  }
0x6ca: {  	[spmem:s1] =	stream.indirect.scatter.add.f32 [tilespmem:s11], [sflag:$0x4], $0x80, s14, s10, $0xb8;
	[tilespmem:$0x1D580] =	vst v63  }
0x6cb: {  	_ =	swait.ge [sflag:s7], $0x4000  }
0x6cc: {  	[sflag:s7] =	ssyncset.done $0x0  }
0x6cd: {  	s4 =	simm.s32 $0x380;
	[sflag:s7] =	ssyncadd.s32 $0xFFFFC000  }
0x6ce: {  	[tilespmem:s11], [sflag:$0x2] =	stream.indirect.gather [hbm4b:s23+s10], $0x80, s4, s10, $0xb8;
	[tilespmem:$0x1D580] =	vst v63  }
0x6cf: {  	_ =	swait.ge [sflag:s12], $0x4000  }
0x6d0: {  	[sflag:s12] =	ssyncset.done $0x0  }
0x6d1: {  	s16 =	simm.s32 $0xB00;
	[sflag:s12] =	ssyncadd.s32 $0xFFFFC000  }
0x6d2: {  	[spmem:s22] =	stream.indirect.scatter.add.f32 [tilespmem:s13], [sflag:$0x3], $0x1, s16, s10, $0xb8;
	[tilespmem:$0x1D580] =	vst v63  }
0x6d3: {  	_ = 	snop  }
0x6d4: {  	[spmem:s1] =	stream.indirect.scatter.add.f32 [tilespmem:s6], [sflag:$0x4], $0x80, s16, s10, $0xb8;
	[tilespmem:$0x1D580] =	vst v63  }
0x6d5: {  	_ =	swait.ge [sflag:s7], $0x4000  }
0x6d6: {  	[sflag:s7] =	ssyncset.done $0x0  }
0x6d7: {  	s18 =	simm.s32 $0x400;
	[sflag:s7] =	ssyncadd.s32 $0xFFFFC000  }
0x6d8: {  	[tilespmem:s6], [sflag:$0x1] =	stream.indirect.gather [hbm4b:s23+s10], $0x80, s18, s10, $0xb8;
	[tilespmem:$0x1D580] =	vst v63  }
0x6d9: {  	_ =	swait.ge [sflag:s15], $0x4000  }
0x6da: {  	[sflag:s15] =	ssyncset.done $0x0  }
0x6db: {  	s19 =	simm.s32 $0xB80;
	[sflag:s15] =	ssyncadd.s32 $0xFFFFC000  }
0x6dc: {  	[spmem:s22] =	stream.indirect.scatter.add.f32 [tilespmem:s13], [sflag:$0x3], $0x1, s19, s10, $0xb8;
	[tilespmem:$0x1D580] =	vst v63  }
0x6dd: {  	_ = 	snop  }
0x6de: {  	[spmem:s1] =	stream.indirect.scatter.add.f32 [tilespmem:s11], [sflag:$0x4], $0x80, s19, s10, $0xb8;
	[tilespmem:$0x1D580] =	vst v63  }
0x6df: {  	_ =	swait.ge [sflag:s7], $0x4000  }
0x6e0: {  	[sflag:s7] =	ssyncset.done $0x0  }
0x6e1: {  	s21 =	simm.s32 $0x480;
	[sflag:s7] =	ssyncadd.s32 $0xFFFFC000  }
0x6e2: {  	[tilespmem:s11], [sflag:$0x2] =	stream.indirect.gather [hbm4b:s23+s10], $0x80, s21, s10, $0xb8;
	[tilespmem:$0x1D580] =	vst v63  }
0x6e3: {  	_ =	swait.ge [sflag:s12], $0x4000  }
0x6e4: {  	[sflag:s12] =	ssyncset.done $0x0  }
0x6e5: {  	s24 =	simm.s32 $0xC00;
	[sflag:s12] =	ssyncadd.s32 $0xFFFFC000  }
0x6e6: {  	[spmem:s22] =	stream.indirect.scatter.add.f32 [tilespmem:s13], [sflag:$0x3], $0x1, s24, s10, $0xb8;
	[tilespmem:$0x1D580] =	vst v63  }
0x6e7: {  	_ = 	snop  }
0x6e8: {  	[spmem:s1] =	stream.indirect.scatter.add.f32 [tilespmem:s6], [sflag:$0x4], $0x80, s24, s10, $0xb8;
	[tilespmem:$0x1D580] =	vst v63  }
0x6e9: {  	_ =	swait.ge [sflag:s7], $0x4000  }
0x6ea: {  	[sflag:s7] =	ssyncset.done $0x0  }
0x6eb: {  	s29 =	simm.s32 $0x500;
	[sflag:s7] =	ssyncadd.s32 $0xFFFFC000  }
0x6ec: {  	[tilespmem:s6], [sflag:$0x1] =	stream.indirect.gather [hbm4b:s23+s10], $0x80, s29, s10, $0xb8;
	[tilespmem:$0x1D580] =	vst v63  }
0x6ed: {  	_ =	swait.ge [sflag:s15], $0x4000  }
0x6ee: {  	[sflag:s15] =	ssyncset.done $0x0  }
0x6ef: {  	s25 =	simm.s32 $0xC80;
	[sflag:s15] =	ssyncadd.s32 $0xFFFFC000  }
0x6f0: {  	[spmem:s22] =	stream.indirect.scatter.add.f32 [tilespmem:s13], [sflag:$0x3], $0x1, s25, s10, $0xb8;
	[tilespmem:$0x1D580] =	vst v63  }
0x6f1: {  	_ = 	snop  }
0x6f2: {  	[spmem:s1] =	stream.indirect.scatter.add.f32 [tilespmem:s11], [sflag:$0x4], $0x80, s25, s10, $0xb8;
	[tilespmem:$0x1D580] =	vst v63  }
0x6f3: {  	_ =	swait.ge [sflag:s7], $0x4000  }
0x6f4: {  	[sflag:s7] =	ssyncset.done $0x0  }
0x6f5: {  	s26 =	simm.s32 $0x580;
	[sflag:s7] =	ssyncadd.s32 $0xFFFFC000  }
0x6f6: {  	[tilespmem:s11], [sflag:$0x2] =	stream.indirect.gather [hbm4b:s23+s10], $0x80, s26, s10, $0xb8;
	[tilespmem:$0x1D580] =	vst v63  }
0x6f7: {  	_ =	swait.ge [sflag:s12], $0x4000  }
0x6f8: {  	[sflag:s12] =	ssyncset.done $0x0  }
0x6f9: {  	s28 =	simm.s32 $0xD00;
	[sflag:s12] =	ssyncadd.s32 $0xFFFFC000  }
0x6fa: {  	[spmem:s22] =	stream.indirect.scatter.add.f32 [tilespmem:s13], [sflag:$0x3], $0x1, s28, s10, $0xb8;
	[tilespmem:$0x1D580] =	vst v63  }
0x6fb: {  	_ = 	snop  }
0x6fc: {  	[spmem:s1] =	stream.indirect.scatter.add.f32 [tilespmem:s6], [sflag:$0x4], $0x80, s28, s10, $0xb8;
	[tilespmem:$0x1D580] =	vst v63  }
0x6fd: {  	_ =	swait.ge [sflag:s7], $0x4000  }
0x6fe: {  	[sflag:s7] =	ssyncset.done $0x0  }
0x6ff: {  	s3 =	simm.s32 $0x600;
	[sflag:s7] =	ssyncadd.s32 $0xFFFFC000  }
0x700: {  	[tilespmem:s6], [sflag:$0x1] =	stream.indirect.gather [hbm4b:s23+s10], $0x80, s3, s10, $0xb8;
	[tilespmem:$0x1D580] =	vst v63  }
0x701: {  	_ =	swait.ge [sflag:s15], $0x4000  }
0x702: {  	[sflag:s15] =	ssyncset.done $0x0  }
0x703: {  	s25 =	simm.s32 $0xD80;
	[sflag:s15] =	ssyncadd.s32 $0xFFFFC000  }
0x704: {  	[spmem:s22] =	stream.indirect.scatter.add.f32 [tilespmem:s13], [sflag:$0x3], $0x1, s25, s10, $0xb8;
	[tilespmem:$0x1D580] =	vst v63  }
0x705: {  	_ = 	snop  }
0x706: {  	[spmem:s1] =	stream.indirect.scatter.add.f32 [tilespmem:s11], [sflag:$0x4], $0x80, s25, s10, $0xb8;
	[tilespmem:$0x1D580] =	vst v63  }
0x707: {  	_ =	swait.ge [sflag:s7], $0x4000  }
0x708: {  	[sflag:s7] =	ssyncset.done $0x0  }
0x709: {  	s29 =	simm.s32 $0x680;
	[sflag:s7] =	ssyncadd.s32 $0xFFFFC000  }
0x70a: {  	[tilespmem:s11], [sflag:$0x2] =	stream.indirect.gather [hbm4b:s23+s10], $0x80, s29, s10, $0xb8;
	[tilespmem:$0x1D580] =	vst v63  }
0x70b: {  	_ =	swait.ge [sflag:s12], $0x4000  }
0x70c: {  	[sflag:s12] =	ssyncset.done $0x0  }
0x70d: {  	s26 =	simm.s32 $0xE00;
	[sflag:s12] =	ssyncadd.s32 $0xFFFFC000  }
0x70e: {  	[spmem:s22] =	stream.indirect.scatter.add.f32 [tilespmem:s13], [sflag:$0x3], $0x1, s26, s10, $0xb8;
	[tilespmem:$0x1D580] =	vst v63  }
0x70f: {  	_ = 	snop  }
0x710: {  	[spmem:s1] =	stream.indirect.scatter.add.f32 [tilespmem:s6], [sflag:$0x4], $0x80, s26, s10, $0xb8;
	[tilespmem:$0x1D580] =	vst v63  }
0x711: {  	_ =	swait.ge [sflag:s7], $0x4000  }
0x712: {  	[sflag:s7] =	ssyncset.done $0x0  }
0x713: {  	s28 =	simm.s32 $0x700;
	[sflag:s7] =	ssyncadd.s32 $0xFFFFC000  }
0x714: {  	[tilespmem:s6], [sflag:$0x1] =	stream.indirect.gather [hbm4b:s23+s10], $0x80, s28, s10, $0xb8;
	[tilespmem:$0x1D580] =	vst v63  }
0x715: {  	_ =	swait.ge [sflag:s15], $0x4000  }
0x716: {  	[sflag:s15] =	ssyncset.done $0x0  }
0x717: {  	s26 =	simm.s32 $0xE80;
	[sflag:s15] =	ssyncadd.s32 $0xFFFFC000  }
0x718: {  	[spmem:s22] =	stream.indirect.scatter.add.f32 [tilespmem:s13], [sflag:$0x3], $0x1, s26, s10, $0xb8;
	[tilespmem:$0x1D580] =	vst v63  }
0x719: {  	_ = 	snop  }
0x71a: {  	[spmem:s1] =	stream.indirect.scatter.add.f32 [tilespmem:s11], [sflag:$0x4], $0x80, s26, s10, $0xb8;
	[tilespmem:$0x1D580] =	vst v63  }
0x71b: {  	_ =	swait.ge [sflag:s7], $0x4000  }
0x71c: {  	[sflag:s7] =	ssyncset.done $0x0  }
0x71d: {  	s28 =	simm.s32 $0x780;
	[sflag:s7] =	ssyncadd.s32 $0xFFFFC000  }
0x71e: {  	[tilespmem:s11], [sflag:$0x2] =	stream.indirect.gather [hbm4b:s23+s10], $0x80, s28, s10, $0xb8;
	[tilespmem:$0x1D580] =	vst v63  }
0x71f: {  	_ =	swait.ge [sflag:s12], $0x4000  }
0x720: {  	[sflag:s12] =	ssyncset.done $0x0  }
0x721: {  	s28 =	simm.s32 $0xF00;
	[sflag:s12] =	ssyncadd.s32 $0xFFFFC000  }
0x722: {  	[spmem:s22] =	stream.indirect.scatter.add.f32 [tilespmem:s13], [sflag:$0x3], $0x1, s28, s10, $0xb8;
	[tilespmem:$0x1D580] =	vst v63  }
0x723: {  	_ = 	snop  }
0x724: {  	[spmem:s1] =	stream.indirect.scatter.add.f32 [tilespmem:s6], [sflag:$0x4], $0x80, s28, s10, $0xb8;
	[tilespmem:$0x1D580] =	vst v63  }
0x725: {  	_ =	swait.ge [sflag:s7], $0x4000  }
0x726: {  	[sflag:s7] =	ssyncset.done $0x0  }
0x727: {  	[sflag:s7] =	ssyncadd.s32 $0xFFFFC000  }
0x728: {  	_ =	swait.ge [sflag:s15], $0x4000  }
0x729: {  	[sflag:s15] =	ssyncset.done $0x0  }
0x72a: {  	s19 =	simm.s32 $0xF80;
	[sflag:s15] =	ssyncadd.s32 $0xFFFFC000  }
0x72b: {  	[spmem:s22] =	stream.indirect.scatter.add.f32 [tilespmem:s13], [sflag:$0x3], $0x1, s19, s10, $0xb8;
	[tilespmem:$0x1D580] =	vst v63  }
0x72c: {  	s19 =	simm.s32 $0xF80  }
0x72d: {  	[spmem:s1] =	stream.indirect.scatter.add.f32 [tilespmem:s11], [sflag:$0x4], $0x80, s19, s10, $0xb8;
	[tilespmem:$0x1D580] =	vst v63  }
0x72e: {  	_ =	swait.ge [sflag:s7], $0x4000  }
0x72f: {  	[sflag:s7] =	ssyncset.done $0x0  }
0x730: {  	[sflag:s7] =	ssyncadd.s32 $0xFFFFC000  }
0x731: {  	_ =	swait.ge [sflag:s17], $0x80  }
0x732: {  	[sflag:s17] =	ssyncset.done $0x0  }
0x733: {  	[sflag:s17] =	ssyncadd.s32 $0xFFFFFF80  }
0x734: {  	_ =	swait.ge [sflag:s17], $0x80  }
0x735: {  	[sflag:s17] =	ssyncset.done $0x0  }
0x736: {  	[sflag:s17] =	ssyncadd.s32 $0xFFFFFF80  }
0x737: {  	_ =	swait.ge [sflag:s17], $0x80  }
0x738: {  	[sflag:s17] =	ssyncset.done $0x0  }
0x739: {  	[sflag:s17] =	ssyncadd.s32 $0xFFFFFF80  }
0x73a: {  	_ =	swait.ge [sflag:s17], $0x80  }
0x73b: {  	[sflag:s17] =	ssyncset.done $0x0  }
0x73c: {  	[sflag:s17] =	ssyncadd.s32 $0xFFFFFF80  }
0x73d: {  	_ =	swait.ge [sflag:s17], $0x80  }
0x73e: {  	[sflag:s17] =	ssyncset.done $0x0  }
0x73f: {  	[sflag:s17] =	ssyncadd.s32 $0xFFFFFF80  }
0x740: {  	_ =	swait.ge [sflag:s17], $0x80  }
0x741: {  	[sflag:s17] =	ssyncset.done $0x0  }
0x742: {  	[sflag:s17] =	ssyncadd.s32 $0xFFFFFF80  }
0x743: {  	_ =	swait.ge [sflag:s17], $0x80  }
0x744: {  	[sflag:s17] =	ssyncset.done $0x0  }
0x745: {  	[sflag:s17] =	ssyncadd.s32 $0xFFFFFF80  }
0x746: {  	_ =	swait.ge [sflag:s17], $0x80  }
0x747: {  	[sflag:s17] =	ssyncset.done $0x0  }
0x748: {  	[sflag:s17] =	ssyncadd.s32 $0xFFFFFF80  }
0x749: {  	_ =	swait.ge [sflag:s17], $0x80  }
0x74a: {  	[sflag:s17] =	ssyncset.done $0x0  }
0x74b: {  	[sflag:s17] =	ssyncadd.s32 $0xFFFFFF80  }
0x74c: {  	_ =	swait.ge [sflag:s17], $0x80  }
0x74d: {  	[sflag:s17] =	ssyncset.done $0x0  }
0x74e: {  	[sflag:s17] =	ssyncadd.s32 $0xFFFFFF80  }
0x74f: {  	_ =	swait.ge [sflag:s17], $0x80  }
0x750: {  	[sflag:s17] =	ssyncset.done $0x0  }
0x751: {  	[sflag:s17] =	ssyncadd.s32 $0xFFFFFF80  }
0x752: {  	_ =	swait.ge [sflag:s17], $0x80  }
0x753: {  	[sflag:s17] =	ssyncset.done $0x0  }
0x754: {  	[sflag:s17] =	ssyncadd.s32 $0xFFFFFF80  }
0x755: {  	_ =	swait.ge [sflag:s17], $0x80  }
0x756: {  	[sflag:s17] =	ssyncset.done $0x0  }
0x757: {  	[sflag:s17] =	ssyncadd.s32 $0xFFFFFF80  }
0x758: {  	_ =	swait.ge [sflag:s17], $0x80  }
0x759: {  	[sflag:s17] =	ssyncset.done $0x0  }
0x75a: {  	[sflag:s17] =	ssyncadd.s32 $0xFFFFFF80  }
0x75b: {  	_ =	swait.ge [sflag:s17], $0x80  }
0x75c: {  	[sflag:s17] =	ssyncset.done $0x0  }
0x75d: {  	[sflag:s17] =	ssyncadd.s32 $0xFFFFFF80  }
0x75e: {  	_ =	swait.ge [sflag:s17], $0x80  }
0x75f: {  	[sflag:s17] =	ssyncset.done $0x0  }
0x760: {  	s19 =	rddreg [dreg:$0x15];
	[sflag:s17] =	ssyncadd.s32 $0xFFFFFF80  }
0x761: {  	[tilespmem:s2], [sflag:$0x4] =	stream.linear.gather [hbm4b:s19+s2], $0x800, $0x38;
	[tilespmem:$0x1D580] =	vst v63  }
0x762: {  	_ =	swait.ge [sflag:s7], $0x800  }
0x763: {  	[sflag:s7] =	ssyncset.done $0x0  }
0x764: {  	s19 =	rddreg [dreg:$0x16];
	[sflag:s7] =	ssyncadd.s32 $0xFFFFF800  }
0x765: {  	[tilespmem:s9], [sflag:$0x4] =	stream.linear.gather [hbm4b:s19+s2], $0x800, $0x38;
	[tilespmem:$0x1D580] =	vst v63  }
0x766: {  	_ =	swait.ge [sflag:s7], $0x800  }
0x767: {  	[sflag:s7] =	ssyncset.done $0x0  }
0x768: {  	[sflag:s7] =	ssyncadd.s32 $0xFFFFF800  }
0x769: {  	[tilespmem:s6], [sflag:$0x1] =	stream.indirect.gather [hbm4b:s23+s10], $0x80, s2, s10, $0xb8;
	[tilespmem:$0x1D580] =	vst v63  }
0x76a: {  	_ = 	snop  }
0x76b: {  	[tilespmem:s11], [sflag:$0x2] =	stream.indirect.gather [hbm4b:s23+s10], $0x80, s10, s10, $0xb8;
	[tilespmem:$0x1D580] =	vst v63  }
0x76c: {  	_ =	swait.ge [sflag:s12], $0x4000  }
0x76d: {  	[sflag:s12] =	ssyncset.done $0x0  }
0x76e: {  	[sflag:s12] =	ssyncadd.s32 $0xFFFFC000  }
0x76f: {  	[spmem:s22] =	stream.indirect.scatter.add.f32 [tilespmem:s13], [sflag:$0x3], $0x1, s9, s10, $0xb8;
	[tilespmem:$0x1D580] =	vst v63  }
0x770: {  	_ = 	snop  }
0x771: {  	[spmem:s1] =	stream.indirect.scatter.add.f32 [tilespmem:s6], [sflag:$0x4], $0x80, s9, s10, $0xb8;
	[tilespmem:$0x1D580] =	vst v63  }
0x772: {  	_ =	swait.ge [sflag:s7], $0x4000  }
0x773: {  	[sflag:s7] =	ssyncset.done $0x0  }
0x774: {  	s19 =	simm.s32 $0x100;
	[sflag:s7] =	ssyncadd.s32 $0xFFFFC000  }
0x775: {  	[tilespmem:s6], [sflag:$0x1] =	stream.indirect.gather [hbm4b:s23+s10], $0x80, s19, s10, $0xb8;
	[tilespmem:$0x1D580] =	vst v63  }
0x776: {  	_ =	swait.ge [sflag:s15], $0x4000  }
0x777: {  	[sflag:s15] =	ssyncset.done $0x0  }
0x778: {  	s8 =	simm.s32 $0x880;
	[sflag:s15] =	ssyncadd.s32 $0xFFFFC000  }
0x779: {  	[spmem:s22] =	stream.indirect.scatter.add.f32 [tilespmem:s13], [sflag:$0x3], $0x1, s8, s10, $0xb8;
	[tilespmem:$0x1D580] =	vst v63  }
0x77a: {  	_ = 	snop  }
0x77b: {  	[spmem:s1] =	stream.indirect.scatter.add.f32 [tilespmem:s11], [sflag:$0x4], $0x80, s8, s10, $0xb8;
	[tilespmem:$0x1D580] =	vst v63  }
0x77c: {  	_ =	swait.ge [sflag:s7], $0x4000  }
0x77d: {  	[sflag:s7] =	ssyncset.done $0x0  }
0x77e: {  	s31 =	simm.s32 $0x180;
	[sflag:s7] =	ssyncadd.s32 $0xFFFFC000  }
0x77f: {  	[tilespmem:s11], [sflag:$0x2] =	stream.indirect.gather [hbm4b:s23+s10], $0x80, s31, s10, $0xb8;
	[tilespmem:$0x1D580] =	vst v63  }
0x780: {  	_ =	swait.ge [sflag:s12], $0x4000  }
0x781: {  	[sflag:s12] =	ssyncset.done $0x0  }
0x782: {  	s5 =	simm.s32 $0x900;
	[sflag:s12] =	ssyncadd.s32 $0xFFFFC000  }
0x783: {  	[spmem:s22] =	stream.indirect.scatter.add.f32 [tilespmem:s13], [sflag:$0x3], $0x1, s5, s10, $0xb8;
	[tilespmem:$0x1D580] =	vst v63  }
0x784: {  	_ = 	snop  }
0x785: {  	[spmem:s1] =	stream.indirect.scatter.add.f32 [tilespmem:s6], [sflag:$0x4], $0x80, s5, s10, $0xb8;
	[tilespmem:$0x1D580] =	vst v63  }
0x786: {  	_ =	swait.ge [sflag:s7], $0x4000  }
0x787: {  	[sflag:s7] =	ssyncset.done $0x0  }
0x788: {  	s8 =	simm.s32 $0x200;
	[sflag:s7] =	ssyncadd.s32 $0xFFFFC000  }
0x789: {  	[tilespmem:s6], [sflag:$0x1] =	stream.indirect.gather [hbm4b:s23+s10], $0x80, s8, s10, $0xb8;
	[tilespmem:$0x1D580] =	vst v63  }
0x78a: {  	_ =	swait.ge [sflag:s15], $0x4000  }
0x78b: {  	[sflag:s15] =	ssyncset.done $0x0  }
0x78c: {  	s20 =	simm.s32 $0x980;
	[sflag:s15] =	ssyncadd.s32 $0xFFFFC000  }
0x78d: {  	[spmem:s22] =	stream.indirect.scatter.add.f32 [tilespmem:s13], [sflag:$0x3], $0x1, s20, s10, $0xb8;
	[tilespmem:$0x1D580] =	vst v63  }
0x78e: {  	_ = 	snop  }
0x78f: {  	[spmem:s1] =	stream.indirect.scatter.add.f32 [tilespmem:s11], [sflag:$0x4], $0x80, s20, s10, $0xb8;
	[tilespmem:$0x1D580] =	vst v63  }
0x790: {  	_ =	swait.ge [sflag:s7], $0x4000  }
0x791: {  	[sflag:s7] =	ssyncset.done $0x0  }
0x792: {  	s19 =	simm.s32 $0x280;
	[sflag:s7] =	ssyncadd.s32 $0xFFFFC000  }
0x793: {  	[tilespmem:s11], [sflag:$0x2] =	stream.indirect.gather [hbm4b:s23+s10], $0x80, s19, s10, $0xb8;
	[tilespmem:$0x1D580] =	vst v63  }
0x794: {  	_ =	swait.ge [sflag:s12], $0x4000  }
0x795: {  	[sflag:s12] =	ssyncset.done $0x0  }
0x796: {  	s30 =	simm.s32 $0xA00;
	[sflag:s12] =	ssyncadd.s32 $0xFFFFC000  }
0x797: {  	[spmem:s22] =	stream.indirect.scatter.add.f32 [tilespmem:s13], [sflag:$0x3], $0x1, s30, s10, $0xb8;
	[tilespmem:$0x1D580] =	vst v63  }
0x798: {  	_ = 	snop  }
0x799: {  	[spmem:s1] =	stream.indirect.scatter.add.f32 [tilespmem:s6], [sflag:$0x4], $0x80, s30, s10, $0xb8;
	[tilespmem:$0x1D580] =	vst v63  }
0x79a: {  	_ =	swait.ge [sflag:s7], $0x4000  }
0x79b: {  	[sflag:s7] =	ssyncset.done $0x0  }
0x79c: {  	s31 =	simm.s32 $0x300;
	[sflag:s7] =	ssyncadd.s32 $0xFFFFC000  }
0x79d: {  	[tilespmem:s6], [sflag:$0x1] =	stream.indirect.gather [hbm4b:s23+s10], $0x80, s31, s10, $0xb8;
	[tilespmem:$0x1D580] =	vst v63  }
0x79e: {  	_ =	swait.ge [sflag:s15], $0x4000  }
0x79f: {  	[sflag:s15] =	ssyncset.done $0x0  }
0x7a0: {  	s14 =	simm.s32 $0xA80;
	[sflag:s15] =	ssyncadd.s32 $0xFFFFC000  }
0x7a1: {  	[spmem:s22] =	stream.indirect.scatter.add.f32 [tilespmem:s13], [sflag:$0x3], $0x1, s14, s10, $0xb8;
	[tilespmem:$0x1D580] =	vst v63  }
0x7a2: {  	_ = 	snop  }
0x7a3: {  	[spmem:s1] =	stream.indirect.scatter.add.f32 [tilespmem:s11], [sflag:$0x4], $0x80, s14, s10, $0xb8;
	[tilespmem:$0x1D580] =	vst v63  }
0x7a4: {  	_ =	swait.ge [sflag:s7], $0x4000  }
0x7a5: {  	[sflag:s7] =	ssyncset.done $0x0  }
0x7a6: {  	s20 =	simm.s32 $0x380;
	[sflag:s7] =	ssyncadd.s32 $0xFFFFC000  }
0x7a7: {  	[tilespmem:s11], [sflag:$0x2] =	stream.indirect.gather [hbm4b:s23+s10], $0x80, s20, s10, $0xb8;
	[tilespmem:$0x1D580] =	vst v63  }
0x7a8: {  	_ =	swait.ge [sflag:s12], $0x4000  }
0x7a9: {  	[sflag:s12] =	ssyncset.done $0x0  }
0x7aa: {  	s4 =	simm.s32 $0xB00;
	[sflag:s12] =	ssyncadd.s32 $0xFFFFC000  }
0x7ab: {  	[spmem:s22] =	stream.indirect.scatter.add.f32 [tilespmem:s13], [sflag:$0x3], $0x1, s4, s10, $0xb8;
	[tilespmem:$0x1D580] =	vst v63  }
0x7ac: {  	_ = 	snop  }
0x7ad: {  	[spmem:s1] =	stream.indirect.scatter.add.f32 [tilespmem:s6], [sflag:$0x4], $0x80, s4, s10, $0xb8;
	[tilespmem:$0x1D580] =	vst v63  }
0x7ae: {  	_ =	swait.ge [sflag:s7], $0x4000  }
0x7af: {  	[sflag:s7] =	ssyncset.done $0x0  }
0x7b0: {  	s14 =	simm.s32 $0x400;
	[sflag:s7] =	ssyncadd.s32 $0xFFFFC000  }
0x7b1: {  	[tilespmem:s6], [sflag:$0x1] =	stream.indirect.gather [hbm4b:s23+s10], $0x80, s14, s10, $0xb8;
	[tilespmem:$0x1D580] =	vst v63  }
0x7b2: {  	_ =	swait.ge [sflag:s15], $0x4000  }
0x7b3: {  	[sflag:s15] =	ssyncset.done $0x0  }
0x7b4: {  	s18 =	simm.s32 $0xB80;
	[sflag:s15] =	ssyncadd.s32 $0xFFFFC000  }
0x7b5: {  	[spmem:s22] =	stream.indirect.scatter.add.f32 [tilespmem:s13], [sflag:$0x3], $0x1, s18, s10, $0xb8;
	[tilespmem:$0x1D580] =	vst v63  }
0x7b6: {  	_ = 	snop  }
0x7b7: {  	[spmem:s1] =	stream.indirect.scatter.add.f32 [tilespmem:s11], [sflag:$0x4], $0x80, s18, s10, $0xb8;
	[tilespmem:$0x1D580] =	vst v63  }
0x7b8: {  	_ =	swait.ge [sflag:s7], $0x4000  }
0x7b9: {  	[sflag:s7] =	ssyncset.done $0x0  }
0x7ba: {  	s20 =	simm.s32 $0x480;
	[sflag:s7] =	ssyncadd.s32 $0xFFFFC000  }
0x7bb: {  	[tilespmem:s11], [sflag:$0x2] =	stream.indirect.gather [hbm4b:s23+s10], $0x80, s20, s10, $0xb8;
	[tilespmem:$0x1D580] =	vst v63  }
0x7bc: {  	_ =	swait.ge [sflag:s12], $0x4000  }
0x7bd: {  	[sflag:s12] =	ssyncset.done $0x0  }
0x7be: {  	s24 =	simm.s32 $0xC00;
	[sflag:s12] =	ssyncadd.s32 $0xFFFFC000  }
0x7bf: {  	[spmem:s22] =	stream.indirect.scatter.add.f32 [tilespmem:s13], [sflag:$0x3], $0x1, s24, s10, $0xb8;
	[tilespmem:$0x1D580] =	vst v63  }
0x7c0: {  	_ = 	snop  }
0x7c1: {  	[spmem:s1] =	stream.indirect.scatter.add.f32 [tilespmem:s6], [sflag:$0x4], $0x80, s24, s10, $0xb8;
	[tilespmem:$0x1D580] =	vst v63  }
0x7c2: {  	_ =	swait.ge [sflag:s7], $0x4000  }
0x7c3: {  	[sflag:s7] =	ssyncset.done $0x0  }
0x7c4: {  	s24 =	simm.s32 $0x500;
	[sflag:s7] =	ssyncadd.s32 $0xFFFFC000  }
0x7c5: {  	[tilespmem:s6], [sflag:$0x1] =	stream.indirect.gather [hbm4b:s23+s10], $0x80, s24, s10, $0xb8;
	[tilespmem:$0x1D580] =	vst v63  }
0x7c6: {  	_ =	swait.ge [sflag:s15], $0x4000  }
0x7c7: {  	[sflag:s15] =	ssyncset.done $0x0  }
0x7c8: {  	s16 =	simm.s32 $0xC80;
	[sflag:s15] =	ssyncadd.s32 $0xFFFFC000  }
0x7c9: {  	[spmem:s22] =	stream.indirect.scatter.add.f32 [tilespmem:s13], [sflag:$0x3], $0x1, s16, s10, $0xb8;
	[tilespmem:$0x1D580] =	vst v63  }
0x7ca: {  	_ = 	snop  }
0x7cb: {  	[spmem:s1] =	stream.indirect.scatter.add.f32 [tilespmem:s11], [sflag:$0x4], $0x80, s16, s10, $0xb8;
	[tilespmem:$0x1D580] =	vst v63  }
0x7cc: {  	_ =	swait.ge [sflag:s7], $0x4000  }
0x7cd: {  	[sflag:s7] =	ssyncset.done $0x0  }
0x7ce: {  	s8 =	simm.s32 $0x580;
	[sflag:s7] =	ssyncadd.s32 $0xFFFFC000  }
0x7cf: {  	[tilespmem:s11], [sflag:$0x2] =	stream.indirect.gather [hbm4b:s23+s10], $0x80, s8, s10, $0xb8;
	[tilespmem:$0x1D580] =	vst v63  }
0x7d0: {  	_ =	swait.ge [sflag:s12], $0x4000  }
0x7d1: {  	[sflag:s12] =	ssyncset.done $0x0  }
0x7d2: {  	s21 =	simm.s32 $0xD00;
	[sflag:s12] =	ssyncadd.s32 $0xFFFFC000  }
0x7d3: {  	[spmem:s22] =	stream.indirect.scatter.add.f32 [tilespmem:s13], [sflag:$0x3], $0x1, s21, s10, $0xb8;
	[tilespmem:$0x1D580] =	vst v63  }
0x7d4: {  	_ = 	snop  }
0x7d5: {  	[spmem:s1] =	stream.indirect.scatter.add.f32 [tilespmem:s6], [sflag:$0x4], $0x80, s21, s10, $0xb8;
	[tilespmem:$0x1D580] =	vst v63  }
0x7d6: {  	_ =	swait.ge [sflag:s7], $0x4000  }
0x7d7: {  	[sflag:s7] =	ssyncset.done $0x0  }
0x7d8: {  	s24 =	simm.s32 $0x600;
	[sflag:s7] =	ssyncadd.s32 $0xFFFFC000  }
0x7d9: {  	[tilespmem:s6], [sflag:$0x1] =	stream.indirect.gather [hbm4b:s23+s10], $0x80, s24, s10, $0xb8;
	[tilespmem:$0x1D580] =	vst v63  }
0x7da: {  	_ =	swait.ge [sflag:s15], $0x4000  }
0x7db: {  	[sflag:s15] =	ssyncset.done $0x0  }
0x7dc: {  	s3 =	simm.s32 $0xD80;
	[sflag:s15] =	ssyncadd.s32 $0xFFFFC000  }
0x7dd: {  	[spmem:s22] =	stream.indirect.scatter.add.f32 [tilespmem:s13], [sflag:$0x3], $0x1, s3, s10, $0xb8;
	[tilespmem:$0x1D580] =	vst v63  }
0x7de: {  	_ = 	snop  }
0x7df: {  	[spmem:s1] =	stream.indirect.scatter.add.f32 [tilespmem:s11], [sflag:$0x4], $0x80, s3, s10, $0xb8;
	[tilespmem:$0x1D580] =	vst v63  }
0x7e0: {  	_ =	swait.ge [sflag:s7], $0x4000  }
0x7e1: {  	[sflag:s7] =	ssyncset.done $0x0  }
0x7e2: {  	[sflag:s7] =	ssyncadd.s32 $0xFFFFC000  }
0x7e3: {  	[tilespmem:s11], [sflag:$0x2] =	stream.indirect.gather [hbm4b:s23+s10], $0x80, s29, s10, $0xb8;
	[tilespmem:$0x1D580] =	vst v63  }
0x7e4: {  	_ =	swait.ge [sflag:s12], $0x4000  }
0x7e5: {  	[sflag:s12] =	ssyncset.done $0x0  }
0x7e6: {  	s25 =	simm.s32 $0xE00;
	[sflag:s12] =	ssyncadd.s32 $0xFFFFC000  }
0x7e7: {  	[spmem:s22] =	stream.indirect.scatter.add.f32 [tilespmem:s13], [sflag:$0x3], $0x1, s25, s10, $0xb8;
	[tilespmem:$0x1D580] =	vst v63  }
0x7e8: {  	_ = 	snop  }
0x7e9: {  	[spmem:s1] =	stream.indirect.scatter.add.f32 [tilespmem:s6], [sflag:$0x4], $0x80, s25, s10, $0xb8;
	[tilespmem:$0x1D580] =	vst v63  }
0x7ea: {  	_ =	swait.ge [sflag:s7], $0x4000  }
0x7eb: {  	[sflag:s7] =	ssyncset.done $0x0  }
0x7ec: {  	s25 =	simm.s32 $0x700;
	[sflag:s7] =	ssyncadd.s32 $0xFFFFC000  }
0x7ed: {  	[tilespmem:s6], [sflag:$0x1] =	stream.indirect.gather [hbm4b:s23+s10], $0x80, s25, s10, $0xb8;
	[tilespmem:$0x1D580] =	vst v63  }
0x7ee: {  	_ =	swait.ge [sflag:s15], $0x4000  }
0x7ef: {  	[sflag:s15] =	ssyncset.done $0x0  }
0x7f0: {  	s26 =	simm.s32 $0xE80;
	[sflag:s15] =	ssyncadd.s32 $0xFFFFC000  }
0x7f1: {  	[spmem:s22] =	stream.indirect.scatter.add.f32 [tilespmem:s13], [sflag:$0x3], $0x1, s26, s10, $0xb8;
	[tilespmem:$0x1D580] =	vst v63  }
0x7f2: {  	_ = 	snop  }
0x7f3: {  	[spmem:s1] =	stream.indirect.scatter.add.f32 [tilespmem:s11], [sflag:$0x4], $0x80, s26, s10, $0xb8;
	[tilespmem:$0x1D580] =	vst v63  }
0x7f4: {  	_ =	swait.ge [sflag:s7], $0x4000  }
0x7f5: {  	[sflag:s7] =	ssyncset.done $0x0  }
0x7f6: {  	s26 =	simm.s32 $0x780;
	[sflag:s7] =	ssyncadd.s32 $0xFFFFC000  }
0x7f7: {  	[tilespmem:s11], [sflag:$0x2] =	stream.indirect.gather [hbm4b:s23+s10], $0x80, s26, s10, $0xb8;
	[tilespmem:$0x1D580] =	vst v63  }
0x7f8: {  	_ =	swait.ge [sflag:s12], $0x4000  }
0x7f9: {  	[sflag:s12] =	ssyncset.done $0x0  }
0x7fa: {  	s28 =	simm.s32 $0xF00;
	[sflag:s12] =	ssyncadd.s32 $0xFFFFC000  }
0x7fb: {  	[spmem:s22] =	stream.indirect.scatter.add.f32 [tilespmem:s13], [sflag:$0x3], $0x1, s28, s10, $0xb8;
	[tilespmem:$0x1D580] =	vst v63  }
0x7fc: {  	_ = 	snop  }
0x7fd: {  	[spmem:s1] =	stream.indirect.scatter.add.f32 [tilespmem:s6], [sflag:$0x4], $0x80, s28, s10, $0xb8;
	[tilespmem:$0x1D580] =	vst v63  }
0x7fe: {  	_ =	swait.ge [sflag:s7], $0x4000  }
0x7ff: {  	[sflag:s7] =	ssyncset.done $0x0  }
0x800: {  	[sflag:s7] =	ssyncadd.s32 $0xFFFFC000  }
0x801: {  	_ =	swait.ge [sflag:s15], $0x4000  }
0x802: {  	[sflag:s15] =	ssyncset.done $0x0  }
0x803: {  	s29 =	simm.s32 $0xF80;
	[sflag:s15] =	ssyncadd.s32 $0xFFFFC000  }
0x804: {  	[spmem:s22] =	stream.indirect.scatter.add.f32 [tilespmem:s13], [sflag:$0x3], $0x1, s29, s10, $0xb8;
	[tilespmem:$0x1D580] =	vst v63  }
0x805: {  	_ = 	snop  }
0x806: {  	[spmem:s1] =	stream.indirect.scatter.add.f32 [tilespmem:s11], [sflag:$0x4], $0x80, s29, s10, $0xb8;
	[tilespmem:$0x1D580] =	vst v63  }
0x807: {  	_ =	swait.ge [sflag:s7], $0x4000  }
0x808: {  	[sflag:s7] =	ssyncset.done $0x0  }
0x809: {  	[sflag:s7] =	ssyncadd.s32 $0xFFFFC000  }
0x80a: {  	_ =	swait.ge [sflag:s17], $0x80  }
0x80b: {  	[sflag:s17] =	ssyncset.done $0x0  }
0x80c: {  	[sflag:s17] =	ssyncadd.s32 $0xFFFFFF80  }
0x80d: {  	_ =	swait.ge [sflag:s17], $0x80  }
0x80e: {  	[sflag:s17] =	ssyncset.done $0x0  }
0x80f: {  	[sflag:s17] =	ssyncadd.s32 $0xFFFFFF80  }
0x810: {  	_ =	swait.ge [sflag:s17], $0x80  }
0x811: {  	[sflag:s17] =	ssyncset.done $0x0  }
0x812: {  	[sflag:s17] =	ssyncadd.s32 $0xFFFFFF80  }
0x813: {  	_ =	swait.ge [sflag:s17], $0x80  }
0x814: {  	[sflag:s17] =	ssyncset.done $0x0  }
0x815: {  	[sflag:s17] =	ssyncadd.s32 $0xFFFFFF80  }
0x816: {  	_ =	swait.ge [sflag:s17], $0x80  }
0x817: {  	[sflag:s17] =	ssyncset.done $0x0  }
0x818: {  	[sflag:s17] =	ssyncadd.s32 $0xFFFFFF80  }
0x819: {  	_ =	swait.ge [sflag:s17], $0x80  }
0x81a: {  	[sflag:s17] =	ssyncset.done $0x0  }
0x81b: {  	[sflag:s17] =	ssyncadd.s32 $0xFFFFFF80  }
0x81c: {  	_ =	swait.ge [sflag:s17], $0x80  }
0x81d: {  	[sflag:s17] =	ssyncset.done $0x0  }
0x81e: {  	[sflag:s17] =	ssyncadd.s32 $0xFFFFFF80  }
0x81f: {  	_ =	swait.ge [sflag:s17], $0x80  }
0x820: {  	[sflag:s17] =	ssyncset.done $0x0  }
0x821: {  	[sflag:s17] =	ssyncadd.s32 $0xFFFFFF80  }
0x822: {  	_ =	swait.ge [sflag:s17], $0x80  }
0x823: {  	[sflag:s17] =	ssyncset.done $0x0  }
0x824: {  	[sflag:s17] =	ssyncadd.s32 $0xFFFFFF80  }
0x825: {  	_ =	swait.ge [sflag:s17], $0x80  }
0x826: {  	[sflag:s17] =	ssyncset.done $0x0  }
0x827: {  	[sflag:s17] =	ssyncadd.s32 $0xFFFFFF80  }
0x828: {  	_ =	swait.ge [sflag:s17], $0x80  }
0x829: {  	[sflag:s17] =	ssyncset.done $0x0  }
0x82a: {  	[sflag:s17] =	ssyncadd.s32 $0xFFFFFF80  }
0x82b: {  	_ =	swait.ge [sflag:s17], $0x80  }
0x82c: {  	[sflag:s17] =	ssyncset.done $0x0  }
0x82d: {  	[sflag:s17] =	ssyncadd.s32 $0xFFFFFF80  }
0x82e: {  	_ =	swait.ge [sflag:s17], $0x80  }
0x82f: {  	[sflag:s17] =	ssyncset.done $0x0  }
0x830: {  	[sflag:s17] =	ssyncadd.s32 $0xFFFFFF80  }
0x831: {  	_ =	swait.ge [sflag:s17], $0x80  }
0x832: {  	[sflag:s17] =	ssyncset.done $0x0  }
0x833: {  	[sflag:s17] =	ssyncadd.s32 $0xFFFFFF80  }
0x834: {  	_ =	swait.ge [sflag:s17], $0x80  }
.Ltmp4:
0x835: {  	[sflag:s17] =	ssyncset.done $0x0;
	(pc) =	sbr.rel .LBB2_5-.Ltmp4, $4  }
0x836: {  	[sflag:s17] =	ssyncadd.s32 $0xFFFFFF80  }
0x837: {  	_ =	swait.ge [sflag:s17], $0x80  }
0x838: {  	[sflag:s17] =	ssyncset.done $0x0  }
0x839: {  	s30 =	simm.s32 $0x500;
	s21 =	simm.s32 $0x680;
	[sflag:s17] =	ssyncadd.s32 $0xFFFFFF80  }
.LBB2_6:
0x83a: {  	_ =	sfence.sel $0x180000  }
0x83b: {  	[bflag:$0x0] =	sbarrier.arrive $0xFFFF  }
0x83c: {  	_ =	strace $0x90000047  }
0x83d: {  	s0 =	stileid.u32;
	[bflag:$0x2] =	sbarrier.arrive $0xFFFF  }
0x83e: {  	p0 =	sne.s32 s0, $0x0;
	s0 =	rddreg [dreg:$0x4]  }
0x83f: {  	s0 =	sadd.s32 @!p0 $0x100000, s0  }
0x840: {  	[sflag:s0] =	ssyncadd.tile.s32 @!p0 $0x1;
	_ =	shalt  }
.Lfunc_end2:
_tile_overlayer_lowered:
.L_overlay_start_2:
0x841: {  	(tag) =	ssettag $0x2  }
0x842: {  	s0 =	rddreg [dreg:$0x0];
	s2 =	stileid.u32  }
0x843: {  	s1 =	rddreg [dreg:$0x1];
	p0 =	sne.s32 s2, $0x0  }
0x844: {  	s3 =	rddreg [dreg:$0x2];
	[bflag:$0x3] =	sbarrier.arrive $0xFFFF;
	s2 =	simm.s32 @!p0 $0x1C04  }
0x845: {  	[timem:s3], [sflag:s2] =	dma.local @!p0 [hbm:s0], s1  }
0x846: {  	s0 =	simm.s32 @!p0 $0x4  }
0x847: {  	_ =	swait.ge @!p0 [sflag:s0], s1  }
0x848: {  	s1 =	ssub.s32 @!p0 $0x0, s1;
	[sflag:s0] =	ssyncset.done @!p0 $0x0  }
0x849: {  	[sflag:s0] =	ssyncadd.s32 @!p0 s1  }
0x84a: {  	[bflag:$0x3] =	sbarrier.arrive $0xFFFF  }
0x84b: {  	_ =	shalt  }

</sc_bundles>
